<compile_context>
chip_gen: v7x
topology: tpu7x:2x2x1
jax: 0.10.2.dev20260603
libtpu: 0.0.44.dev20260713+nightly
codegen_flags: <defaults>
</compile_context>

<pallas_src>
import functools

import jax
import jax.numpy as jnp
from jax import lax
from jax.experimental import pallas as pl
from jax.experimental.pallas import tpu as pltpu
from jax.experimental.pallas import tpu_sc as plsc

EPS = 1e-5
F32 = jnp.float32
BF16 = jnp.bfloat16
NEG = -jnp.inf

_MM = (((1,), (0,)), ((), ()))


def _dot1(a, b, dn=_MM):
    return lax.dot_general(a.astype(BF16), b.astype(BF16), dn,
                           preferred_element_type=F32)


def _dotx(a, b, dn=_MM):
    ah = a.astype(BF16)
    al = (a - ah.astype(F32)).astype(BF16)
    bh = b.astype(BF16)
    f = lambda x, y: lax.dot_general(x, y, dn, preferred_element_type=F32)
    return f(ah, bh) + f(al, bh)


def _norm_lane(z, g, b):
    m = jnp.mean(z, axis=1, keepdims=True)
    v = jnp.mean((z - m) * (z - m), axis=1, keepdims=True)
    return g * (z - m) / jnp.sqrt(v + EPS) + b


def _norm_row(z, g, b):
    m = jnp.mean(z, axis=0, keepdims=True)
    v = jnp.mean((z - m) * (z - m), axis=0, keepdims=True)
    return g * (z - m) / jnp.sqrt(v + EPS) + b


def _stn_body(xin, c1W, bn1g, bn1b, c2W, bn2g, bn2b, c3W, bn3g, bn3b,
              f1W, bn4g, bn4b, f2W, bn5g, bn5b, f3W, f3bi, out):
    X = xin[:]
    P = X.shape[1]
    NB = P // 2048
    z1 = _dot1(c1W[:], X)
    h1 = jax.nn.relu(_norm_lane(z1, bn1g[:], bn1b[:]))
    z2 = _dot1(c2W[:], h1)
    h2 = jax.nn.relu(_norm_lane(z2, bn2g[:], bn2b[:]))
    s3 = jnp.zeros((1024, 1), F32)
    ss3 = jnp.zeros((1024, 1), F32)
    mxl = []
    for b in range(NB):
        z3 = _dot1(c3W[:], h2[:, 2048 * b:2048 * (b + 1)])
        s3 = s3 + jnp.sum(z3, axis=1, keepdims=True)
        ss3 = ss3 + jnp.sum(z3 * z3, axis=1, keepdims=True)
        mxl.append(jnp.max(z3, axis=1, keepdims=True))
    m3 = s3 / P
    v3 = jnp.maximum(ss3 / P - m3 * m3, 0.0)
    sc3 = bn3g[:] / jnp.sqrt(v3 + EPS)
    mx = jnp.concatenate(mxl, axis=1)
    hm = jax.nn.relu(sc3 * (mx - m3) + bn3b[:])
    h4 = _dot1(hm, f1W[:], (((0,), (1,)), ((), ())))
    h4 = jax.nn.relu(_norm_row(h4, bn4g[:], bn4b[:]))
    h5 = _dot1(h4, f2W[:], (((1,), (1,)), ((), ())))
    h5 = jax.nn.relu(_norm_row(h5, bn5g[:], bn5b[:]))
    h6 = _dot1(h5, f3W[:], (((1,), (1,)), ((), ())))
    out[:] = h6 + f3bi[:]


def _trunk_body(xin, trans, c1W, bn1g, bn1b, gW1, gbn1g, gbn1b,
                Wall, rgT, rbT,
                pf_out, g1_out, poolt_out):
    X = xin[:]
    P = X.shape[1]
    NB = P // 2048
    NR = 16
    bh = (lax.broadcasted_iota(jnp.int32, (NB, P), 1) // 2048
          == lax.broadcasted_iota(jnp.int32, (NB, P), 0)).astype(F32)
    T9 = _dotx(trans[:], bh, (((0,), (0,)), ((), ())))
    T9b = T9.astype(BF16).astype(F32)
    Xb = X[0:3, :].astype(BF16).astype(F32)
    rows = []
    for i in range(3):
        acc = T9b[3 * i:3 * i + 1, :] * Xb[0:1, :]
        for j in range(1, 3):
            acc = acc + T9b[3 * i + j:3 * i + j + 1, :] * Xb[j:j + 1, :]
        rows.append(acc)
    xc = jnp.concatenate(rows + [X[3:5, :], jnp.zeros((3, P), F32)], axis=0)
    zp = _dot1(c1W[:], xc)
    PF = jax.nn.relu(_norm_lane(zp, bn1g[:], bn1b[:]))
    pf_out[:] = PF
    zg1 = _dot1(gW1[:], PF)
    G1 = jax.nn.relu(_norm_lane(zg1, gbn1g[:], gbn1b[:]))
    g1_out[:] = G1

    rs = jnp.zeros((128, NR), F32)
    rss = jnp.zeros((128, NR), F32)
    cnt = jnp.zeros((1, NR), F32)
    ones_row = jnp.ones((1, 2048), F32)
    riota = lax.broadcasted_iota(jnp.int32, (NR, 2048), 0).astype(F32)
    bmxl = []
    for b in range(NB):
        sl = slice(2048 * b, 2048 * (b + 1))
        YA = _dot1(Wall[:], PF[:, sl])
        OH = (jnp.broadcast_to(X[5:6, sl], (NR, 2048)) == riota).astype(F32)
        Y = YA[0:128, :] * OH[0:1, :]
        for r in range(1, NR):
            Y = Y + YA[128 * r:128 * (r + 1), :] * OH[r:r + 1, :]
        rs = rs + _dotx(Y, OH, (((1,), (1,)), ((), ())))
        rss = rss + _dotx(Y * Y, OH, (((1,), (1,)), ((), ())))
        cnt = cnt + _dotx(ones_row, OH, (((1,), (1,)), ((), ())))
        mcols = []
        for r in range(NR):
            msk = OH[r:r + 1, :] > 0.5
            mcols.append(jnp.max(jnp.where(msk, Y, NEG), axis=1,
                                 keepdims=True))
        bmxl.append(jnp.concatenate(mcols, axis=1))

    cntc = jnp.maximum(cnt, 1.0)
    rmean = rs / cntc
    rvar = jnp.maximum(rss / cntc - rmean * rmean, 0.0)
    rsc = rgT[:] / jnp.sqrt(rvar + EPS)
    pcols = []
    for b in range(NB):
        pb = rsc * (bmxl[b] - rmean) + rbT[:]
        pb = jnp.where(bmxl[b] == NEG, 0.0, pb)
        pcols.append(pb)
    poolt_out[:] = jnp.concatenate([jnp.transpose(p) for p in pcols],
                                   axis=0)


def _gpool_body(g1, gbn2g, gbn2b, gW2, gt_out):
    G1 = g1[:]
    P = G1.shape[1]
    NB = P // 2048
    sg = jnp.zeros((1024, 1), F32)
    ssg = jnp.zeros((1024, 1), F32)
    gmx = []
    for b in range(NB):
        zg2 = _dot1(gW2[:], G1[:, 2048 * b:2048 * (b + 1)])
        sg = sg + jnp.sum(zg2, axis=1, keepdims=True)
        ssg = ssg + jnp.sum(zg2 * zg2, axis=1, keepdims=True)
        gmx.append(jnp.max(zg2, axis=1, keepdims=True))
    mg = sg / P
    vg = jnp.maximum(ssg / P - mg * mg, 0.0)
    scg = gbn2g[:] / jnp.sqrt(vg + EPS)
    gmxC = jnp.concatenate(gmx, axis=1)
    gt_out[:] = scg * (gmxC - mg) + gbn2b[:]


def _sc_gather_rows(poolT, ringf, P):
    mesh = plsc.VectorSubcoreMesh(core_axis_name="c", subcore_axis_name="s")

    @functools.partial(
        pl.kernel, mesh=mesh,
        out_type=jax.ShapeDtypeStruct((P, 128), F32),
        scratch_types=[pltpu.VMEM((512,), jnp.int32),
                       pltpu.VMEM((4, 128), jnp.int32),
                       pltpu.VMEM((512, 128), F32),
                       pltpu.SemaphoreType.DMA],
    )
    def k(poolT_hbm, ring_hbm, out_hbm, raw_v, idx_v, rows_v, sem):
        wid = lax.axis_index("s") * 2 + lax.axis_index("c")
        base = wid * 512
        boff = (base // 2048) * 16
        pltpu.sync_copy(ring_hbm.at[pl.ds(base, 512)], raw_v)
        for j in range(4):
            for t in range(8):
                idx_v[j, pl.ds(t * 16, 16)] = (
                    raw_v[pl.ds(j * 128 + t * 16, 16)] + boff)
        for j in range(4):
            pltpu.async_copy(poolT_hbm.at[idx_v.at[j]],
                             rows_v.at[pl.ds(j * 128, 128)], sem).wait()
        pltpu.sync_copy(rows_v, out_hbm.at[pl.ds(base, 512)])

    return k(poolT, ringf)


def _asm_body(pf, rf, gt, out):
    b = pl.program_id(0)
    out[0, 0:64, :] = pf[:]
    out[0, 64:192, :] = jnp.transpose(rf[:])
    bm = (lax.broadcasted_iota(jnp.int32, (8, 2048), 0) == b).astype(F32)
    out[0, 192:1216, :] = _dotx(gt[:], bm)


def kernel(x, ring, params):
    B, C, N = x.shape
    P = B * N
    NR = params['rW'].shape[0]
    xcm = x.transpose(1, 0, 2).reshape(C, P)
    ringrow = ring.reshape(1, P).astype(F32)
    xin = jnp.concatenate([xcm, ringrow, jnp.zeros((2, P), F32)], axis=0)

    p = params['stn']
    col = lambda a: a[:, None]
    row = lambda a: a[None, :]
    c1Wp = jnp.pad(p['c1W'], ((0, 0), (0, 3)))
    f3Wp = jnp.pad(p['f3W'], ((0, 7), (0, 0)))
    iden = jnp.eye(3, dtype=F32).reshape(9)
    f3bi = row(jnp.pad(p['f3b'] + iden, (0, 7)))

    trans = pl.pallas_call(
        _stn_body,
        out_shape=jax.ShapeDtypeStruct((B, 16), F32),
    )(xin, c1Wp, col(p['bn1g']), col(p['bn1b']), p['c2W'],
      col(p['bn2g']), col(p['bn2b']), p['c3W'], col(p['bn3g']),
      col(p['bn3b']), p['f1W'], row(p['bn4g']), row(p['bn4b']),
      p['f2W'], row(p['bn5g']), row(p['bn5b']), f3Wp, f3bi)

    c1Wm = jnp.pad(params['c1W'], ((0, 0), (0, 3)))
    Wall = params['rW'].reshape(NR * 128, 64)
    PF, G1, POOLT = pl.pallas_call(
        _trunk_body,
        out_shape=[jax.ShapeDtypeStruct((64, P), F32),
                   jax.ShapeDtypeStruct((128, P), F32),
                   jax.ShapeDtypeStruct((B * NR, 128), F32)],
    )(xin, trans, c1Wm, col(params['bn1g']), col(params['bn1b']),
      params['gW1'], col(params['gbn1g']), col(params['gbn1b']),
      Wall, params['rg'].T, params['rbeta'].T)

    Gt = pl.pallas_call(
        _gpool_body,
        out_shape=jax.ShapeDtypeStruct((1024, B), F32),
    )(G1, col(params['gbn2g']), col(params['gbn2b']), params['gW2'])

    ringf = ring.reshape(P).astype(jnp.int32)
    RF = _sc_gather_rows(POOLT, ringf, P)

    out = pl.pallas_call(
        _asm_body,
        grid=(B,),
        in_specs=[
            pl.BlockSpec((64, 2048), lambda b: (0, b)),
            pl.BlockSpec((2048, 128), lambda b: (b, 0)),
            pl.BlockSpec((1024, B), lambda b: (0, 0)),
        ],
        out_specs=pl.BlockSpec((1, 1216, 2048), lambda b: (b, 0, 0)),
        out_shape=jax.ShapeDtypeStruct((B, 1216, 2048), F32),
    )(PF, RF, Gt)
    return out

# --- scband reference (transcript-rebuilt; emitter-appended) ---
"""Pipeline reference for scband-ring-encoder-79585743994953 (READ-ONLY COPY).

The authoritative reference and input builder live on the scoring server;
editing this copy changes nothing except your own understanding.
"""

import jax, jax.numpy as jnp
import numpy as np

EPS = 1e-5

def _conv1(x, W, b):
    # pointwise Conv1d: W [O, C], x [B, C, N]
    return jnp.einsum('oc,bcn->bon', W, x) + b[None, :, None]

def _bn_conv(x, g, b):
    # training-mode BatchNorm1d over (batch, spatial)
    m = x.mean(axis=(0, 2), keepdims=True)
    v = x.var(axis=(0, 2), keepdims=True)
    return g[None, :, None] * (x - m) / jnp.sqrt(v + EPS) + b[None, :, None]

def _bn_fc(x, g, b):
    m = x.mean(axis=0, keepdims=True)
    v = x.var(axis=0, keepdims=True)
    return g[None, :] * (x - m) / jnp.sqrt(v + EPS) + b[None, :]

def _stn3d(x, p):
    h = jax.nn.relu(_bn_conv(_conv1(x, p['c1W'], p['c1b']), p['bn1g'], p['bn1b']))
    h = jax.nn.relu(_bn_conv(_conv1(h, p['c2W'], p['c2b']), p['bn2g'], p['bn2b']))
    h = jax.nn.relu(_bn_conv(_conv1(h, p['c3W'], p['c3b']), p['bn3g'], p['bn3b']))
    h = h.max(axis=2)
    h = jax.nn.relu(_bn_fc(h @ p['f1W'].T + p['f1b'], p['bn4g'], p['bn4b']))
    h = jax.nn.relu(_bn_fc(h @ p['f2W'].T + p['f2b'], p['bn5g'], p['bn5b']))
    h = h @ p['f3W'].T + p['f3b']
    iden = jnp.eye(3, dtype=h.dtype).reshape(1, 9)
    return (h + iden).reshape(-1, 3, 3)

def _forward(x, ring, params):
    B, C, N = x.shape
    trans = _stn3d(x, params['stn'])
    xyz = jnp.einsum('bij,bjn->bin', trans, x[:, :3, :])
    x = jnp.concatenate([xyz, x[:, 3:, :]], axis=1)
    pf = jax.nn.relu(_bn_conv(_conv1(x, params['c1W'], params['c1b']), params['bn1g'], params['bn1b']))
    # global pooler (maxpooler_global)
    g = jax.nn.relu(_bn_conv(_conv1(pf, params['gW1'], params['gb1']), params['gbn1g'], params['gbn1b']))
    g = _bn_conv(_conv1(g, params['gW2'], params['gb2']), params['gbn2g'], params['gbn2b'])
    g = g.max(axis=2)
    gfeat = jnp.broadcast_to(g[:, :, None], (B, 1024, N))
    # ring pooler (maxpooler_ring): per-ring conv + per-ring BN + per-(batch,ring) segment max
    NR = params['rW'].shape[0]
    xf = pf.transpose(0, 2, 1).reshape(B * N, 64)
    rf = ring.reshape(-1)
    Wg = params['rW'][rf]
    y = jnp.einsum('pij,pj->pi', Wg, xf) + params['rb'][rf]
    cnt = jax.ops.segment_sum(jnp.ones((B * N,), y.dtype), rf, num_segments=NR)
    cnt = jnp.maximum(cnt, 1.0)[:, None]
    mean = jax.ops.segment_sum(y, rf, num_segments=NR) / cnt
    var = jnp.maximum(jax.ops.segment_sum(y * y, rf, num_segments=NR) / cnt - mean ** 2, 0.0)
    y = params['rg'][rf] * (y - mean[rf]) / jnp.sqrt(var[rf] + EPS) + params['rbeta'][rf]
    batch_idx = jnp.repeat(jnp.arange(B), N)
    seg = batch_idx * NR + rf
    pooled = jax.ops.segment_max(y, seg, num_segments=B * NR)
    rfeat = pooled[seg].reshape(B, N, 128).transpose(0, 2, 1)
    return jnp.concatenate([pf, rfeat, gfeat], axis=1)

def setup_inputs(seed: int = 0) -> dict:
    key = jax.random.key(seed)
    ks = iter(jax.random.split(key, 64))
    def W(shape, s=0.05):
        return jax.random.normal(next(ks), shape, dtype=jnp.float32) * s
    z = lambda *s: jnp.zeros(s, jnp.float32)
    o = lambda *s: jnp.ones(s, jnp.float32)
    stn = {'c1W': W((64, 5)), 'c1b': z(64), 'c2W': W((128, 64)), 'c2b': z(128),
           'c3W': W((1024, 128)), 'c3b': z(1024),
           'f1W': W((512, 1024)), 'f1b': z(512), 'f2W': W((256, 512)), 'f2b': z(256),
           'f3W': W((9, 256)), 'f3b': z(9),
           'bn1g': o(64), 'bn1b': z(64), 'bn2g': o(128), 'bn2b': z(128),
           'bn3g': o(1024), 'bn3b': z(1024), 'bn4g': o(512), 'bn4b': z(512),
           'bn5g': o(256), 'bn5b': z(256)}
    NR = 16
    params = {'stn': stn, 'c1W': W((64, 5)), 'c1b': z(64), 'bn1g': o(64), 'bn1b': z(64),
              'gW1': W((128, 64)), 'gb1': z(128), 'gbn1g': o(128), 'gbn1b': z(128),
              'gW2': W((1024, 128)), 'gb2': z(1024), 'gbn2g': o(1024), 'gbn2b': z(1024),
              'rW': W((NR, 128, 64)), 'rb': z(NR, 128), 'rg': o(NR, 128), 'rbeta': z(NR, 128)}
    x = jax.random.normal(next(ks), (8, 5, 2048), dtype=jnp.float32)
    ring = jax.random.randint(next(ks), (8, 2048), 0, NR)
    return {'x': x, 'ring': ring, 'params': params}

def reference(x, ring, params):
    return _forward(x, ring.astype(jnp.int32), params)

if __name__ == "__main__":
    import jax
    _d = setup_inputs()
    print(jax.jit(kernel)(*tuple(_d.values())))

</pallas_src>

<mosaic_0001>
#map = affine_map<(d0, d1) -> (0, 0)>
#map1 = affine_map<(d0, d1) -> (0)>
module attributes {stable_mosaic.version = 14 : i64} {
  func.func @k(%arg0: i32, %arg1: i32, %arg2: memref<128x128xf32, #tpu.memory_space<hbm>>, %arg3: memref<16384xi32, #tpu.memory_space<hbm>>, %arg4: memref<16384x128xf32, #tpu.memory_space<hbm>>, %arg5: memref<512xi32, #tpu.memory_space<vmem>>, %arg6: memref<4x128xi32, #tpu.memory_space<vmem>>, %arg7: memref<512x128xf32, #tpu.memory_space<vmem>>, %arg8: memref<!tpu.dma_semaphore, #tpu.memory_space<semaphore_mem>>) attributes {dimension_semantics = [#tpu.dimension_semantics<core_parallel>, #tpu.dimension_semantics<subcore_parallel>], iteration_bounds = array<i64: 2, 16>, scalar_prefetch = 0 : i64, scratch_operands = 4 : i64, tpu.core_type = #tpu.core_type<sc_vector_subcore>, window_params = [{transform_indices = #map}, {transform_indices = #map1}, {transform_indices = #map}]} {
    %mul3A = arith.constant 2 : i32
    %mul3A_0 = arith.muli %arg1, %mul3A : i32
    %add3A = arith.addi %mul3A_0, %arg0 : i32
    %mul3A_1 = arith.constant 512 : i32
    %mul3A_2 = arith.muli %add3A, %mul3A_1 : i32
    %jit3A = arith.constant 2048 : i32
    %div3A = arith.divsi %mul3A_2, %jit3A : i32
    %sign3A = arith.constant 0 : i32
    %sign3A_3 = arith.cmpi sgt, %mul3A_2, %sign3A : i32
    %sign3A_4 = arith.extui %sign3A_3 : i1 to i32
    %sign3A_5 = arith.constant 0 : i32
    %sign3A_6 = arith.cmpi slt, %mul3A_2, %sign3A_5 : i32
    %sign3A_7 = arith.extui %sign3A_6 : i1 to i32
    %sign3A_8 = arith.subi %sign3A_4, %sign3A_7 : i32
    %sign3A_9 = arith.constant 0 : i32
    %sign3A_10 = arith.cmpi sgt, %jit3A, %sign3A_9 : i32
    %sign3A_11 = arith.extui %sign3A_10 : i1 to i32
    %sign3A_12 = arith.constant 0 : i32
    %sign3A_13 = arith.cmpi slt, %jit3A, %sign3A_12 : i32
    %sign3A_14 = arith.extui %sign3A_13 : i1 to i32
    %sign3A_15 = arith.subi %sign3A_11, %sign3A_14 : i32
    %ne3A = arith.cmpi ne, %sign3A_8, %sign3A_15 : i32
    %rem3A = arith.remsi %mul3A_2, %jit3A : i32
    %ne3A_16 = arith.constant 0 : i32
    %ne3A_17 = arith.cmpi ne, %rem3A, %ne3A_16 : i32
    %and3A = arith.andi %ne3A, %ne3A_17 : i1
    %sub3A = arith.constant 1 : i32
    %sub3A_18 = arith.subi %div3A, %sub3A : i32
    %select_n3A = arith.select %and3A, %sub3A_18, %div3A : i32
    %mul3A_19 = arith.constant 16 : i32
    %mul3A_20 = arith.muli %select_n3A, %mul3A_19 : i32
    "tpu.region"() ({
      %run_scoped3A = tpu.sem_alloc : memref<!tpu.dma_semaphore, #tpu.memory_space<semaphore_mem>>
      %dma_start3A_449 = tpu.memref_slice %arg3[%mul3A_2] : memref<16384xi32, #tpu.memory_space<hbm>> -> memref<512xi32, #tpu.memory_space<hbm>>
      %dma_start3A_450 = tpu.memref_slice %arg3[%mul3A_2] : memref<16384xi32, #tpu.memory_space<hbm>> -> memref<512xi32, #tpu.memory_space<hbm>>
      tpu.enqueue_dma source(%dma_start3A_450 : memref<512xi32, #tpu.memory_space<hbm>>) target(%arg5 : memref<512xi32, #tpu.memory_space<vmem>>) target_semaphore(%run_scoped3A : memref<!tpu.dma_semaphore, #tpu.memory_space<semaphore_mem>>)
      %dma_wait3A_451 = tpu.memref_slice %arg3[%mul3A_2] : memref<16384xi32, #tpu.memory_space<hbm>> -> memref<512xi32, #tpu.memory_space<hbm>>
      %dma_wait3A_452 = tpu.memref_slice %arg3[%mul3A_2] : memref<16384xi32, #tpu.memory_space<hbm>> -> memref<512xi32, #tpu.memory_space<hbm>>
      tpu.wait_dma2 semaphore(%run_scoped3A : memref<!tpu.dma_semaphore, #tpu.memory_space<semaphore_mem>>) src(%dma_wait3A_452 : memref<512xi32, #tpu.memory_space<hbm>>) dst(%arg5 : memref<512xi32, #tpu.memory_space<vmem>>)
      tpu.yield
    }) : () -> ()
    %get3A = arith.constant 0 : index
    %get3A_21 = tpu.vector_load %arg5[%get3A] {strides = array<i32>} : memref<512xi32, #tpu.memory_space<vmem>>, vector<16xi32>,
    %get3A_22 = vector.shape_cast %get3A_21 : vector<16xi32> to vector<16xi32>
    %add3A_23 = vector.broadcast %mul3A_20 : i32 to vector<16xi32>
    %add3A_24 = arith.addi %get3A_22, %add3A_23 : vector<16xi32>
    %swap3A = arith.constant 0 : i32
    %swap3A_25 = arith.index_cast %swap3A : i32 to index
    %swap3A_26 = arith.constant 0 : index
    %swap3A_27 = tpu.vector_load %arg6[%swap3A_25, %swap3A_26] {strides = array<i32>} : memref<4x128xi32, #tpu.memory_space<vmem>>, vector<1x16xi32>,
    %swap3A_28 = vector.shape_cast %swap3A_27 : vector<1x16xi32> to vector<16xi32>
    %swap3A_29 = vector.shape_cast %add3A_24 : vector<16xi32> to vector<1x16xi32>
    tpu.vector_store %arg6[%swap3A_25, %swap3A_26], %swap3A_29 {strides = array<i32>} : memref<4x128xi32, #tpu.memory_space<vmem>>, vector<1x16xi32>,
    %get3A_30 = arith.constant 16 : index
    %get3A_31 = tpu.vector_load %arg5[%get3A_30] {strides = array<i32>} : memref<512xi32, #tpu.memory_space<vmem>>, vector<16xi32>,
    %get3A_32 = vector.shape_cast %get3A_31 : vector<16xi32> to vector<16xi32>
    %add3A_33 = vector.broadcast %mul3A_20 : i32 to vector<16xi32>
    %add3A_34 = arith.addi %get3A_32, %add3A_33 : vector<16xi32>
    %swap3A_35 = arith.constant 0 : i32
    %swap3A_36 = arith.index_cast %swap3A_35 : i32 to index
    %swap3A_37 = arith.constant 16 : index
    %swap3A_38 = tpu.vector_load %arg6[%swap3A_36, %swap3A_37] {strides = array<i32>} : memref<4x128xi32, #tpu.memory_space<vmem>>, vector<1x16xi32>,
    %swap3A_39 = vector.shape_cast %swap3A_38 : vector<1x16xi32> to vector<16xi32>
    %swap3A_40 = vector.shape_cast %add3A_34 : vector<16xi32> to vector<1x16xi32>
    tpu.vector_store %arg6[%swap3A_36, %swap3A_37], %swap3A_40 {strides = array<i32>} : memref<4x128xi32, #tpu.memory_space<vmem>>, vector<1x16xi32>,
    %get3A_41 = arith.constant 32 : index
    %get3A_42 = tpu.vector_load %arg5[%get3A_41] {strides = array<i32>} : memref<512xi32, #tpu.memory_space<vmem>>, vector<16xi32>,
    %get3A_43 = vector.shape_cast %get3A_42 : vector<16xi32> to vector<16xi32>
    %add3A_44 = vector.broadcast %mul3A_20 : i32 to vector<16xi32>
    %add3A_45 = arith.addi %get3A_43, %add3A_44 : vector<16xi32>
    %swap3A_46 = arith.constant 0 : i32
    %swap3A_47 = arith.index_cast %swap3A_46 : i32 to index
    %swap3A_48 = arith.constant 32 : index
    %swap3A_49 = tpu.vector_load %arg6[%swap3A_47, %swap3A_48] {strides = array<i32>} : memref<4x128xi32, #tpu.memory_space<vmem>>, vector<1x16xi32>,
    %swap3A_50 = vector.shape_cast %swap3A_49 : vector<1x16xi32> to vector<16xi32>
    %swap3A_51 = vector.shape_cast %add3A_45 : vector<16xi32> to vector<1x16xi32>
    tpu.vector_store %arg6[%swap3A_47, %swap3A_48], %swap3A_51 {strides = array<i32>} : memref<4x128xi32, #tpu.memory_space<vmem>>, vector<1x16xi32>,
    %get3A_52 = arith.constant 48 : index
    %get3A_53 = tpu.vector_load %arg5[%get3A_52] {strides = array<i32>} : memref<512xi32, #tpu.memory_space<vmem>>, vector<16xi32>,
    %get3A_54 = vector.shape_cast %get3A_53 : vector<16xi32> to vector<16xi32>
    %add3A_55 = vector.broadcast %mul3A_20 : i32 to vector<16xi32>
    %add3A_56 = arith.addi %get3A_54, %add3A_55 : vector<16xi32>
    %swap3A_57 = arith.constant 0 : i32
    %swap3A_58 = arith.index_cast %swap3A_57 : i32 to index
    %swap3A_59 = arith.constant 48 : index
    %swap3A_60 = tpu.vector_load %arg6[%swap3A_58, %swap3A_59] {strides = array<i32>} : memref<4x128xi32, #tpu.memory_space<vmem>>, vector<1x16xi32>,
    %swap3A_61 = vector.shape_cast %swap3A_60 : vector<1x16xi32> to vector<16xi32>
    %swap3A_62 = vector.shape_cast %add3A_56 : vector<16xi32> to vector<1x16xi32>
    tpu.vector_store %arg6[%swap3A_58, %swap3A_59], %swap3A_62 {strides = array<i32>} : memref<4x128xi32, #tpu.memory_space<vmem>>, vector<1x16xi32>,
    %get3A_63 = arith.constant 64 : index
    %get3A_64 = tpu.vector_load %arg5[%get3A_63] {strides = array<i32>} : memref<512xi32, #tpu.memory_space<vmem>>, vector<16xi32>,
    %get3A_65 = vector.shape_cast %get3A_64 : vector<16xi32> to vector<16xi32>
    %add3A_66 = vector.broadcast %mul3A_20 : i32 to vector<16xi32>
    %add3A_67 = arith.addi %get3A_65, %add3A_66 : vector<16xi32>
    %swap3A_68 = arith.constant 0 : i32
    %swap3A_69 = arith.index_cast %swap3A_68 : i32 to index
    %swap3A_70 = arith.constant 64 : index
    %swap3A_71 = tpu.vector_load %arg6[%swap3A_69, %swap3A_70] {strides = array<i32>} : memref<4x128xi32, #tpu.memory_space<vmem>>, vector<1x16xi32>,
    %swap3A_72 = vector.shape_cast %swap3A_71 : vector<1x16xi32> to vector<16xi32>
    %swap3A_73 = vector.shape_cast %add3A_67 : vector<16xi32> to vector<1x16xi32>
    tpu.vector_store %arg6[%swap3A_69, %swap3A_70], %swap3A_73 {strides = array<i32>} : memref<4x128xi32, #tpu.memory_space<vmem>>, vector<1x16xi32>,
    %get3A_74 = arith.constant 80 : index
    %get3A_75 = tpu.vector_load %arg5[%get3A_74] {strides = array<i32>} : memref<512xi32, #tpu.memory_space<vmem>>, vector<16xi32>,
    %get3A_76 = vector.shape_cast %get3A_75 : vector<16xi32> to vector<16xi32>
    %add3A_77 = vector.broadcast %mul3A_20 : i32 to vector<16xi32>
    %add3A_78 = arith.addi %get3A_76, %add3A_77 : vector<16xi32>
    %swap3A_79 = arith.constant 0 : i32
    %swap3A_80 = arith.index_cast %swap3A_79 : i32 to index
    %swap3A_81 = arith.constant 80 : index
    %swap3A_82 = tpu.vector_load %arg6[%swap3A_80, %swap3A_81] {strides = array<i32>} : memref<4x128xi32, #tpu.memory_space<vmem>>, vector<1x16xi32>,
    %swap3A_83 = vector.shape_cast %swap3A_82 : vector<1x16xi32> to vector<16xi32>
    %swap3A_84 = vector.shape_cast %add3A_78 : vector<16xi32> to vector<1x16xi32>
    tpu.vector_store %arg6[%swap3A_80, %swap3A_81], %swap3A_84 {strides = array<i32>} : memref<4x128xi32, #tpu.memory_space<vmem>>, vector<1x16xi32>,
    %get3A_85 = arith.constant 96 : index
    %get3A_86 = tpu.vector_load %arg5[%get3A_85] {strides = array<i32>} : memref<512xi32, #tpu.memory_space<vmem>>, vector<16xi32>,
    %get3A_87 = vector.shape_cast %get3A_86 : vector<16xi32> to vector<16xi32>
    %add3A_88 = vector.broadcast %mul3A_20 : i32 to vector<16xi32>
    %add3A_89 = arith.addi %get3A_87, %add3A_88 : vector<16xi32>
    %swap3A_90 = arith.constant 0 : i32
    %swap3A_91 = arith.index_cast %swap3A_90 : i32 to index
    %swap3A_92 = arith.constant 96 : index
    %swap3A_93 = tpu.vector_load %arg6[%swap3A_91, %swap3A_92] {strides = array<i32>} : memref<4x128xi32, #tpu.memory_space<vmem>>, vector<1x16xi32>,
    %swap3A_94 = vector.shape_cast %swap3A_93 : vector<1x16xi32> to vector<16xi32>
    %swap3A_95 = vector.shape_cast %add3A_89 : vector<16xi32> to vector<1x16xi32>
    tpu.vector_store %arg6[%swap3A_91, %swap3A_92], %swap3A_95 {strides = array<i32>} : memref<4x128xi32, #tpu.memory_space<vmem>>, vector<1x16xi32>,
    %get3A_96 = arith.constant 112 : index
    %get3A_97 = tpu.vector_load %arg5[%get3A_96] {strides = array<i32>} : memref<512xi32, #tpu.memory_space<vmem>>, vector<16xi32>,
    %get3A_98 = vector.shape_cast %get3A_97 : vector<16xi32> to vector<16xi32>
    %add3A_99 = vector.broadcast %mul3A_20 : i32 to vector<16xi32>
    %add3A_100 = arith.addi %get3A_98, %add3A_99 : vector<16xi32>
    %swap3A_101 = arith.constant 0 : i32
    %swap3A_102 = arith.index_cast %swap3A_101 : i32 to index
    %swap3A_103 = arith.constant 112 : index
    %swap3A_104 = tpu.vector_load %arg6[%swap3A_102, %swap3A_103] {strides = array<i32>} : memref<4x128xi32, #tpu.memory_space<vmem>>, vector<1x16xi32>,
    %swap3A_105 = vector.shape_cast %swap3A_104 : vector<1x16xi32> to vector<16xi32>
    %swap3A_106 = vector.shape_cast %add3A_100 : vector<16xi32> to vector<1x16xi32>
    tpu.vector_store %arg6[%swap3A_102, %swap3A_103], %swap3A_106 {strides = array<i32>} : memref<4x128xi32, #tpu.memory_space<vmem>>, vector<1x16xi32>,
    %get3A_107 = arith.constant 128 : index
    %get3A_108 = tpu.vector_load %arg5[%get3A_107] {strides = array<i32>} : memref<512xi32, #tpu.memory_space<vmem>>, vector<16xi32>,
    %get3A_109 = vector.shape_cast %get3A_108 : vector<16xi32> to vector<16xi32>
    %add3A_110 = vector.broadcast %mul3A_20 : i32 to vector<16xi32>
    %add3A_111 = arith.addi %get3A_109, %add3A_110 : vector<16xi32>
    %swap3A_112 = arith.constant 1 : i32
    %swap3A_113 = arith.index_cast %swap3A_112 : i32 to index
    %swap3A_114 = arith.constant 0 : index
    %swap3A_115 = tpu.vector_load %arg6[%swap3A_113, %swap3A_114] {strides = array<i32>} : memref<4x128xi32, #tpu.memory_space<vmem>>, vector<1x16xi32>,
    %swap3A_116 = vector.shape_cast %swap3A_115 : vector<1x16xi32> to vector<16xi32>
    %swap3A_117 = vector.shape_cast %add3A_111 : vector<16xi32> to vector<1x16xi32>
    tpu.vector_store %arg6[%swap3A_113, %swap3A_114], %swap3A_117 {strides = array<i32>} : memref<4x128xi32, #tpu.memory_space<vmem>>, vector<1x16xi32>,
    %get3A_118 = arith.constant 144 : index
    %get3A_119 = tpu.vector_load %arg5[%get3A_118] {strides = array<i32>} : memref<512xi32, #tpu.memory_space<vmem>>, vector<16xi32>,
    %get3A_120 = vector.shape_cast %get3A_119 : vector<16xi32> to vector<16xi32>
    %add3A_121 = vector.broadcast %mul3A_20 : i32 to vector<16xi32>
    %add3A_122 = arith.addi %get3A_120, %add3A_121 : vector<16xi32>
    %swap3A_123 = arith.constant 1 : i32
    %swap3A_124 = arith.index_cast %swap3A_123 : i32 to index
    %swap3A_125 = arith.constant 16 : index
    %swap3A_126 = tpu.vector_load %arg6[%swap3A_124, %swap3A_125] {strides = array<i32>} : memref<4x128xi32, #tpu.memory_space<vmem>>, vector<1x16xi32>,
    %swap3A_127 = vector.shape_cast %swap3A_126 : vector<1x16xi32> to vector<16xi32>
    %swap3A_128 = vector.shape_cast %add3A_122 : vector<16xi32> to vector<1x16xi32>
    tpu.vector_store %arg6[%swap3A_124, %swap3A_125], %swap3A_128 {strides = array<i32>} : memref<4x128xi32, #tpu.memory_space<vmem>>, vector<1x16xi32>,
    %get3A_129 = arith.constant 160 : index
    %get3A_130 = tpu.vector_load %arg5[%get3A_129] {strides = array<i32>} : memref<512xi32, #tpu.memory_space<vmem>>, vector<16xi32>,
    %get3A_131 = vector.shape_cast %get3A_130 : vector<16xi32> to vector<16xi32>
    %add3A_132 = vector.broadcast %mul3A_20 : i32 to vector<16xi32>
    %add3A_133 = arith.addi %get3A_131, %add3A_132 : vector<16xi32>
    %swap3A_134 = arith.constant 1 : i32
    %swap3A_135 = arith.index_cast %swap3A_134 : i32 to index
    %swap3A_136 = arith.constant 32 : index
    %swap3A_137 = tpu.vector_load %arg6[%swap3A_135, %swap3A_136] {strides = array<i32>} : memref<4x128xi32, #tpu.memory_space<vmem>>, vector<1x16xi32>,
    %swap3A_138 = vector.shape_cast %swap3A_137 : vector<1x16xi32> to vector<16xi32>
    %swap3A_139 = vector.shape_cast %add3A_133 : vector<16xi32> to vector<1x16xi32>
    tpu.vector_store %arg6[%swap3A_135, %swap3A_136], %swap3A_139 {strides = array<i32>} : memref<4x128xi32, #tpu.memory_space<vmem>>, vector<1x16xi32>,
    %get3A_140 = arith.constant 176 : index
    %get3A_141 = tpu.vector_load %arg5[%get3A_140] {strides = array<i32>} : memref<512xi32, #tpu.memory_space<vmem>>, vector<16xi32>,
    %get3A_142 = vector.shape_cast %get3A_141 : vector<16xi32> to vector<16xi32>
    %add3A_143 = vector.broadcast %mul3A_20 : i32 to vector<16xi32>
    %add3A_144 = arith.addi %get3A_142, %add3A_143 : vector<16xi32>
    %swap3A_145 = arith.constant 1 : i32
    %swap3A_146 = arith.index_cast %swap3A_145 : i32 to index
    %swap3A_147 = arith.constant 48 : index
    %swap3A_148 = tpu.vector_load %arg6[%swap3A_146, %swap3A_147] {strides = array<i32>} : memref<4x128xi32, #tpu.memory_space<vmem>>, vector<1x16xi32>,
    %swap3A_149 = vector.shape_cast %swap3A_148 : vector<1x16xi32> to vector<16xi32>
    %swap3A_150 = vector.shape_cast %add3A_144 : vector<16xi32> to vector<1x16xi32>
    tpu.vector_store %arg6[%swap3A_146, %swap3A_147], %swap3A_150 {strides = array<i32>} : memref<4x128xi32, #tpu.memory_space<vmem>>, vector<1x16xi32>,
    %get3A_151 = arith.constant 192 : index
    %get3A_152 = tpu.vector_load %arg5[%get3A_151] {strides = array<i32>} : memref<512xi32, #tpu.memory_space<vmem>>, vector<16xi32>,
    %get3A_153 = vector.shape_cast %get3A_152 : vector<16xi32> to vector<16xi32>
    %add3A_154 = vector.broadcast %mul3A_20 : i32 to vector<16xi32>
    %add3A_155 = arith.addi %get3A_153, %add3A_154 : vector<16xi32>
    %swap3A_156 = arith.constant 1 : i32
    %swap3A_157 = arith.index_cast %swap3A_156 : i32 to index
    %swap3A_158 = arith.constant 64 : index
    %swap3A_159 = tpu.vector_load %arg6[%swap3A_157, %swap3A_158] {strides = array<i32>} : memref<4x128xi32, #tpu.memory_space<vmem>>, vector<1x16xi32>,
    %swap3A_160 = vector.shape_cast %swap3A_159 : vector<1x16xi32> to vector<16xi32>
    %swap3A_161 = vector.shape_cast %add3A_155 : vector<16xi32> to vector<1x16xi32>
    tpu.vector_store %arg6[%swap3A_157, %swap3A_158], %swap3A_161 {strides = array<i32>} : memref<4x128xi32, #tpu.memory_space<vmem>>, vector<1x16xi32>,
    %get3A_162 = arith.constant 208 : index
    %get3A_163 = tpu.vector_load %arg5[%get3A_162] {strides = array<i32>} : memref<512xi32, #tpu.memory_space<vmem>>, vector<16xi32>,
    %get3A_164 = vector.shape_cast %get3A_163 : vector<16xi32> to vector<16xi32>
    %add3A_165 = vector.broadcast %mul3A_20 : i32 to vector<16xi32>
    %add3A_166 = arith.addi %get3A_164, %add3A_165 : vector<16xi32>
    %swap3A_167 = arith.constant 1 : i32
    %swap3A_168 = arith.index_cast %swap3A_167 : i32 to index
    %swap3A_169 = arith.constant 80 : index
    %swap3A_170 = tpu.vector_load %arg6[%swap3A_168, %swap3A_169] {strides = array<i32>} : memref<4x128xi32, #tpu.memory_space<vmem>>, vector<1x16xi32>,
    %swap3A_171 = vector.shape_cast %swap3A_170 : vector<1x16xi32> to vector<16xi32>
    %swap3A_172 = vector.shape_cast %add3A_166 : vector<16xi32> to vector<1x16xi32>
    tpu.vector_store %arg6[%swap3A_168, %swap3A_169], %swap3A_172 {strides = array<i32>} : memref<4x128xi32, #tpu.memory_space<vmem>>, vector<1x16xi32>,
    %get3A_173 = arith.constant 224 : index
    %get3A_174 = tpu.vector_load %arg5[%get3A_173] {strides = array<i32>} : memref<512xi32, #tpu.memory_space<vmem>>, vector<16xi32>,
    %get3A_175 = vector.shape_cast %get3A_174 : vector<16xi32> to vector<16xi32>
    %add3A_176 = vector.broadcast %mul3A_20 : i32 to vector<16xi32>
    %add3A_177 = arith.addi %get3A_175, %add3A_176 : vector<16xi32>
    %swap3A_178 = arith.constant 1 : i32
    %swap3A_179 = arith.index_cast %swap3A_178 : i32 to index
    %swap3A_180 = arith.constant 96 : index
    %swap3A_181 = tpu.vector_load %arg6[%swap3A_179, %swap3A_180] {strides = array<i32>} : memref<4x128xi32, #tpu.memory_space<vmem>>, vector<1x16xi32>,
    %swap3A_182 = vector.shape_cast %swap3A_181 : vector<1x16xi32> to vector<16xi32>
    %swap3A_183 = vector.shape_cast %add3A_177 : vector<16xi32> to vector<1x16xi32>
    tpu.vector_store %arg6[%swap3A_179, %swap3A_180], %swap3A_183 {strides = array<i32>} : memref<4x128xi32, #tpu.memory_space<vmem>>, vector<1x16xi32>,
    %get3A_184 = arith.constant 240 : index
    %get3A_185 = tpu.vector_load %arg5[%get3A_184] {strides = array<i32>} : memref<512xi32, #tpu.memory_space<vmem>>, vector<16xi32>,
    %get3A_186 = vector.shape_cast %get3A_185 : vector<16xi32> to vector<16xi32>
    %add3A_187 = vector.broadcast %mul3A_20 : i32 to vector<16xi32>
    %add3A_188 = arith.addi %get3A_186, %add3A_187 : vector<16xi32>
    %swap3A_189 = arith.constant 1 : i32
    %swap3A_190 = arith.index_cast %swap3A_189 : i32 to index
    %swap3A_191 = arith.constant 112 : index
    %swap3A_192 = tpu.vector_load %arg6[%swap3A_190, %swap3A_191] {strides = array<i32>} : memref<4x128xi32, #tpu.memory_space<vmem>>, vector<1x16xi32>,
    %swap3A_193 = vector.shape_cast %swap3A_192 : vector<1x16xi32> to vector<16xi32>
    %swap3A_194 = vector.shape_cast %add3A_188 : vector<16xi32> to vector<1x16xi32>
    tpu.vector_store %arg6[%swap3A_190, %swap3A_191], %swap3A_194 {strides = array<i32>} : memref<4x128xi32, #tpu.memory_space<vmem>>, vector<1x16xi32>,
    %get3A_195 = arith.constant 256 : index
    %get3A_196 = tpu.vector_load %arg5[%get3A_195] {strides = array<i32>} : memref<512xi32, #tpu.memory_space<vmem>>, vector<16xi32>,
    %get3A_197 = vector.shape_cast %get3A_196 : vector<16xi32> to vector<16xi32>
    %add3A_198 = vector.broadcast %mul3A_20 : i32 to vector<16xi32>
    %add3A_199 = arith.addi %get3A_197, %add3A_198 : vector<16xi32>
    %swap3A_200 = arith.constant 2 : i32
    %swap3A_201 = arith.index_cast %swap3A_200 : i32 to index
    %swap3A_202 = arith.constant 0 : index
    %swap3A_203 = tpu.vector_load %arg6[%swap3A_201, %swap3A_202] {strides = array<i32>} : memref<4x128xi32, #tpu.memory_space<vmem>>, vector<1x16xi32>,
    %swap3A_204 = vector.shape_cast %swap3A_203 : vector<1x16xi32> to vector<16xi32>
    %swap3A_205 = vector.shape_cast %add3A_199 : vector<16xi32> to vector<1x16xi32>
    tpu.vector_store %arg6[%swap3A_201, %swap3A_202], %swap3A_205 {strides = array<i32>} : memref<4x128xi32, #tpu.memory_space<vmem>>, vector<1x16xi32>,
    %get3A_206 = arith.constant 272 : index
    %get3A_207 = tpu.vector_load %arg5[%get3A_206] {strides = array<i32>} : memref<512xi32, #tpu.memory_space<vmem>>, vector<16xi32>,
    %get3A_208 = vector.shape_cast %get3A_207 : vector<16xi32> to vector<16xi32>
    %add3A_209 = vector.broadcast %mul3A_20 : i32 to vector<16xi32>
    %add3A_210 = arith.addi %get3A_208, %add3A_209 : vector<16xi32>
    %swap3A_211 = arith.constant 2 : i32
    %swap3A_212 = arith.index_cast %swap3A_211 : i32 to index
    %swap3A_213 = arith.constant 16 : index
    %swap3A_214 = tpu.vector_load %arg6[%swap3A_212, %swap3A_213] {strides = array<i32>} : memref<4x128xi32, #tpu.memory_space<vmem>>, vector<1x16xi32>,
    %swap3A_215 = vector.shape_cast %swap3A_214 : vector<1x16xi32> to vector<16xi32>
    %swap3A_216 = vector.shape_cast %add3A_210 : vector<16xi32> to vector<1x16xi32>
    tpu.vector_store %arg6[%swap3A_212, %swap3A_213], %swap3A_216 {strides = array<i32>} : memref<4x128xi32, #tpu.memory_space<vmem>>, vector<1x16xi32>,
    %get3A_217 = arith.constant 288 : index
    %get3A_218 = tpu.vector_load %arg5[%get3A_217] {strides = array<i32>} : memref<512xi32, #tpu.memory_space<vmem>>, vector<16xi32>,
    %get3A_219 = vector.shape_cast %get3A_218 : vector<16xi32> to vector<16xi32>
    %add3A_220 = vector.broadcast %mul3A_20 : i32 to vector<16xi32>
    %add3A_221 = arith.addi %get3A_219, %add3A_220 : vector<16xi32>
    %swap3A_222 = arith.constant 2 : i32
    %swap3A_223 = arith.index_cast %swap3A_222 : i32 to index
    %swap3A_224 = arith.constant 32 : index
    %swap3A_225 = tpu.vector_load %arg6[%swap3A_223, %swap3A_224] {strides = array<i32>} : memref<4x128xi32, #tpu.memory_space<vmem>>, vector<1x16xi32>,
    %swap3A_226 = vector.shape_cast %swap3A_225 : vector<1x16xi32> to vector<16xi32>
    %swap3A_227 = vector.shape_cast %add3A_221 : vector<16xi32> to vector<1x16xi32>
    tpu.vector_store %arg6[%swap3A_223, %swap3A_224], %swap3A_227 {strides = array<i32>} : memref<4x128xi32, #tpu.memory_space<vmem>>, vector<1x16xi32>,
    %get3A_228 = arith.constant 304 : index
    %get3A_229 = tpu.vector_load %arg5[%get3A_228] {strides = array<i32>} : memref<512xi32, #tpu.memory_space<vmem>>, vector<16xi32>,
    %get3A_230 = vector.shape_cast %get3A_229 : vector<16xi32> to vector<16xi32>
    %add3A_231 = vector.broadcast %mul3A_20 : i32 to vector<16xi32>
    %add3A_232 = arith.addi %get3A_230, %add3A_231 : vector<16xi32>
    %swap3A_233 = arith.constant 2 : i32
    %swap3A_234 = arith.index_cast %swap3A_233 : i32 to index
    %swap3A_235 = arith.constant 48 : index
    %swap3A_236 = tpu.vector_load %arg6[%swap3A_234, %swap3A_235] {strides = array<i32>} : memref<4x128xi32, #tpu.memory_space<vmem>>, vector<1x16xi32>,
    %swap3A_237 = vector.shape_cast %swap3A_236 : vector<1x16xi32> to vector<16xi32>
    %swap3A_238 = vector.shape_cast %add3A_232 : vector<16xi32> to vector<1x16xi32>
    tpu.vector_store %arg6[%swap3A_234, %swap3A_235], %swap3A_238 {strides = array<i32>} : memref<4x128xi32, #tpu.memory_space<vmem>>, vector<1x16xi32>,
    %get3A_239 = arith.constant 320 : index
    %get3A_240 = tpu.vector_load %arg5[%get3A_239] {strides = array<i32>} : memref<512xi32, #tpu.memory_space<vmem>>, vector<16xi32>,
    %get3A_241 = vector.shape_cast %get3A_240 : vector<16xi32> to vector<16xi32>
    %add3A_242 = vector.broadcast %mul3A_20 : i32 to vector<16xi32>
    %add3A_243 = arith.addi %get3A_241, %add3A_242 : vector<16xi32>
    %swap3A_244 = arith.constant 2 : i32
    %swap3A_245 = arith.index_cast %swap3A_244 : i32 to index
    %swap3A_246 = arith.constant 64 : index
    %swap3A_247 = tpu.vector_load %arg6[%swap3A_245, %swap3A_246] {strides = array<i32>} : memref<4x128xi32, #tpu.memory_space<vmem>>, vector<1x16xi32>,
    %swap3A_248 = vector.shape_cast %swap3A_247 : vector<1x16xi32> to vector<16xi32>
    %swap3A_249 = vector.shape_cast %add3A_243 : vector<16xi32> to vector<1x16xi32>
    tpu.vector_store %arg6[%swap3A_245, %swap3A_246], %swap3A_249 {strides = array<i32>} : memref<4x128xi32, #tpu.memory_space<vmem>>, vector<1x16xi32>,
    %get3A_250 = arith.constant 336 : index
    %get3A_251 = tpu.vector_load %arg5[%get3A_250] {strides = array<i32>} : memref<512xi32, #tpu.memory_space<vmem>>, vector<16xi32>,
    %get3A_252 = vector.shape_cast %get3A_251 : vector<16xi32> to vector<16xi32>
    %add3A_253 = vector.broadcast %mul3A_20 : i32 to vector<16xi32>
    %add3A_254 = arith.addi %get3A_252, %add3A_253 : vector<16xi32>
    %swap3A_255 = arith.constant 2 : i32
    %swap3A_256 = arith.index_cast %swap3A_255 : i32 to index
    %swap3A_257 = arith.constant 80 : index
    %swap3A_258 = tpu.vector_load %arg6[%swap3A_256, %swap3A_257] {strides = array<i32>} : memref<4x128xi32, #tpu.memory_space<vmem>>, vector<1x16xi32>,
    %swap3A_259 = vector.shape_cast %swap3A_258 : vector<1x16xi32> to vector<16xi32>
    %swap3A_260 = vector.shape_cast %add3A_254 : vector<16xi32> to vector<1x16xi32>
    tpu.vector_store %arg6[%swap3A_256, %swap3A_257], %swap3A_260 {strides = array<i32>} : memref<4x128xi32, #tpu.memory_space<vmem>>, vector<1x16xi32>,
    %get3A_261 = arith.constant 352 : index
    %get3A_262 = tpu.vector_load %arg5[%get3A_261] {strides = array<i32>} : memref<512xi32, #tpu.memory_space<vmem>>, vector<16xi32>,
    %get3A_263 = vector.shape_cast %get3A_262 : vector<16xi32> to vector<16xi32>
    %add3A_264 = vector.broadcast %mul3A_20 : i32 to vector<16xi32>
    %add3A_265 = arith.addi %get3A_263, %add3A_264 : vector<16xi32>
    %swap3A_266 = arith.constant 2 : i32
    %swap3A_267 = arith.index_cast %swap3A_266 : i32 to index
    %swap3A_268 = arith.constant 96 : index
    %swap3A_269 = tpu.vector_load %arg6[%swap3A_267, %swap3A_268] {strides = array<i32>} : memref<4x128xi32, #tpu.memory_space<vmem>>, vector<1x16xi32>,
    %swap3A_270 = vector.shape_cast %swap3A_269 : vector<1x16xi32> to vector<16xi32>
    %swap3A_271 = vector.shape_cast %add3A_265 : vector<16xi32> to vector<1x16xi32>
    tpu.vector_store %arg6[%swap3A_267, %swap3A_268], %swap3A_271 {strides = array<i32>} : memref<4x128xi32, #tpu.memory_space<vmem>>, vector<1x16xi32>,
    %get3A_272 = arith.constant 368 : index
    %get3A_273 = tpu.vector_load %arg5[%get3A_272] {strides = array<i32>} : memref<512xi32, #tpu.memory_space<vmem>>, vector<16xi32>,
    %get3A_274 = vector.shape_cast %get3A_273 : vector<16xi32> to vector<16xi32>
    %add3A_275 = vector.broadcast %mul3A_20 : i32 to vector<16xi32>
    %add3A_276 = arith.addi %get3A_274, %add3A_275 : vector<16xi32>
    %swap3A_277 = arith.constant 2 : i32
    %swap3A_278 = arith.index_cast %swap3A_277 : i32 to index
    %swap3A_279 = arith.constant 112 : index
    %swap3A_280 = tpu.vector_load %arg6[%swap3A_278, %swap3A_279] {strides = array<i32>} : memref<4x128xi32, #tpu.memory_space<vmem>>, vector<1x16xi32>,
    %swap3A_281 = vector.shape_cast %swap3A_280 : vector<1x16xi32> to vector<16xi32>
    %swap3A_282 = vector.shape_cast %add3A_276 : vector<16xi32> to vector<1x16xi32>
    tpu.vector_store %arg6[%swap3A_278, %swap3A_279], %swap3A_282 {strides = array<i32>} : memref<4x128xi32, #tpu.memory_space<vmem>>, vector<1x16xi32>,
    %get3A_283 = arith.constant 384 : index
    %get3A_284 = tpu.vector_load %arg5[%get3A_283] {strides = array<i32>} : memref<512xi32, #tpu.memory_space<vmem>>, vector<16xi32>,
    %get3A_285 = vector.shape_cast %get3A_284 : vector<16xi32> to vector<16xi32>
    %add3A_286 = vector.broadcast %mul3A_20 : i32 to vector<16xi32>
    %add3A_287 = arith.addi %get3A_285, %add3A_286 : vector<16xi32>
    %swap3A_288 = arith.constant 3 : i32
    %swap3A_289 = arith.index_cast %swap3A_288 : i32 to index
    %swap3A_290 = arith.constant 0 : index
    %swap3A_291 = tpu.vector_load %arg6[%swap3A_289, %swap3A_290] {strides = array<i32>} : memref<4x128xi32, #tpu.memory_space<vmem>>, vector<1x16xi32>,
    %swap3A_292 = vector.shape_cast %swap3A_291 : vector<1x16xi32> to vector<16xi32>
    %swap3A_293 = vector.shape_cast %add3A_287 : vector<16xi32> to vector<1x16xi32>
    tpu.vector_store %arg6[%swap3A_289, %swap3A_290], %swap3A_293 {strides = array<i32>} : memref<4x128xi32, #tpu.memory_space<vmem>>, vector<1x16xi32>,
    %get3A_294 = arith.constant 400 : index
    %get3A_295 = tpu.vector_load %arg5[%get3A_294] {strides = array<i32>} : memref<512xi32, #tpu.memory_space<vmem>>, vector<16xi32>,
    %get3A_296 = vector.shape_cast %get3A_295 : vector<16xi32> to vector<16xi32>
    %add3A_297 = vector.broadcast %mul3A_20 : i32 to vector<16xi32>
    %add3A_298 = arith.addi %get3A_296, %add3A_297 : vector<16xi32>
    %swap3A_299 = arith.constant 3 : i32
    %swap3A_300 = arith.index_cast %swap3A_299 : i32 to index
    %swap3A_301 = arith.constant 16 : index
    %swap3A_302 = tpu.vector_load %arg6[%swap3A_300, %swap3A_301] {strides = array<i32>} : memref<4x128xi32, #tpu.memory_space<vmem>>, vector<1x16xi32>,
    %swap3A_303 = vector.shape_cast %swap3A_302 : vector<1x16xi32> to vector<16xi32>
    %swap3A_304 = vector.shape_cast %add3A_298 : vector<16xi32> to vector<1x16xi32>
    tpu.vector_store %arg6[%swap3A_300, %swap3A_301], %swap3A_304 {strides = array<i32>} : memref<4x128xi32, #tpu.memory_space<vmem>>, vector<1x16xi32>,
    %get3A_305 = arith.constant 416 : index
    %get3A_306 = tpu.vector_load %arg5[%get3A_305] {strides = array<i32>} : memref<512xi32, #tpu.memory_space<vmem>>, vector<16xi32>,
    %get3A_307 = vector.shape_cast %get3A_306 : vector<16xi32> to vector<16xi32>
    %add3A_308 = vector.broadcast %mul3A_20 : i32 to vector<16xi32>
    %add3A_309 = arith.addi %get3A_307, %add3A_308 : vector<16xi32>
    %swap3A_310 = arith.constant 3 : i32
    %swap3A_311 = arith.index_cast %swap3A_310 : i32 to index
    %swap3A_312 = arith.constant 32 : index
    %swap3A_313 = tpu.vector_load %arg6[%swap3A_311, %swap3A_312] {strides = array<i32>} : memref<4x128xi32, #tpu.memory_space<vmem>>, vector<1x16xi32>,
    %swap3A_314 = vector.shape_cast %swap3A_313 : vector<1x16xi32> to vector<16xi32>
    %swap3A_315 = vector.shape_cast %add3A_309 : vector<16xi32> to vector<1x16xi32>
    tpu.vector_store %arg6[%swap3A_311, %swap3A_312], %swap3A_315 {strides = array<i32>} : memref<4x128xi32, #tpu.memory_space<vmem>>, vector<1x16xi32>,
    %get3A_316 = arith.constant 432 : index
    %get3A_317 = tpu.vector_load %arg5[%get3A_316] {strides = array<i32>} : memref<512xi32, #tpu.memory_space<vmem>>, vector<16xi32>,
    %get3A_318 = vector.shape_cast %get3A_317 : vector<16xi32> to vector<16xi32>
    %add3A_319 = vector.broadcast %mul3A_20 : i32 to vector<16xi32>
    %add3A_320 = arith.addi %get3A_318, %add3A_319 : vector<16xi32>
    %swap3A_321 = arith.constant 3 : i32
    %swap3A_322 = arith.index_cast %swap3A_321 : i32 to index
    %swap3A_323 = arith.constant 48 : index
    %swap3A_324 = tpu.vector_load %arg6[%swap3A_322, %swap3A_323] {strides = array<i32>} : memref<4x128xi32, #tpu.memory_space<vmem>>, vector<1x16xi32>,
    %swap3A_325 = vector.shape_cast %swap3A_324 : vector<1x16xi32> to vector<16xi32>
    %swap3A_326 = vector.shape_cast %add3A_320 : vector<16xi32> to vector<1x16xi32>
    tpu.vector_store %arg6[%swap3A_322, %swap3A_323], %swap3A_326 {strides = array<i32>} : memref<4x128xi32, #tpu.memory_space<vmem>>, vector<1x16xi32>,
    %get3A_327 = arith.constant 448 : index
    %get3A_328 = tpu.vector_load %arg5[%get3A_327] {strides = array<i32>} : memref<512xi32, #tpu.memory_space<vmem>>, vector<16xi32>,
    %get3A_329 = vector.shape_cast %get3A_328 : vector<16xi32> to vector<16xi32>
    %add3A_330 = vector.broadcast %mul3A_20 : i32 to vector<16xi32>
    %add3A_331 = arith.addi %get3A_329, %add3A_330 : vector<16xi32>
    %swap3A_332 = arith.constant 3 : i32
    %swap3A_333 = arith.index_cast %swap3A_332 : i32 to index
    %swap3A_334 = arith.constant 64 : index
    %swap3A_335 = tpu.vector_load %arg6[%swap3A_333, %swap3A_334] {strides = array<i32>} : memref<4x128xi32, #tpu.memory_space<vmem>>, vector<1x16xi32>,
    %swap3A_336 = vector.shape_cast %swap3A_335 : vector<1x16xi32> to vector<16xi32>
    %swap3A_337 = vector.shape_cast %add3A_331 : vector<16xi32> to vector<1x16xi32>
    tpu.vector_store %arg6[%swap3A_333, %swap3A_334], %swap3A_337 {strides = array<i32>} : memref<4x128xi32, #tpu.memory_space<vmem>>, vector<1x16xi32>,
    %get3A_338 = arith.constant 464 : index
    %get3A_339 = tpu.vector_load %arg5[%get3A_338] {strides = array<i32>} : memref<512xi32, #tpu.memory_space<vmem>>, vector<16xi32>,
    %get3A_340 = vector.shape_cast %get3A_339 : vector<16xi32> to vector<16xi32>
    %add3A_341 = vector.broadcast %mul3A_20 : i32 to vector<16xi32>
    %add3A_342 = arith.addi %get3A_340, %add3A_341 : vector<16xi32>
    %swap3A_343 = arith.constant 3 : i32
    %swap3A_344 = arith.index_cast %swap3A_343 : i32 to index
    %swap3A_345 = arith.constant 80 : index
    %swap3A_346 = tpu.vector_load %arg6[%swap3A_344, %swap3A_345] {strides = array<i32>} : memref<4x128xi32, #tpu.memory_space<vmem>>, vector<1x16xi32>,
    %swap3A_347 = vector.shape_cast %swap3A_346 : vector<1x16xi32> to vector<16xi32>
    %swap3A_348 = vector.shape_cast %add3A_342 : vector<16xi32> to vector<1x16xi32>
    tpu.vector_store %arg6[%swap3A_344, %swap3A_345], %swap3A_348 {strides = array<i32>} : memref<4x128xi32, #tpu.memory_space<vmem>>, vector<1x16xi32>,
    %get3A_349 = arith.constant 480 : index
    %get3A_350 = tpu.vector_load %arg5[%get3A_349] {strides = array<i32>} : memref<512xi32, #tpu.memory_space<vmem>>, vector<16xi32>,
    %get3A_351 = vector.shape_cast %get3A_350 : vector<16xi32> to vector<16xi32>
    %add3A_352 = vector.broadcast %mul3A_20 : i32 to vector<16xi32>
    %add3A_353 = arith.addi %get3A_351, %add3A_352 : vector<16xi32>
    %swap3A_354 = arith.constant 3 : i32
    %swap3A_355 = arith.index_cast %swap3A_354 : i32 to index
    %swap3A_356 = arith.constant 96 : index
    %swap3A_357 = tpu.vector_load %arg6[%swap3A_355, %swap3A_356] {strides = array<i32>} : memref<4x128xi32, #tpu.memory_space<vmem>>, vector<1x16xi32>,
    %swap3A_358 = vector.shape_cast %swap3A_357 : vector<1x16xi32> to vector<16xi32>
    %swap3A_359 = vector.shape_cast %add3A_353 : vector<16xi32> to vector<1x16xi32>
    tpu.vector_store %arg6[%swap3A_355, %swap3A_356], %swap3A_359 {strides = array<i32>} : memref<4x128xi32, #tpu.memory_space<vmem>>, vector<1x16xi32>,
    %get3A_360 = arith.constant 496 : index
    %get3A_361 = tpu.vector_load %arg5[%get3A_360] {strides = array<i32>} : memref<512xi32, #tpu.memory_space<vmem>>, vector<16xi32>,
    %get3A_362 = vector.shape_cast %get3A_361 : vector<16xi32> to vector<16xi32>
    %add3A_363 = vector.broadcast %mul3A_20 : i32 to vector<16xi32>
    %add3A_364 = arith.addi %get3A_362, %add3A_363 : vector<16xi32>
    %swap3A_365 = arith.constant 3 : i32
    %swap3A_366 = arith.index_cast %swap3A_365 : i32 to index
    %swap3A_367 = arith.constant 112 : index
    %swap3A_368 = tpu.vector_load %arg6[%swap3A_366, %swap3A_367] {strides = array<i32>} : memref<4x128xi32, #tpu.memory_space<vmem>>, vector<1x16xi32>,
    %swap3A_369 = vector.shape_cast %swap3A_368 : vector<1x16xi32> to vector<16xi32>
    %swap3A_370 = vector.shape_cast %add3A_364 : vector<16xi32> to vector<1x16xi32>
    tpu.vector_store %arg6[%swap3A_366, %swap3A_367], %swap3A_370 {strides = array<i32>} : memref<4x128xi32, #tpu.memory_space<vmem>>, vector<1x16xi32>,
    %dma_start3A = arith.constant 0 : i32
    %dma_start3A_371 = arith.constant 0 : i32
    %dma_start3A_372 = arith.constant 0 : i32
    %dma_start3A_373 = tpu.memref_slice %arg7[%dma_start3A_371, %dma_start3A_372] : memref<512x128xf32, #tpu.memory_space<vmem>> -> memref<128x128xf32, #tpu.memory_space<vmem>>
    %dma_start3A_374 = arith.constant 0 : i32
    %dma_start3A_375 = tpu.memref_slice %arg6[%dma_start3A, %dma_start3A_374] : memref<4x128xi32, #tpu.memory_space<vmem>> -> memref<1x128xi32, #tpu.memory_space<vmem>>
    %dma_start3A_376 = tpu.memref_squeeze %dma_start3A_375 : memref<1x128xi32, #tpu.memory_space<vmem>> -> memref<128xi32, #tpu.memory_space<vmem>>
    %dma_start3A_377 = arith.constant 0 : i32
    %dma_start3A_378 = arith.constant 0 : i32
    %dma_start3A_379 = tpu.memref_slice %arg2[%dma_start3A_377, %dma_start3A_378] : memref<128x128xf32, #tpu.memory_space<hbm>> -> memref<128x128xf32, #tpu.memory_space<hbm>>
    tpu.enqueue_indirect_dma source(%dma_start3A_379 : memref<128x128xf32, #tpu.memory_space<hbm>>) target(%dma_start3A_373 : memref<128x128xf32, #tpu.memory_space<vmem>>) offsets(%dma_start3A_376 : memref<128xi32, #tpu.memory_space<vmem>>) semaphore(%arg8 : memref<!tpu.dma_semaphore, #tpu.memory_space<semaphore_mem>>)
    %dma_wait3A = arith.constant 0 : i32
    %dma_wait3A_380 = arith.constant 0 : i32
    %dma_wait3A_381 = arith.constant 0 : i32
    %dma_wait3A_382 = tpu.memref_slice %arg7[%dma_wait3A_380, %dma_wait3A_381] : memref<512x128xf32, #tpu.memory_space<vmem>> -> memref<128x128xf32, #tpu.memory_space<vmem>>
    %dma_wait3A_383 = arith.constant 0 : i32
    %dma_wait3A_384 = tpu.memref_slice %arg6[%dma_wait3A, %dma_wait3A_383] : memref<4x128xi32, #tpu.memory_space<vmem>> -> memref<1x128xi32, #tpu.memory_space<vmem>>
    %dma_wait3A_385 = tpu.memref_squeeze %dma_wait3A_384 : memref<1x128xi32, #tpu.memory_space<vmem>> -> memref<128xi32, #tpu.memory_space<vmem>>
    %dma_wait3A_386 = arith.constant 0 : i32
    %dma_wait3A_387 = arith.constant 0 : i32
    %dma_wait3A_388 = tpu.memref_slice %arg2[%dma_wait3A_386, %dma_wait3A_387] : memref<128x128xf32, #tpu.memory_space<hbm>> -> memref<128x128xf32, #tpu.memory_space<hbm>>
    tpu.wait_indirect_dma semaphore(%arg8 : memref<!tpu.dma_semaphore, #tpu.memory_space<semaphore_mem>>) src(%dma_wait3A_388 : memref<128x128xf32, #tpu.memory_space<hbm>>) dst(%dma_wait3A_382 : memref<128x128xf32, #tpu.memory_space<vmem>>)
    %dma_start3A_389 = arith.constant 1 : i32
    %dma_start3A_390 = arith.constant 128 : i32
    %dma_start3A_391 = arith.constant 0 : i32
    %dma_start3A_392 = tpu.memref_slice %arg7[%dma_start3A_390, %dma_start3A_391] : memref<512x128xf32, #tpu.memory_space<vmem>> -> memref<128x128xf32, #tpu.memory_space<vmem>>
    %dma_start3A_393 = arith.constant 0 : i32
    %dma_start3A_394 = tpu.memref_slice %arg6[%dma_start3A_389, %dma_start3A_393] : memref<4x128xi32, #tpu.memory_space<vmem>> -> memref<1x128xi32, #tpu.memory_space<vmem>>
    %dma_start3A_395 = tpu.memref_squeeze %dma_start3A_394 : memref<1x128xi32, #tpu.memory_space<vmem>> -> memref<128xi32, #tpu.memory_space<vmem>>
    %dma_start3A_396 = arith.constant 0 : i32
    %dma_start3A_397 = arith.constant 0 : i32
    %dma_start3A_398 = tpu.memref_slice %arg2[%dma_start3A_396, %dma_start3A_397] : memref<128x128xf32, #tpu.memory_space<hbm>> -> memref<128x128xf32, #tpu.memory_space<hbm>>
    tpu.enqueue_indirect_dma source(%dma_start3A_398 : memref<128x128xf32, #tpu.memory_space<hbm>>) target(%dma_start3A_392 : memref<128x128xf32, #tpu.memory_space<vmem>>) offsets(%dma_start3A_395 : memref<128xi32, #tpu.memory_space<vmem>>) semaphore(%arg8 : memref<!tpu.dma_semaphore, #tpu.memory_space<semaphore_mem>>)
    %dma_wait3A_399 = arith.constant 1 : i32
    %dma_wait3A_400 = arith.constant 128 : i32
    %dma_wait3A_401 = arith.constant 0 : i32
    %dma_wait3A_402 = tpu.memref_slice %arg7[%dma_wait3A_400, %dma_wait3A_401] : memref<512x128xf32, #tpu.memory_space<vmem>> -> memref<128x128xf32, #tpu.memory_space<vmem>>
    %dma_wait3A_403 = arith.constant 0 : i32
    %dma_wait3A_404 = tpu.memref_slice %arg6[%dma_wait3A_399, %dma_wait3A_403] : memref<4x128xi32, #tpu.memory_space<vmem>> -> memref<1x128xi32, #tpu.memory_space<vmem>>
    %dma_wait3A_405 = tpu.memref_squeeze %dma_wait3A_404 : memref<1x128xi32, #tpu.memory_space<vmem>> -> memref<128xi32, #tpu.memory_space<vmem>>
    %dma_wait3A_406 = arith.constant 0 : i32
    %dma_wait3A_407 = arith.constant 0 : i32
    %dma_wait3A_408 = tpu.memref_slice %arg2[%dma_wait3A_406, %dma_wait3A_407] : memref<128x128xf32, #tpu.memory_space<hbm>> -> memref<128x128xf32, #tpu.memory_space<hbm>>
    tpu.wait_indirect_dma semaphore(%arg8 : memref<!tpu.dma_semaphore, #tpu.memory_space<semaphore_mem>>) src(%dma_wait3A_408 : memref<128x128xf32, #tpu.memory_space<hbm>>) dst(%dma_wait3A_402 : memref<128x128xf32, #tpu.memory_space<vmem>>)
    %dma_start3A_409 = arith.constant 2 : i32
    %dma_start3A_410 = arith.constant 256 : i32
    %dma_start3A_411 = arith.constant 0 : i32
    %dma_start3A_412 = tpu.memref_slice %arg7[%dma_start3A_410, %dma_start3A_411] : memref<512x128xf32, #tpu.memory_space<vmem>> -> memref<128x128xf32, #tpu.memory_space<vmem>>
    %dma_start3A_413 = arith.constant 0 : i32
    %dma_start3A_414 = tpu.memref_slice %arg6[%dma_start3A_409, %dma_start3A_413] : memref<4x128xi32, #tpu.memory_space<vmem>> -> memref<1x128xi32, #tpu.memory_space<vmem>>
    %dma_start3A_415 = tpu.memref_squeeze %dma_start3A_414 : memref<1x128xi32, #tpu.memory_space<vmem>> -> memref<128xi32, #tpu.memory_space<vmem>>
    %dma_start3A_416 = arith.constant 0 : i32
    %dma_start3A_417 = arith.constant 0 : i32
    %dma_start3A_418 = tpu.memref_slice %arg2[%dma_start3A_416, %dma_start3A_417] : memref<128x128xf32, #tpu.memory_space<hbm>> -> memref<128x128xf32, #tpu.memory_space<hbm>>
    tpu.enqueue_indirect_dma source(%dma_start3A_418 : memref<128x128xf32, #tpu.memory_space<hbm>>) target(%dma_start3A_412 : memref<128x128xf32, #tpu.memory_space<vmem>>) offsets(%dma_start3A_415 : memref<128xi32, #tpu.memory_space<vmem>>) semaphore(%arg8 : memref<!tpu.dma_semaphore, #tpu.memory_space<semaphore_mem>>)
    %dma_wait3A_419 = arith.constant 2 : i32
    %dma_wait3A_420 = arith.constant 256 : i32
    %dma_wait3A_421 = arith.constant 0 : i32
    %dma_wait3A_422 = tpu.memref_slice %arg7[%dma_wait3A_420, %dma_wait3A_421] : memref<512x128xf32, #tpu.memory_space<vmem>> -> memref<128x128xf32, #tpu.memory_space<vmem>>
    %dma_wait3A_423 = arith.constant 0 : i32
    %dma_wait3A_424 = tpu.memref_slice %arg6[%dma_wait3A_419, %dma_wait3A_423] : memref<4x128xi32, #tpu.memory_space<vmem>> -> memref<1x128xi32, #tpu.memory_space<vmem>>
    %dma_wait3A_425 = tpu.memref_squeeze %dma_wait3A_424 : memref<1x128xi32, #tpu.memory_space<vmem>> -> memref<128xi32, #tpu.memory_space<vmem>>
    %dma_wait3A_426 = arith.constant 0 : i32
    %dma_wait3A_427 = arith.constant 0 : i32
    %dma_wait3A_428 = tpu.memref_slice %arg2[%dma_wait3A_426, %dma_wait3A_427] : memref<128x128xf32, #tpu.memory_space<hbm>> -> memref<128x128xf32, #tpu.memory_space<hbm>>
    tpu.wait_indirect_dma semaphore(%arg8 : memref<!tpu.dma_semaphore, #tpu.memory_space<semaphore_mem>>) src(%dma_wait3A_428 : memref<128x128xf32, #tpu.memory_space<hbm>>) dst(%dma_wait3A_422 : memref<128x128xf32, #tpu.memory_space<vmem>>)
    %dma_start3A_429 = arith.constant 3 : i32
    %dma_start3A_430 = arith.constant 384 : i32
    %dma_start3A_431 = arith.constant 0 : i32
    %dma_start3A_432 = tpu.memref_slice %arg7[%dma_start3A_430, %dma_start3A_431] : memref<512x128xf32, #tpu.memory_space<vmem>> -> memref<128x128xf32, #tpu.memory_space<vmem>>
    %dma_start3A_433 = arith.constant 0 : i32
    %dma_start3A_434 = tpu.memref_slice %arg6[%dma_start3A_429, %dma_start3A_433] : memref<4x128xi32, #tpu.memory_space<vmem>> -> memref<1x128xi32, #tpu.memory_space<vmem>>
    %dma_start3A_435 = tpu.memref_squeeze %dma_start3A_434 : memref<1x128xi32, #tpu.memory_space<vmem>> -> memref<128xi32, #tpu.memory_space<vmem>>
    %dma_start3A_436 = arith.constant 0 : i32
    %dma_start3A_437 = arith.constant 0 : i32
    %dma_start3A_438 = tpu.memref_slice %arg2[%dma_start3A_436, %dma_start3A_437] : memref<128x128xf32, #tpu.memory_space<hbm>> -> memref<128x128xf32, #tpu.memory_space<hbm>>
    tpu.enqueue_indirect_dma source(%dma_start3A_438 : memref<128x128xf32, #tpu.memory_space<hbm>>) target(%dma_start3A_432 : memref<128x128xf32, #tpu.memory_space<vmem>>) offsets(%dma_start3A_435 : memref<128xi32, #tpu.memory_space<vmem>>) semaphore(%arg8 : memref<!tpu.dma_semaphore, #tpu.memory_space<semaphore_mem>>)
    %dma_wait3A_439 = arith.constant 3 : i32
    %dma_wait3A_440 = arith.constant 384 : i32
    %dma_wait3A_441 = arith.constant 0 : i32
    %dma_wait3A_442 = tpu.memref_slice %arg7[%dma_wait3A_440, %dma_wait3A_441] : memref<512x128xf32, #tpu.memory_space<vmem>> -> memref<128x128xf32, #tpu.memory_space<vmem>>
    %dma_wait3A_443 = arith.constant 0 : i32
    %dma_wait3A_444 = tpu.memref_slice %arg6[%dma_wait3A_439, %dma_wait3A_443] : memref<4x128xi32, #tpu.memory_space<vmem>> -> memref<1x128xi32, #tpu.memory_space<vmem>>
    %dma_wait3A_445 = tpu.memref_squeeze %dma_wait3A_444 : memref<1x128xi32, #tpu.memory_space<vmem>> -> memref<128xi32, #tpu.memory_space<vmem>>
    %dma_wait3A_446 = arith.constant 0 : i32
    %dma_wait3A_447 = arith.constant 0 : i32
    %dma_wait3A_448 = tpu.memref_slice %arg2[%dma_wait3A_446, %dma_wait3A_447] : memref<128x128xf32, #tpu.memory_space<hbm>> -> memref<128x128xf32, #tpu.memory_space<hbm>>
    tpu.wait_indirect_dma semaphore(%arg8 : memref<!tpu.dma_semaphore, #tpu.memory_space<semaphore_mem>>) src(%dma_wait3A_448 : memref<128x128xf32, #tpu.memory_space<hbm>>) dst(%dma_wait3A_442 : memref<128x128xf32, #tpu.memory_space<vmem>>)
    "tpu.region"() ({
      %run_scoped3A = tpu.sem_alloc : memref<!tpu.dma_semaphore, #tpu.memory_space<semaphore_mem>>
      %dma_start3A_449 = arith.constant 0 : i32
      %dma_start3A_450 = tpu.memref_slice %arg4[%mul3A_2, %dma_start3A_449] : memref<16384x128xf32, #tpu.memory_space<hbm>> -> memref<512x128xf32, #tpu.memory_space<hbm>>
      %dma_start3A_451 = arith.constant 0 : i32
      %dma_start3A_452 = tpu.memref_slice %arg4[%mul3A_2, %dma_start3A_451] : memref<16384x128xf32, #tpu.memory_space<hbm>> -> memref<512x128xf32, #tpu.memory_space<hbm>>
      tpu.enqueue_dma source(%arg7 : memref<512x128xf32, #tpu.memory_space<vmem>>) target(%dma_start3A_452 : memref<512x128xf32, #tpu.memory_space<hbm>>) target_semaphore(%run_scoped3A : memref<!tpu.dma_semaphore, #tpu.memory_space<semaphore_mem>>)
      %dma_wait3A_453 = arith.constant 0 : i32
      %dma_wait3A_454 = tpu.memref_slice %arg4[%mul3A_2, %dma_wait3A_453] : memref<16384x128xf32, #tpu.memory_space<hbm>> -> memref<512x128xf32, #tpu.memory_space<hbm>>
      %dma_wait3A_455 = arith.constant 0 : i32
      %dma_wait3A_456 = tpu.memref_slice %arg4[%mul3A_2, %dma_wait3A_455] : memref<16384x128xf32, #tpu.memory_space<hbm>> -> memref<512x128xf32, #tpu.memory_space<hbm>>
      tpu.wait_dma2 semaphore(%run_scoped3A : memref<!tpu.dma_semaphore, #tpu.memory_space<semaphore_mem>>) src(%arg7 : memref<512x128xf32, #tpu.memory_space<vmem>>) dst(%dma_wait3A_456 : memref<512x128xf32, #tpu.memory_space<hbm>>)
      tpu.yield
    }) : () -> ()
    return
  }
}

module attributes {stable_mosaic.version = 14 : i64} {
  func.func @_trunk_body(%arg0: memref<8x16384xf32, #tpu.memory_space<vmem>>, %arg1: memref<8x16xf32, #tpu.memory_space<vmem>>, %arg2: memref<64x8xf32, #tpu.memory_space<vmem>>, %arg3: memref<64x1xf32, #tpu.memory_space<vmem>>, %arg4: memref<64x1xf32, #tpu.memory_space<vmem>>, %arg5: memref<128x64xf32, #tpu.memory_space<vmem>>, %arg6: memref<128x1xf32, #tpu.memory_space<vmem>>, %arg7: memref<128x1xf32, #tpu.memory_space<vmem>>, %arg8: memref<2048x64xf32, #tpu.memory_space<vmem>>, %arg9: memref<128x16xf32, #tpu.memory_space<vmem>>, %arg10: memref<128x16xf32, #tpu.memory_space<vmem>>, %arg11: memref<64x16384xf32, #tpu.memory_space<vmem>>, %arg12: memref<128x16384xf32, #tpu.memory_space<vmem>>, %arg13: memref<128x128xf32, #tpu.memory_space<vmem>>) attributes {dimension_semantics = [], scalar_prefetch = 0 : i64, scratch_operands = 0 : i64, tpu.core_type = #tpu.core_type<tc>} {
    %get3A = arith.constant 0 : index
    %get3A_0 = arith.constant 0 : index
    %get3A_1 = vector.load %arg0[%get3A, %get3A_0] : memref<8x16384xf32, #tpu.memory_space<vmem>>, vector<8x16384xf32>
    %iota3A = tpu.iota {dimensions = array<i32: 1>} : vector<8x16384xi32>
    %jit3A = arith.constant 2048 : i32
    %div3A = vector.broadcast %jit3A : i32 to vector<8x16384xi32>
    %div3A_2 = arith.divsi %iota3A, %div3A : vector<8x16384xi32>
    %sign3A = arith.constant 0 : i32
    %sign3A_3 = vector.broadcast %sign3A : i32 to vector<8x16384xi32>
    %sign3A_4 = arith.cmpi sgt, %iota3A, %sign3A_3 : vector<8x16384xi32>
    %sign3A_5 = arith.extui %sign3A_4 : vector<8x16384xi1> to vector<8x16384xi32>
    %sign3A_6 = arith.constant 0 : i32
    %sign3A_7 = vector.broadcast %sign3A_6 : i32 to vector<8x16384xi32>
    %sign3A_8 = arith.cmpi slt, %iota3A, %sign3A_7 : vector<8x16384xi32>
    %sign3A_9 = arith.extui %sign3A_8 : vector<8x16384xi1> to vector<8x16384xi32>
    %sign3A_10 = arith.subi %sign3A_5, %sign3A_9 : vector<8x16384xi32>
    %sign3A_11 = arith.constant 0 : i32
    %sign3A_12 = arith.cmpi sgt, %jit3A, %sign3A_11 : i32
    %sign3A_13 = arith.extui %sign3A_12 : i1 to i32
    %sign3A_14 = arith.constant 0 : i32
    %sign3A_15 = arith.cmpi slt, %jit3A, %sign3A_14 : i32
    %sign3A_16 = arith.extui %sign3A_15 : i1 to i32
    %sign3A_17 = arith.subi %sign3A_13, %sign3A_16 : i32
    %ne3A = vector.broadcast %sign3A_17 : i32 to vector<8x16384xi32>
    %ne3A_18 = arith.cmpi ne, %sign3A_10, %ne3A : vector<8x16384xi32>
    %rem3A = vector.broadcast %jit3A : i32 to vector<8x16384xi32>
    %rem3A_19 = arith.remsi %iota3A, %rem3A : vector<8x16384xi32>
    %ne3A_20 = arith.constant 0 : i32
    %ne3A_21 = vector.broadcast %ne3A_20 : i32 to vector<8x16384xi32>
    %ne3A_22 = arith.cmpi ne, %rem3A_19, %ne3A_21 : vector<8x16384xi32>
    %and3A = arith.andi %ne3A_18, %ne3A_22 : vector<8x16384xi1>
    %sub3A = arith.constant 1 : i32
    %sub3A_23 = vector.broadcast %sub3A : i32 to vector<8x16384xi32>
    %sub3A_24 = arith.subi %div3A_2, %sub3A_23 : vector<8x16384xi32>
    %select_n3A = arith.select %and3A, %sub3A_24, %div3A_2 : vector<8x16384xi1>, vector<8x16384xi32>
    %iota3A_25 = tpu.iota {dimensions = array<i32: 0>} : vector<8x16384xi32>
    %eq3A = arith.cmpi eq, %select_n3A, %iota3A_25 : vector<8x16384xi32>
    %convert_element_type3A = arith.extui %eq3A : vector<8x16384xi1> to vector<8x16384xi32>
    %convert_element_type3A_26 = arith.sitofp %convert_element_type3A : vector<8x16384xi32> to vector<8x16384xf32>
    %get3A_27 = arith.constant 0 : index
    %get3A_28 = arith.constant 0 : index
    %get3A_29 = vector.load %arg1[%get3A_27, %get3A_28] : memref<8x16xf32, #tpu.memory_space<vmem>>, vector<8x16xf32>
    %convert_element_type3A_30 = arith.truncf %get3A_29 : vector<8x16xf32> to vector<8x16xbf16>
    %convert_element_type3A_31 = arith.extf %convert_element_type3A_30 : vector<8x16xbf16> to vector<8x16xf32>
    %sub3A_32 = arith.subf %get3A_29, %convert_element_type3A_31 : vector<8x16xf32>
    %convert_element_type3A_33 = arith.truncf %sub3A_32 : vector<8x16xf32> to vector<8x16xbf16>
    %convert_element_type3A_34 = arith.truncf %convert_element_type3A_26 : vector<8x16384xf32> to vector<8x16384xbf16>
    %dot_general3A = arith.constant dense<0.000000e+00> : vector<16x16384xf32>
    %dot_general3A_35 = tpu.matmul %convert_element_type3A_30, %convert_element_type3A_34, %dot_general3A {dimension_numbers = #tpu.dot_dimension_numbers<[0], [0], [1], [1], [0, 1, 1, 1], [], []>, transpose_lhs_hint = false} : vector<8x16xbf16>, vector<8x16384xbf16>, vector<16x16384xf32> -> vector<16x16384xf32>
    %dot_general3A_36 = arith.constant dense<0.000000e+00> : vector<16x16384xf32>
    %dot_general3A_37 = tpu.matmul %convert_element_type3A_33, %convert_element_type3A_34, %dot_general3A_36 {dimension_numbers = #tpu.dot_dimension_numbers<[0], [0], [1], [1], [0, 1, 1, 1], [], []>, transpose_lhs_hint = false} : vector<8x16xbf16>, vector<8x16384xbf16>, vector<16x16384xf32> -> vector<16x16384xf32>
    %add3A = arith.addf %dot_general3A_35, %dot_general3A_37 : vector<16x16384xf32>
    %convert_element_type3A_38 = arith.truncf %add3A : vector<16x16384xf32> to vector<16x16384xbf16>
    %convert_element_type3A_39 = arith.extf %convert_element_type3A_38 : vector<16x16384xbf16> to vector<16x16384xf32>
    %slice3A = vector.extract_strided_slice %get3A_1 {offsets = [0, 0], sizes = [3, 16384], strides = [1, 1]} : vector<8x16384xf32> to vector<3x16384xf32>
    %convert_element_type3A_40 = arith.truncf %slice3A : vector<3x16384xf32> to vector<3x16384xbf16>
    %convert_element_type3A_41 = arith.extf %convert_element_type3A_40 : vector<3x16384xbf16> to vector<3x16384xf32>
    %slice3A_42 = vector.extract_strided_slice %convert_element_type3A_39 {offsets = [0, 0], sizes = [1, 16384], strides = [1, 1]} : vector<16x16384xf32> to vector<1x16384xf32>
    %slice3A_43 = vector.extract_strided_slice %convert_element_type3A_41 {offsets = [0, 0], sizes = [1, 16384], strides = [1, 1]} : vector<3x16384xf32> to vector<1x16384xf32>
    %mul3A = arith.mulf %slice3A_42, %slice3A_43 : vector<1x16384xf32>
    %slice3A_44 = vector.extract_strided_slice %convert_element_type3A_39 {offsets = [1, 0], sizes = [1, 16384], strides = [1, 1]} : vector<16x16384xf32> to vector<1x16384xf32>
    %slice3A_45 = vector.extract_strided_slice %convert_element_type3A_41 {offsets = [1, 0], sizes = [1, 16384], strides = [1, 1]} : vector<3x16384xf32> to vector<1x16384xf32>
    %mul3A_46 = arith.mulf %slice3A_44, %slice3A_45 : vector<1x16384xf32>
    %add3A_47 = arith.addf %mul3A, %mul3A_46 : vector<1x16384xf32>
    %slice3A_48 = vector.extract_strided_slice %convert_element_type3A_39 {offsets = [2, 0], sizes = [1, 16384], strides = [1, 1]} : vector<16x16384xf32> to vector<1x16384xf32>
    %slice3A_49 = vector.extract_strided_slice %convert_element_type3A_41 {offsets = [2, 0], sizes = [1, 16384], strides = [1, 1]} : vector<3x16384xf32> to vector<1x16384xf32>
    %mul3A_50 = arith.mulf %slice3A_48, %slice3A_49 : vector<1x16384xf32>
    %add3A_51 = arith.addf %add3A_47, %mul3A_50 : vector<1x16384xf32>
    %slice3A_52 = vector.extract_strided_slice %convert_element_type3A_39 {offsets = [3, 0], sizes = [1, 16384], strides = [1, 1]} : vector<16x16384xf32> to vector<1x16384xf32>
    %slice3A_53 = vector.extract_strided_slice %convert_element_type3A_41 {offsets = [0, 0], sizes = [1, 16384], strides = [1, 1]} : vector<3x16384xf32> to vector<1x16384xf32>
    %mul3A_54 = arith.mulf %slice3A_52, %slice3A_53 : vector<1x16384xf32>
    %slice3A_55 = vector.extract_strided_slice %convert_element_type3A_39 {offsets = [4, 0], sizes = [1, 16384], strides = [1, 1]} : vector<16x16384xf32> to vector<1x16384xf32>
    %slice3A_56 = vector.extract_strided_slice %convert_element_type3A_41 {offsets = [1, 0], sizes = [1, 16384], strides = [1, 1]} : vector<3x16384xf32> to vector<1x16384xf32>
    %mul3A_57 = arith.mulf %slice3A_55, %slice3A_56 : vector<1x16384xf32>
    %add3A_58 = arith.addf %mul3A_54, %mul3A_57 : vector<1x16384xf32>
    %slice3A_59 = vector.extract_strided_slice %convert_element_type3A_39 {offsets = [5, 0], sizes = [1, 16384], strides = [1, 1]} : vector<16x16384xf32> to vector<1x16384xf32>
    %slice3A_60 = vector.extract_strided_slice %convert_element_type3A_41 {offsets = [2, 0], sizes = [1, 16384], strides = [1, 1]} : vector<3x16384xf32> to vector<1x16384xf32>
    %mul3A_61 = arith.mulf %slice3A_59, %slice3A_60 : vector<1x16384xf32>
    %add3A_62 = arith.addf %add3A_58, %mul3A_61 : vector<1x16384xf32>
    %slice3A_63 = vector.extract_strided_slice %convert_element_type3A_39 {offsets = [6, 0], sizes = [1, 16384], strides = [1, 1]} : vector<16x16384xf32> to vector<1x16384xf32>
    %slice3A_64 = vector.extract_strided_slice %convert_element_type3A_41 {offsets = [0, 0], sizes = [1, 16384], strides = [1, 1]} : vector<3x16384xf32> to vector<1x16384xf32>
    %mul3A_65 = arith.mulf %slice3A_63, %slice3A_64 : vector<1x16384xf32>
    %slice3A_66 = vector.extract_strided_slice %convert_element_type3A_39 {offsets = [7, 0], sizes = [1, 16384], strides = [1, 1]} : vector<16x16384xf32> to vector<1x16384xf32>
    %slice3A_67 = vector.extract_strided_slice %convert_element_type3A_41 {offsets = [1, 0], sizes = [1, 16384], strides = [1, 1]} : vector<3x16384xf32> to vector<1x16384xf32>
    %mul3A_68 = arith.mulf %slice3A_66, %slice3A_67 : vector<1x16384xf32>
    %add3A_69 = arith.addf %mul3A_65, %mul3A_68 : vector<1x16384xf32>
    %slice3A_70 = vector.extract_strided_slice %convert_element_type3A_39 {offsets = [8, 0], sizes = [1, 16384], strides = [1, 1]} : vector<16x16384xf32> to vector<1x16384xf32>
    %slice3A_71 = vector.extract_strided_slice %convert_element_type3A_41 {offsets = [2, 0], sizes = [1, 16384], strides = [1, 1]} : vector<3x16384xf32> to vector<1x16384xf32>
    %mul3A_72 = arith.mulf %slice3A_70, %slice3A_71 : vector<1x16384xf32>
    %add3A_73 = arith.addf %add3A_69, %mul3A_72 : vector<1x16384xf32>
    %slice3A_74 = vector.extract_strided_slice %get3A_1 {offsets = [3, 0], sizes = [2, 16384], strides = [1, 1]} : vector<8x16384xf32> to vector<2x16384xf32>
    %broadcast_in_dim3A = arith.constant 0.000000e+00 : f32
    %broadcast_in_dim3A_75 = vector.broadcast %broadcast_in_dim3A : f32 to vector<3x16384xf32>
    %concatenate3A = tpu.concatenate %add3A_51, %add3A_62, %add3A_73, %slice3A_74, %broadcast_in_dim3A_75 in 0 : vector<1x16384xf32>, vector<1x16384xf32>, vector<1x16384xf32>, vector<2x16384xf32>, vector<3x16384xf32> -> vector<8x16384xf32>
    %get3A_76 = arith.constant 0 : index
    %get3A_77 = arith.constant 0 : index
    %get3A_78 = vector.load %arg2[%get3A_76, %get3A_77] : memref<64x8xf32, #tpu.memory_space<vmem>>, vector<64x8xf32>
    %convert_element_type3A_79 = arith.truncf %get3A_78 : vector<64x8xf32> to vector<64x8xbf16>
    %convert_element_type3A_80 = arith.truncf %concatenate3A : vector<8x16384xf32> to vector<8x16384xbf16>
    %dot_general3A_81 = arith.constant dense<0.000000e+00> : vector<64x16384xf32>
    %dot_general3A_82 = tpu.matmul %convert_element_type3A_79, %convert_element_type3A_80, %dot_general3A_81 {dimension_numbers = #tpu.dot_dimension_numbers<[1], [0], [0], [1], [0, 0, 1, 1], [], []>, transpose_lhs_hint = false} : vector<64x8xbf16>, vector<8x16384xbf16>, vector<64x16384xf32> -> vector<64x16384xf32>
    %get3A_83 = arith.constant 0 : index
    %get3A_84 = arith.constant 0 : index
    %get3A_85 = vector.load %arg3[%get3A_83, %get3A_84] : memref<64x1xf32, #tpu.memory_space<vmem>>, vector<64x1xf32>
    %get3A_86 = arith.constant 0 : index
    %get3A_87 = arith.constant 0 : index
    %get3A_88 = vector.load %arg4[%get3A_86, %get3A_87] : memref<64x1xf32, #tpu.memory_space<vmem>>, vector<64x1xf32>
    %reduce_sum3A = arith.constant dense<0.000000e+00> : vector<64xf32>
    %reduce_sum3A_89 = vector.multi_reduction <add>, %dot_general3A_82, %reduce_sum3A [1] : vector<64x16384xf32> to vector<64xf32>
    %broadcast_in_dim3A_90 = vector.shape_cast %reduce_sum3A_89 : vector<64xf32> to vector<64x1xf32>
    %div3A_91 = arith.constant 1.638400e+04 : f32
    %div3A_92 = vector.broadcast %div3A_91 : f32 to vector<64x1xf32>
    %div3A_93 = arith.divf %broadcast_in_dim3A_90, %div3A_92 : vector<64x1xf32>
    %sub3A_94 = vector.broadcast %div3A_93 : vector<64x1xf32> to vector<64x16384xf32>
    %sub3A_95 = arith.subf %dot_general3A_82, %sub3A_94 : vector<64x16384xf32>
    %sub3A_96 = vector.broadcast %div3A_93 : vector<64x1xf32> to vector<64x16384xf32>
    %sub3A_97 = arith.subf %dot_general3A_82, %sub3A_96 : vector<64x16384xf32>
    %mul3A_98 = arith.mulf %sub3A_95, %sub3A_97 : vector<64x16384xf32>
    %reduce_sum3A_99 = arith.constant dense<0.000000e+00> : vector<64xf32>
    %reduce_sum3A_100 = vector.multi_reduction <add>, %mul3A_98, %reduce_sum3A_99 [1] : vector<64x16384xf32> to vector<64xf32>
    %broadcast_in_dim3A_101 = vector.shape_cast %reduce_sum3A_100 : vector<64xf32> to vector<64x1xf32>
    %div3A_102 = arith.constant 1.638400e+04 : f32
    %div3A_103 = vector.broadcast %div3A_102 : f32 to vector<64x1xf32>
    %div3A_104 = arith.divf %broadcast_in_dim3A_101, %div3A_103 : vector<64x1xf32>
    %sub3A_105 = vector.broadcast %div3A_93 : vector<64x1xf32> to vector<64x16384xf32>
    %sub3A_106 = arith.subf %dot_general3A_82, %sub3A_105 : vector<64x16384xf32>
    %mul3A_107 = vector.broadcast %get3A_85 : vector<64x1xf32> to vector<64x16384xf32>
    %mul3A_108 = arith.mulf %mul3A_107, %sub3A_106 : vector<64x16384xf32>
    %add3A_109 = arith.constant 9.99999974E-6 : f32
    %add3A_110 = vector.broadcast %add3A_109 : f32 to vector<64x1xf32>
    %add3A_111 = arith.addf %div3A_104, %add3A_110 : vector<64x1xf32>
    %sqrt3A = math.sqrt %add3A_111 : vector<64x1xf32>
    %div3A_112 = vector.broadcast %sqrt3A : vector<64x1xf32> to vector<64x16384xf32>
    %div3A_113 = arith.divf %mul3A_108, %div3A_112 : vector<64x16384xf32>
    %add3A_114 = vector.broadcast %get3A_88 : vector<64x1xf32> to vector<64x16384xf32>
    %add3A_115 = arith.addf %div3A_113, %add3A_114 : vector<64x16384xf32>
    %max3A = arith.constant 0.000000e+00 : f32
    %max3A_116 = vector.broadcast %max3A : f32 to vector<64x16384xf32>
    %max3A_117 = arith.maximumf %add3A_115, %max3A_116 : vector<64x16384xf32>
    %swap3A = arith.constant 0 : index
    %swap3A_118 = arith.constant 0 : index
    %swap3A_119 = vector.load %arg11[%swap3A, %swap3A_118] : memref<64x16384xf32, #tpu.memory_space<vmem>>, vector<64x16384xf32>
    tpu.vector_store %arg11[%swap3A, %swap3A_118], %max3A_117 {strides = array<i32>} : memref<64x16384xf32, #tpu.memory_space<vmem>>, vector<64x16384xf32>,
    %get3A_120 = arith.constant 0 : index
    %get3A_121 = arith.constant 0 : index
    %get3A_122 = vector.load %arg5[%get3A_120, %get3A_121] : memref<128x64xf32, #tpu.memory_space<vmem>>, vector<128x64xf32>
    %convert_element_type3A_123 = arith.truncf %get3A_122 : vector<128x64xf32> to vector<128x64xbf16>
    %convert_element_type3A_124 = arith.truncf %max3A_117 : vector<64x16384xf32> to vector<64x16384xbf16>
    %dot_general3A_125 = arith.constant dense<0.000000e+00> : vector<128x16384xf32>
    %dot_general3A_126 = tpu.matmul %convert_element_type3A_123, %convert_element_type3A_124, %dot_general3A_125 {dimension_numbers = #tpu.dot_dimension_numbers<[1], [0], [0], [1], [0, 0, 1, 1], [], []>, transpose_lhs_hint = false} : vector<128x64xbf16>, vector<64x16384xbf16>, vector<128x16384xf32> -> vector<128x16384xf32>
    %get3A_127 = arith.constant 0 : index
    %get3A_128 = arith.constant 0 : index
    %get3A_129 = vector.load %arg6[%get3A_127, %get3A_128] : memref<128x1xf32, #tpu.memory_space<vmem>>, vector<128x1xf32>
    %get3A_130 = arith.constant 0 : index
    %get3A_131 = arith.constant 0 : index
    %get3A_132 = vector.load %arg7[%get3A_130, %get3A_131] : memref<128x1xf32, #tpu.memory_space<vmem>>, vector<128x1xf32>
    %reduce_sum3A_133 = arith.constant dense<0.000000e+00> : vector<128xf32>
    %reduce_sum3A_134 = vector.multi_reduction <add>, %dot_general3A_126, %reduce_sum3A_133 [1] : vector<128x16384xf32> to vector<128xf32>
    %broadcast_in_dim3A_135 = vector.shape_cast %reduce_sum3A_134 : vector<128xf32> to vector<128x1xf32>
    %div3A_136 = arith.constant 1.638400e+04 : f32
    %div3A_137 = vector.broadcast %div3A_136 : f32 to vector<128x1xf32>
    %div3A_138 = arith.divf %broadcast_in_dim3A_135, %div3A_137 : vector<128x1xf32>
    %sub3A_139 = vector.broadcast %div3A_138 : vector<128x1xf32> to vector<128x16384xf32>
    %sub3A_140 = arith.subf %dot_general3A_126, %sub3A_139 : vector<128x16384xf32>
    %sub3A_141 = vector.broadcast %div3A_138 : vector<128x1xf32> to vector<128x16384xf32>
    %sub3A_142 = arith.subf %dot_general3A_126, %sub3A_141 : vector<128x16384xf32>
    %mul3A_143 = arith.mulf %sub3A_140, %sub3A_142 : vector<128x16384xf32>
    %reduce_sum3A_144 = arith.constant dense<0.000000e+00> : vector<128xf32>
    %reduce_sum3A_145 = vector.multi_reduction <add>, %mul3A_143, %reduce_sum3A_144 [1] : vector<128x16384xf32> to vector<128xf32>
    %broadcast_in_dim3A_146 = vector.shape_cast %reduce_sum3A_145 : vector<128xf32> to vector<128x1xf32>
    %div3A_147 = arith.constant 1.638400e+04 : f32
    %div3A_148 = vector.broadcast %div3A_147 : f32 to vector<128x1xf32>
    %div3A_149 = arith.divf %broadcast_in_dim3A_146, %div3A_148 : vector<128x1xf32>
    %sub3A_150 = vector.broadcast %div3A_138 : vector<128x1xf32> to vector<128x16384xf32>
    %sub3A_151 = arith.subf %dot_general3A_126, %sub3A_150 : vector<128x16384xf32>
    %mul3A_152 = vector.broadcast %get3A_129 : vector<128x1xf32> to vector<128x16384xf32>
    %mul3A_153 = arith.mulf %mul3A_152, %sub3A_151 : vector<128x16384xf32>
    %add3A_154 = arith.constant 9.99999974E-6 : f32
    %add3A_155 = vector.broadcast %add3A_154 : f32 to vector<128x1xf32>
    %add3A_156 = arith.addf %div3A_149, %add3A_155 : vector<128x1xf32>
    %sqrt3A_157 = math.sqrt %add3A_156 : vector<128x1xf32>
    %div3A_158 = vector.broadcast %sqrt3A_157 : vector<128x1xf32> to vector<128x16384xf32>
    %div3A_159 = arith.divf %mul3A_153, %div3A_158 : vector<128x16384xf32>
    %add3A_160 = vector.broadcast %get3A_132 : vector<128x1xf32> to vector<128x16384xf32>
    %add3A_161 = arith.addf %div3A_159, %add3A_160 : vector<128x16384xf32>
    %max3A_162 = arith.constant 0.000000e+00 : f32
    %max3A_163 = vector.broadcast %max3A_162 : f32 to vector<128x16384xf32>
    %max3A_164 = arith.maximumf %add3A_161, %max3A_163 : vector<128x16384xf32>
    %swap3A_165 = arith.constant 0 : index
    %swap3A_166 = arith.constant 0 : index
    %swap3A_167 = vector.load %arg12[%swap3A_165, %swap3A_166] : memref<128x16384xf32, #tpu.memory_space<vmem>>, vector<128x16384xf32>
    tpu.vector_store %arg12[%swap3A_165, %swap3A_166], %max3A_164 {strides = array<i32>} : memref<128x16384xf32, #tpu.memory_space<vmem>>, vector<128x16384xf32>,
    %broadcast_in_dim3A_168 = arith.constant 0.000000e+00 : f32
    %broadcast_in_dim3A_169 = vector.broadcast %broadcast_in_dim3A_168 : f32 to vector<128x16xf32>
    %broadcast_in_dim3A_170 = arith.constant 0.000000e+00 : f32
    %broadcast_in_dim3A_171 = vector.broadcast %broadcast_in_dim3A_170 : f32 to vector<128x16xf32>
    %broadcast_in_dim3A_172 = arith.constant 0.000000e+00 : f32
    %broadcast_in_dim3A_173 = vector.broadcast %broadcast_in_dim3A_172 : f32 to vector<1x16xf32>
    %broadcast_in_dim3A_174 = arith.constant 1.000000e+00 : f32
    %broadcast_in_dim3A_175 = vector.broadcast %broadcast_in_dim3A_174 : f32 to vector<1x2048xf32>
    %iota3A_176 = tpu.iota {dimensions = array<i32: 0>} : vector<16x2048xi32>
    %convert_element_type3A_177 = arith.sitofp %iota3A_176 : vector<16x2048xi32> to vector<16x2048xf32>
    %get3A_178 = arith.constant 0 : index
    %get3A_179 = arith.constant 0 : index
    %get3A_180 = vector.load %arg8[%get3A_178, %get3A_179] : memref<2048x64xf32, #tpu.memory_space<vmem>>, vector<2048x64xf32>
    %slice3A_181 = vector.extract_strided_slice %max3A_117 {offsets = [0, 0], sizes = [64, 2048], strides = [1, 1]} : vector<64x16384xf32> to vector<64x2048xf32>
    %convert_element_type3A_182 = arith.truncf %get3A_180 : vector<2048x64xf32> to vector<2048x64xbf16>
    %convert_element_type3A_183 = arith.truncf %slice3A_181 : vector<64x2048xf32> to vector<64x2048xbf16>
    %dot_general3A_184 = arith.constant dense<0.000000e+00> : vector<2048x2048xf32>
    %dot_general3A_185 = tpu.matmul %convert_element_type3A_182, %convert_element_type3A_183, %dot_general3A_184 {dimension_numbers = #tpu.dot_dimension_numbers<[1], [0], [0], [1], [0, 0, 1, 1], [], []>, transpose_lhs_hint = false} : vector<2048x64xbf16>, vector<64x2048xbf16>, vector<2048x2048xf32> -> vector<2048x2048xf32>
    %slice3A_186 = vector.extract_strided_slice %get3A_1 {offsets = [5, 0], sizes = [1, 2048], strides = [1, 1]} : vector<8x16384xf32> to vector<1x2048xf32>
    %broadcast_in_dim3A_187 = vector.shape_cast %slice3A_186 : vector<1x2048xf32> to vector<1x2048xf32>
    %broadcast_in_dim3A_188 = vector.broadcast %broadcast_in_dim3A_187 : vector<1x2048xf32> to vector<16x2048xf32>
    %eq3A_189 = arith.cmpf oeq, %broadcast_in_dim3A_188, %convert_element_type3A_177 : vector<16x2048xf32>
    %convert_element_type3A_190 = arith.extui %eq3A_189 : vector<16x2048xi1> to vector<16x2048xi32>
    %convert_element_type3A_191 = arith.sitofp %convert_element_type3A_190 : vector<16x2048xi32> to vector<16x2048xf32>
    %slice3A_192 = vector.extract_strided_slice %dot_general3A_185 {offsets = [0, 0], sizes = [128, 2048], strides = [1, 1]} : vector<2048x2048xf32> to vector<128x2048xf32>
    %slice3A_193 = vector.extract_strided_slice %convert_element_type3A_191 {offsets = [0, 0], sizes = [1, 2048], strides = [1, 1]} : vector<16x2048xf32> to vector<1x2048xf32>
    %mul3A_194 = vector.broadcast %slice3A_193 : vector<1x2048xf32> to vector<128x2048xf32>
    %mul3A_195 = arith.mulf %slice3A_192, %mul3A_194 : vector<128x2048xf32>
    %slice3A_196 = vector.extract_strided_slice %dot_general3A_185 {offsets = [128, 0], sizes = [128, 2048], strides = [1, 1]} : vector<2048x2048xf32> to vector<128x2048xf32>
    %slice3A_197 = vector.extract_strided_slice %convert_element_type3A_191 {offsets = [1, 0], sizes = [1, 2048], strides = [1, 1]} : vector<16x2048xf32> to vector<1x2048xf32>
    %mul3A_198 = vector.broadcast %slice3A_197 : vector<1x2048xf32> to vector<128x2048xf32>
    %mul3A_199 = arith.mulf %slice3A_196, %mul3A_198 : vector<128x2048xf32>
    %add3A_200 = arith.addf %mul3A_195, %mul3A_199 : vector<128x2048xf32>
    %slice3A_201 = vector.extract_strided_slice %dot_general3A_185 {offsets = [256, 0], sizes = [128, 2048], strides = [1, 1]} : vector<2048x2048xf32> to vector<128x2048xf32>
    %slice3A_202 = vector.extract_strided_slice %convert_element_type3A_191 {offsets = [2, 0], sizes = [1, 2048], strides = [1, 1]} : vector<16x2048xf32> to vector<1x2048xf32>
    %mul3A_203 = vector.broadcast %slice3A_202 : vector<1x2048xf32> to vector<128x2048xf32>
    %mul3A_204 = arith.mulf %slice3A_201, %mul3A_203 : vector<128x2048xf32>
    %add3A_205 = arith.addf %add3A_200, %mul3A_204 : vector<128x2048xf32>
    %slice3A_206 = vector.extract_strided_slice %dot_general3A_185 {offsets = [384, 0], sizes = [128, 2048], strides = [1, 1]} : vector<2048x2048xf32> to vector<128x2048xf32>
    %slice3A_207 = vector.extract_strided_slice %convert_element_type3A_191 {offsets = [3, 0], sizes = [1, 2048], strides = [1, 1]} : vector<16x2048xf32> to vector<1x2048xf32>
    %mul3A_208 = vector.broadcast %slice3A_207 : vector<1x2048xf32> to vector<128x2048xf32>
    %mul3A_209 = arith.mulf %slice3A_206, %mul3A_208 : vector<128x2048xf32>
    %add3A_210 = arith.addf %add3A_205, %mul3A_209 : vector<128x2048xf32>
    %slice3A_211 = vector.extract_strided_slice %dot_general3A_185 {offsets = [512, 0], sizes = [128, 2048], strides = [1, 1]} : vector<2048x2048xf32> to vector<128x2048xf32>
    %slice3A_212 = vector.extract_strided_slice %convert_element_type3A_191 {offsets = [4, 0], sizes = [1, 2048], strides = [1, 1]} : vector<16x2048xf32> to vector<1x2048xf32>
    %mul3A_213 = vector.broadcast %slice3A_212 : vector<1x2048xf32> to vector<128x2048xf32>
    %mul3A_214 = arith.mulf %slice3A_211, %mul3A_213 : vector<128x2048xf32>
    %add3A_215 = arith.addf %add3A_210, %mul3A_214 : vector<128x2048xf32>
    %slice3A_216 = vector.extract_strided_slice %dot_general3A_185 {offsets = [640, 0], sizes = [128, 2048], strides = [1, 1]} : vector<2048x2048xf32> to vector<128x2048xf32>
    %slice3A_217 = vector.extract_strided_slice %convert_element_type3A_191 {offsets = [5, 0], sizes = [1, 2048], strides = [1, 1]} : vector<16x2048xf32> to vector<1x2048xf32>
    %mul3A_218 = vector.broadcast %slice3A_217 : vector<1x2048xf32> to vector<128x2048xf32>
    %mul3A_219 = arith.mulf %slice3A_216, %mul3A_218 : vector<128x2048xf32>
    %add3A_220 = arith.addf %add3A_215, %mul3A_219 : vector<128x2048xf32>
    %slice3A_221 = vector.extract_strided_slice %dot_general3A_185 {offsets = [768, 0], sizes = [128, 2048], strides = [1, 1]} : vector<2048x2048xf32> to vector<128x2048xf32>
    %slice3A_222 = vector.extract_strided_slice %convert_element_type3A_191 {offsets = [6, 0], sizes = [1, 2048], strides = [1, 1]} : vector<16x2048xf32> to vector<1x2048xf32>
    %mul3A_223 = vector.broadcast %slice3A_222 : vector<1x2048xf32> to vector<128x2048xf32>
    %mul3A_224 = arith.mulf %slice3A_221, %mul3A_223 : vector<128x2048xf32>
    %add3A_225 = arith.addf %add3A_220, %mul3A_224 : vector<128x2048xf32>
    %slice3A_226 = vector.extract_strided_slice %dot_general3A_185 {offsets = [896, 0], sizes = [128, 2048], strides = [1, 1]} : vector<2048x2048xf32> to vector<128x2048xf32>
    %slice3A_227 = vector.extract_strided_slice %convert_element_type3A_191 {offsets = [7, 0], sizes = [1, 2048], strides = [1, 1]} : vector<16x2048xf32> to vector<1x2048xf32>
    %mul3A_228 = vector.broadcast %slice3A_227 : vector<1x2048xf32> to vector<128x2048xf32>
    %mul3A_229 = arith.mulf %slice3A_226, %mul3A_228 : vector<128x2048xf32>
    %add3A_230 = arith.addf %add3A_225, %mul3A_229 : vector<128x2048xf32>
    %slice3A_231 = vector.extract_strided_slice %dot_general3A_185 {offsets = [1024, 0], sizes = [128, 2048], strides = [1, 1]} : vector<2048x2048xf32> to vector<128x2048xf32>
    %slice3A_232 = vector.extract_strided_slice %convert_element_type3A_191 {offsets = [8, 0], sizes = [1, 2048], strides = [1, 1]} : vector<16x2048xf32> to vector<1x2048xf32>
    %mul3A_233 = vector.broadcast %slice3A_232 : vector<1x2048xf32> to vector<128x2048xf32>
    %mul3A_234 = arith.mulf %slice3A_231, %mul3A_233 : vector<128x2048xf32>
    %add3A_235 = arith.addf %add3A_230, %mul3A_234 : vector<128x2048xf32>
    %slice3A_236 = vector.extract_strided_slice %dot_general3A_185 {offsets = [1152, 0], sizes = [128, 2048], strides = [1, 1]} : vector<2048x2048xf32> to vector<128x2048xf32>
    %slice3A_237 = vector.extract_strided_slice %convert_element_type3A_191 {offsets = [9, 0], sizes = [1, 2048], strides = [1, 1]} : vector<16x2048xf32> to vector<1x2048xf32>
    %mul3A_238 = vector.broadcast %slice3A_237 : vector<1x2048xf32> to vector<128x2048xf32>
    %mul3A_239 = arith.mulf %slice3A_236, %mul3A_238 : vector<128x2048xf32>
    %add3A_240 = arith.addf %add3A_235, %mul3A_239 : vector<128x2048xf32>
    %slice3A_241 = vector.extract_strided_slice %dot_general3A_185 {offsets = [1280, 0], sizes = [128, 2048], strides = [1, 1]} : vector<2048x2048xf32> to vector<128x2048xf32>
    %slice3A_242 = vector.extract_strided_slice %convert_element_type3A_191 {offsets = [10, 0], sizes = [1, 2048], strides = [1, 1]} : vector<16x2048xf32> to vector<1x2048xf32>
    %mul3A_243 = vector.broadcast %slice3A_242 : vector<1x2048xf32> to vector<128x2048xf32>
    %mul3A_244 = arith.mulf %slice3A_241, %mul3A_243 : vector<128x2048xf32>
    %add3A_245 = arith.addf %add3A_240, %mul3A_244 : vector<128x2048xf32>
    %slice3A_246 = vector.extract_strided_slice %dot_general3A_185 {offsets = [1408, 0], sizes = [128, 2048], strides = [1, 1]} : vector<2048x2048xf32> to vector<128x2048xf32>
    %slice3A_247 = vector.extract_strided_slice %convert_element_type3A_191 {offsets = [11, 0], sizes = [1, 2048], strides = [1, 1]} : vector<16x2048xf32> to vector<1x2048xf32>
    %mul3A_248 = vector.broadcast %slice3A_247 : vector<1x2048xf32> to vector<128x2048xf32>
    %mul3A_249 = arith.mulf %slice3A_246, %mul3A_248 : vector<128x2048xf32>
    %add3A_250 = arith.addf %add3A_245, %mul3A_249 : vector<128x2048xf32>
    %slice3A_251 = vector.extract_strided_slice %dot_general3A_185 {offsets = [1536, 0], sizes = [128, 2048], strides = [1, 1]} : vector<2048x2048xf32> to vector<128x2048xf32>
    %slice3A_252 = vector.extract_strided_slice %convert_element_type3A_191 {offsets = [12, 0], sizes = [1, 2048], strides = [1, 1]} : vector<16x2048xf32> to vector<1x2048xf32>
    %mul3A_253 = vector.broadcast %slice3A_252 : vector<1x2048xf32> to vector<128x2048xf32>
    %mul3A_254 = arith.mulf %slice3A_251, %mul3A_253 : vector<128x2048xf32>
    %add3A_255 = arith.addf %add3A_250, %mul3A_254 : vector<128x2048xf32>
    %slice3A_256 = vector.extract_strided_slice %dot_general3A_185 {offsets = [1664, 0], sizes = [128, 2048], strides = [1, 1]} : vector<2048x2048xf32> to vector<128x2048xf32>
    %slice3A_257 = vector.extract_strided_slice %convert_element_type3A_191 {offsets = [13, 0], sizes = [1, 2048], strides = [1, 1]} : vector<16x2048xf32> to vector<1x2048xf32>
    %mul3A_258 = vector.broadcast %slice3A_257 : vector<1x2048xf32> to vector<128x2048xf32>
    %mul3A_259 = arith.mulf %slice3A_256, %mul3A_258 : vector<128x2048xf32>
    %add3A_260 = arith.addf %add3A_255, %mul3A_259 : vector<128x2048xf32>
    %slice3A_261 = vector.extract_strided_slice %dot_general3A_185 {offsets = [1792, 0], sizes = [128, 2048], strides = [1, 1]} : vector<2048x2048xf32> to vector<128x2048xf32>
    %slice3A_262 = vector.extract_strided_slice %convert_element_type3A_191 {offsets = [14, 0], sizes = [1, 2048], strides = [1, 1]} : vector<16x2048xf32> to vector<1x2048xf32>
    %mul3A_263 = vector.broadcast %slice3A_262 : vector<1x2048xf32> to vector<128x2048xf32>
    %mul3A_264 = arith.mulf %slice3A_261, %mul3A_263 : vector<128x2048xf32>
    %add3A_265 = arith.addf %add3A_260, %mul3A_264 : vector<128x2048xf32>
    %slice3A_266 = vector.extract_strided_slice %dot_general3A_185 {offsets = [1920, 0], sizes = [128, 2048], strides = [1, 1]} : vector<2048x2048xf32> to vector<128x2048xf32>
    %slice3A_267 = vector.extract_strided_slice %convert_element_type3A_191 {offsets = [15, 0], sizes = [1, 2048], strides = [1, 1]} : vector<16x2048xf32> to vector<1x2048xf32>
    %mul3A_268 = vector.broadcast %slice3A_267 : vector<1x2048xf32> to vector<128x2048xf32>
    %mul3A_269 = arith.mulf %slice3A_266, %mul3A_268 : vector<128x2048xf32>
    %add3A_270 = arith.addf %add3A_265, %mul3A_269 : vector<128x2048xf32>
    %convert_element_type3A_271 = arith.truncf %add3A_270 : vector<128x2048xf32> to vector<128x2048xbf16>
    %convert_element_type3A_272 = arith.extf %convert_element_type3A_271 : vector<128x2048xbf16> to vector<128x2048xf32>
    %sub3A_273 = arith.subf %add3A_270, %convert_element_type3A_272 : vector<128x2048xf32>
    %convert_element_type3A_274 = arith.truncf %sub3A_273 : vector<128x2048xf32> to vector<128x2048xbf16>
    %convert_element_type3A_275 = arith.truncf %convert_element_type3A_191 : vector<16x2048xf32> to vector<16x2048xbf16>
    %dot_general3A_276 = arith.constant dense<0.000000e+00> : vector<128x16xf32>
    %dot_general3A_277 = tpu.matmul %convert_element_type3A_271, %convert_element_type3A_275, %dot_general3A_276 {dimension_numbers = #tpu.dot_dimension_numbers<[1], [1], [0], [0], [0, 0, 1, 0], [], []>, transpose_lhs_hint = false} : vector<128x2048xbf16>, vector<16x2048xbf16>, vector<128x16xf32> -> vector<128x16xf32>
    %dot_general3A_278 = arith.constant dense<0.000000e+00> : vector<128x16xf32>
    %dot_general3A_279 = tpu.matmul %convert_element_type3A_274, %convert_element_type3A_275, %dot_general3A_278 {dimension_numbers = #tpu.dot_dimension_numbers<[1], [1], [0], [0], [0, 0, 1, 0], [], []>, transpose_lhs_hint = false} : vector<128x2048xbf16>, vector<16x2048xbf16>, vector<128x16xf32> -> vector<128x16xf32>
    %add3A_280 = arith.addf %dot_general3A_277, %dot_general3A_279 : vector<128x16xf32>
    %add3A_281 = arith.addf %broadcast_in_dim3A_169, %add3A_280 : vector<128x16xf32>
    %mul3A_282 = arith.mulf %add3A_270, %add3A_270 : vector<128x2048xf32>
    %convert_element_type3A_283 = arith.truncf %mul3A_282 : vector<128x2048xf32> to vector<128x2048xbf16>
    %convert_element_type3A_284 = arith.extf %convert_element_type3A_283 : vector<128x2048xbf16> to vector<128x2048xf32>
    %sub3A_285 = arith.subf %mul3A_282, %convert_element_type3A_284 : vector<128x2048xf32>
    %convert_element_type3A_286 = arith.truncf %sub3A_285 : vector<128x2048xf32> to vector<128x2048xbf16>
    %convert_element_type3A_287 = arith.truncf %convert_element_type3A_191 : vector<16x2048xf32> to vector<16x2048xbf16>
    %dot_general3A_288 = arith.constant dense<0.000000e+00> : vector<128x16xf32>
    %dot_general3A_289 = tpu.matmul %convert_element_type3A_283, %convert_element_type3A_287, %dot_general3A_288 {dimension_numbers = #tpu.dot_dimension_numbers<[1], [1], [0], [0], [0, 0, 1, 0], [], []>, transpose_lhs_hint = false} : vector<128x2048xbf16>, vector<16x2048xbf16>, vector<128x16xf32> -> vector<128x16xf32>
    %dot_general3A_290 = arith.constant dense<0.000000e+00> : vector<128x16xf32>
    %dot_general3A_291 = tpu.matmul %convert_element_type3A_286, %convert_element_type3A_287, %dot_general3A_290 {dimension_numbers = #tpu.dot_dimension_numbers<[1], [1], [0], [0], [0, 0, 1, 0], [], []>, transpose_lhs_hint = false} : vector<128x2048xbf16>, vector<16x2048xbf16>, vector<128x16xf32> -> vector<128x16xf32>
    %add3A_292 = arith.addf %dot_general3A_289, %dot_general3A_291 : vector<128x16xf32>
    %add3A_293 = arith.addf %broadcast_in_dim3A_171, %add3A_292 : vector<128x16xf32>
    %convert_element_type3A_294 = arith.truncf %broadcast_in_dim3A_175 : vector<1x2048xf32> to vector<1x2048xbf16>
    %convert_element_type3A_295 = arith.extf %convert_element_type3A_294 : vector<1x2048xbf16> to vector<1x2048xf32>
    %sub3A_296 = arith.subf %broadcast_in_dim3A_175, %convert_element_type3A_295 : vector<1x2048xf32>
    %convert_element_type3A_297 = arith.truncf %sub3A_296 : vector<1x2048xf32> to vector<1x2048xbf16>
    %convert_element_type3A_298 = arith.truncf %convert_element_type3A_191 : vector<16x2048xf32> to vector<16x2048xbf16>
    %dot_general3A_299 = arith.constant dense<0.000000e+00> : vector<1x16xf32>
    %dot_general3A_300 = tpu.matmul %convert_element_type3A_294, %convert_element_type3A_298, %dot_general3A_299 {dimension_numbers = #tpu.dot_dimension_numbers<[1], [1], [0], [0], [0, 0, 1, 0], [], []>, transpose_lhs_hint = false} : vector<1x2048xbf16>, vector<16x2048xbf16>, vector<1x16xf32> -> vector<1x16xf32>
    %dot_general3A_301 = arith.constant dense<0.000000e+00> : vector<1x16xf32>
    %dot_general3A_302 = tpu.matmul %convert_element_type3A_297, %convert_element_type3A_298, %dot_general3A_301 {dimension_numbers = #tpu.dot_dimension_numbers<[1], [1], [0], [0], [0, 0, 1, 0], [], []>, transpose_lhs_hint = false} : vector<1x2048xbf16>, vector<16x2048xbf16>, vector<1x16xf32> -> vector<1x16xf32>
    %add3A_303 = arith.addf %dot_general3A_300, %dot_general3A_302 : vector<1x16xf32>
    %add3A_304 = arith.addf %broadcast_in_dim3A_173, %add3A_303 : vector<1x16xf32>
    %slice3A_305 = vector.extract_strided_slice %convert_element_type3A_191 {offsets = [0, 0], sizes = [1, 2048], strides = [1, 1]} : vector<16x2048xf32> to vector<1x2048xf32>
    %gt3A = arith.constant 5.000000e-01 : f32
    %gt3A_306 = vector.broadcast %gt3A : f32 to vector<1x2048xf32>
    %gt3A_307 = arith.cmpf ogt, %slice3A_305, %gt3A_306 : vector<1x2048xf32>
    %jit3A_308 = arith.constant 0xFF800000 : f32
    %broadcast_in_dim3A_309 = vector.shape_cast %gt3A_307 : vector<1x2048xi1> to vector<1x2048xi1>
    %broadcast_in_dim3A_310 = vector.broadcast %broadcast_in_dim3A_309 : vector<1x2048xi1> to vector<128x2048xi1>
    %broadcast_in_dim3A_311 = vector.broadcast %jit3A_308 : f32 to vector<128x2048xf32>
    %select_n3A_312 = arith.select %broadcast_in_dim3A_310, %add3A_270, %broadcast_in_dim3A_311 : vector<128x2048xi1>, vector<128x2048xf32>
    %reduce_max3A = arith.constant dense<0xFF800000> : vector<128xf32>
    %reduce_max3A_313 = vector.multi_reduction <maximumf>, %select_n3A_312, %reduce_max3A [1] : vector<128x2048xf32> to vector<128xf32>
    %broadcast_in_dim3A_314 = vector.shape_cast %reduce_max3A_313 : vector<128xf32> to vector<128x1xf32>
    %slice3A_315 = vector.extract_strided_slice %convert_element_type3A_191 {offsets = [1, 0], sizes = [1, 2048], strides = [1, 1]} : vector<16x2048xf32> to vector<1x2048xf32>
    %gt3A_316 = arith.constant 5.000000e-01 : f32
    %gt3A_317 = vector.broadcast %gt3A_316 : f32 to vector<1x2048xf32>
    %gt3A_318 = arith.cmpf ogt, %slice3A_315, %gt3A_317 : vector<1x2048xf32>
    %jit3A_319 = arith.constant 0xFF800000 : f32
    %broadcast_in_dim3A_320 = vector.shape_cast %gt3A_318 : vector<1x2048xi1> to vector<1x2048xi1>
    %broadcast_in_dim3A_321 = vector.broadcast %broadcast_in_dim3A_320 : vector<1x2048xi1> to vector<128x2048xi1>
    %broadcast_in_dim3A_322 = vector.broadcast %jit3A_319 : f32 to vector<128x2048xf32>
    %select_n3A_323 = arith.select %broadcast_in_dim3A_321, %add3A_270, %broadcast_in_dim3A_322 : vector<128x2048xi1>, vector<128x2048xf32>
    %reduce_max3A_324 = arith.constant dense<0xFF800000> : vector<128xf32>
    %reduce_max3A_325 = vector.multi_reduction <maximumf>, %select_n3A_323, %reduce_max3A_324 [1] : vector<128x2048xf32> to vector<128xf32>
    %broadcast_in_dim3A_326 = vector.shape_cast %reduce_max3A_325 : vector<128xf32> to vector<128x1xf32>
    %slice3A_327 = vector.extract_strided_slice %convert_element_type3A_191 {offsets = [2, 0], sizes = [1, 2048], strides = [1, 1]} : vector<16x2048xf32> to vector<1x2048xf32>
    %gt3A_328 = arith.constant 5.000000e-01 : f32
    %gt3A_329 = vector.broadcast %gt3A_328 : f32 to vector<1x2048xf32>
    %gt3A_330 = arith.cmpf ogt, %slice3A_327, %gt3A_329 : vector<1x2048xf32>
    %jit3A_331 = arith.constant 0xFF800000 : f32
    %broadcast_in_dim3A_332 = vector.shape_cast %gt3A_330 : vector<1x2048xi1> to vector<1x2048xi1>
    %broadcast_in_dim3A_333 = vector.broadcast %broadcast_in_dim3A_332 : vector<1x2048xi1> to vector<128x2048xi1>
    %broadcast_in_dim3A_334 = vector.broadcast %jit3A_331 : f32 to vector<128x2048xf32>
    %select_n3A_335 = arith.select %broadcast_in_dim3A_333, %add3A_270, %broadcast_in_dim3A_334 : vector<128x2048xi1>, vector<128x2048xf32>
    %reduce_max3A_336 = arith.constant dense<0xFF800000> : vector<128xf32>
    %reduce_max3A_337 = vector.multi_reduction <maximumf>, %select_n3A_335, %reduce_max3A_336 [1] : vector<128x2048xf32> to vector<128xf32>
    %broadcast_in_dim3A_338 = vector.shape_cast %reduce_max3A_337 : vector<128xf32> to vector<128x1xf32>
    %slice3A_339 = vector.extract_strided_slice %convert_element_type3A_191 {offsets = [3, 0], sizes = [1, 2048], strides = [1, 1]} : vector<16x2048xf32> to vector<1x2048xf32>
    %gt3A_340 = arith.constant 5.000000e-01 : f32
    %gt3A_341 = vector.broadcast %gt3A_340 : f32 to vector<1x2048xf32>
    %gt3A_342 = arith.cmpf ogt, %slice3A_339, %gt3A_341 : vector<1x2048xf32>
    %jit3A_343 = arith.constant 0xFF800000 : f32
    %broadcast_in_dim3A_344 = vector.shape_cast %gt3A_342 : vector<1x2048xi1> to vector<1x2048xi1>
    %broadcast_in_dim3A_345 = vector.broadcast %broadcast_in_dim3A_344 : vector<1x2048xi1> to vector<128x2048xi1>
    %broadcast_in_dim3A_346 = vector.broadcast %jit3A_343 : f32 to vector<128x2048xf32>
    %select_n3A_347 = arith.select %broadcast_in_dim3A_345, %add3A_270, %broadcast_in_dim3A_346 : vector<128x2048xi1>, vector<128x2048xf32>
    %reduce_max3A_348 = arith.constant dense<0xFF800000> : vector<128xf32>
    %reduce_max3A_349 = vector.multi_reduction <maximumf>, %select_n3A_347, %reduce_max3A_348 [1] : vector<128x2048xf32> to vector<128xf32>
    %broadcast_in_dim3A_350 = vector.shape_cast %reduce_max3A_349 : vector<128xf32> to vector<128x1xf32>
    %slice3A_351 = vector.extract_strided_slice %convert_element_type3A_191 {offsets = [4, 0], sizes = [1, 2048], strides = [1, 1]} : vector<16x2048xf32> to vector<1x2048xf32>
    %gt3A_352 = arith.constant 5.000000e-01 : f32
    %gt3A_353 = vector.broadcast %gt3A_352 : f32 to vector<1x2048xf32>
    %gt3A_354 = arith.cmpf ogt, %slice3A_351, %gt3A_353 : vector<1x2048xf32>
    %jit3A_355 = arith.constant 0xFF800000 : f32
    %broadcast_in_dim3A_356 = vector.shape_cast %gt3A_354 : vector<1x2048xi1> to vector<1x2048xi1>
    %broadcast_in_dim3A_357 = vector.broadcast %broadcast_in_dim3A_356 : vector<1x2048xi1> to vector<128x2048xi1>
    %broadcast_in_dim3A_358 = vector.broadcast %jit3A_355 : f32 to vector<128x2048xf32>
    %select_n3A_359 = arith.select %broadcast_in_dim3A_357, %add3A_270, %broadcast_in_dim3A_358 : vector<128x2048xi1>, vector<128x2048xf32>
    %reduce_max3A_360 = arith.constant dense<0xFF800000> : vector<128xf32>
    %reduce_max3A_361 = vector.multi_reduction <maximumf>, %select_n3A_359, %reduce_max3A_360 [1] : vector<128x2048xf32> to vector<128xf32>
    %broadcast_in_dim3A_362 = vector.shape_cast %reduce_max3A_361 : vector<128xf32> to vector<128x1xf32>
    %slice3A_363 = vector.extract_strided_slice %convert_element_type3A_191 {offsets = [5, 0], sizes = [1, 2048], strides = [1, 1]} : vector<16x2048xf32> to vector<1x2048xf32>
    %gt3A_364 = arith.constant 5.000000e-01 : f32
    %gt3A_365 = vector.broadcast %gt3A_364 : f32 to vector<1x2048xf32>
    %gt3A_366 = arith.cmpf ogt, %slice3A_363, %gt3A_365 : vector<1x2048xf32>
    %jit3A_367 = arith.constant 0xFF800000 : f32
    %broadcast_in_dim3A_368 = vector.shape_cast %gt3A_366 : vector<1x2048xi1> to vector<1x2048xi1>
    %broadcast_in_dim3A_369 = vector.broadcast %broadcast_in_dim3A_368 : vector<1x2048xi1> to vector<128x2048xi1>
    %broadcast_in_dim3A_370 = vector.broadcast %jit3A_367 : f32 to vector<128x2048xf32>
    %select_n3A_371 = arith.select %broadcast_in_dim3A_369, %add3A_270, %broadcast_in_dim3A_370 : vector<128x2048xi1>, vector<128x2048xf32>
    %reduce_max3A_372 = arith.constant dense<0xFF800000> : vector<128xf32>
    %reduce_max3A_373 = vector.multi_reduction <maximumf>, %select_n3A_371, %reduce_max3A_372 [1] : vector<128x2048xf32> to vector<128xf32>
    %broadcast_in_dim3A_374 = vector.shape_cast %reduce_max3A_373 : vector<128xf32> to vector<128x1xf32>
    %slice3A_375 = vector.extract_strided_slice %convert_element_type3A_191 {offsets = [6, 0], sizes = [1, 2048], strides = [1, 1]} : vector<16x2048xf32> to vector<1x2048xf32>
    %gt3A_376 = arith.constant 5.000000e-01 : f32
    %gt3A_377 = vector.broadcast %gt3A_376 : f32 to vector<1x2048xf32>
    %gt3A_378 = arith.cmpf ogt, %slice3A_375, %gt3A_377 : vector<1x2048xf32>
    %jit3A_379 = arith.constant 0xFF800000 : f32
    %broadcast_in_dim3A_380 = vector.shape_cast %gt3A_378 : vector<1x2048xi1> to vector<1x2048xi1>
    %broadcast_in_dim3A_381 = vector.broadcast %broadcast_in_dim3A_380 : vector<1x2048xi1> to vector<128x2048xi1>
    %broadcast_in_dim3A_382 = vector.broadcast %jit3A_379 : f32 to vector<128x2048xf32>
    %select_n3A_383 = arith.select %broadcast_in_dim3A_381, %add3A_270, %broadcast_in_dim3A_382 : vector<128x2048xi1>, vector<128x2048xf32>
    %reduce_max3A_384 = arith.constant dense<0xFF800000> : vector<128xf32>
    %reduce_max3A_385 = vector.multi_reduction <maximumf>, %select_n3A_383, %reduce_max3A_384 [1] : vector<128x2048xf32> to vector<128xf32>
    %broadcast_in_dim3A_386 = vector.shape_cast %reduce_max3A_385 : vector<128xf32> to vector<128x1xf32>
    %slice3A_387 = vector.extract_strided_slice %convert_element_type3A_191 {offsets = [7, 0], sizes = [1, 2048], strides = [1, 1]} : vector<16x2048xf32> to vector<1x2048xf32>
    %gt3A_388 = arith.constant 5.000000e-01 : f32
    %gt3A_389 = vector.broadcast %gt3A_388 : f32 to vector<1x2048xf32>
    %gt3A_390 = arith.cmpf ogt, %slice3A_387, %gt3A_389 : vector<1x2048xf32>
    %jit3A_391 = arith.constant 0xFF800000 : f32
    %broadcast_in_dim3A_392 = vector.shape_cast %gt3A_390 : vector<1x2048xi1> to vector<1x2048xi1>
    %broadcast_in_dim3A_393 = vector.broadcast %broadcast_in_dim3A_392 : vector<1x2048xi1> to vector<128x2048xi1>
    %broadcast_in_dim3A_394 = vector.broadcast %jit3A_391 : f32 to vector<128x2048xf32>
    %select_n3A_395 = arith.select %broadcast_in_dim3A_393, %add3A_270, %broadcast_in_dim3A_394 : vector<128x2048xi1>, vector<128x2048xf32>
    %reduce_max3A_396 = arith.constant dense<0xFF800000> : vector<128xf32>
    %reduce_max3A_397 = vector.multi_reduction <maximumf>, %select_n3A_395, %reduce_max3A_396 [1] : vector<128x2048xf32> to vector<128xf32>
    %broadcast_in_dim3A_398 = vector.shape_cast %reduce_max3A_397 : vector<128xf32> to vector<128x1xf32>
    %slice3A_399 = vector.extract_strided_slice %convert_element_type3A_191 {offsets = [8, 0], sizes = [1, 2048], strides = [1, 1]} : vector<16x2048xf32> to vector<1x2048xf32>
    %gt3A_400 = arith.constant 5.000000e-01 : f32
    %gt3A_401 = vector.broadcast %gt3A_400 : f32 to vector<1x2048xf32>
    %gt3A_402 = arith.cmpf ogt, %slice3A_399, %gt3A_401 : vector<1x2048xf32>
    %jit3A_403 = arith.constant 0xFF800000 : f32
    %broadcast_in_dim3A_404 = vector.shape_cast %gt3A_402 : vector<1x2048xi1> to vector<1x2048xi1>
    %broadcast_in_dim3A_405 = vector.broadcast %broadcast_in_dim3A_404 : vector<1x2048xi1> to vector<128x2048xi1>
    %broadcast_in_dim3A_406 = vector.broadcast %jit3A_403 : f32 to vector<128x2048xf32>
    %select_n3A_407 = arith.select %broadcast_in_dim3A_405, %add3A_270, %broadcast_in_dim3A_406 : vector<128x2048xi1>, vector<128x2048xf32>
    %reduce_max3A_408 = arith.constant dense<0xFF800000> : vector<128xf32>
    %reduce_max3A_409 = vector.multi_reduction <maximumf>, %select_n3A_407, %reduce_max3A_408 [1] : vector<128x2048xf32> to vector<128xf32>
    %broadcast_in_dim3A_410 = vector.shape_cast %reduce_max3A_409 : vector<128xf32> to vector<128x1xf32>
    %slice3A_411 = vector.extract_strided_slice %convert_element_type3A_191 {offsets = [9, 0], sizes = [1, 2048], strides = [1, 1]} : vector<16x2048xf32> to vector<1x2048xf32>
    %gt3A_412 = arith.constant 5.000000e-01 : f32
    %gt3A_413 = vector.broadcast %gt3A_412 : f32 to vector<1x2048xf32>
    %gt3A_414 = arith.cmpf ogt, %slice3A_411, %gt3A_413 : vector<1x2048xf32>
    %jit3A_415 = arith.constant 0xFF800000 : f32
    %broadcast_in_dim3A_416 = vector.shape_cast %gt3A_414 : vector<1x2048xi1> to vector<1x2048xi1>
    %broadcast_in_dim3A_417 = vector.broadcast %broadcast_in_dim3A_416 : vector<1x2048xi1> to vector<128x2048xi1>
    %broadcast_in_dim3A_418 = vector.broadcast %jit3A_415 : f32 to vector<128x2048xf32>
    %select_n3A_419 = arith.select %broadcast_in_dim3A_417, %add3A_270, %broadcast_in_dim3A_418 : vector<128x2048xi1>, vector<128x2048xf32>
    %reduce_max3A_420 = arith.constant dense<0xFF800000> : vector<128xf32>
    %reduce_max3A_421 = vector.multi_reduction <maximumf>, %select_n3A_419, %reduce_max3A_420 [1] : vector<128x2048xf32> to vector<128xf32>
    %broadcast_in_dim3A_422 = vector.shape_cast %reduce_max3A_421 : vector<128xf32> to vector<128x1xf32>
    %slice3A_423 = vector.extract_strided_slice %convert_element_type3A_191 {offsets = [10, 0], sizes = [1, 2048], strides = [1, 1]} : vector<16x2048xf32> to vector<1x2048xf32>
    %gt3A_424 = arith.constant 5.000000e-01 : f32
    %gt3A_425 = vector.broadcast %gt3A_424 : f32 to vector<1x2048xf32>
    %gt3A_426 = arith.cmpf ogt, %slice3A_423, %gt3A_425 : vector<1x2048xf32>
    %jit3A_427 = arith.constant 0xFF800000 : f32
    %broadcast_in_dim3A_428 = vector.shape_cast %gt3A_426 : vector<1x2048xi1> to vector<1x2048xi1>
    %broadcast_in_dim3A_429 = vector.broadcast %broadcast_in_dim3A_428 : vector<1x2048xi1> to vector<128x2048xi1>
    %broadcast_in_dim3A_430 = vector.broadcast %jit3A_427 : f32 to vector<128x2048xf32>
    %select_n3A_431 = arith.select %broadcast_in_dim3A_429, %add3A_270, %broadcast_in_dim3A_430 : vector<128x2048xi1>, vector<128x2048xf32>
    %reduce_max3A_432 = arith.constant dense<0xFF800000> : vector<128xf32>
    %reduce_max3A_433 = vector.multi_reduction <maximumf>, %select_n3A_431, %reduce_max3A_432 [1] : vector<128x2048xf32> to vector<128xf32>
    %broadcast_in_dim3A_434 = vector.shape_cast %reduce_max3A_433 : vector<128xf32> to vector<128x1xf32>
    %slice3A_435 = vector.extract_strided_slice %convert_element_type3A_191 {offsets = [11, 0], sizes = [1, 2048], strides = [1, 1]} : vector<16x2048xf32> to vector<1x2048xf32>
    %gt3A_436 = arith.constant 5.000000e-01 : f32
    %gt3A_437 = vector.broadcast %gt3A_436 : f32 to vector<1x2048xf32>
    %gt3A_438 = arith.cmpf ogt, %slice3A_435, %gt3A_437 : vector<1x2048xf32>
    %jit3A_439 = arith.constant 0xFF800000 : f32
    %broadcast_in_dim3A_440 = vector.shape_cast %gt3A_438 : vector<1x2048xi1> to vector<1x2048xi1>
    %broadcast_in_dim3A_441 = vector.broadcast %broadcast_in_dim3A_440 : vector<1x2048xi1> to vector<128x2048xi1>
    %broadcast_in_dim3A_442 = vector.broadcast %jit3A_439 : f32 to vector<128x2048xf32>
    %select_n3A_443 = arith.select %broadcast_in_dim3A_441, %add3A_270, %broadcast_in_dim3A_442 : vector<128x2048xi1>, vector<128x2048xf32>
    %reduce_max3A_444 = arith.constant dense<0xFF800000> : vector<128xf32>
    %reduce_max3A_445 = vector.multi_reduction <maximumf>, %select_n3A_443, %reduce_max3A_444 [1] : vector<128x2048xf32> to vector<128xf32>
    %broadcast_in_dim3A_446 = vector.shape_cast %reduce_max3A_445 : vector<128xf32> to vector<128x1xf32>
    %slice3A_447 = vector.extract_strided_slice %convert_element_type3A_191 {offsets = [12, 0], sizes = [1, 2048], strides = [1, 1]} : vector<16x2048xf32> to vector<1x2048xf32>
    %gt3A_448 = arith.constant 5.000000e-01 : f32
    %gt3A_449 = vector.broadcast %gt3A_448 : f32 to vector<1x2048xf32>
    %gt3A_450 = arith.cmpf ogt, %slice3A_447, %gt3A_449 : vector<1x2048xf32>
    %jit3A_451 = arith.constant 0xFF800000 : f32
    %broadcast_in_dim3A_452 = vector.shape_cast %gt3A_450 : vector<1x2048xi1> to vector<1x2048xi1>
    %broadcast_in_dim3A_453 = vector.broadcast %broadcast_in_dim3A_452 : vector<1x2048xi1> to vector<128x2048xi1>
    %broadcast_in_dim3A_454 = vector.broadcast %jit3A_451 : f32 to vector<128x2048xf32>
    %select_n3A_455 = arith.select %broadcast_in_dim3A_453, %add3A_270, %broadcast_in_dim3A_454 : vector<128x2048xi1>, vector<128x2048xf32>
    %reduce_max3A_456 = arith.constant dense<0xFF800000> : vector<128xf32>
    %reduce_max3A_457 = vector.multi_reduction <maximumf>, %select_n3A_455, %reduce_max3A_456 [1] : vector<128x2048xf32> to vector<128xf32>
    %broadcast_in_dim3A_458 = vector.shape_cast %reduce_max3A_457 : vector<128xf32> to vector<128x1xf32>
    %slice3A_459 = vector.extract_strided_slice %convert_element_type3A_191 {offsets = [13, 0], sizes = [1, 2048], strides = [1, 1]} : vector<16x2048xf32> to vector<1x2048xf32>
    %gt3A_460 = arith.constant 5.000000e-01 : f32
    %gt3A_461 = vector.broadcast %gt3A_460 : f32 to vector<1x2048xf32>
    %gt3A_462 = arith.cmpf ogt, %slice3A_459, %gt3A_461 : vector<1x2048xf32>
    %jit3A_463 = arith.constant 0xFF800000 : f32
    %broadcast_in_dim3A_464 = vector.shape_cast %gt3A_462 : vector<1x2048xi1> to vector<1x2048xi1>
    %broadcast_in_dim3A_465 = vector.broadcast %broadcast_in_dim3A_464 : vector<1x2048xi1> to vector<128x2048xi1>
    %broadcast_in_dim3A_466 = vector.broadcast %jit3A_463 : f32 to vector<128x2048xf32>
    %select_n3A_467 = arith.select %broadcast_in_dim3A_465, %add3A_270, %broadcast_in_dim3A_466 : vector<128x2048xi1>, vector<128x2048xf32>
    %reduce_max3A_468 = arith.constant dense<0xFF800000> : vector<128xf32>
    %reduce_max3A_469 = vector.multi_reduction <maximumf>, %select_n3A_467, %reduce_max3A_468 [1] : vector<128x2048xf32> to vector<128xf32>
    %broadcast_in_dim3A_470 = vector.shape_cast %reduce_max3A_469 : vector<128xf32> to vector<128x1xf32>
    %slice3A_471 = vector.extract_strided_slice %convert_element_type3A_191 {offsets = [14, 0], sizes = [1, 2048], strides = [1, 1]} : vector<16x2048xf32> to vector<1x2048xf32>
    %gt3A_472 = arith.constant 5.000000e-01 : f32
    %gt3A_473 = vector.broadcast %gt3A_472 : f32 to vector<1x2048xf32>
    %gt3A_474 = arith.cmpf ogt, %slice3A_471, %gt3A_473 : vector<1x2048xf32>
    %jit3A_475 = arith.constant 0xFF800000 : f32
    %broadcast_in_dim3A_476 = vector.shape_cast %gt3A_474 : vector<1x2048xi1> to vector<1x2048xi1>
    %broadcast_in_dim3A_477 = vector.broadcast %broadcast_in_dim3A_476 : vector<1x2048xi1> to vector<128x2048xi1>
    %broadcast_in_dim3A_478 = vector.broadcast %jit3A_475 : f32 to vector<128x2048xf32>
    %select_n3A_479 = arith.select %broadcast_in_dim3A_477, %add3A_270, %broadcast_in_dim3A_478 : vector<128x2048xi1>, vector<128x2048xf32>
    %reduce_max3A_480 = arith.constant dense<0xFF800000> : vector<128xf32>
    %reduce_max3A_481 = vector.multi_reduction <maximumf>, %select_n3A_479, %reduce_max3A_480 [1] : vector<128x2048xf32> to vector<128xf32>
    %broadcast_in_dim3A_482 = vector.shape_cast %reduce_max3A_481 : vector<128xf32> to vector<128x1xf32>
    %slice3A_483 = vector.extract_strided_slice %convert_element_type3A_191 {offsets = [15, 0], sizes = [1, 2048], strides = [1, 1]} : vector<16x2048xf32> to vector<1x2048xf32>
    %gt3A_484 = arith.constant 5.000000e-01 : f32
    %gt3A_485 = vector.broadcast %gt3A_484 : f32 to vector<1x2048xf32>
    %gt3A_486 = arith.cmpf ogt, %slice3A_483, %gt3A_485 : vector<1x2048xf32>
    %jit3A_487 = arith.constant 0xFF800000 : f32
    %broadcast_in_dim3A_488 = vector.shape_cast %gt3A_486 : vector<1x2048xi1> to vector<1x2048xi1>
    %broadcast_in_dim3A_489 = vector.broadcast %broadcast_in_dim3A_488 : vector<1x2048xi1> to vector<128x2048xi1>
    %broadcast_in_dim3A_490 = vector.broadcast %jit3A_487 : f32 to vector<128x2048xf32>
    %select_n3A_491 = arith.select %broadcast_in_dim3A_489, %add3A_270, %broadcast_in_dim3A_490 : vector<128x2048xi1>, vector<128x2048xf32>
    %reduce_max3A_492 = arith.constant dense<0xFF800000> : vector<128xf32>
    %reduce_max3A_493 = vector.multi_reduction <maximumf>, %select_n3A_491, %reduce_max3A_492 [1] : vector<128x2048xf32> to vector<128xf32>
    %broadcast_in_dim3A_494 = vector.shape_cast %reduce_max3A_493 : vector<128xf32> to vector<128x1xf32>
    %concatenate3A_495 = tpu.concatenate %broadcast_in_dim3A_314, %broadcast_in_dim3A_326, %broadcast_in_dim3A_338, %broadcast_in_dim3A_350, %broadcast_in_dim3A_362, %broadcast_in_dim3A_374, %broadcast_in_dim3A_386, %broadcast_in_dim3A_398, %broadcast_in_dim3A_410, %broadcast_in_dim3A_422, %broadcast_in_dim3A_434, %broadcast_in_dim3A_446, %broadcast_in_dim3A_458, %broadcast_in_dim3A_470, %broadcast_in_dim3A_482, %broadcast_in_dim3A_494 in 1 : vector<128x1xf32>, vector<128x1xf32>, vector<128x1xf32>, vector<128x1xf32>, vector<128x1xf32>, vector<128x1xf32>, vector<128x1xf32>, vector<128x1xf32>, vector<128x1xf32>, vector<128x1xf32>, vector<128x1xf32>, vector<128x1xf32>, vector<128x1xf32>, vector<128x1xf32>, vector<128x1xf32>, vector<128x1xf32> -> vector<128x16xf32>
    %get3A_496 = arith.constant 0 : index
    %get3A_497 = arith.constant 0 : index
    %get3A_498 = vector.load %arg8[%get3A_496, %get3A_497] : memref<2048x64xf32, #tpu.memory_space<vmem>>, vector<2048x64xf32>
    %slice3A_499 = vector.extract_strided_slice %max3A_117 {offsets = [0, 2048], sizes = [64, 2048], strides = [1, 1]} : vector<64x16384xf32> to vector<64x2048xf32>
    %convert_element_type3A_500 = arith.truncf %get3A_498 : vector<2048x64xf32> to vector<2048x64xbf16>
    %convert_element_type3A_501 = arith.truncf %slice3A_499 : vector<64x2048xf32> to vector<64x2048xbf16>
    %dot_general3A_502 = arith.constant dense<0.000000e+00> : vector<2048x2048xf32>
    %dot_general3A_503 = tpu.matmul %convert_element_type3A_500, %convert_element_type3A_501, %dot_general3A_502 {dimension_numbers = #tpu.dot_dimension_numbers<[1], [0], [0], [1], [0, 0, 1, 1], [], []>, transpose_lhs_hint = false} : vector<2048x64xbf16>, vector<64x2048xbf16>, vector<2048x2048xf32> -> vector<2048x2048xf32>
    %slice3A_504 = vector.extract_strided_slice %get3A_1 {offsets = [5, 2048], sizes = [1, 2048], strides = [1, 1]} : vector<8x16384xf32> to vector<1x2048xf32>
    %broadcast_in_dim3A_505 = vector.shape_cast %slice3A_504 : vector<1x2048xf32> to vector<1x2048xf32>
    %broadcast_in_dim3A_506 = vector.broadcast %broadcast_in_dim3A_505 : vector<1x2048xf32> to vector<16x2048xf32>
    %eq3A_507 = arith.cmpf oeq, %broadcast_in_dim3A_506, %convert_element_type3A_177 : vector<16x2048xf32>
    %convert_element_type3A_508 = arith.extui %eq3A_507 : vector<16x2048xi1> to vector<16x2048xi32>
    %convert_element_type3A_509 = arith.sitofp %convert_element_type3A_508 : vector<16x2048xi32> to vector<16x2048xf32>
    %slice3A_510 = vector.extract_strided_slice %dot_general3A_503 {offsets = [0, 0], sizes = [128, 2048], strides = [1, 1]} : vector<2048x2048xf32> to vector<128x2048xf32>
    %slice3A_511 = vector.extract_strided_slice %convert_element_type3A_509 {offsets = [0, 0], sizes = [1, 2048], strides = [1, 1]} : vector<16x2048xf32> to vector<1x2048xf32>
    %mul3A_512 = vector.broadcast %slice3A_511 : vector<1x2048xf32> to vector<128x2048xf32>
    %mul3A_513 = arith.mulf %slice3A_510, %mul3A_512 : vector<128x2048xf32>
    %slice3A_514 = vector.extract_strided_slice %dot_general3A_503 {offsets = [128, 0], sizes = [128, 2048], strides = [1, 1]} : vector<2048x2048xf32> to vector<128x2048xf32>
    %slice3A_515 = vector.extract_strided_slice %convert_element_type3A_509 {offsets = [1, 0], sizes = [1, 2048], strides = [1, 1]} : vector<16x2048xf32> to vector<1x2048xf32>
    %mul3A_516 = vector.broadcast %slice3A_515 : vector<1x2048xf32> to vector<128x2048xf32>
    %mul3A_517 = arith.mulf %slice3A_514, %mul3A_516 : vector<128x2048xf32>
    %add3A_518 = arith.addf %mul3A_513, %mul3A_517 : vector<128x2048xf32>
    %slice3A_519 = vector.extract_strided_slice %dot_general3A_503 {offsets = [256, 0], sizes = [128, 2048], strides = [1, 1]} : vector<2048x2048xf32> to vector<128x2048xf32>
    %slice3A_520 = vector.extract_strided_slice %convert_element_type3A_509 {offsets = [2, 0], sizes = [1, 2048], strides = [1, 1]} : vector<16x2048xf32> to vector<1x2048xf32>
    %mul3A_521 = vector.broadcast %slice3A_520 : vector<1x2048xf32> to vector<128x2048xf32>
    %mul3A_522 = arith.mulf %slice3A_519, %mul3A_521 : vector<128x2048xf32>
    %add3A_523 = arith.addf %add3A_518, %mul3A_522 : vector<128x2048xf32>
    %slice3A_524 = vector.extract_strided_slice %dot_general3A_503 {offsets = [384, 0], sizes = [128, 2048], strides = [1, 1]} : vector<2048x2048xf32> to vector<128x2048xf32>
    %slice3A_525 = vector.extract_strided_slice %convert_element_type3A_509 {offsets = [3, 0], sizes = [1, 2048], strides = [1, 1]} : vector<16x2048xf32> to vector<1x2048xf32>
    %mul3A_526 = vector.broadcast %slice3A_525 : vector<1x2048xf32> to vector<128x2048xf32>
    %mul3A_527 = arith.mulf %slice3A_524, %mul3A_526 : vector<128x2048xf32>
    %add3A_528 = arith.addf %add3A_523, %mul3A_527 : vector<128x2048xf32>
    %slice3A_529 = vector.extract_strided_slice %dot_general3A_503 {offsets = [512, 0], sizes = [128, 2048], strides = [1, 1]} : vector<2048x2048xf32> to vector<128x2048xf32>
    %slice3A_530 = vector.extract_strided_slice %convert_element_type3A_509 {offsets = [4, 0], sizes = [1, 2048], strides = [1, 1]} : vector<16x2048xf32> to vector<1x2048xf32>
    %mul3A_531 = vector.broadcast %slice3A_530 : vector<1x2048xf32> to vector<128x2048xf32>
    %mul3A_532 = arith.mulf %slice3A_529, %mul3A_531 : vector<128x2048xf32>
    %add3A_533 = arith.addf %add3A_528, %mul3A_532 : vector<128x2048xf32>
    %slice3A_534 = vector.extract_strided_slice %dot_general3A_503 {offsets = [640, 0], sizes = [128, 2048], strides = [1, 1]} : vector<2048x2048xf32> to vector<128x2048xf32>
    %slice3A_535 = vector.extract_strided_slice %convert_element_type3A_509 {offsets = [5, 0], sizes = [1, 2048], strides = [1, 1]} : vector<16x2048xf32> to vector<1x2048xf32>
    %mul3A_536 = vector.broadcast %slice3A_535 : vector<1x2048xf32> to vector<128x2048xf32>
    %mul3A_537 = arith.mulf %slice3A_534, %mul3A_536 : vector<128x2048xf32>
    %add3A_538 = arith.addf %add3A_533, %mul3A_537 : vector<128x2048xf32>
    %slice3A_539 = vector.extract_strided_slice %dot_general3A_503 {offsets = [768, 0], sizes = [128, 2048], strides = [1, 1]} : vector<2048x2048xf32> to vector<128x2048xf32>
    %slice3A_540 = vector.extract_strided_slice %convert_element_type3A_509 {offsets = [6, 0], sizes = [1, 2048], strides = [1, 1]} : vector<16x2048xf32> to vector<1x2048xf32>
    %mul3A_541 = vector.broadcast %slice3A_540 : vector<1x2048xf32> to vector<128x2048xf32>
    %mul3A_542 = arith.mulf %slice3A_539, %mul3A_541 : vector<128x2048xf32>
    %add3A_543 = arith.addf %add3A_538, %mul3A_542 : vector<128x2048xf32>
    %slice3A_544 = vector.extract_strided_slice %dot_general3A_503 {offsets = [896, 0], sizes = [128, 2048], strides = [1, 1]} : vector<2048x2048xf32> to vector<128x2048xf32>
    %slice3A_545 = vector.extract_strided_slice %convert_element_type3A_509 {offsets = [7, 0], sizes = [1, 2048], strides = [1, 1]} : vector<16x2048xf32> to vector<1x2048xf32>
    %mul3A_546 = vector.broadcast %slice3A_545 : vector<1x2048xf32> to vector<128x2048xf32>
    %mul3A_547 = arith.mulf %slice3A_544, %mul3A_546 : vector<128x2048xf32>
    %add3A_548 = arith.addf %add3A_543, %mul3A_547 : vector<128x2048xf32>
    %slice3A_549 = vector.extract_strided_slice %dot_general3A_503 {offsets = [1024, 0], sizes = [128, 2048], strides = [1, 1]} : vector<2048x2048xf32> to vector<128x2048xf32>
    %slice3A_550 = vector.extract_strided_slice %convert_element_type3A_509 {offsets = [8, 0], sizes = [1, 2048], strides = [1, 1]} : vector<16x2048xf32> to vector<1x2048xf32>
    %mul3A_551 = vector.broadcast %slice3A_550 : vector<1x2048xf32> to vector<128x2048xf32>
    %mul3A_552 = arith.mulf %slice3A_549, %mul3A_551 : vector<128x2048xf32>
    %add3A_553 = arith.addf %add3A_548, %mul3A_552 : vector<128x2048xf32>
    %slice3A_554 = vector.extract_strided_slice %dot_general3A_503 {offsets = [1152, 0], sizes = [128, 2048], strides = [1, 1]} : vector<2048x2048xf32> to vector<128x2048xf32>
    %slice3A_555 = vector.extract_strided_slice %convert_element_type3A_509 {offsets = [9, 0], sizes = [1, 2048], strides = [1, 1]} : vector<16x2048xf32> to vector<1x2048xf32>
    %mul3A_556 = vector.broadcast %slice3A_555 : vector<1x2048xf32> to vector<128x2048xf32>
    %mul3A_557 = arith.mulf %slice3A_554, %mul3A_556 : vector<128x2048xf32>
    %add3A_558 = arith.addf %add3A_553, %mul3A_557 : vector<128x2048xf32>
    %slice3A_559 = vector.extract_strided_slice %dot_general3A_503 {offsets = [1280, 0], sizes = [128, 2048], strides = [1, 1]} : vector<2048x2048xf32> to vector<128x2048xf32>
    %slice3A_560 = vector.extract_strided_slice %convert_element_type3A_509 {offsets = [10, 0], sizes = [1, 2048], strides = [1, 1]} : vector<16x2048xf32> to vector<1x2048xf32>
    %mul3A_561 = vector.broadcast %slice3A_560 : vector<1x2048xf32> to vector<128x2048xf32>
    %mul3A_562 = arith.mulf %slice3A_559, %mul3A_561 : vector<128x2048xf32>
    %add3A_563 = arith.addf %add3A_558, %mul3A_562 : vector<128x2048xf32>
    %slice3A_564 = vector.extract_strided_slice %dot_general3A_503 {offsets = [1408, 0], sizes = [128, 2048], strides = [1, 1]} : vector<2048x2048xf32> to vector<128x2048xf32>
    %slice3A_565 = vector.extract_strided_slice %convert_element_type3A_509 {offsets = [11, 0], sizes = [1, 2048], strides = [1, 1]} : vector<16x2048xf32> to vector<1x2048xf32>
    %mul3A_566 = vector.broadcast %slice3A_565 : vector<1x2048xf32> to vector<128x2048xf32>
    %mul3A_567 = arith.mulf %slice3A_564, %mul3A_566 : vector<128x2048xf32>
    %add3A_568 = arith.addf %add3A_563, %mul3A_567 : vector<128x2048xf32>
    %slice3A_569 = vector.extract_strided_slice %dot_general3A_503 {offsets = [1536, 0], sizes = [128, 2048], strides = [1, 1]} : vector<2048x2048xf32> to vector<128x2048xf32>
    %slice3A_570 = vector.extract_strided_slice %convert_element_type3A_509 {offsets = [12, 0], sizes = [1, 2048], strides = [1, 1]} : vector<16x2048xf32> to vector<1x2048xf32>
    %mul3A_571 = vector.broadcast %slice3A_570 : vector<1x2048xf32> to vector<128x2048xf32>
    %mul3A_572 = arith.mulf %slice3A_569, %mul3A_571 : vector<128x2048xf32>
    %add3A_573 = arith.addf %add3A_568, %mul3A_572 : vector<128x2048xf32>
    %slice3A_574 = vector.extract_strided_slice %dot_general3A_503 {offsets = [1664, 0], sizes = [128, 2048], strides = [1, 1]} : vector<2048x2048xf32> to vector<128x2048xf32>
    %slice3A_575 = vector.extract_strided_slice %convert_element_type3A_509 {offsets = [13, 0], sizes = [1, 2048], strides = [1, 1]} : vector<16x2048xf32> to vector<1x2048xf32>
    %mul3A_576 = vector.broadcast %slice3A_575 : vector<1x2048xf32> to vector<128x2048xf32>
    %mul3A_577 = arith.mulf %slice3A_574, %mul3A_576 : vector<128x2048xf32>
    %add3A_578 = arith.addf %add3A_573, %mul3A_577 : vector<128x2048xf32>
    %slice3A_579 = vector.extract_strided_slice %dot_general3A_503 {offsets = [1792, 0], sizes = [128, 2048], strides = [1, 1]} : vector<2048x2048xf32> to vector<128x2048xf32>
    %slice3A_580 = vector.extract_strided_slice %convert_element_type3A_509 {offsets = [14, 0], sizes = [1, 2048], strides = [1, 1]} : vector<16x2048xf32> to vector<1x2048xf32>
    %mul3A_581 = vector.broadcast %slice3A_580 : vector<1x2048xf32> to vector<128x2048xf32>
    %mul3A_582 = arith.mulf %slice3A_579, %mul3A_581 : vector<128x2048xf32>
    %add3A_583 = arith.addf %add3A_578, %mul3A_582 : vector<128x2048xf32>
    %slice3A_584 = vector.extract_strided_slice %dot_general3A_503 {offsets = [1920, 0], sizes = [128, 2048], strides = [1, 1]} : vector<2048x2048xf32> to vector<128x2048xf32>
    %slice3A_585 = vector.extract_strided_slice %convert_element_type3A_509 {offsets = [15, 0], sizes = [1, 2048], strides = [1, 1]} : vector<16x2048xf32> to vector<1x2048xf32>
    %mul3A_586 = vector.broadcast %slice3A_585 : vector<1x2048xf32> to vector<128x2048xf32>
    %mul3A_587 = arith.mulf %slice3A_584, %mul3A_586 : vector<128x2048xf32>
    %add3A_588 = arith.addf %add3A_583, %mul3A_587 : vector<128x2048xf32>
    %convert_element_type3A_589 = arith.truncf %add3A_588 : vector<128x2048xf32> to vector<128x2048xbf16>
    %convert_element_type3A_590 = arith.extf %convert_element_type3A_589 : vector<128x2048xbf16> to vector<128x2048xf32>
    %sub3A_591 = arith.subf %add3A_588, %convert_element_type3A_590 : vector<128x2048xf32>
    %convert_element_type3A_592 = arith.truncf %sub3A_591 : vector<128x2048xf32> to vector<128x2048xbf16>
    %convert_element_type3A_593 = arith.truncf %convert_element_type3A_509 : vector<16x2048xf32> to vector<16x2048xbf16>
    %dot_general3A_594 = arith.constant dense<0.000000e+00> : vector<128x16xf32>
    %dot_general3A_595 = tpu.matmul %convert_element_type3A_589, %convert_element_type3A_593, %dot_general3A_594 {dimension_numbers = #tpu.dot_dimension_numbers<[1], [1], [0], [0], [0, 0, 1, 0], [], []>, transpose_lhs_hint = false} : vector<128x2048xbf16>, vector<16x2048xbf16>, vector<128x16xf32> -> vector<128x16xf32>
    %dot_general3A_596 = arith.constant dense<0.000000e+00> : vector<128x16xf32>
    %dot_general3A_597 = tpu.matmul %convert_element_type3A_592, %convert_element_type3A_593, %dot_general3A_596 {dimension_numbers = #tpu.dot_dimension_numbers<[1], [1], [0], [0], [0, 0, 1, 0], [], []>, transpose_lhs_hint = false} : vector<128x2048xbf16>, vector<16x2048xbf16>, vector<128x16xf32> -> vector<128x16xf32>
    %add3A_598 = arith.addf %dot_general3A_595, %dot_general3A_597 : vector<128x16xf32>
    %add3A_599 = arith.addf %add3A_281, %add3A_598 : vector<128x16xf32>
    %mul3A_600 = arith.mulf %add3A_588, %add3A_588 : vector<128x2048xf32>
    %convert_element_type3A_601 = arith.truncf %mul3A_600 : vector<128x2048xf32> to vector<128x2048xbf16>
    %convert_element_type3A_602 = arith.extf %convert_element_type3A_601 : vector<128x2048xbf16> to vector<128x2048xf32>
    %sub3A_603 = arith.subf %mul3A_600, %convert_element_type3A_602 : vector<128x2048xf32>
    %convert_element_type3A_604 = arith.truncf %sub3A_603 : vector<128x2048xf32> to vector<128x2048xbf16>
    %convert_element_type3A_605 = arith.truncf %convert_element_type3A_509 : vector<16x2048xf32> to vector<16x2048xbf16>
    %dot_general3A_606 = arith.constant dense<0.000000e+00> : vector<128x16xf32>
    %dot_general3A_607 = tpu.matmul %convert_element_type3A_601, %convert_element_type3A_605, %dot_general3A_606 {dimension_numbers = #tpu.dot_dimension_numbers<[1], [1], [0], [0], [0, 0, 1, 0], [], []>, transpose_lhs_hint = false} : vector<128x2048xbf16>, vector<16x2048xbf16>, vector<128x16xf32> -> vector<128x16xf32>
    %dot_general3A_608 = arith.constant dense<0.000000e+00> : vector<128x16xf32>
    %dot_general3A_609 = tpu.matmul %convert_element_type3A_604, %convert_element_type3A_605, %dot_general3A_608 {dimension_numbers = #tpu.dot_dimension_numbers<[1], [1], [0], [0], [0, 0, 1, 0], [], []>, transpose_lhs_hint = false} : vector<128x2048xbf16>, vector<16x2048xbf16>, vector<128x16xf32> -> vector<128x16xf32>
    %add3A_610 = arith.addf %dot_general3A_607, %dot_general3A_609 : vector<128x16xf32>
    %add3A_611 = arith.addf %add3A_293, %add3A_610 : vector<128x16xf32>
    %convert_element_type3A_612 = arith.truncf %broadcast_in_dim3A_175 : vector<1x2048xf32> to vector<1x2048xbf16>
    %convert_element_type3A_613 = arith.extf %convert_element_type3A_612 : vector<1x2048xbf16> to vector<1x2048xf32>
    %sub3A_614 = arith.subf %broadcast_in_dim3A_175, %convert_element_type3A_613 : vector<1x2048xf32>
    %convert_element_type3A_615 = arith.truncf %sub3A_614 : vector<1x2048xf32> to vector<1x2048xbf16>
    %convert_element_type3A_616 = arith.truncf %convert_element_type3A_509 : vector<16x2048xf32> to vector<16x2048xbf16>
    %dot_general3A_617 = arith.constant dense<0.000000e+00> : vector<1x16xf32>
    %dot_general3A_618 = tpu.matmul %convert_element_type3A_612, %convert_element_type3A_616, %dot_general3A_617 {dimension_numbers = #tpu.dot_dimension_numbers<[1], [1], [0], [0], [0, 0, 1, 0], [], []>, transpose_lhs_hint = false} : vector<1x2048xbf16>, vector<16x2048xbf16>, vector<1x16xf32> -> vector<1x16xf32>
    %dot_general3A_619 = arith.constant dense<0.000000e+00> : vector<1x16xf32>
    %dot_general3A_620 = tpu.matmul %convert_element_type3A_615, %convert_element_type3A_616, %dot_general3A_619 {dimension_numbers = #tpu.dot_dimension_numbers<[1], [1], [0], [0], [0, 0, 1, 0], [], []>, transpose_lhs_hint = false} : vector<1x2048xbf16>, vector<16x2048xbf16>, vector<1x16xf32> -> vector<1x16xf32>
    %add3A_621 = arith.addf %dot_general3A_618, %dot_general3A_620 : vector<1x16xf32>
    %add3A_622 = arith.addf %add3A_304, %add3A_621 : vector<1x16xf32>
    %slice3A_623 = vector.extract_strided_slice %convert_element_type3A_509 {offsets = [0, 0], sizes = [1, 2048], strides = [1, 1]} : vector<16x2048xf32> to vector<1x2048xf32>
    %gt3A_624 = arith.constant 5.000000e-01 : f32
    %gt3A_625 = vector.broadcast %gt3A_624 : f32 to vector<1x2048xf32>
    %gt3A_626 = arith.cmpf ogt, %slice3A_623, %gt3A_625 : vector<1x2048xf32>
    %jit3A_627 = arith.constant 0xFF800000 : f32
    %broadcast_in_dim3A_628 = vector.shape_cast %gt3A_626 : vector<1x2048xi1> to vector<1x2048xi1>
    %broadcast_in_dim3A_629 = vector.broadcast %broadcast_in_dim3A_628 : vector<1x2048xi1> to vector<128x2048xi1>
    %broadcast_in_dim3A_630 = vector.broadcast %jit3A_627 : f32 to vector<128x2048xf32>
    %select_n3A_631 = arith.select %broadcast_in_dim3A_629, %add3A_588, %broadcast_in_dim3A_630 : vector<128x2048xi1>, vector<128x2048xf32>
    %reduce_max3A_632 = arith.constant dense<0xFF800000> : vector<128xf32>
    %reduce_max3A_633 = vector.multi_reduction <maximumf>, %select_n3A_631, %reduce_max3A_632 [1] : vector<128x2048xf32> to vector<128xf32>
    %broadcast_in_dim3A_634 = vector.shape_cast %reduce_max3A_633 : vector<128xf32> to vector<128x1xf32>
    %slice3A_635 = vector.extract_strided_slice %convert_element_type3A_509 {offsets = [1, 0], sizes = [1, 2048], strides = [1, 1]} : vector<16x2048xf32> to vector<1x2048xf32>
    %gt3A_636 = arith.constant 5.000000e-01 : f32
    %gt3A_637 = vector.broadcast %gt3A_636 : f32 to vector<1x2048xf32>
    %gt3A_638 = arith.cmpf ogt, %slice3A_635, %gt3A_637 : vector<1x2048xf32>
    %jit3A_639 = arith.constant 0xFF800000 : f32
    %broadcast_in_dim3A_640 = vector.shape_cast %gt3A_638 : vector<1x2048xi1> to vector<1x2048xi1>
    %broadcast_in_dim3A_641 = vector.broadcast %broadcast_in_dim3A_640 : vector<1x2048xi1> to vector<128x2048xi1>
    %broadcast_in_dim3A_642 = vector.broadcast %jit3A_639 : f32 to vector<128x2048xf32>
    %select_n3A_643 = arith.select %broadcast_in_dim3A_641, %add3A_588, %broadcast_in_dim3A_642 : vector<128x2048xi1>, vector<128x2048xf32>
    %reduce_max3A_644 = arith.constant dense<0xFF800000> : vector<128xf32>
    %reduce_max3A_645 = vector.multi_reduction <maximumf>, %select_n3A_643, %reduce_max3A_644 [1] : vector<128x2048xf32> to vector<128xf32>
    %broadcast_in_dim3A_646 = vector.shape_cast %reduce_max3A_645 : vector<128xf32> to vector<128x1xf32>
    %slice3A_647 = vector.extract_strided_slice %convert_element_type3A_509 {offsets = [2, 0], sizes = [1, 2048], strides = [1, 1]} : vector<16x2048xf32> to vector<1x2048xf32>
    %gt3A_648 = arith.constant 5.000000e-01 : f32
    %gt3A_649 = vector.broadcast %gt3A_648 : f32 to vector<1x2048xf32>
    %gt3A_650 = arith.cmpf ogt, %slice3A_647, %gt3A_649 : vector<1x2048xf32>
    %jit3A_651 = arith.constant 0xFF800000 : f32
    %broadcast_in_dim3A_652 = vector.shape_cast %gt3A_650 : vector<1x2048xi1> to vector<1x2048xi1>
    %broadcast_in_dim3A_653 = vector.broadcast %broadcast_in_dim3A_652 : vector<1x2048xi1> to vector<128x2048xi1>
    %broadcast_in_dim3A_654 = vector.broadcast %jit3A_651 : f32 to vector<128x2048xf32>
    %select_n3A_655 = arith.select %broadcast_in_dim3A_653, %add3A_588, %broadcast_in_dim3A_654 : vector<128x2048xi1>, vector<128x2048xf32>
    %reduce_max3A_656 = arith.constant dense<0xFF800000> : vector<128xf32>
    %reduce_max3A_657 = vector.multi_reduction <maximumf>, %select_n3A_655, %reduce_max3A_656 [1] : vector<128x2048xf32> to vector<128xf32>
    %broadcast_in_dim3A_658 = vector.shape_cast %reduce_max3A_657 : vector<128xf32> to vector<128x1xf32>
    %slice3A_659 = vector.extract_strided_slice %convert_element_type3A_509 {offsets = [3, 0], sizes = [1, 2048], strides = [1, 1]} : vector<16x2048xf32> to vector<1x2048xf32>
    %gt3A_660 = arith.constant 5.000000e-01 : f32
    %gt3A_661 = vector.broadcast %gt3A_660 : f32 to vector<1x2048xf32>
    %gt3A_662 = arith.cmpf ogt, %slice3A_659, %gt3A_661 : vector<1x2048xf32>
    %jit3A_663 = arith.constant 0xFF800000 : f32
    %broadcast_in_dim3A_664 = vector.shape_cast %gt3A_662 : vector<1x2048xi1> to vector<1x2048xi1>
    %broadcast_in_dim3A_665 = vector.broadcast %broadcast_in_dim3A_664 : vector<1x2048xi1> to vector<128x2048xi1>
    %broadcast_in_dim3A_666 = vector.broadcast %jit3A_663 : f32 to vector<128x2048xf32>
    %select_n3A_667 = arith.select %broadcast_in_dim3A_665, %add3A_588, %broadcast_in_dim3A_666 : vector<128x2048xi1>, vector<128x2048xf32>
    %reduce_max3A_668 = arith.constant dense<0xFF800000> : vector<128xf32>
    %reduce_max3A_669 = vector.multi_reduction <maximumf>, %select_n3A_667, %reduce_max3A_668 [1] : vector<128x2048xf32> to vector<128xf32>
    %broadcast_in_dim3A_670 = vector.shape_cast %reduce_max3A_669 : vector<128xf32> to vector<128x1xf32>
    %slice3A_671 = vector.extract_strided_slice %convert_element_type3A_509 {offsets = [4, 0], sizes = [1, 2048], strides = [1, 1]} : vector<16x2048xf32> to vector<1x2048xf32>
    %gt3A_672 = arith.constant 5.000000e-01 : f32
    %gt3A_673 = vector.broadcast %gt3A_672 : f32 to vector<1x2048xf32>
    %gt3A_674 = arith.cmpf ogt, %slice3A_671, %gt3A_673 : vector<1x2048xf32>
    %jit3A_675 = arith.constant 0xFF800000 : f32
    %broadcast_in_dim3A_676 = vector.shape_cast %gt3A_674 : vector<1x2048xi1> to vector<1x2048xi1>
    %broadcast_in_dim3A_677 = vector.broadcast %broadcast_in_dim3A_676 : vector<1x2048xi1> to vector<128x2048xi1>
    %broadcast_in_dim3A_678 = vector.broadcast %jit3A_675 : f32 to vector<128x2048xf32>
    %select_n3A_679 = arith.select %broadcast_in_dim3A_677, %add3A_588, %broadcast_in_dim3A_678 : vector<128x2048xi1>, vector<128x2048xf32>
    %reduce_max3A_680 = arith.constant dense<0xFF800000> : vector<128xf32>
    %reduce_max3A_681 = vector.multi_reduction <maximumf>, %select_n3A_679, %reduce_max3A_680 [1] : vector<128x2048xf32> to vector<128xf32>
    %broadcast_in_dim3A_682 = vector.shape_cast %reduce_max3A_681 : vector<128xf32> to vector<128x1xf32>
    %slice3A_683 = vector.extract_strided_slice %convert_element_type3A_509 {offsets = [5, 0], sizes = [1, 2048], strides = [1, 1]} : vector<16x2048xf32> to vector<1x2048xf32>
    %gt3A_684 = arith.constant 5.000000e-01 : f32
    %gt3A_685 = vector.broadcast %gt3A_684 : f32 to vector<1x2048xf32>
    %gt3A_686 = arith.cmpf ogt, %slice3A_683, %gt3A_685 : vector<1x2048xf32>
    %jit3A_687 = arith.constant 0xFF800000 : f32
    %broadcast_in_dim3A_688 = vector.shape_cast %gt3A_686 : vector<1x2048xi1> to vector<1x2048xi1>
    %broadcast_in_dim3A_689 = vector.broadcast %broadcast_in_dim3A_688 : vector<1x2048xi1> to vector<128x2048xi1>
    %broadcast_in_dim3A_690 = vector.broadcast %jit3A_687 : f32 to vector<128x2048xf32>
    %select_n3A_691 = arith.select %broadcast_in_dim3A_689, %add3A_588, %broadcast_in_dim3A_690 : vector<128x2048xi1>, vector<128x2048xf32>
    %reduce_max3A_692 = arith.constant dense<0xFF800000> : vector<128xf32>
    %reduce_max3A_693 = vector.multi_reduction <maximumf>, %select_n3A_691, %reduce_max3A_692 [1] : vector<128x2048xf32> to vector<128xf32>
    %broadcast_in_dim3A_694 = vector.shape_cast %reduce_max3A_693 : vector<128xf32> to vector<128x1xf32>
    %slice3A_695 = vector.extract_strided_slice %convert_element_type3A_509 {offsets = [6, 0], sizes = [1, 2048], strides = [1, 1]} : vector<16x2048xf32> to vector<1x2048xf32>
    %gt3A_696 = arith.constant 5.000000e-01 : f32
    %gt3A_697 = vector.broadcast %gt3A_696 : f32 to vector<1x2048xf32>
    %gt3A_698 = arith.cmpf ogt, %slice3A_695, %gt3A_697 : vector<1x2048xf32>
    %jit3A_699 = arith.constant 0xFF800000 : f32
    %broadcast_in_dim3A_700 = vector.shape_cast %gt3A_698 : vector<1x2048xi1> to vector<1x2048xi1>
    %broadcast_in_dim3A_701 = vector.broadcast %broadcast_in_dim3A_700 : vector<1x2048xi1> to vector<128x2048xi1>
    %broadcast_in_dim3A_702 = vector.broadcast %jit3A_699 : f32 to vector<128x2048xf32>
    %select_n3A_703 = arith.select %broadcast_in_dim3A_701, %add3A_588, %broadcast_in_dim3A_702 : vector<128x2048xi1>, vector<128x2048xf32>
    %reduce_max3A_704 = arith.constant dense<0xFF800000> : vector<128xf32>
    %reduce_max3A_705 = vector.multi_reduction <maximumf>, %select_n3A_703, %reduce_max3A_704 [1] : vector<128x2048xf32> to vector<128xf32>
    %broadcast_in_dim3A_706 = vector.shape_cast %reduce_max3A_705 : vector<128xf32> to vector<128x1xf32>
    %slice3A_707 = vector.extract_strided_slice %convert_element_type3A_509 {offsets = [7, 0], sizes = [1, 2048], strides = [1, 1]} : vector<16x2048xf32> to vector<1x2048xf32>
    %gt3A_708 = arith.constant 5.000000e-01 : f32
    %gt3A_709 = vector.broadcast %gt3A_708 : f32 to vector<1x2048xf32>
    %gt3A_710 = arith.cmpf ogt, %slice3A_707, %gt3A_709 : vector<1x2048xf32>
    %jit3A_711 = arith.constant 0xFF800000 : f32
    %broadcast_in_dim3A_712 = vector.shape_cast %gt3A_710 : vector<1x2048xi1> to vector<1x2048xi1>
    %broadcast_in_dim3A_713 = vector.broadcast %broadcast_in_dim3A_712 : vector<1x2048xi1> to vector<128x2048xi1>
    %broadcast_in_dim3A_714 = vector.broadcast %jit3A_711 : f32 to vector<128x2048xf32>
    %select_n3A_715 = arith.select %broadcast_in_dim3A_713, %add3A_588, %broadcast_in_dim3A_714 : vector<128x2048xi1>, vector<128x2048xf32>
    %reduce_max3A_716 = arith.constant dense<0xFF800000> : vector<128xf32>
    %reduce_max3A_717 = vector.multi_reduction <maximumf>, %select_n3A_715, %reduce_max3A_716 [1] : vector<128x2048xf32> to vector<128xf32>
    %broadcast_in_dim3A_718 = vector.shape_cast %reduce_max3A_717 : vector<128xf32> to vector<128x1xf32>
    %slice3A_719 = vector.extract_strided_slice %convert_element_type3A_509 {offsets = [8, 0], sizes = [1, 2048], strides = [1, 1]} : vector<16x2048xf32> to vector<1x2048xf32>
    %gt3A_720 = arith.constant 5.000000e-01 : f32
    %gt3A_721 = vector.broadcast %gt3A_720 : f32 to vector<1x2048xf32>
    %gt3A_722 = arith.cmpf ogt, %slice3A_719, %gt3A_721 : vector<1x2048xf32>
    %jit3A_723 = arith.constant 0xFF800000 : f32
    %broadcast_in_dim3A_724 = vector.shape_cast %gt3A_722 : vector<1x2048xi1> to vector<1x2048xi1>
    %broadcast_in_dim3A_725 = vector.broadcast %broadcast_in_dim3A_724 : vector<1x2048xi1> to vector<128x2048xi1>
    %broadcast_in_dim3A_726 = vector.broadcast %jit3A_723 : f32 to vector<128x2048xf32>
    %select_n3A_727 = arith.select %broadcast_in_dim3A_725, %add3A_588, %broadcast_in_dim3A_726 : vector<128x2048xi1>, vector<128x2048xf32>
    %reduce_max3A_728 = arith.constant dense<0xFF800000> : vector<128xf32>
    %reduce_max3A_729 = vector.multi_reduction <maximumf>, %select_n3A_727, %reduce_max3A_728 [1] : vector<128x2048xf32> to vector<128xf32>
    %broadcast_in_dim3A_730 = vector.shape_cast %reduce_max3A_729 : vector<128xf32> to vector<128x1xf32>
    %slice3A_731 = vector.extract_strided_slice %convert_element_type3A_509 {offsets = [9, 0], sizes = [1, 2048], strides = [1, 1]} : vector<16x2048xf32> to vector<1x2048xf32>
    %gt3A_732 = arith.constant 5.000000e-01 : f32
    %gt3A_733 = vector.broadcast %gt3A_732 : f32 to vector<1x2048xf32>
    %gt3A_734 = arith.cmpf ogt, %slice3A_731, %gt3A_733 : vector<1x2048xf32>
    %jit3A_735 = arith.constant 0xFF800000 : f32
    %broadcast_in_dim3A_736 = vector.shape_cast %gt3A_734 : vector<1x2048xi1> to vector<1x2048xi1>
    %broadcast_in_dim3A_737 = vector.broadcast %broadcast_in_dim3A_736 : vector<1x2048xi1> to vector<128x2048xi1>
    %broadcast_in_dim3A_738 = vector.broadcast %jit3A_735 : f32 to vector<128x2048xf32>
    %select_n3A_739 = arith.select %broadcast_in_dim3A_737, %add3A_588, %broadcast_in_dim3A_738 : vector<128x2048xi1>, vector<128x2048xf32>
    %reduce_max3A_740 = arith.constant dense<0xFF800000> : vector<128xf32>
    %reduce_max3A_741 = vector.multi_reduction <maximumf>, %select_n3A_739, %reduce_max3A_740 [1] : vector<128x2048xf32> to vector<128xf32>
    %broadcast_in_dim3A_742 = vector.shape_cast %reduce_max3A_741 : vector<128xf32> to vector<128x1xf32>
    %slice3A_743 = vector.extract_strided_slice %convert_element_type3A_509 {offsets = [10, 0], sizes = [1, 2048], strides = [1, 1]} : vector<16x2048xf32> to vector<1x2048xf32>
    %gt3A_744 = arith.constant 5.000000e-01 : f32
    %gt3A_745 = vector.broadcast %gt3A_744 : f32 to vector<1x2048xf32>
    %gt3A_746 = arith.cmpf ogt, %slice3A_743, %gt3A_745 : vector<1x2048xf32>
    %jit3A_747 = arith.constant 0xFF800000 : f32
    %broadcast_in_dim3A_748 = vector.shape_cast %gt3A_746 : vector<1x2048xi1> to vector<1x2048xi1>
    %broadcast_in_dim3A_749 = vector.broadcast %broadcast_in_dim3A_748 : vector<1x2048xi1> to vector<128x2048xi1>
    %broadcast_in_dim3A_750 = vector.broadcast %jit3A_747 : f32 to vector<128x2048xf32>
    %select_n3A_751 = arith.select %broadcast_in_dim3A_749, %add3A_588, %broadcast_in_dim3A_750 : vector<128x2048xi1>, vector<128x2048xf32>
    %reduce_max3A_752 = arith.constant dense<0xFF800000> : vector<128xf32>
    %reduce_max3A_753 = vector.multi_reduction <maximumf>, %select_n3A_751, %reduce_max3A_752 [1] : vector<128x2048xf32> to vector<128xf32>
    %broadcast_in_dim3A_754 = vector.shape_cast %reduce_max3A_753 : vector<128xf32> to vector<128x1xf32>
    %slice3A_755 = vector.extract_strided_slice %convert_element_type3A_509 {offsets = [11, 0], sizes = [1, 2048], strides = [1, 1]} : vector<16x2048xf32> to vector<1x2048xf32>
    %gt3A_756 = arith.constant 5.000000e-01 : f32
    %gt3A_757 = vector.broadcast %gt3A_756 : f32 to vector<1x2048xf32>
    %gt3A_758 = arith.cmpf ogt, %slice3A_755, %gt3A_757 : vector<1x2048xf32>
    %jit3A_759 = arith.constant 0xFF800000 : f32
    %broadcast_in_dim3A_760 = vector.shape_cast %gt3A_758 : vector<1x2048xi1> to vector<1x2048xi1>
    %broadcast_in_dim3A_761 = vector.broadcast %broadcast_in_dim3A_760 : vector<1x2048xi1> to vector<128x2048xi1>
    %broadcast_in_dim3A_762 = vector.broadcast %jit3A_759 : f32 to vector<128x2048xf32>
    %select_n3A_763 = arith.select %broadcast_in_dim3A_761, %add3A_588, %broadcast_in_dim3A_762 : vector<128x2048xi1>, vector<128x2048xf32>
    %reduce_max3A_764 = arith.constant dense<0xFF800000> : vector<128xf32>
    %reduce_max3A_765 = vector.multi_reduction <maximumf>, %select_n3A_763, %reduce_max3A_764 [1] : vector<128x2048xf32> to vector<128xf32>
    %broadcast_in_dim3A_766 = vector.shape_cast %reduce_max3A_765 : vector<128xf32> to vector<128x1xf32>
    %slice3A_767 = vector.extract_strided_slice %convert_element_type3A_509 {offsets = [12, 0], sizes = [1, 2048], strides = [1, 1]} : vector<16x2048xf32> to vector<1x2048xf32>
    %gt3A_768 = arith.constant 5.000000e-01 : f32
    %gt3A_769 = vector.broadcast %gt3A_768 : f32 to vector<1x2048xf32>
    %gt3A_770 = arith.cmpf ogt, %slice3A_767, %gt3A_769 : vector<1x2048xf32>
    %jit3A_771 = arith.constant 0xFF800000 : f32
    %broadcast_in_dim3A_772 = vector.shape_cast %gt3A_770 : vector<1x2048xi1> to vector<1x2048xi1>
    %broadcast_in_dim3A_773 = vector.broadcast %broadcast_in_dim3A_772 : vector<1x2048xi1> to vector<128x2048xi1>
    %broadcast_in_dim3A_774 = vector.broadcast %jit3A_771 : f32 to vector<128x2048xf32>
    %select_n3A_775 = arith.select %broadcast_in_dim3A_773, %add3A_588, %broadcast_in_dim3A_774 : vector<128x2048xi1>, vector<128x2048xf32>
    %reduce_max3A_776 = arith.constant dense<0xFF800000> : vector<128xf32>
    %reduce_max3A_777 = vector.multi_reduction <maximumf>, %select_n3A_775, %reduce_max3A_776 [1] : vector<128x2048xf32> to vector<128xf32>
    %broadcast_in_dim3A_778 = vector.shape_cast %reduce_max3A_777 : vector<128xf32> to vector<128x1xf32>
    %slice3A_779 = vector.extract_strided_slice %convert_element_type3A_509 {offsets = [13, 0], sizes = [1, 2048], strides = [1, 1]} : vector<16x2048xf32> to vector<1x2048xf32>
    %gt3A_780 = arith.constant 5.000000e-01 : f32
    %gt3A_781 = vector.broadcast %gt3A_780 : f32 to vector<1x2048xf32>
    %gt3A_782 = arith.cmpf ogt, %slice3A_779, %gt3A_781 : vector<1x2048xf32>
    %jit3A_783 = arith.constant 0xFF800000 : f32
    %broadcast_in_dim3A_784 = vector.shape_cast %gt3A_782 : vector<1x2048xi1> to vector<1x2048xi1>
    %broadcast_in_dim3A_785 = vector.broadcast %broadcast_in_dim3A_784 : vector<1x2048xi1> to vector<128x2048xi1>
    %broadcast_in_dim3A_786 = vector.broadcast %jit3A_783 : f32 to vector<128x2048xf32>
    %select_n3A_787 = arith.select %broadcast_in_dim3A_785, %add3A_588, %broadcast_in_dim3A_786 : vector<128x2048xi1>, vector<128x2048xf32>
    %reduce_max3A_788 = arith.constant dense<0xFF800000> : vector<128xf32>
    %reduce_max3A_789 = vector.multi_reduction <maximumf>, %select_n3A_787, %reduce_max3A_788 [1] : vector<128x2048xf32> to vector<128xf32>
    %broadcast_in_dim3A_790 = vector.shape_cast %reduce_max3A_789 : vector<128xf32> to vector<128x1xf32>
    %slice3A_791 = vector.extract_strided_slice %convert_element_type3A_509 {offsets = [14, 0], sizes = [1, 2048], strides = [1, 1]} : vector<16x2048xf32> to vector<1x2048xf32>
    %gt3A_792 = arith.constant 5.000000e-01 : f32
    %gt3A_793 = vector.broadcast %gt3A_792 : f32 to vector<1x2048xf32>
    %gt3A_794 = arith.cmpf ogt, %slice3A_791, %gt3A_793 : vector<1x2048xf32>
    %jit3A_795 = arith.constant 0xFF800000 : f32
    %broadcast_in_dim3A_796 = vector.shape_cast %gt3A_794 : vector<1x2048xi1> to vector<1x2048xi1>
    %broadcast_in_dim3A_797 = vector.broadcast %broadcast_in_dim3A_796 : vector<1x2048xi1> to vector<128x2048xi1>
    %broadcast_in_dim3A_798 = vector.broadcast %jit3A_795 : f32 to vector<128x2048xf32>
    %select_n3A_799 = arith.select %broadcast_in_dim3A_797, %add3A_588, %broadcast_in_dim3A_798 : vector<128x2048xi1>, vector<128x2048xf32>
    %reduce_max3A_800 = arith.constant dense<0xFF800000> : vector<128xf32>
    %reduce_max3A_801 = vector.multi_reduction <maximumf>, %select_n3A_799, %reduce_max3A_800 [1] : vector<128x2048xf32> to vector<128xf32>
    %broadcast_in_dim3A_802 = vector.shape_cast %reduce_max3A_801 : vector<128xf32> to vector<128x1xf32>
    %slice3A_803 = vector.extract_strided_slice %convert_element_type3A_509 {offsets = [15, 0], sizes = [1, 2048], strides = [1, 1]} : vector<16x2048xf32> to vector<1x2048xf32>
    %gt3A_804 = arith.constant 5.000000e-01 : f32
    %gt3A_805 = vector.broadcast %gt3A_804 : f32 to vector<1x2048xf32>
    %gt3A_806 = arith.cmpf ogt, %slice3A_803, %gt3A_805 : vector<1x2048xf32>
    %jit3A_807 = arith.constant 0xFF800000 : f32
    %broadcast_in_dim3A_808 = vector.shape_cast %gt3A_806 : vector<1x2048xi1> to vector<1x2048xi1>
    %broadcast_in_dim3A_809 = vector.broadcast %broadcast_in_dim3A_808 : vector<1x2048xi1> to vector<128x2048xi1>
    %broadcast_in_dim3A_810 = vector.broadcast %jit3A_807 : f32 to vector<128x2048xf32>
    %select_n3A_811 = arith.select %broadcast_in_dim3A_809, %add3A_588, %broadcast_in_dim3A_810 : vector<128x2048xi1>, vector<128x2048xf32>
    %reduce_max3A_812 = arith.constant dense<0xFF800000> : vector<128xf32>
    %reduce_max3A_813 = vector.multi_reduction <maximumf>, %select_n3A_811, %reduce_max3A_812 [1] : vector<128x2048xf32> to vector<128xf32>
    %broadcast_in_dim3A_814 = vector.shape_cast %reduce_max3A_813 : vector<128xf32> to vector<128x1xf32>
    %concatenate3A_815 = tpu.concatenate %broadcast_in_dim3A_634, %broadcast_in_dim3A_646, %broadcast_in_dim3A_658, %broadcast_in_dim3A_670, %broadcast_in_dim3A_682, %broadcast_in_dim3A_694, %broadcast_in_dim3A_706, %broadcast_in_dim3A_718, %broadcast_in_dim3A_730, %broadcast_in_dim3A_742, %broadcast_in_dim3A_754, %broadcast_in_dim3A_766, %broadcast_in_dim3A_778, %broadcast_in_dim3A_790, %broadcast_in_dim3A_802, %broadcast_in_dim3A_814 in 1 : vector<128x1xf32>, vector<128x1xf32>, vector<128x1xf32>, vector<128x1xf32>, vector<128x1xf32>, vector<128x1xf32>, vector<128x1xf32>, vector<128x1xf32>, vector<128x1xf32>, vector<128x1xf32>, vector<128x1xf32>, vector<128x1xf32>, vector<128x1xf32>, vector<128x1xf32>, vector<128x1xf32>, vector<128x1xf32> -> vector<128x16xf32>
    %get3A_816 = arith.constant 0 : index
    %get3A_817 = arith.constant 0 : index
    %get3A_818 = vector.load %arg8[%get3A_816, %get3A_817] : memref<2048x64xf32, #tpu.memory_space<vmem>>, vector<2048x64xf32>
    %slice3A_819 = vector.extract_strided_slice %max3A_117 {offsets = [0, 4096], sizes = [64, 2048], strides = [1, 1]} : vector<64x16384xf32> to vector<64x2048xf32>
    %convert_element_type3A_820 = arith.truncf %get3A_818 : vector<2048x64xf32> to vector<2048x64xbf16>
    %convert_element_type3A_821 = arith.truncf %slice3A_819 : vector<64x2048xf32> to vector<64x2048xbf16>
    %dot_general3A_822 = arith.constant dense<0.000000e+00> : vector<2048x2048xf32>
    %dot_general3A_823 = tpu.matmul %convert_element_type3A_820, %convert_element_type3A_821, %dot_general3A_822 {dimension_numbers = #tpu.dot_dimension_numbers<[1], [0], [0], [1], [0, 0, 1, 1], [], []>, transpose_lhs_hint = false} : vector<2048x64xbf16>, vector<64x2048xbf16>, vector<2048x2048xf32> -> vector<2048x2048xf32>
    %slice3A_824 = vector.extract_strided_slice %get3A_1 {offsets = [5, 4096], sizes = [1, 2048], strides = [1, 1]} : vector<8x16384xf32> to vector<1x2048xf32>
    %broadcast_in_dim3A_825 = vector.shape_cast %slice3A_824 : vector<1x2048xf32> to vector<1x2048xf32>
    %broadcast_in_dim3A_826 = vector.broadcast %broadcast_in_dim3A_825 : vector<1x2048xf32> to vector<16x2048xf32>
    %eq3A_827 = arith.cmpf oeq, %broadcast_in_dim3A_826, %convert_element_type3A_177 : vector<16x2048xf32>
    %convert_element_type3A_828 = arith.extui %eq3A_827 : vector<16x2048xi1> to vector<16x2048xi32>
    %convert_element_type3A_829 = arith.sitofp %convert_element_type3A_828 : vector<16x2048xi32> to vector<16x2048xf32>
    %slice3A_830 = vector.extract_strided_slice %dot_general3A_823 {offsets = [0, 0], sizes = [128, 2048], strides = [1, 1]} : vector<2048x2048xf32> to vector<128x2048xf32>
    %slice3A_831 = vector.extract_strided_slice %convert_element_type3A_829 {offsets = [0, 0], sizes = [1, 2048], strides = [1, 1]} : vector<16x2048xf32> to vector<1x2048xf32>
    %mul3A_832 = vector.broadcast %slice3A_831 : vector<1x2048xf32> to vector<128x2048xf32>
    %mul3A_833 = arith.mulf %slice3A_830, %mul3A_832 : vector<128x2048xf32>
    %slice3A_834 = vector.extract_strided_slice %dot_general3A_823 {offsets = [128, 0], sizes = [128, 2048], strides = [1, 1]} : vector<2048x2048xf32> to vector<128x2048xf32>
    %slice3A_835 = vector.extract_strided_slice %convert_element_type3A_829 {offsets = [1, 0], sizes = [1, 2048], strides = [1, 1]} : vector<16x2048xf32> to vector<1x2048xf32>
    %mul3A_836 = vector.broadcast %slice3A_835 : vector<1x2048xf32> to vector<128x2048xf32>
    %mul3A_837 = arith.mulf %slice3A_834, %mul3A_836 : vector<128x2048xf32>
    %add3A_838 = arith.addf %mul3A_833, %mul3A_837 : vector<128x2048xf32>
    %slice3A_839 = vector.extract_strided_slice %dot_general3A_823 {offsets = [256, 0], sizes = [128, 2048], strides = [1, 1]} : vector<2048x2048xf32> to vector<128x2048xf32>
    %slice3A_840 = vector.extract_strided_slice %convert_element_type3A_829 {offsets = [2, 0], sizes = [1, 2048], strides = [1, 1]} : vector<16x2048xf32> to vector<1x2048xf32>
    %mul3A_841 = vector.broadcast %slice3A_840 : vector<1x2048xf32> to vector<128x2048xf32>
    %mul3A_842 = arith.mulf %slice3A_839, %mul3A_841 : vector<128x2048xf32>
    %add3A_843 = arith.addf %add3A_838, %mul3A_842 : vector<128x2048xf32>
    %slice3A_844 = vector.extract_strided_slice %dot_general3A_823 {offsets = [384, 0], sizes = [128, 2048], strides = [1, 1]} : vector<2048x2048xf32> to vector<128x2048xf32>
    %slice3A_845 = vector.extract_strided_slice %convert_element_type3A_829 {offsets = [3, 0], sizes = [1, 2048], strides = [1, 1]} : vector<16x2048xf32> to vector<1x2048xf32>
    %mul3A_846 = vector.broadcast %slice3A_845 : vector<1x2048xf32> to vector<128x2048xf32>
    %mul3A_847 = arith.mulf %slice3A_844, %mul3A_846 : vector<128x2048xf32>
    %add3A_848 = arith.addf %add3A_843, %mul3A_847 : vector<128x2048xf32>
    %slice3A_849 = vector.extract_strided_slice %dot_general3A_823 {offsets = [512, 0], sizes = [128, 2048], strides = [1, 1]} : vector<2048x2048xf32> to vector<128x2048xf32>
    %slice3A_850 = vector.extract_strided_slice %convert_element_type3A_829 {offsets = [4, 0], sizes = [1, 2048], strides = [1, 1]} : vector<16x2048xf32> to vector<1x2048xf32>
    %mul3A_851 = vector.broadcast %slice3A_850 : vector<1x2048xf32> to vector<128x2048xf32>
    %mul3A_852 = arith.mulf %slice3A_849, %mul3A_851 : vector<128x2048xf32>
    %add3A_853 = arith.addf %add3A_848, %mul3A_852 : vector<128x2048xf32>
    %slice3A_854 = vector.extract_strided_slice %dot_general3A_823 {offsets = [640, 0], sizes = [128, 2048], strides = [1, 1]} : vector<2048x2048xf32> to vector<128x2048xf32>
    %slice3A_855 = vector.extract_strided_slice %convert_element_type3A_829 {offsets = [5, 0], sizes = [1, 2048], strides = [1, 1]} : vector<16x2048xf32> to vector<1x2048xf32>
    %mul3A_856 = vector.broadcast %slice3A_855 : vector<1x2048xf32> to vector<128x2048xf32>
    %mul3A_857 = arith.mulf %slice3A_854, %mul3A_856 : vector<128x2048xf32>
    %add3A_858 = arith.addf %add3A_853, %mul3A_857 : vector<128x2048xf32>
    %slice3A_859 = vector.extract_strided_slice %dot_general3A_823 {offsets = [768, 0], sizes = [128, 2048], strides = [1, 1]} : vector<2048x2048xf32> to vector<128x2048xf32>
    %slice3A_860 = vector.extract_strided_slice %convert_element_type3A_829 {offsets = [6, 0], sizes = [1, 2048], strides = [1, 1]} : vector<16x2048xf32> to vector<1x2048xf32>
    %mul3A_861 = vector.broadcast %slice3A_860 : vector<1x2048xf32> to vector<128x2048xf32>
    %mul3A_862 = arith.mulf %slice3A_859, %mul3A_861 : vector<128x2048xf32>
    %add3A_863 = arith.addf %add3A_858, %mul3A_862 : vector<128x2048xf32>
    %slice3A_864 = vector.extract_strided_slice %dot_general3A_823 {offsets = [896, 0], sizes = [128, 2048], strides = [1, 1]} : vector<2048x2048xf32> to vector<128x2048xf32>
    %slice3A_865 = vector.extract_strided_slice %convert_element_type3A_829 {offsets = [7, 0], sizes = [1, 2048], strides = [1, 1]} : vector<16x2048xf32> to vector<1x2048xf32>
    %mul3A_866 = vector.broadcast %slice3A_865 : vector<1x2048xf32> to vector<128x2048xf32>
    %mul3A_867 = arith.mulf %slice3A_864, %mul3A_866 : vector<128x2048xf32>
    %add3A_868 = arith.addf %add3A_863, %mul3A_867 : vector<128x2048xf32>
    %slice3A_869 = vector.extract_strided_slice %dot_general3A_823 {offsets = [1024, 0], sizes = [128, 2048], strides = [1, 1]} : vector<2048x2048xf32> to vector<128x2048xf32>
    %slice3A_870 = vector.extract_strided_slice %convert_element_type3A_829 {offsets = [8, 0], sizes = [1, 2048], strides = [1, 1]} : vector<16x2048xf32> to vector<1x2048xf32>
    %mul3A_871 = vector.broadcast %slice3A_870 : vector<1x2048xf32> to vector<128x2048xf32>
    %mul3A_872 = arith.mulf %slice3A_869, %mul3A_871 : vector<128x2048xf32>
    %add3A_873 = arith.addf %add3A_868, %mul3A_872 : vector<128x2048xf32>
    %slice3A_874 = vector.extract_strided_slice %dot_general3A_823 {offsets = [1152, 0], sizes = [128, 2048], strides = [1, 1]} : vector<2048x2048xf32> to vector<128x2048xf32>
    %slice3A_875 = vector.extract_strided_slice %convert_element_type3A_829 {offsets = [9, 0], sizes = [1, 2048], strides = [1, 1]} : vector<16x2048xf32> to vector<1x2048xf32>
    %mul3A_876 = vector.broadcast %slice3A_875 : vector<1x2048xf32> to vector<128x2048xf32>
    %mul3A_877 = arith.mulf %slice3A_874, %mul3A_876 : vector<128x2048xf32>
    %add3A_878 = arith.addf %add3A_873, %mul3A_877 : vector<128x2048xf32>
    %slice3A_879 = vector.extract_strided_slice %dot_general3A_823 {offsets = [1280, 0], sizes = [128, 2048], strides = [1, 1]} : vector<2048x2048xf32> to vector<128x2048xf32>
    %slice3A_880 = vector.extract_strided_slice %convert_element_type3A_829 {offsets = [10, 0], sizes = [1, 2048], strides = [1, 1]} : vector<16x2048xf32> to vector<1x2048xf32>
    %mul3A_881 = vector.broadcast %slice3A_880 : vector<1x2048xf32> to vector<128x2048xf32>
    %mul3A_882 = arith.mulf %slice3A_879, %mul3A_881 : vector<128x2048xf32>
    %add3A_883 = arith.addf %add3A_878, %mul3A_882 : vector<128x2048xf32>
    %slice3A_884 = vector.extract_strided_slice %dot_general3A_823 {offsets = [1408, 0], sizes = [128, 2048], strides = [1, 1]} : vector<2048x2048xf32> to vector<128x2048xf32>
    %slice3A_885 = vector.extract_strided_slice %convert_element_type3A_829 {offsets = [11, 0], sizes = [1, 2048], strides = [1, 1]} : vector<16x2048xf32> to vector<1x2048xf32>
    %mul3A_886 = vector.broadcast %slice3A_885 : vector<1x2048xf32> to vector<128x2048xf32>
    %mul3A_887 = arith.mulf %slice3A_884, %mul3A_886 : vector<128x2048xf32>
    %add3A_888 = arith.addf %add3A_883, %mul3A_887 : vector<128x2048xf32>
    %slice3A_889 = vector.extract_strided_slice %dot_general3A_823 {offsets = [1536, 0], sizes = [128, 2048], strides = [1, 1]} : vector<2048x2048xf32> to vector<128x2048xf32>
    %slice3A_890 = vector.extract_strided_slice %convert_element_type3A_829 {offsets = [12, 0], sizes = [1, 2048], strides = [1, 1]} : vector<16x2048xf32> to vector<1x2048xf32>
    %mul3A_891 = vector.broadcast %slice3A_890 : vector<1x2048xf32> to vector<128x2048xf32>
    %mul3A_892 = arith.mulf %slice3A_889, %mul3A_891 : vector<128x2048xf32>
    %add3A_893 = arith.addf %add3A_888, %mul3A_892 : vector<128x2048xf32>
    %slice3A_894 = vector.extract_strided_slice %dot_general3A_823 {offsets = [1664, 0], sizes = [128, 2048], strides = [1, 1]} : vector<2048x2048xf32> to vector<128x2048xf32>
    %slice3A_895 = vector.extract_strided_slice %convert_element_type3A_829 {offsets = [13, 0], sizes = [1, 2048], strides = [1, 1]} : vector<16x2048xf32> to vector<1x2048xf32>
    %mul3A_896 = vector.broadcast %slice3A_895 : vector<1x2048xf32> to vector<128x2048xf32>
    %mul3A_897 = arith.mulf %slice3A_894, %mul3A_896 : vector<128x2048xf32>
    %add3A_898 = arith.addf %add3A_893, %mul3A_897 : vector<128x2048xf32>
    %slice3A_899 = vector.extract_strided_slice %dot_general3A_823 {offsets = [1792, 0], sizes = [128, 2048], strides = [1, 1]} : vector<2048x2048xf32> to vector<128x2048xf32>
    %slice3A_900 = vector.extract_strided_slice %convert_element_type3A_829 {offsets = [14, 0], sizes = [1, 2048], strides = [1, 1]} : vector<16x2048xf32> to vector<1x2048xf32>
    %mul3A_901 = vector.broadcast %slice3A_900 : vector<1x2048xf32> to vector<128x2048xf32>
    %mul3A_902 = arith.mulf %slice3A_899, %mul3A_901 : vector<128x2048xf32>
    %add3A_903 = arith.addf %add3A_898, %mul3A_902 : vector<128x2048xf32>
    %slice3A_904 = vector.extract_strided_slice %dot_general3A_823 {offsets = [1920, 0], sizes = [128, 2048], strides = [1, 1]} : vector<2048x2048xf32> to vector<128x2048xf32>
    %slice3A_905 = vector.extract_strided_slice %convert_element_type3A_829 {offsets = [15, 0], sizes = [1, 2048], strides = [1, 1]} : vector<16x2048xf32> to vector<1x2048xf32>
    %mul3A_906 = vector.broadcast %slice3A_905 : vector<1x2048xf32> to vector<128x2048xf32>
    %mul3A_907 = arith.mulf %slice3A_904, %mul3A_906 : vector<128x2048xf32>
    %add3A_908 = arith.addf %add3A_903, %mul3A_907 : vector<128x2048xf32>
    %convert_element_type3A_909 = arith.truncf %add3A_908 : vector<128x2048xf32> to vector<128x2048xbf16>
    %convert_element_type3A_910 = arith.extf %convert_element_type3A_909 : vector<128x2048xbf16> to vector<128x2048xf32>
    %sub3A_911 = arith.subf %add3A_908, %convert_element_type3A_910 : vector<128x2048xf32>
    %convert_element_type3A_912 = arith.truncf %sub3A_911 : vector<128x2048xf32> to vector<128x2048xbf16>
    %convert_element_type3A_913 = arith.truncf %convert_element_type3A_829 : vector<16x2048xf32> to vector<16x2048xbf16>
    %dot_general3A_914 = arith.constant dense<0.000000e+00> : vector<128x16xf32>
    %dot_general3A_915 = tpu.matmul %convert_element_type3A_909, %convert_element_type3A_913, %dot_general3A_914 {dimension_numbers = #tpu.dot_dimension_numbers<[1], [1], [0], [0], [0, 0, 1, 0], [], []>, transpose_lhs_hint = false} : vector<128x2048xbf16>, vector<16x2048xbf16>, vector<128x16xf32> -> vector<128x16xf32>
    %dot_general3A_916 = arith.constant dense<0.000000e+00> : vector<128x16xf32>
    %dot_general3A_917 = tpu.matmul %convert_element_type3A_912, %convert_element_type3A_913, %dot_general3A_916 {dimension_numbers = #tpu.dot_dimension_numbers<[1], [1], [0], [0], [0, 0, 1, 0], [], []>, transpose_lhs_hint = false} : vector<128x2048xbf16>, vector<16x2048xbf16>, vector<128x16xf32> -> vector<128x16xf32>
    %add3A_918 = arith.addf %dot_general3A_915, %dot_general3A_917 : vector<128x16xf32>
    %add3A_919 = arith.addf %add3A_599, %add3A_918 : vector<128x16xf32>
    %mul3A_920 = arith.mulf %add3A_908, %add3A_908 : vector<128x2048xf32>
    %convert_element_type3A_921 = arith.truncf %mul3A_920 : vector<128x2048xf32> to vector<128x2048xbf16>
    %convert_element_type3A_922 = arith.extf %convert_element_type3A_921 : vector<128x2048xbf16> to vector<128x2048xf32>
    %sub3A_923 = arith.subf %mul3A_920, %convert_element_type3A_922 : vector<128x2048xf32>
    %convert_element_type3A_924 = arith.truncf %sub3A_923 : vector<128x2048xf32> to vector<128x2048xbf16>
    %convert_element_type3A_925 = arith.truncf %convert_element_type3A_829 : vector<16x2048xf32> to vector<16x2048xbf16>
    %dot_general3A_926 = arith.constant dense<0.000000e+00> : vector<128x16xf32>
    %dot_general3A_927 = tpu.matmul %convert_element_type3A_921, %convert_element_type3A_925, %dot_general3A_926 {dimension_numbers = #tpu.dot_dimension_numbers<[1], [1], [0], [0], [0, 0, 1, 0], [], []>, transpose_lhs_hint = false} : vector<128x2048xbf16>, vector<16x2048xbf16>, vector<128x16xf32> -> vector<128x16xf32>
    %dot_general3A_928 = arith.constant dense<0.000000e+00> : vector<128x16xf32>
    %dot_general3A_929 = tpu.matmul %convert_element_type3A_924, %convert_element_type3A_925, %dot_general3A_928 {dimension_numbers = #tpu.dot_dimension_numbers<[1], [1], [0], [0], [0, 0, 1, 0], [], []>, transpose_lhs_hint = false} : vector<128x2048xbf16>, vector<16x2048xbf16>, vector<128x16xf32> -> vector<128x16xf32>
    %add3A_930 = arith.addf %dot_general3A_927, %dot_general3A_929 : vector<128x16xf32>
    %add3A_931 = arith.addf %add3A_611, %add3A_930 : vector<128x16xf32>
    %convert_element_type3A_932 = arith.truncf %broadcast_in_dim3A_175 : vector<1x2048xf32> to vector<1x2048xbf16>
    %convert_element_type3A_933 = arith.extf %convert_element_type3A_932 : vector<1x2048xbf16> to vector<1x2048xf32>
    %sub3A_934 = arith.subf %broadcast_in_dim3A_175, %convert_element_type3A_933 : vector<1x2048xf32>
    %convert_element_type3A_935 = arith.truncf %sub3A_934 : vector<1x2048xf32> to vector<1x2048xbf16>
    %convert_element_type3A_936 = arith.truncf %convert_element_type3A_829 : vector<16x2048xf32> to vector<16x2048xbf16>
    %dot_general3A_937 = arith.constant dense<0.000000e+00> : vector<1x16xf32>
    %dot_general3A_938 = tpu.matmul %convert_element_type3A_932, %convert_element_type3A_936, %dot_general3A_937 {dimension_numbers = #tpu.dot_dimension_numbers<[1], [1], [0], [0], [0, 0, 1, 0], [], []>, transpose_lhs_hint = false} : vector<1x2048xbf16>, vector<16x2048xbf16>, vector<1x16xf32> -> vector<1x16xf32>
    %dot_general3A_939 = arith.constant dense<0.000000e+00> : vector<1x16xf32>
    %dot_general3A_940 = tpu.matmul %convert_element_type3A_935, %convert_element_type3A_936, %dot_general3A_939 {dimension_numbers = #tpu.dot_dimension_numbers<[1], [1], [0], [0], [0, 0, 1, 0], [], []>, transpose_lhs_hint = false} : vector<1x2048xbf16>, vector<16x2048xbf16>, vector<1x16xf32> -> vector<1x16xf32>
    %add3A_941 = arith.addf %dot_general3A_938, %dot_general3A_940 : vector<1x16xf32>
    %add3A_942 = arith.addf %add3A_622, %add3A_941 : vector<1x16xf32>
    %slice3A_943 = vector.extract_strided_slice %convert_element_type3A_829 {offsets = [0, 0], sizes = [1, 2048], strides = [1, 1]} : vector<16x2048xf32> to vector<1x2048xf32>
    %gt3A_944 = arith.constant 5.000000e-01 : f32
    %gt3A_945 = vector.broadcast %gt3A_944 : f32 to vector<1x2048xf32>
    %gt3A_946 = arith.cmpf ogt, %slice3A_943, %gt3A_945 : vector<1x2048xf32>
    %jit3A_947 = arith.constant 0xFF800000 : f32
    %broadcast_in_dim3A_948 = vector.shape_cast %gt3A_946 : vector<1x2048xi1> to vector<1x2048xi1>
    %broadcast_in_dim3A_949 = vector.broadcast %broadcast_in_dim3A_948 : vector<1x2048xi1> to vector<128x2048xi1>
    %broadcast_in_dim3A_950 = vector.broadcast %jit3A_947 : f32 to vector<128x2048xf32>
    %select_n3A_951 = arith.select %broadcast_in_dim3A_949, %add3A_908, %broadcast_in_dim3A_950 : vector<128x2048xi1>, vector<128x2048xf32>
    %reduce_max3A_952 = arith.constant dense<0xFF800000> : vector<128xf32>
    %reduce_max3A_953 = vector.multi_reduction <maximumf>, %select_n3A_951, %reduce_max3A_952 [1] : vector<128x2048xf32> to vector<128xf32>
    %broadcast_in_dim3A_954 = vector.shape_cast %reduce_max3A_953 : vector<128xf32> to vector<128x1xf32>
    %slice3A_955 = vector.extract_strided_slice %convert_element_type3A_829 {offsets = [1, 0], sizes = [1, 2048], strides = [1, 1]} : vector<16x2048xf32> to vector<1x2048xf32>
    %gt3A_956 = arith.constant 5.000000e-01 : f32
    %gt3A_957 = vector.broadcast %gt3A_956 : f32 to vector<1x2048xf32>
    %gt3A_958 = arith.cmpf ogt, %slice3A_955, %gt3A_957 : vector<1x2048xf32>
    %jit3A_959 = arith.constant 0xFF800000 : f32
    %broadcast_in_dim3A_960 = vector.shape_cast %gt3A_958 : vector<1x2048xi1> to vector<1x2048xi1>
    %broadcast_in_dim3A_961 = vector.broadcast %broadcast_in_dim3A_960 : vector<1x2048xi1> to vector<128x2048xi1>
    %broadcast_in_dim3A_962 = vector.broadcast %jit3A_959 : f32 to vector<128x2048xf32>
    %select_n3A_963 = arith.select %broadcast_in_dim3A_961, %add3A_908, %broadcast_in_dim3A_962 : vector<128x2048xi1>, vector<128x2048xf32>
    %reduce_max3A_964 = arith.constant dense<0xFF800000> : vector<128xf32>
    %reduce_max3A_965 = vector.multi_reduction <maximumf>, %select_n3A_963, %reduce_max3A_964 [1] : vector<128x2048xf32> to vector<128xf32>
    %broadcast_in_dim3A_966 = vector.shape_cast %reduce_max3A_965 : vector<128xf32> to vector<128x1xf32>
    %slice3A_967 = vector.extract_strided_slice %convert_element_type3A_829 {offsets = [2, 0], sizes = [1, 2048], strides = [1, 1]} : vector<16x2048xf32> to vector<1x2048xf32>
    %gt3A_968 = arith.constant 5.000000e-01 : f32
    %gt3A_969 = vector.broadcast %gt3A_968 : f32 to vector<1x2048xf32>
    %gt3A_970 = arith.cmpf ogt, %slice3A_967, %gt3A_969 : vector<1x2048xf32>
    %jit3A_971 = arith.constant 0xFF800000 : f32
    %broadcast_in_dim3A_972 = vector.shape_cast %gt3A_970 : vector<1x2048xi1> to vector<1x2048xi1>
    %broadcast_in_dim3A_973 = vector.broadcast %broadcast_in_dim3A_972 : vector<1x2048xi1> to vector<128x2048xi1>
    %broadcast_in_dim3A_974 = vector.broadcast %jit3A_971 : f32 to vector<128x2048xf32>
    %select_n3A_975 = arith.select %broadcast_in_dim3A_973, %add3A_908, %broadcast_in_dim3A_974 : vector<128x2048xi1>, vector<128x2048xf32>
    %reduce_max3A_976 = arith.constant dense<0xFF800000> : vector<128xf32>
    %reduce_max3A_977 = vector.multi_reduction <maximumf>, %select_n3A_975, %reduce_max3A_976 [1] : vector<128x2048xf32> to vector<128xf32>
    %broadcast_in_dim3A_978 = vector.shape_cast %reduce_max3A_977 : vector<128xf32> to vector<128x1xf32>
    %slice3A_979 = vector.extract_strided_slice %convert_element_type3A_829 {offsets = [3, 0], sizes = [1, 2048], strides = [1, 1]} : vector<16x2048xf32> to vector<1x2048xf32>
    %gt3A_980 = arith.constant 5.000000e-01 : f32
    %gt3A_981 = vector.broadcast %gt3A_980 : f32 to vector<1x2048xf32>
    %gt3A_982 = arith.cmpf ogt, %slice3A_979, %gt3A_981 : vector<1x2048xf32>
    %jit3A_983 = arith.constant 0xFF800000 : f32
    %broadcast_in_dim3A_984 = vector.shape_cast %gt3A_982 : vector<1x2048xi1> to vector<1x2048xi1>
    %broadcast_in_dim3A_985 = vector.broadcast %broadcast_in_dim3A_984 : vector<1x2048xi1> to vector<128x2048xi1>
    %broadcast_in_dim3A_986 = vector.broadcast %jit3A_983 : f32 to vector<128x2048xf32>
    %select_n3A_987 = arith.select %broadcast_in_dim3A_985, %add3A_908, %broadcast_in_dim3A_986 : vector<128x2048xi1>, vector<128x2048xf32>
    %reduce_max3A_988 = arith.constant dense<0xFF800000> : vector<128xf32>
    %reduce_max3A_989 = vector.multi_reduction <maximumf>, %select_n3A_987, %reduce_max3A_988 [1] : vector<128x2048xf32> to vector<128xf32>
    %broadcast_in_dim3A_990 = vector.shape_cast %reduce_max3A_989 : vector<128xf32> to vector<128x1xf32>
    %slice3A_991 = vector.extract_strided_slice %convert_element_type3A_829 {offsets = [4, 0], sizes = [1, 2048], strides = [1, 1]} : vector<16x2048xf32> to vector<1x2048xf32>
    %gt3A_992 = arith.constant 5.000000e-01 : f32
    %gt3A_993 = vector.broadcast %gt3A_992 : f32 to vector<1x2048xf32>
    %gt3A_994 = arith.cmpf ogt, %slice3A_991, %gt3A_993 : vector<1x2048xf32>
    %jit3A_995 = arith.constant 0xFF800000 : f32
    %broadcast_in_dim3A_996 = vector.shape_cast %gt3A_994 : vector<1x2048xi1> to vector<1x2048xi1>
    %broadcast_in_dim3A_997 = vector.broadcast %broadcast_in_dim3A_996 : vector<1x2048xi1> to vector<128x2048xi1>
    %broadcast_in_dim3A_998 = vector.broadcast %jit3A_995 : f32 to vector<128x2048xf32>
    %select_n3A_999 = arith.select %broadcast_in_dim3A_997, %add3A_908, %broadcast_in_dim3A_998 : vector<128x2048xi1>, vector<128x2048xf32>
    %reduce_max3A_1000 = arith.constant dense<0xFF800000> : vector<128xf32>
    %reduce_max3A_1001 = vector.multi_reduction <maximumf>, %select_n3A_999, %reduce_max3A_1000 [1] : vector<128x2048xf32> to vector<128xf32>
    %broadcast_in_dim3A_1002 = vector.shape_cast %reduce_max3A_1001 : vector<128xf32> to vector<128x1xf32>
    %slice3A_1003 = vector.extract_strided_slice %convert_element_type3A_829 {offsets = [5, 0], sizes = [1, 2048], strides = [1, 1]} : vector<16x2048xf32> to vector<1x2048xf32>
    %gt3A_1004 = arith.constant 5.000000e-01 : f32
    %gt3A_1005 = vector.broadcast %gt3A_1004 : f32 to vector<1x2048xf32>
    %gt3A_1006 = arith.cmpf ogt, %slice3A_1003, %gt3A_1005 : vector<1x2048xf32>
    %jit3A_1007 = arith.constant 0xFF800000 : f32
    %broadcast_in_dim3A_1008 = vector.shape_cast %gt3A_1006 : vector<1x2048xi1> to vector<1x2048xi1>
    %broadcast_in_dim3A_1009 = vector.broadcast %broadcast_in_dim3A_1008 : vector<1x2048xi1> to vector<128x2048xi1>
    %broadcast_in_dim3A_1010 = vector.broadcast %jit3A_1007 : f32 to vector<128x2048xf32>
    %select_n3A_1011 = arith.select %broadcast_in_dim3A_1009, %add3A_908, %broadcast_in_dim3A_1010 : vector<128x2048xi1>, vector<128x2048xf32>
    %reduce_max3A_1012 = arith.constant dense<0xFF800000> : vector<128xf32>
    %reduce_max3A_1013 = vector.multi_reduction <maximumf>, %select_n3A_1011, %reduce_max3A_1012 [1] : vector<128x2048xf32> to vector<128xf32>
    %broadcast_in_dim3A_1014 = vector.shape_cast %reduce_max3A_1013 : vector<128xf32> to vector<128x1xf32>
    %slice3A_1015 = vector.extract_strided_slice %convert_element_type3A_829 {offsets = [6, 0], sizes = [1, 2048], strides = [1, 1]} : vector<16x2048xf32> to vector<1x2048xf32>
    %gt3A_1016 = arith.constant 5.000000e-01 : f32
    %gt3A_1017 = vector.broadcast %gt3A_1016 : f32 to vector<1x2048xf32>
    %gt3A_1018 = arith.cmpf ogt, %slice3A_1015, %gt3A_1017 : vector<1x2048xf32>
    %jit3A_1019 = arith.constant 0xFF800000 : f32
    %broadcast_in_dim3A_1020 = vector.shape_cast %gt3A_1018 : vector<1x2048xi1> to vector<1x2048xi1>
    %broadcast_in_dim3A_1021 = vector.broadcast %broadcast_in_dim3A_1020 : vector<1x2048xi1> to vector<128x2048xi1>
    %broadcast_in_dim3A_1022 = vector.broadcast %jit3A_1019 : f32 to vector<128x2048xf32>
    %select_n3A_1023 = arith.select %broadcast_in_dim3A_1021, %add3A_908, %broadcast_in_dim3A_1022 : vector<128x2048xi1>, vector<128x2048xf32>
    %reduce_max3A_1024 = arith.constant dense<0xFF800000> : vector<128xf32>
    %reduce_max3A_1025 = vector.multi_reduction <maximumf>, %select_n3A_1023, %reduce_max3A_1024 [1] : vector<128x2048xf32> to vector<128xf32>
    %broadcast_in_dim3A_1026 = vector.shape_cast %reduce_max3A_1025 : vector<128xf32> to vector<128x1xf32>
    %slice3A_1027 = vector.extract_strided_slice %convert_element_type3A_829 {offsets = [7, 0], sizes = [1, 2048], strides = [1, 1]} : vector<16x2048xf32> to vector<1x2048xf32>
    %gt3A_1028 = arith.constant 5.000000e-01 : f32
    %gt3A_1029 = vector.broadcast %gt3A_1028 : f32 to vector<1x2048xf32>
    %gt3A_1030 = arith.cmpf ogt, %slice3A_1027, %gt3A_1029 : vector<1x2048xf32>
    %jit3A_1031 = arith.constant 0xFF800000 : f32
    %broadcast_in_dim3A_1032 = vector.shape_cast %gt3A_1030 : vector<1x2048xi1> to vector<1x2048xi1>
    %broadcast_in_dim3A_1033 = vector.broadcast %broadcast_in_dim3A_1032 : vector<1x2048xi1> to vector<128x2048xi1>
    %broadcast_in_dim3A_1034 = vector.broadcast %jit3A_1031 : f32 to vector<128x2048xf32>
    %select_n3A_1035 = arith.select %broadcast_in_dim3A_1033, %add3A_908, %broadcast_in_dim3A_1034 : vector<128x2048xi1>, vector<128x2048xf32>
    %reduce_max3A_1036 = arith.constant dense<0xFF800000> : vector<128xf32>
    %reduce_max3A_1037 = vector.multi_reduction <maximumf>, %select_n3A_1035, %reduce_max3A_1036 [1] : vector<128x2048xf32> to vector<128xf32>
    %broadcast_in_dim3A_1038 = vector.shape_cast %reduce_max3A_1037 : vector<128xf32> to vector<128x1xf32>
    %slice3A_1039 = vector.extract_strided_slice %convert_element_type3A_829 {offsets = [8, 0], sizes = [1, 2048], strides = [1, 1]} : vector<16x2048xf32> to vector<1x2048xf32>
    %gt3A_1040 = arith.constant 5.000000e-01 : f32
    %gt3A_1041 = vector.broadcast %gt3A_1040 : f32 to vector<1x2048xf32>
    %gt3A_1042 = arith.cmpf ogt, %slice3A_1039, %gt3A_1041 : vector<1x2048xf32>
    %jit3A_1043 = arith.constant 0xFF800000 : f32
    %broadcast_in_dim3A_1044 = vector.shape_cast %gt3A_1042 : vector<1x2048xi1> to vector<1x2048xi1>
    %broadcast_in_dim3A_1045 = vector.broadcast %broadcast_in_dim3A_1044 : vector<1x2048xi1> to vector<128x2048xi1>
    %broadcast_in_dim3A_1046 = vector.broadcast %jit3A_1043 : f32 to vector<128x2048xf32>
    %select_n3A_1047 = arith.select %broadcast_in_dim3A_1045, %add3A_908, %broadcast_in_dim3A_1046 : vector<128x2048xi1>, vector<128x2048xf32>
    %reduce_max3A_1048 = arith.constant dense<0xFF800000> : vector<128xf32>
    %reduce_max3A_1049 = vector.multi_reduction <maximumf>, %select_n3A_1047, %reduce_max3A_1048 [1] : vector<128x2048xf32> to vector<128xf32>
    %broadcast_in_dim3A_1050 = vector.shape_cast %reduce_max3A_1049 : vector<128xf32> to vector<128x1xf32>
    %slice3A_1051 = vector.extract_strided_slice %convert_element_type3A_829 {offsets = [9, 0], sizes = [1, 2048], strides = [1, 1]} : vector<16x2048xf32> to vector<1x2048xf32>
    %gt3A_1052 = arith.constant 5.000000e-01 : f32
    %gt3A_1053 = vector.broadcast %gt3A_1052 : f32 to vector<1x2048xf32>
    %gt3A_1054 = arith.cmpf ogt, %slice3A_1051, %gt3A_1053 : vector<1x2048xf32>
    %jit3A_1055 = arith.constant 0xFF800000 : f32
    %broadcast_in_dim3A_1056 = vector.shape_cast %gt3A_1054 : vector<1x2048xi1> to vector<1x2048xi1>
    %broadcast_in_dim3A_1057 = vector.broadcast %broadcast_in_dim3A_1056 : vector<1x2048xi1> to vector<128x2048xi1>
    %broadcast_in_dim3A_1058 = vector.broadcast %jit3A_1055 : f32 to vector<128x2048xf32>
    %select_n3A_1059 = arith.select %broadcast_in_dim3A_1057, %add3A_908, %broadcast_in_dim3A_1058 : vector<128x2048xi1>, vector<128x2048xf32>
    %reduce_max3A_1060 = arith.constant dense<0xFF800000> : vector<128xf32>
    %reduce_max3A_1061 = vector.multi_reduction <maximumf>, %select_n3A_1059, %reduce_max3A_1060 [1] : vector<128x2048xf32> to vector<128xf32>
    %broadcast_in_dim3A_1062 = vector.shape_cast %reduce_max3A_1061 : vector<128xf32> to vector<128x1xf32>
    %slice3A_1063 = vector.extract_strided_slice %convert_element_type3A_829 {offsets = [10, 0], sizes = [1, 2048], strides = [1, 1]} : vector<16x2048xf32> to vector<1x2048xf32>
    %gt3A_1064 = arith.constant 5.000000e-01 : f32
    %gt3A_1065 = vector.broadcast %gt3A_1064 : f32 to vector<1x2048xf32>
    %gt3A_1066 = arith.cmpf ogt, %slice3A_1063, %gt3A_1065 : vector<1x2048xf32>
    %jit3A_1067 = arith.constant 0xFF800000 : f32
    %broadcast_in_dim3A_1068 = vector.shape_cast %gt3A_1066 : vector<1x2048xi1> to vector<1x2048xi1>
    %broadcast_in_dim3A_1069 = vector.broadcast %broadcast_in_dim3A_1068 : vector<1x2048xi1> to vector<128x2048xi1>
    %broadcast_in_dim3A_1070 = vector.broadcast %jit3A_1067 : f32 to vector<128x2048xf32>
    %select_n3A_1071 = arith.select %broadcast_in_dim3A_1069, %add3A_908, %broadcast_in_dim3A_1070 : vector<128x2048xi1>, vector<128x2048xf32>
    %reduce_max3A_1072 = arith.constant dense<0xFF800000> : vector<128xf32>
    %reduce_max3A_1073 = vector.multi_reduction <maximumf>, %select_n3A_1071, %reduce_max3A_1072 [1] : vector<128x2048xf32> to vector<128xf32>
    %broadcast_in_dim3A_1074 = vector.shape_cast %reduce_max3A_1073 : vector<128xf32> to vector<128x1xf32>
    %slice3A_1075 = vector.extract_strided_slice %convert_element_type3A_829 {offsets = [11, 0], sizes = [1, 2048], strides = [1, 1]} : vector<16x2048xf32> to vector<1x2048xf32>
    %gt3A_1076 = arith.constant 5.000000e-01 : f32
    %gt3A_1077 = vector.broadcast %gt3A_1076 : f32 to vector<1x2048xf32>
    %gt3A_1078 = arith.cmpf ogt, %slice3A_1075, %gt3A_1077 : vector<1x2048xf32>
    %jit3A_1079 = arith.constant 0xFF800000 : f32
    %broadcast_in_dim3A_1080 = vector.shape_cast %gt3A_1078 : vector<1x2048xi1> to vector<1x2048xi1>
    %broadcast_in_dim3A_1081 = vector.broadcast %broadcast_in_dim3A_1080 : vector<1x2048xi1> to vector<128x2048xi1>
    %broadcast_in_dim3A_1082 = vector.broadcast %jit3A_1079 : f32 to vector<128x2048xf32>
    %select_n3A_1083 = arith.select %broadcast_in_dim3A_1081, %add3A_908, %broadcast_in_dim3A_1082 : vector<128x2048xi1>, vector<128x2048xf32>
    %reduce_max3A_1084 = arith.constant dense<0xFF800000> : vector<128xf32>
    %reduce_max3A_1085 = vector.multi_reduction <maximumf>, %select_n3A_1083, %reduce_max3A_1084 [1] : vector<128x2048xf32> to vector<128xf32>
    %broadcast_in_dim3A_1086 = vector.shape_cast %reduce_max3A_1085 : vector<128xf32> to vector<128x1xf32>
    %slice3A_1087 = vector.extract_strided_slice %convert_element_type3A_829 {offsets = [12, 0], sizes = [1, 2048], strides = [1, 1]} : vector<16x2048xf32> to vector<1x2048xf32>
    %gt3A_1088 = arith.constant 5.000000e-01 : f32
    %gt3A_1089 = vector.broadcast %gt3A_1088 : f32 to vector<1x2048xf32>
    %gt3A_1090 = arith.cmpf ogt, %slice3A_1087, %gt3A_1089 : vector<1x2048xf32>
    %jit3A_1091 = arith.constant 0xFF800000 : f32
    %broadcast_in_dim3A_1092 = vector.shape_cast %gt3A_1090 : vector<1x2048xi1> to vector<1x2048xi1>
    %broadcast_in_dim3A_1093 = vector.broadcast %broadcast_in_dim3A_1092 : vector<1x2048xi1> to vector<128x2048xi1>
    %broadcast_in_dim3A_1094 = vector.broadcast %jit3A_1091 : f32 to vector<128x2048xf32>
    %select_n3A_1095 = arith.select %broadcast_in_dim3A_1093, %add3A_908, %broadcast_in_dim3A_1094 : vector<128x2048xi1>, vector<128x2048xf32>
    %reduce_max3A_1096 = arith.constant dense<0xFF800000> : vector<128xf32>
    %reduce_max3A_1097 = vector.multi_reduction <maximumf>, %select_n3A_1095, %reduce_max3A_1096 [1] : vector<128x2048xf32> to vector<128xf32>
    %broadcast_in_dim3A_1098 = vector.shape_cast %reduce_max3A_1097 : vector<128xf32> to vector<128x1xf32>
    %slice3A_1099 = vector.extract_strided_slice %convert_element_type3A_829 {offsets = [13, 0], sizes = [1, 2048], strides = [1, 1]} : vector<16x2048xf32> to vector<1x2048xf32>
    %gt3A_1100 = arith.constant 5.000000e-01 : f32
    %gt3A_1101 = vector.broadcast %gt3A_1100 : f32 to vector<1x2048xf32>
    %gt3A_1102 = arith.cmpf ogt, %slice3A_1099, %gt3A_1101 : vector<1x2048xf32>
    %jit3A_1103 = arith.constant 0xFF800000 : f32
    %broadcast_in_dim3A_1104 = vector.shape_cast %gt3A_1102 : vector<1x2048xi1> to vector<1x2048xi1>
    %broadcast_in_dim3A_1105 = vector.broadcast %broadcast_in_dim3A_1104 : vector<1x2048xi1> to vector<128x2048xi1>
    %broadcast_in_dim3A_1106 = vector.broadcast %jit3A_1103 : f32 to vector<128x2048xf32>
    %select_n3A_1107 = arith.select %broadcast_in_dim3A_1105, %add3A_908, %broadcast_in_dim3A_1106 : vector<128x2048xi1>, vector<128x2048xf32>
    %reduce_max3A_1108 = arith.constant dense<0xFF800000> : vector<128xf32>
    %reduce_max3A_1109 = vector.multi_reduction <maximumf>, %select_n3A_1107, %reduce_max3A_1108 [1] : vector<128x2048xf32> to vector<128xf32>
    %broadcast_in_dim3A_1110 = vector.shape_cast %reduce_max3A_1109 : vector<128xf32> to vector<128x1xf32>
    %slice3A_1111 = vector.extract_strided_slice %convert_element_type3A_829 {offsets = [14, 0], sizes = [1, 2048], strides = [1, 1]} : vector<16x2048xf32> to vector<1x2048xf32>
    %gt3A_1112 = arith.constant 5.000000e-01 : f32
    %gt3A_1113 = vector.broadcast %gt3A_1112 : f32 to vector<1x2048xf32>
    %gt3A_1114 = arith.cmpf ogt, %slice3A_1111, %gt3A_1113 : vector<1x2048xf32>
    %jit3A_1115 = arith.constant 0xFF800000 : f32
    %broadcast_in_dim3A_1116 = vector.shape_cast %gt3A_1114 : vector<1x2048xi1> to vector<1x2048xi1>
    %broadcast_in_dim3A_1117 = vector.broadcast %broadcast_in_dim3A_1116 : vector<1x2048xi1> to vector<128x2048xi1>
    %broadcast_in_dim3A_1118 = vector.broadcast %jit3A_1115 : f32 to vector<128x2048xf32>
    %select_n3A_1119 = arith.select %broadcast_in_dim3A_1117, %add3A_908, %broadcast_in_dim3A_1118 : vector<128x2048xi1>, vector<128x2048xf32>
    %reduce_max3A_1120 = arith.constant dense<0xFF800000> : vector<128xf32>
    %reduce_max3A_1121 = vector.multi_reduction <maximumf>, %select_n3A_1119, %reduce_max3A_1120 [1] : vector<128x2048xf32> to vector<128xf32>
    %broadcast_in_dim3A_1122 = vector.shape_cast %reduce_max3A_1121 : vector<128xf32> to vector<128x1xf32>
    %slice3A_1123 = vector.extract_strided_slice %convert_element_type3A_829 {offsets = [15, 0], sizes = [1, 2048], strides = [1, 1]} : vector<16x2048xf32> to vector<1x2048xf32>
    %gt3A_1124 = arith.constant 5.000000e-01 : f32
    %gt3A_1125 = vector.broadcast %gt3A_1124 : f32 to vector<1x2048xf32>
    %gt3A_1126 = arith.cmpf ogt, %slice3A_1123, %gt3A_1125 : vector<1x2048xf32>
    %jit3A_1127 = arith.constant 0xFF800000 : f32
    %broadcast_in_dim3A_1128 = vector.shape_cast %gt3A_1126 : vector<1x2048xi1> to vector<1x2048xi1>
    %broadcast_in_dim3A_1129 = vector.broadcast %broadcast_in_dim3A_1128 : vector<1x2048xi1> to vector<128x2048xi1>
    %broadcast_in_dim3A_1130 = vector.broadcast %jit3A_1127 : f32 to vector<128x2048xf32>
    %select_n3A_1131 = arith.select %broadcast_in_dim3A_1129, %add3A_908, %broadcast_in_dim3A_1130 : vector<128x2048xi1>, vector<128x2048xf32>
    %reduce_max3A_1132 = arith.constant dense<0xFF800000> : vector<128xf32>
    %reduce_max3A_1133 = vector.multi_reduction <maximumf>, %select_n3A_1131, %reduce_max3A_1132 [1] : vector<128x2048xf32> to vector<128xf32>
    %broadcast_in_dim3A_1134 = vector.shape_cast %reduce_max3A_1133 : vector<128xf32> to vector<128x1xf32>
    %concatenate3A_1135 = tpu.concatenate %broadcast_in_dim3A_954, %broadcast_in_dim3A_966, %broadcast_in_dim3A_978, %broadcast_in_dim3A_990, %broadcast_in_dim3A_1002, %broadcast_in_dim3A_1014, %broadcast_in_dim3A_1026, %broadcast_in_dim3A_1038, %broadcast_in_dim3A_1050, %broadcast_in_dim3A_1062, %broadcast_in_dim3A_1074, %broadcast_in_dim3A_1086, %broadcast_in_dim3A_1098, %broadcast_in_dim3A_1110, %broadcast_in_dim3A_1122, %broadcast_in_dim3A_1134 in 1 : vector<128x1xf32>, vector<128x1xf32>, vector<128x1xf32>, vector<128x1xf32>, vector<128x1xf32>, vector<128x1xf32>, vector<128x1xf32>, vector<128x1xf32>, vector<128x1xf32>, vector<128x1xf32>, vector<128x1xf32>, vector<128x1xf32>, vector<128x1xf32>, vector<128x1xf32>, vector<128x1xf32>, vector<128x1xf32> -> vector<128x16xf32>
    %get3A_1136 = arith.constant 0 : index
    %get3A_1137 = arith.constant 0 : index
    %get3A_1138 = vector.load %arg8[%get3A_1136, %get3A_1137] : memref<2048x64xf32, #tpu.memory_space<vmem>>, vector<2048x64xf32>
    %slice3A_1139 = vector.extract_strided_slice %max3A_117 {offsets = [0, 6144], sizes = [64, 2048], strides = [1, 1]} : vector<64x16384xf32> to vector<64x2048xf32>
    %convert_element_type3A_1140 = arith.truncf %get3A_1138 : vector<2048x64xf32> to vector<2048x64xbf16>
    %convert_element_type3A_1141 = arith.truncf %slice3A_1139 : vector<64x2048xf32> to vector<64x2048xbf16>
    %dot_general3A_1142 = arith.constant dense<0.000000e+00> : vector<2048x2048xf32>
    %dot_general3A_1143 = tpu.matmul %convert_element_type3A_1140, %convert_element_type3A_1141, %dot_general3A_1142 {dimension_numbers = #tpu.dot_dimension_numbers<[1], [0], [0], [1], [0, 0, 1, 1], [], []>, transpose_lhs_hint = false} : vector<2048x64xbf16>, vector<64x2048xbf16>, vector<2048x2048xf32> -> vector<2048x2048xf32>
    %slice3A_1144 = vector.extract_strided_slice %get3A_1 {offsets = [5, 6144], sizes = [1, 2048], strides = [1, 1]} : vector<8x16384xf32> to vector<1x2048xf32>
    %broadcast_in_dim3A_1145 = vector.shape_cast %slice3A_1144 : vector<1x2048xf32> to vector<1x2048xf32>
    %broadcast_in_dim3A_1146 = vector.broadcast %broadcast_in_dim3A_1145 : vector<1x2048xf32> to vector<16x2048xf32>
    %eq3A_1147 = arith.cmpf oeq, %broadcast_in_dim3A_1146, %convert_element_type3A_177 : vector<16x2048xf32>
    %convert_element_type3A_1148 = arith.extui %eq3A_1147 : vector<16x2048xi1> to vector<16x2048xi32>
    %convert_element_type3A_1149 = arith.sitofp %convert_element_type3A_1148 : vector<16x2048xi32> to vector<16x2048xf32>
    %slice3A_1150 = vector.extract_strided_slice %dot_general3A_1143 {offsets = [0, 0], sizes = [128, 2048], strides = [1, 1]} : vector<2048x2048xf32> to vector<128x2048xf32>
    %slice3A_1151 = vector.extract_strided_slice %convert_element_type3A_1149 {offsets = [0, 0], sizes = [1, 2048], strides = [1, 1]} : vector<16x2048xf32> to vector<1x2048xf32>
    %mul3A_1152 = vector.broadcast %slice3A_1151 : vector<1x2048xf32> to vector<128x2048xf32>
    %mul3A_1153 = arith.mulf %slice3A_1150, %mul3A_1152 : vector<128x2048xf32>
    %slice3A_1154 = vector.extract_strided_slice %dot_general3A_1143 {offsets = [128, 0], sizes = [128, 2048], strides = [1, 1]} : vector<2048x2048xf32> to vector<128x2048xf32>
    %slice3A_1155 = vector.extract_strided_slice %convert_element_type3A_1149 {offsets = [1, 0], sizes = [1, 2048], strides = [1, 1]} : vector<16x2048xf32> to vector<1x2048xf32>
    %mul3A_1156 = vector.broadcast %slice3A_1155 : vector<1x2048xf32> to vector<128x2048xf32>
    %mul3A_1157 = arith.mulf %slice3A_1154, %mul3A_1156 : vector<128x2048xf32>
    %add3A_1158 = arith.addf %mul3A_1153, %mul3A_1157 : vector<128x2048xf32>
    %slice3A_1159 = vector.extract_strided_slice %dot_general3A_1143 {offsets = [256, 0], sizes = [128, 2048], strides = [1, 1]} : vector<2048x2048xf32> to vector<128x2048xf32>
    %slice3A_1160 = vector.extract_strided_slice %convert_element_type3A_1149 {offsets = [2, 0], sizes = [1, 2048], strides = [1, 1]} : vector<16x2048xf32> to vector<1x2048xf32>
    %mul3A_1161 = vector.broadcast %slice3A_1160 : vector<1x2048xf32> to vector<128x2048xf32>
    %mul3A_1162 = arith.mulf %slice3A_1159, %mul3A_1161 : vector<128x2048xf32>
    %add3A_1163 = arith.addf %add3A_1158, %mul3A_1162 : vector<128x2048xf32>
    %slice3A_1164 = vector.extract_strided_slice %dot_general3A_1143 {offsets = [384, 0], sizes = [128, 2048], strides = [1, 1]} : vector<2048x2048xf32> to vector<128x2048xf32>
    %slice3A_1165 = vector.extract_strided_slice %convert_element_type3A_1149 {offsets = [3, 0], sizes = [1, 2048], strides = [1, 1]} : vector<16x2048xf32> to vector<1x2048xf32>
    %mul3A_1166 = vector.broadcast %slice3A_1165 : vector<1x2048xf32> to vector<128x2048xf32>
    %mul3A_1167 = arith.mulf %slice3A_1164, %mul3A_1166 : vector<128x2048xf32>
    %add3A_1168 = arith.addf %add3A_1163, %mul3A_1167 : vector<128x2048xf32>
    %slice3A_1169 = vector.extract_strided_slice %dot_general3A_1143 {offsets = [512, 0], sizes = [128, 2048], strides = [1, 1]} : vector<2048x2048xf32> to vector<128x2048xf32>
    %slice3A_1170 = vector.extract_strided_slice %convert_element_type3A_1149 {offsets = [4, 0], sizes = [1, 2048], strides = [1, 1]} : vector<16x2048xf32> to vector<1x2048xf32>
    %mul3A_1171 = vector.broadcast %slice3A_1170 : vector<1x2048xf32> to vector<128x2048xf32>
    %mul3A_1172 = arith.mulf %slice3A_1169, %mul3A_1171 : vector<128x2048xf32>
    %add3A_1173 = arith.addf %add3A_1168, %mul3A_1172 : vector<128x2048xf32>
    %slice3A_1174 = vector.extract_strided_slice %dot_general3A_1143 {offsets = [640, 0], sizes = [128, 2048], strides = [1, 1]} : vector<2048x2048xf32> to vector<128x2048xf32>
    %slice3A_1175 = vector.extract_strided_slice %convert_element_type3A_1149 {offsets = [5, 0], sizes = [1, 2048], strides = [1, 1]} : vector<16x2048xf32> to vector<1x2048xf32>
    %mul3A_1176 = vector.broadcast %slice3A_1175 : vector<1x2048xf32> to vector<128x2048xf32>
    %mul3A_1177 = arith.mulf %slice3A_1174, %mul3A_1176 : vector<128x2048xf32>
    %add3A_1178 = arith.addf %add3A_1173, %mul3A_1177 : vector<128x2048xf32>
    %slice3A_1179 = vector.extract_strided_slice %dot_general3A_1143 {offsets = [768, 0], sizes = [128, 2048], strides = [1, 1]} : vector<2048x2048xf32> to vector<128x2048xf32>
    %slice3A_1180 = vector.extract_strided_slice %convert_element_type3A_1149 {offsets = [6, 0], sizes = [1, 2048], strides = [1, 1]} : vector<16x2048xf32> to vector<1x2048xf32>
    %mul3A_1181 = vector.broadcast %slice3A_1180 : vector<1x2048xf32> to vector<128x2048xf32>
    %mul3A_1182 = arith.mulf %slice3A_1179, %mul3A_1181 : vector<128x2048xf32>
    %add3A_1183 = arith.addf %add3A_1178, %mul3A_1182 : vector<128x2048xf32>
    %slice3A_1184 = vector.extract_strided_slice %dot_general3A_1143 {offsets = [896, 0], sizes = [128, 2048], strides = [1, 1]} : vector<2048x2048xf32> to vector<128x2048xf32>
    %slice3A_1185 = vector.extract_strided_slice %convert_element_type3A_1149 {offsets = [7, 0], sizes = [1, 2048], strides = [1, 1]} : vector<16x2048xf32> to vector<1x2048xf32>
    %mul3A_1186 = vector.broadcast %slice3A_1185 : vector<1x2048xf32> to vector<128x2048xf32>
    %mul3A_1187 = arith.mulf %slice3A_1184, %mul3A_1186 : vector<128x2048xf32>
    %add3A_1188 = arith.addf %add3A_1183, %mul3A_1187 : vector<128x2048xf32>
    %slice3A_1189 = vector.extract_strided_slice %dot_general3A_1143 {offsets = [1024, 0], sizes = [128, 2048], strides = [1, 1]} : vector<2048x2048xf32> to vector<128x2048xf32>
    %slice3A_1190 = vector.extract_strided_slice %convert_element_type3A_1149 {offsets = [8, 0], sizes = [1, 2048], strides = [1, 1]} : vector<16x2048xf32> to vector<1x2048xf32>
    %mul3A_1191 = vector.broadcast %slice3A_1190 : vector<1x2048xf32> to vector<128x2048xf32>
    %mul3A_1192 = arith.mulf %slice3A_1189, %mul3A_1191 : vector<128x2048xf32>
    %add3A_1193 = arith.addf %add3A_1188, %mul3A_1192 : vector<128x2048xf32>
    %slice3A_1194 = vector.extract_strided_slice %dot_general3A_1143 {offsets = [1152, 0], sizes = [128, 2048], strides = [1, 1]} : vector<2048x2048xf32> to vector<128x2048xf32>
    %slice3A_1195 = vector.extract_strided_slice %convert_element_type3A_1149 {offsets = [9, 0], sizes = [1, 2048], strides = [1, 1]} : vector<16x2048xf32> to vector<1x2048xf32>
    %mul3A_1196 = vector.broadcast %slice3A_1195 : vector<1x2048xf32> to vector<128x2048xf32>
    %mul3A_1197 = arith.mulf %slice3A_1194, %mul3A_1196 : vector<128x2048xf32>
    %add3A_1198 = arith.addf %add3A_1193, %mul3A_1197 : vector<128x2048xf32>
    %slice3A_1199 = vector.extract_strided_slice %dot_general3A_1143 {offsets = [1280, 0], sizes = [128, 2048], strides = [1, 1]} : vector<2048x2048xf32> to vector<128x2048xf32>
    %slice3A_1200 = vector.extract_strided_slice %convert_element_type3A_1149 {offsets = [10, 0], sizes = [1, 2048], strides = [1, 1]} : vector<16x2048xf32> to vector<1x2048xf32>
    %mul3A_1201 = vector.broadcast %slice3A_1200 : vector<1x2048xf32> to vector<128x2048xf32>
    %mul3A_1202 = arith.mulf %slice3A_1199, %mul3A_1201 : vector<128x2048xf32>
    %add3A_1203 = arith.addf %add3A_1198, %mul3A_1202 : vector<128x2048xf32>
    %slice3A_1204 = vector.extract_strided_slice %dot_general3A_1143 {offsets = [1408, 0], sizes = [128, 2048], strides = [1, 1]} : vector<2048x2048xf32> to vector<128x2048xf32>
    %slice3A_1205 = vector.extract_strided_slice %convert_element_type3A_1149 {offsets = [11, 0], sizes = [1, 2048], strides = [1, 1]} : vector<16x2048xf32> to vector<1x2048xf32>
    %mul3A_1206 = vector.broadcast %slice3A_1205 : vector<1x2048xf32> to vector<128x2048xf32>
    %mul3A_1207 = arith.mulf %slice3A_1204, %mul3A_1206 : vector<128x2048xf32>
    %add3A_1208 = arith.addf %add3A_1203, %mul3A_1207 : vector<128x2048xf32>
    %slice3A_1209 = vector.extract_strided_slice %dot_general3A_1143 {offsets = [1536, 0], sizes = [128, 2048], strides = [1, 1]} : vector<2048x2048xf32> to vector<128x2048xf32>
    %slice3A_1210 = vector.extract_strided_slice %convert_element_type3A_1149 {offsets = [12, 0], sizes = [1, 2048], strides = [1, 1]} : vector<16x2048xf32> to vector<1x2048xf32>
    %mul3A_1211 = vector.broadcast %slice3A_1210 : vector<1x2048xf32> to vector<128x2048xf32>
    %mul3A_1212 = arith.mulf %slice3A_1209, %mul3A_1211 : vector<128x2048xf32>
    %add3A_1213 = arith.addf %add3A_1208, %mul3A_1212 : vector<128x2048xf32>
    %slice3A_1214 = vector.extract_strided_slice %dot_general3A_1143 {offsets = [1664, 0], sizes = [128, 2048], strides = [1, 1]} : vector<2048x2048xf32> to vector<128x2048xf32>
    %slice3A_1215 = vector.extract_strided_slice %convert_element_type3A_1149 {offsets = [13, 0], sizes = [1, 2048], strides = [1, 1]} : vector<16x2048xf32> to vector<1x2048xf32>
    %mul3A_1216 = vector.broadcast %slice3A_1215 : vector<1x2048xf32> to vector<128x2048xf32>
    %mul3A_1217 = arith.mulf %slice3A_1214, %mul3A_1216 : vector<128x2048xf32>
    %add3A_1218 = arith.addf %add3A_1213, %mul3A_1217 : vector<128x2048xf32>
    %slice3A_1219 = vector.extract_strided_slice %dot_general3A_1143 {offsets = [1792, 0], sizes = [128, 2048], strides = [1, 1]} : vector<2048x2048xf32> to vector<128x2048xf32>
    %slice3A_1220 = vector.extract_strided_slice %convert_element_type3A_1149 {offsets = [14, 0], sizes = [1, 2048], strides = [1, 1]} : vector<16x2048xf32> to vector<1x2048xf32>
    %mul3A_1221 = vector.broadcast %slice3A_1220 : vector<1x2048xf32> to vector<128x2048xf32>
    %mul3A_1222 = arith.mulf %slice3A_1219, %mul3A_1221 : vector<128x2048xf32>
    %add3A_1223 = arith.addf %add3A_1218, %mul3A_1222 : vector<128x2048xf32>
    %slice3A_1224 = vector.extract_strided_slice %dot_general3A_1143 {offsets = [1920, 0], sizes = [128, 2048], strides = [1, 1]} : vector<2048x2048xf32> to vector<128x2048xf32>
    %slice3A_1225 = vector.extract_strided_slice %convert_element_type3A_1149 {offsets = [15, 0], sizes = [1, 2048], strides = [1, 1]} : vector<16x2048xf32> to vector<1x2048xf32>
    %mul3A_1226 = vector.broadcast %slice3A_1225 : vector<1x2048xf32> to vector<128x2048xf32>
    %mul3A_1227 = arith.mulf %slice3A_1224, %mul3A_1226 : vector<128x2048xf32>
    %add3A_1228 = arith.addf %add3A_1223, %mul3A_1227 : vector<128x2048xf32>
    %convert_element_type3A_1229 = arith.truncf %add3A_1228 : vector<128x2048xf32> to vector<128x2048xbf16>
    %convert_element_type3A_1230 = arith.extf %convert_element_type3A_1229 : vector<128x2048xbf16> to vector<128x2048xf32>
    %sub3A_1231 = arith.subf %add3A_1228, %convert_element_type3A_1230 : vector<128x2048xf32>
    %convert_element_type3A_1232 = arith.truncf %sub3A_1231 : vector<128x2048xf32> to vector<128x2048xbf16>
    %convert_element_type3A_1233 = arith.truncf %convert_element_type3A_1149 : vector<16x2048xf32> to vector<16x2048xbf16>
    %dot_general3A_1234 = arith.constant dense<0.000000e+00> : vector<128x16xf32>
    %dot_general3A_1235 = tpu.matmul %convert_element_type3A_1229, %convert_element_type3A_1233, %dot_general3A_1234 {dimension_numbers = #tpu.dot_dimension_numbers<[1], [1], [0], [0], [0, 0, 1, 0], [], []>, transpose_lhs_hint = false} : vector<128x2048xbf16>, vector<16x2048xbf16>, vector<128x16xf32> -> vector<128x16xf32>
    %dot_general3A_1236 = arith.constant dense<0.000000e+00> : vector<128x16xf32>
    %dot_general3A_1237 = tpu.matmul %convert_element_type3A_1232, %convert_element_type3A_1233, %dot_general3A_1236 {dimension_numbers = #tpu.dot_dimension_numbers<[1], [1], [0], [0], [0, 0, 1, 0], [], []>, transpose_lhs_hint = false} : vector<128x2048xbf16>, vector<16x2048xbf16>, vector<128x16xf32> -> vector<128x16xf32>
    %add3A_1238 = arith.addf %dot_general3A_1235, %dot_general3A_1237 : vector<128x16xf32>
    %add3A_1239 = arith.addf %add3A_919, %add3A_1238 : vector<128x16xf32>
    %mul3A_1240 = arith.mulf %add3A_1228, %add3A_1228 : vector<128x2048xf32>
    %convert_element_type3A_1241 = arith.truncf %mul3A_1240 : vector<128x2048xf32> to vector<128x2048xbf16>
    %convert_element_type3A_1242 = arith.extf %convert_element_type3A_1241 : vector<128x2048xbf16> to vector<128x2048xf32>
    %sub3A_1243 = arith.subf %mul3A_1240, %convert_element_type3A_1242 : vector<128x2048xf32>
    %convert_element_type3A_1244 = arith.truncf %sub3A_1243 : vector<128x2048xf32> to vector<128x2048xbf16>
    %convert_element_type3A_1245 = arith.truncf %convert_element_type3A_1149 : vector<16x2048xf32> to vector<16x2048xbf16>
    %dot_general3A_1246 = arith.constant dense<0.000000e+00> : vector<128x16xf32>
    %dot_general3A_1247 = tpu.matmul %convert_element_type3A_1241, %convert_element_type3A_1245, %dot_general3A_1246 {dimension_numbers = #tpu.dot_dimension_numbers<[1], [1], [0], [0], [0, 0, 1, 0], [], []>, transpose_lhs_hint = false} : vector<128x2048xbf16>, vector<16x2048xbf16>, vector<128x16xf32> -> vector<128x16xf32>
    %dot_general3A_1248 = arith.constant dense<0.000000e+00> : vector<128x16xf32>
    %dot_general3A_1249 = tpu.matmul %convert_element_type3A_1244, %convert_element_type3A_1245, %dot_general3A_1248 {dimension_numbers = #tpu.dot_dimension_numbers<[1], [1], [0], [0], [0, 0, 1, 0], [], []>, transpose_lhs_hint = false} : vector<128x2048xbf16>, vector<16x2048xbf16>, vector<128x16xf32> -> vector<128x16xf32>
    %add3A_1250 = arith.addf %dot_general3A_1247, %dot_general3A_1249 : vector<128x16xf32>
    %add3A_1251 = arith.addf %add3A_931, %add3A_1250 : vector<128x16xf32>
    %convert_element_type3A_1252 = arith.truncf %broadcast_in_dim3A_175 : vector<1x2048xf32> to vector<1x2048xbf16>
    %convert_element_type3A_1253 = arith.extf %convert_element_type3A_1252 : vector<1x2048xbf16> to vector<1x2048xf32>
    %sub3A_1254 = arith.subf %broadcast_in_dim3A_175, %convert_element_type3A_1253 : vector<1x2048xf32>
    %convert_element_type3A_1255 = arith.truncf %sub3A_1254 : vector<1x2048xf32> to vector<1x2048xbf16>
    %convert_element_type3A_1256 = arith.truncf %convert_element_type3A_1149 : vector<16x2048xf32> to vector<16x2048xbf16>
    %dot_general3A_1257 = arith.constant dense<0.000000e+00> : vector<1x16xf32>
    %dot_general3A_1258 = tpu.matmul %convert_element_type3A_1252, %convert_element_type3A_1256, %dot_general3A_1257 {dimension_numbers = #tpu.dot_dimension_numbers<[1], [1], [0], [0], [0, 0, 1, 0], [], []>, transpose_lhs_hint = false} : vector<1x2048xbf16>, vector<16x2048xbf16>, vector<1x16xf32> -> vector<1x16xf32>
    %dot_general3A_1259 = arith.constant dense<0.000000e+00> : vector<1x16xf32>
    %dot_general3A_1260 = tpu.matmul %convert_element_type3A_1255, %convert_element_type3A_1256, %dot_general3A_1259 {dimension_numbers = #tpu.dot_dimension_numbers<[1], [1], [0], [0], [0, 0, 1, 0], [], []>, transpose_lhs_hint = false} : vector<1x2048xbf16>, vector<16x2048xbf16>, vector<1x16xf32> -> vector<1x16xf32>
    %add3A_1261 = arith.addf %dot_general3A_1258, %dot_general3A_1260 : vector<1x16xf32>
    %add3A_1262 = arith.addf %add3A_942, %add3A_1261 : vector<1x16xf32>
    %slice3A_1263 = vector.extract_strided_slice %convert_element_type3A_1149 {offsets = [0, 0], sizes = [1, 2048], strides = [1, 1]} : vector<16x2048xf32> to vector<1x2048xf32>
    %gt3A_1264 = arith.constant 5.000000e-01 : f32
    %gt3A_1265 = vector.broadcast %gt3A_1264 : f32 to vector<1x2048xf32>
    %gt3A_1266 = arith.cmpf ogt, %slice3A_1263, %gt3A_1265 : vector<1x2048xf32>
    %jit3A_1267 = arith.constant 0xFF800000 : f32
    %broadcast_in_dim3A_1268 = vector.shape_cast %gt3A_1266 : vector<1x2048xi1> to vector<1x2048xi1>
    %broadcast_in_dim3A_1269 = vector.broadcast %broadcast_in_dim3A_1268 : vector<1x2048xi1> to vector<128x2048xi1>
    %broadcast_in_dim3A_1270 = vector.broadcast %jit3A_1267 : f32 to vector<128x2048xf32>
    %select_n3A_1271 = arith.select %broadcast_in_dim3A_1269, %add3A_1228, %broadcast_in_dim3A_1270 : vector<128x2048xi1>, vector<128x2048xf32>
    %reduce_max3A_1272 = arith.constant dense<0xFF800000> : vector<128xf32>
    %reduce_max3A_1273 = vector.multi_reduction <maximumf>, %select_n3A_1271, %reduce_max3A_1272 [1] : vector<128x2048xf32> to vector<128xf32>
    %broadcast_in_dim3A_1274 = vector.shape_cast %reduce_max3A_1273 : vector<128xf32> to vector<128x1xf32>
    %slice3A_1275 = vector.extract_strided_slice %convert_element_type3A_1149 {offsets = [1, 0], sizes = [1, 2048], strides = [1, 1]} : vector<16x2048xf32> to vector<1x2048xf32>
    %gt3A_1276 = arith.constant 5.000000e-01 : f32
    %gt3A_1277 = vector.broadcast %gt3A_1276 : f32 to vector<1x2048xf32>
    %gt3A_1278 = arith.cmpf ogt, %slice3A_1275, %gt3A_1277 : vector<1x2048xf32>
    %jit3A_1279 = arith.constant 0xFF800000 : f32
    %broadcast_in_dim3A_1280 = vector.shape_cast %gt3A_1278 : vector<1x2048xi1> to vector<1x2048xi1>
    %broadcast_in_dim3A_1281 = vector.broadcast %broadcast_in_dim3A_1280 : vector<1x2048xi1> to vector<128x2048xi1>
    %broadcast_in_dim3A_1282 = vector.broadcast %jit3A_1279 : f32 to vector<128x2048xf32>
    %select_n3A_1283 = arith.select %broadcast_in_dim3A_1281, %add3A_1228, %broadcast_in_dim3A_1282 : vector<128x2048xi1>, vector<128x2048xf32>
    %reduce_max3A_1284 = arith.constant dense<0xFF800000> : vector<128xf32>
    %reduce_max3A_1285 = vector.multi_reduction <maximumf>, %select_n3A_1283, %reduce_max3A_1284 [1] : vector<128x2048xf32> to vector<128xf32>
    %broadcast_in_dim3A_1286 = vector.shape_cast %reduce_max3A_1285 : vector<128xf32> to vector<128x1xf32>
    %slice3A_1287 = vector.extract_strided_slice %convert_element_type3A_1149 {offsets = [2, 0], sizes = [1, 2048], strides = [1, 1]} : vector<16x2048xf32> to vector<1x2048xf32>
    %gt3A_1288 = arith.constant 5.000000e-01 : f32
    %gt3A_1289 = vector.broadcast %gt3A_1288 : f32 to vector<1x2048xf32>
    %gt3A_1290 = arith.cmpf ogt, %slice3A_1287, %gt3A_1289 : vector<1x2048xf32>
    %jit3A_1291 = arith.constant 0xFF800000 : f32
    %broadcast_in_dim3A_1292 = vector.shape_cast %gt3A_1290 : vector<1x2048xi1> to vector<1x2048xi1>
    %broadcast_in_dim3A_1293 = vector.broadcast %broadcast_in_dim3A_1292 : vector<1x2048xi1> to vector<128x2048xi1>
    %broadcast_in_dim3A_1294 = vector.broadcast %jit3A_1291 : f32 to vector<128x2048xf32>
    %select_n3A_1295 = arith.select %broadcast_in_dim3A_1293, %add3A_1228, %broadcast_in_dim3A_1294 : vector<128x2048xi1>, vector<128x2048xf32>
    %reduce_max3A_1296 = arith.constant dense<0xFF800000> : vector<128xf32>
    %reduce_max3A_1297 = vector.multi_reduction <maximumf>, %select_n3A_1295, %reduce_max3A_1296 [1] : vector<128x2048xf32> to vector<128xf32>
    %broadcast_in_dim3A_1298 = vector.shape_cast %reduce_max3A_1297 : vector<128xf32> to vector<128x1xf32>
    %slice3A_1299 = vector.extract_strided_slice %convert_element_type3A_1149 {offsets = [3, 0], sizes = [1, 2048], strides = [1, 1]} : vector<16x2048xf32> to vector<1x2048xf32>
    %gt3A_1300 = arith.constant 5.000000e-01 : f32
    %gt3A_1301 = vector.broadcast %gt3A_1300 : f32 to vector<1x2048xf32>
    %gt3A_1302 = arith.cmpf ogt, %slice3A_1299, %gt3A_1301 : vector<1x2048xf32>
    %jit3A_1303 = arith.constant 0xFF800000 : f32
    %broadcast_in_dim3A_1304 = vector.shape_cast %gt3A_1302 : vector<1x2048xi1> to vector<1x2048xi1>
    %broadcast_in_dim3A_1305 = vector.broadcast %broadcast_in_dim3A_1304 : vector<1x2048xi1> to vector<128x2048xi1>
    %broadcast_in_dim3A_1306 = vector.broadcast %jit3A_1303 : f32 to vector<128x2048xf32>
    %select_n3A_1307 = arith.select %broadcast_in_dim3A_1305, %add3A_1228, %broadcast_in_dim3A_1306 : vector<128x2048xi1>, vector<128x2048xf32>
    %reduce_max3A_1308 = arith.constant dense<0xFF800000> : vector<128xf32>
    %reduce_max3A_1309 = vector.multi_reduction <maximumf>, %select_n3A_1307, %reduce_max3A_1308 [1] : vector<128x2048xf32> to vector<128xf32>
    %broadcast_in_dim3A_1310 = vector.shape_cast %reduce_max3A_1309 : vector<128xf32> to vector<128x1xf32>
    %slice3A_1311 = vector.extract_strided_slice %convert_element_type3A_1149 {offsets = [4, 0], sizes = [1, 2048], strides = [1, 1]} : vector<16x2048xf32> to vector<1x2048xf32>
    %gt3A_1312 = arith.constant 5.000000e-01 : f32
    %gt3A_1313 = vector.broadcast %gt3A_1312 : f32 to vector<1x2048xf32>
    %gt3A_1314 = arith.cmpf ogt, %slice3A_1311, %gt3A_1313 : vector<1x2048xf32>
    %jit3A_1315 = arith.constant 0xFF800000 : f32
    %broadcast_in_dim3A_1316 = vector.shape_cast %gt3A_1314 : vector<1x2048xi1> to vector<1x2048xi1>
    %broadcast_in_dim3A_1317 = vector.broadcast %broadcast_in_dim3A_1316 : vector<1x2048xi1> to vector<128x2048xi1>
    %broadcast_in_dim3A_1318 = vector.broadcast %jit3A_1315 : f32 to vector<128x2048xf32>
    %select_n3A_1319 = arith.select %broadcast_in_dim3A_1317, %add3A_1228, %broadcast_in_dim3A_1318 : vector<128x2048xi1>, vector<128x2048xf32>
    %reduce_max3A_1320 = arith.constant dense<0xFF800000> : vector<128xf32>
    %reduce_max3A_1321 = vector.multi_reduction <maximumf>, %select_n3A_1319, %reduce_max3A_1320 [1] : vector<128x2048xf32> to vector<128xf32>
    %broadcast_in_dim3A_1322 = vector.shape_cast %reduce_max3A_1321 : vector<128xf32> to vector<128x1xf32>
    %slice3A_1323 = vector.extract_strided_slice %convert_element_type3A_1149 {offsets = [5, 0], sizes = [1, 2048], strides = [1, 1]} : vector<16x2048xf32> to vector<1x2048xf32>
    %gt3A_1324 = arith.constant 5.000000e-01 : f32
    %gt3A_1325 = vector.broadcast %gt3A_1324 : f32 to vector<1x2048xf32>
    %gt3A_1326 = arith.cmpf ogt, %slice3A_1323, %gt3A_1325 : vector<1x2048xf32>
    %jit3A_1327 = arith.constant 0xFF800000 : f32
    %broadcast_in_dim3A_1328 = vector.shape_cast %gt3A_1326 : vector<1x2048xi1> to vector<1x2048xi1>
    %broadcast_in_dim3A_1329 = vector.broadcast %broadcast_in_dim3A_1328 : vector<1x2048xi1> to vector<128x2048xi1>
    %broadcast_in_dim3A_1330 = vector.broadcast %jit3A_1327 : f32 to vector<128x2048xf32>
    %select_n3A_1331 = arith.select %broadcast_in_dim3A_1329, %add3A_1228, %broadcast_in_dim3A_1330 : vector<128x2048xi1>, vector<128x2048xf32>
    %reduce_max3A_1332 = arith.constant dense<0xFF800000> : vector<128xf32>
    %reduce_max3A_1333 = vector.multi_reduction <maximumf>, %select_n3A_1331, %reduce_max3A_1332 [1] : vector<128x2048xf32> to vector<128xf32>
    %broadcast_in_dim3A_1334 = vector.shape_cast %reduce_max3A_1333 : vector<128xf32> to vector<128x1xf32>
    %slice3A_1335 = vector.extract_strided_slice %convert_element_type3A_1149 {offsets = [6, 0], sizes = [1, 2048], strides = [1, 1]} : vector<16x2048xf32> to vector<1x2048xf32>
    %gt3A_1336 = arith.constant 5.000000e-01 : f32
    %gt3A_1337 = vector.broadcast %gt3A_1336 : f32 to vector<1x2048xf32>
    %gt3A_1338 = arith.cmpf ogt, %slice3A_1335, %gt3A_1337 : vector<1x2048xf32>
    %jit3A_1339 = arith.constant 0xFF800000 : f32
    %broadcast_in_dim3A_1340 = vector.shape_cast %gt3A_1338 : vector<1x2048xi1> to vector<1x2048xi1>
    %broadcast_in_dim3A_1341 = vector.broadcast %broadcast_in_dim3A_1340 : vector<1x2048xi1> to vector<128x2048xi1>
    %broadcast_in_dim3A_1342 = vector.broadcast %jit3A_1339 : f32 to vector<128x2048xf32>
    %select_n3A_1343 = arith.select %broadcast_in_dim3A_1341, %add3A_1228, %broadcast_in_dim3A_1342 : vector<128x2048xi1>, vector<128x2048xf32>
    %reduce_max3A_1344 = arith.constant dense<0xFF800000> : vector<128xf32>
    %reduce_max3A_1345 = vector.multi_reduction <maximumf>, %select_n3A_1343, %reduce_max3A_1344 [1] : vector<128x2048xf32> to vector<128xf32>
    %broadcast_in_dim3A_1346 = vector.shape_cast %reduce_max3A_1345 : vector<128xf32> to vector<128x1xf32>
    %slice3A_1347 = vector.extract_strided_slice %convert_element_type3A_1149 {offsets = [7, 0], sizes = [1, 2048], strides = [1, 1]} : vector<16x2048xf32> to vector<1x2048xf32>
    %gt3A_1348 = arith.constant 5.000000e-01 : f32
    %gt3A_1349 = vector.broadcast %gt3A_1348 : f32 to vector<1x2048xf32>
    %gt3A_1350 = arith.cmpf ogt, %slice3A_1347, %gt3A_1349 : vector<1x2048xf32>
    %jit3A_1351 = arith.constant 0xFF800000 : f32
    %broadcast_in_dim3A_1352 = vector.shape_cast %gt3A_1350 : vector<1x2048xi1> to vector<1x2048xi1>
    %broadcast_in_dim3A_1353 = vector.broadcast %broadcast_in_dim3A_1352 : vector<1x2048xi1> to vector<128x2048xi1>
    %broadcast_in_dim3A_1354 = vector.broadcast %jit3A_1351 : f32 to vector<128x2048xf32>
    %select_n3A_1355 = arith.select %broadcast_in_dim3A_1353, %add3A_1228, %broadcast_in_dim3A_1354 : vector<128x2048xi1>, vector<128x2048xf32>
    %reduce_max3A_1356 = arith.constant dense<0xFF800000> : vector<128xf32>
    %reduce_max3A_1357 = vector.multi_reduction <maximumf>, %select_n3A_1355, %reduce_max3A_1356 [1] : vector<128x2048xf32> to vector<128xf32>
    %broadcast_in_dim3A_1358 = vector.shape_cast %reduce_max3A_1357 : vector<128xf32> to vector<128x1xf32>
    %slice3A_1359 = vector.extract_strided_slice %convert_element_type3A_1149 {offsets = [8, 0], sizes = [1, 2048], strides = [1, 1]} : vector<16x2048xf32> to vector<1x2048xf32>
    %gt3A_1360 = arith.constant 5.000000e-01 : f32
    %gt3A_1361 = vector.broadcast %gt3A_1360 : f32 to vector<1x2048xf32>
    %gt3A_1362 = arith.cmpf ogt, %slice3A_1359, %gt3A_1361 : vector<1x2048xf32>
    %jit3A_1363 = arith.constant 0xFF800000 : f32
    %broadcast_in_dim3A_1364 = vector.shape_cast %gt3A_1362 : vector<1x2048xi1> to vector<1x2048xi1>
    %broadcast_in_dim3A_1365 = vector.broadcast %broadcast_in_dim3A_1364 : vector<1x2048xi1> to vector<128x2048xi1>
    %broadcast_in_dim3A_1366 = vector.broadcast %jit3A_1363 : f32 to vector<128x2048xf32>
    %select_n3A_1367 = arith.select %broadcast_in_dim3A_1365, %add3A_1228, %broadcast_in_dim3A_1366 : vector<128x2048xi1>, vector<128x2048xf32>
    %reduce_max3A_1368 = arith.constant dense<0xFF800000> : vector<128xf32>
    %reduce_max3A_1369 = vector.multi_reduction <maximumf>, %select_n3A_1367, %reduce_max3A_1368 [1] : vector<128x2048xf32> to vector<128xf32>
    %broadcast_in_dim3A_1370 = vector.shape_cast %reduce_max3A_1369 : vector<128xf32> to vector<128x1xf32>
    %slice3A_1371 = vector.extract_strided_slice %convert_element_type3A_1149 {offsets = [9, 0], sizes = [1, 2048], strides = [1, 1]} : vector<16x2048xf32> to vector<1x2048xf32>
    %gt3A_1372 = arith.constant 5.000000e-01 : f32
    %gt3A_1373 = vector.broadcast %gt3A_1372 : f32 to vector<1x2048xf32>
    %gt3A_1374 = arith.cmpf ogt, %slice3A_1371, %gt3A_1373 : vector<1x2048xf32>
    %jit3A_1375 = arith.constant 0xFF800000 : f32
    %broadcast_in_dim3A_1376 = vector.shape_cast %gt3A_1374 : vector<1x2048xi1> to vector<1x2048xi1>
    %broadcast_in_dim3A_1377 = vector.broadcast %broadcast_in_dim3A_1376 : vector<1x2048xi1> to vector<128x2048xi1>
    %broadcast_in_dim3A_1378 = vector.broadcast %jit3A_1375 : f32 to vector<128x2048xf32>
    %select_n3A_1379 = arith.select %broadcast_in_dim3A_1377, %add3A_1228, %broadcast_in_dim3A_1378 : vector<128x2048xi1>, vector<128x2048xf32>
    %reduce_max3A_1380 = arith.constant dense<0xFF800000> : vector<128xf32>
    %reduce_max3A_1381 = vector.multi_reduction <maximumf>, %select_n3A_1379, %reduce_max3A_1380 [1] : vector<128x2048xf32> to vector<128xf32>
    %broadcast_in_dim3A_1382 = vector.shape_cast %reduce_max3A_1381 : vector<128xf32> to vector<128x1xf32>
    %slice3A_1383 = vector.extract_strided_slice %convert_element_type3A_1149 {offsets = [10, 0], sizes = [1, 2048], strides = [1, 1]} : vector<16x2048xf32> to vector<1x2048xf32>
    %gt3A_1384 = arith.constant 5.000000e-01 : f32
    %gt3A_1385 = vector.broadcast %gt3A_1384 : f32 to vector<1x2048xf32>
    %gt3A_1386 = arith.cmpf ogt, %slice3A_1383, %gt3A_1385 : vector<1x2048xf32>
    %jit3A_1387 = arith.constant 0xFF800000 : f32
    %broadcast_in_dim3A_1388 = vector.shape_cast %gt3A_1386 : vector<1x2048xi1> to vector<1x2048xi1>
    %broadcast_in_dim3A_1389 = vector.broadcast %broadcast_in_dim3A_1388 : vector<1x2048xi1> to vector<128x2048xi1>
    %broadcast_in_dim3A_1390 = vector.broadcast %jit3A_1387 : f32 to vector<128x2048xf32>
    %select_n3A_1391 = arith.select %broadcast_in_dim3A_1389, %add3A_1228, %broadcast_in_dim3A_1390 : vector<128x2048xi1>, vector<128x2048xf32>
    %reduce_max3A_1392 = arith.constant dense<0xFF800000> : vector<128xf32>
    %reduce_max3A_1393 = vector.multi_reduction <maximumf>, %select_n3A_1391, %reduce_max3A_1392 [1] : vector<128x2048xf32> to vector<128xf32>
    %broadcast_in_dim3A_1394 = vector.shape_cast %reduce_max3A_1393 : vector<128xf32> to vector<128x1xf32>
    %slice3A_1395 = vector.extract_strided_slice %convert_element_type3A_1149 {offsets = [11, 0], sizes = [1, 2048], strides = [1, 1]} : vector<16x2048xf32> to vector<1x2048xf32>
    %gt3A_1396 = arith.constant 5.000000e-01 : f32
    %gt3A_1397 = vector.broadcast %gt3A_1396 : f32 to vector<1x2048xf32>
    %gt3A_1398 = arith.cmpf ogt, %slice3A_1395, %gt3A_1397 : vector<1x2048xf32>
    %jit3A_1399 = arith.constant 0xFF800000 : f32
    %broadcast_in_dim3A_1400 = vector.shape_cast %gt3A_1398 : vector<1x2048xi1> to vector<1x2048xi1>
    %broadcast_in_dim3A_1401 = vector.broadcast %broadcast_in_dim3A_1400 : vector<1x2048xi1> to vector<128x2048xi1>
    %broadcast_in_dim3A_1402 = vector.broadcast %jit3A_1399 : f32 to vector<128x2048xf32>
    %select_n3A_1403 = arith.select %broadcast_in_dim3A_1401, %add3A_1228, %broadcast_in_dim3A_1402 : vector<128x2048xi1>, vector<128x2048xf32>
    %reduce_max3A_1404 = arith.constant dense<0xFF800000> : vector<128xf32>
    %reduce_max3A_1405 = vector.multi_reduction <maximumf>, %select_n3A_1403, %reduce_max3A_1404 [1] : vector<128x2048xf32> to vector<128xf32>
    %broadcast_in_dim3A_1406 = vector.shape_cast %reduce_max3A_1405 : vector<128xf32> to vector<128x1xf32>
    %slice3A_1407 = vector.extract_strided_slice %convert_element_type3A_1149 {offsets = [12, 0], sizes = [1, 2048], strides = [1, 1]} : vector<16x2048xf32> to vector<1x2048xf32>
    %gt3A_1408 = arith.constant 5.000000e-01 : f32
    %gt3A_1409 = vector.broadcast %gt3A_1408 : f32 to vector<1x2048xf32>
    %gt3A_1410 = arith.cmpf ogt, %slice3A_1407, %gt3A_1409 : vector<1x2048xf32>
    %jit3A_1411 = arith.constant 0xFF800000 : f32
    %broadcast_in_dim3A_1412 = vector.shape_cast %gt3A_1410 : vector<1x2048xi1> to vector<1x2048xi1>
    %broadcast_in_dim3A_1413 = vector.broadcast %broadcast_in_dim3A_1412 : vector<1x2048xi1> to vector<128x2048xi1>
    %broadcast_in_dim3A_1414 = vector.broadcast %jit3A_1411 : f32 to vector<128x2048xf32>
    %select_n3A_1415 = arith.select %broadcast_in_dim3A_1413, %add3A_1228, %broadcast_in_dim3A_1414 : vector<128x2048xi1>, vector<128x2048xf32>
    %reduce_max3A_1416 = arith.constant dense<0xFF800000> : vector<128xf32>
    %reduce_max3A_1417 = vector.multi_reduction <maximumf>, %select_n3A_1415, %reduce_max3A_1416 [1] : vector<128x2048xf32> to vector<128xf32>
    %broadcast_in_dim3A_1418 = vector.shape_cast %reduce_max3A_1417 : vector<128xf32> to vector<128x1xf32>
    %slice3A_1419 = vector.extract_strided_slice %convert_element_type3A_1149 {offsets = [13, 0], sizes = [1, 2048], strides = [1, 1]} : vector<16x2048xf32> to vector<1x2048xf32>
    %gt3A_1420 = arith.constant 5.000000e-01 : f32
    %gt3A_1421 = vector.broadcast %gt3A_1420 : f32 to vector<1x2048xf32>
    %gt3A_1422 = arith.cmpf ogt, %slice3A_1419, %gt3A_1421 : vector<1x2048xf32>
    %jit3A_1423 = arith.constant 0xFF800000 : f32
    %broadcast_in_dim3A_1424 = vector.shape_cast %gt3A_1422 : vector<1x2048xi1> to vector<1x2048xi1>
    %broadcast_in_dim3A_1425 = vector.broadcast %broadcast_in_dim3A_1424 : vector<1x2048xi1> to vector<128x2048xi1>
    %broadcast_in_dim3A_1426 = vector.broadcast %jit3A_1423 : f32 to vector<128x2048xf32>
    %select_n3A_1427 = arith.select %broadcast_in_dim3A_1425, %add3A_1228, %broadcast_in_dim3A_1426 : vector<128x2048xi1>, vector<128x2048xf32>
    %reduce_max3A_1428 = arith.constant dense<0xFF800000> : vector<128xf32>
    %reduce_max3A_1429 = vector.multi_reduction <maximumf>, %select_n3A_1427, %reduce_max3A_1428 [1] : vector<128x2048xf32> to vector<128xf32>
    %broadcast_in_dim3A_1430 = vector.shape_cast %reduce_max3A_1429 : vector<128xf32> to vector<128x1xf32>
    %slice3A_1431 = vector.extract_strided_slice %convert_element_type3A_1149 {offsets = [14, 0], sizes = [1, 2048], strides = [1, 1]} : vector<16x2048xf32> to vector<1x2048xf32>
    %gt3A_1432 = arith.constant 5.000000e-01 : f32
    %gt3A_1433 = vector.broadcast %gt3A_1432 : f32 to vector<1x2048xf32>
    %gt3A_1434 = arith.cmpf ogt, %slice3A_1431, %gt3A_1433 : vector<1x2048xf32>
    %jit3A_1435 = arith.constant 0xFF800000 : f32
    %broadcast_in_dim3A_1436 = vector.shape_cast %gt3A_1434 : vector<1x2048xi1> to vector<1x2048xi1>
    %broadcast_in_dim3A_1437 = vector.broadcast %broadcast_in_dim3A_1436 : vector<1x2048xi1> to vector<128x2048xi1>
    %broadcast_in_dim3A_1438 = vector.broadcast %jit3A_1435 : f32 to vector<128x2048xf32>
    %select_n3A_1439 = arith.select %broadcast_in_dim3A_1437, %add3A_1228, %broadcast_in_dim3A_1438 : vector<128x2048xi1>, vector<128x2048xf32>
    %reduce_max3A_1440 = arith.constant dense<0xFF800000> : vector<128xf32>
    %reduce_max3A_1441 = vector.multi_reduction <maximumf>, %select_n3A_1439, %reduce_max3A_1440 [1] : vector<128x2048xf32> to vector<128xf32>
    %broadcast_in_dim3A_1442 = vector.shape_cast %reduce_max3A_1441 : vector<128xf32> to vector<128x1xf32>
    %slice3A_1443 = vector.extract_strided_slice %convert_element_type3A_1149 {offsets = [15, 0], sizes = [1, 2048], strides = [1, 1]} : vector<16x2048xf32> to vector<1x2048xf32>
    %gt3A_1444 = arith.constant 5.000000e-01 : f32
    %gt3A_1445 = vector.broadcast %gt3A_1444 : f32 to vector<1x2048xf32>
    %gt3A_1446 = arith.cmpf ogt, %slice3A_1443, %gt3A_1445 : vector<1x2048xf32>
    %jit3A_1447 = arith.constant 0xFF800000 : f32
    %broadcast_in_dim3A_1448 = vector.shape_cast %gt3A_1446 : vector<1x2048xi1> to vector<1x2048xi1>
    %broadcast_in_dim3A_1449 = vector.broadcast %broadcast_in_dim3A_1448 : vector<1x2048xi1> to vector<128x2048xi1>
    %broadcast_in_dim3A_1450 = vector.broadcast %jit3A_1447 : f32 to vector<128x2048xf32>
    %select_n3A_1451 = arith.select %broadcast_in_dim3A_1449, %add3A_1228, %broadcast_in_dim3A_1450 : vector<128x2048xi1>, vector<128x2048xf32>
    %reduce_max3A_1452 = arith.constant dense<0xFF800000> : vector<128xf32>
    %reduce_max3A_1453 = vector.multi_reduction <maximumf>, %select_n3A_1451, %reduce_max3A_1452 [1] : vector<128x2048xf32> to vector<128xf32>
    %broadcast_in_dim3A_1454 = vector.shape_cast %reduce_max3A_1453 : vector<128xf32> to vector<128x1xf32>
    %concatenate3A_1455 = tpu.concatenate %broadcast_in_dim3A_1274, %broadcast_in_dim3A_1286, %broadcast_in_dim3A_1298, %broadcast_in_dim3A_1310, %broadcast_in_dim3A_1322, %broadcast_in_dim3A_1334, %broadcast_in_dim3A_1346, %broadcast_in_dim3A_1358, %broadcast_in_dim3A_1370, %broadcast_in_dim3A_1382, %broadcast_in_dim3A_1394, %broadcast_in_dim3A_1406, %broadcast_in_dim3A_1418, %broadcast_in_dim3A_1430, %broadcast_in_dim3A_1442, %broadcast_in_dim3A_1454 in 1 : vector<128x1xf32>, vector<128x1xf32>, vector<128x1xf32>, vector<128x1xf32>, vector<128x1xf32>, vector<128x1xf32>, vector<128x1xf32>, vector<128x1xf32>, vector<128x1xf32>, vector<128x1xf32>, vector<128x1xf32>, vector<128x1xf32>, vector<128x1xf32>, vector<128x1xf32>, vector<128x1xf32>, vector<128x1xf32> -> vector<128x16xf32>
    %get3A_1456 = arith.constant 0 : index
    %get3A_1457 = arith.constant 0 : index
    %get3A_1458 = vector.load %arg8[%get3A_1456, %get3A_1457] : memref<2048x64xf32, #tpu.memory_space<vmem>>, vector<2048x64xf32>
    %slice3A_1459 = vector.extract_strided_slice %max3A_117 {offsets = [0, 8192], sizes = [64, 2048], strides = [1, 1]} : vector<64x16384xf32> to vector<64x2048xf32>
    %convert_element_type3A_1460 = arith.truncf %get3A_1458 : vector<2048x64xf32> to vector<2048x64xbf16>
    %convert_element_type3A_1461 = arith.truncf %slice3A_1459 : vector<64x2048xf32> to vector<64x2048xbf16>
    %dot_general3A_1462 = arith.constant dense<0.000000e+00> : vector<2048x2048xf32>
    %dot_general3A_1463 = tpu.matmul %convert_element_type3A_1460, %convert_element_type3A_1461, %dot_general3A_1462 {dimension_numbers = #tpu.dot_dimension_numbers<[1], [0], [0], [1], [0, 0, 1, 1], [], []>, transpose_lhs_hint = false} : vector<2048x64xbf16>, vector<64x2048xbf16>, vector<2048x2048xf32> -> vector<2048x2048xf32>
    %slice3A_1464 = vector.extract_strided_slice %get3A_1 {offsets = [5, 8192], sizes = [1, 2048], strides = [1, 1]} : vector<8x16384xf32> to vector<1x2048xf32>
    %broadcast_in_dim3A_1465 = vector.shape_cast %slice3A_1464 : vector<1x2048xf32> to vector<1x2048xf32>
    %broadcast_in_dim3A_1466 = vector.broadcast %broadcast_in_dim3A_1465 : vector<1x2048xf32> to vector<16x2048xf32>
    %eq3A_1467 = arith.cmpf oeq, %broadcast_in_dim3A_1466, %convert_element_type3A_177 : vector<16x2048xf32>
    %convert_element_type3A_1468 = arith.extui %eq3A_1467 : vector<16x2048xi1> to vector<16x2048xi32>
    %convert_element_type3A_1469 = arith.sitofp %convert_element_type3A_1468 : vector<16x2048xi32> to vector<16x2048xf32>
    %slice3A_1470 = vector.extract_strided_slice %dot_general3A_1463 {offsets = [0, 0], sizes = [128, 2048], strides = [1, 1]} : vector<2048x2048xf32> to vector<128x2048xf32>
    %slice3A_1471 = vector.extract_strided_slice %convert_element_type3A_1469 {offsets = [0, 0], sizes = [1, 2048], strides = [1, 1]} : vector<16x2048xf32> to vector<1x2048xf32>
    %mul3A_1472 = vector.broadcast %slice3A_1471 : vector<1x2048xf32> to vector<128x2048xf32>
    %mul3A_1473 = arith.mulf %slice3A_1470, %mul3A_1472 : vector<128x2048xf32>
    %slice3A_1474 = vector.extract_strided_slice %dot_general3A_1463 {offsets = [128, 0], sizes = [128, 2048], strides = [1, 1]} : vector<2048x2048xf32> to vector<128x2048xf32>
    %slice3A_1475 = vector.extract_strided_slice %convert_element_type3A_1469 {offsets = [1, 0], sizes = [1, 2048], strides = [1, 1]} : vector<16x2048xf32> to vector<1x2048xf32>
    %mul3A_1476 = vector.broadcast %slice3A_1475 : vector<1x2048xf32> to vector<128x2048xf32>
    %mul3A_1477 = arith.mulf %slice3A_1474, %mul3A_1476 : vector<128x2048xf32>
    %add3A_1478 = arith.addf %mul3A_1473, %mul3A_1477 : vector<128x2048xf32>
    %slice3A_1479 = vector.extract_strided_slice %dot_general3A_1463 {offsets = [256, 0], sizes = [128, 2048], strides = [1, 1]} : vector<2048x2048xf32> to vector<128x2048xf32>
    %slice3A_1480 = vector.extract_strided_slice %convert_element_type3A_1469 {offsets = [2, 0], sizes = [1, 2048], strides = [1, 1]} : vector<16x2048xf32> to vector<1x2048xf32>
    %mul3A_1481 = vector.broadcast %slice3A_1480 : vector<1x2048xf32> to vector<128x2048xf32>
    %mul3A_1482 = arith.mulf %slice3A_1479, %mul3A_1481 : vector<128x2048xf32>
    %add3A_1483 = arith.addf %add3A_1478, %mul3A_1482 : vector<128x2048xf32>
    %slice3A_1484 = vector.extract_strided_slice %dot_general3A_1463 {offsets = [384, 0], sizes = [128, 2048], strides = [1, 1]} : vector<2048x2048xf32> to vector<128x2048xf32>
    %slice3A_1485 = vector.extract_strided_slice %convert_element_type3A_1469 {offsets = [3, 0], sizes = [1, 2048], strides = [1, 1]} : vector<16x2048xf32> to vector<1x2048xf32>
    %mul3A_1486 = vector.broadcast %slice3A_1485 : vector<1x2048xf32> to vector<128x2048xf32>
    %mul3A_1487 = arith.mulf %slice3A_1484, %mul3A_1486 : vector<128x2048xf32>
    %add3A_1488 = arith.addf %add3A_1483, %mul3A_1487 : vector<128x2048xf32>
    %slice3A_1489 = vector.extract_strided_slice %dot_general3A_1463 {offsets = [512, 0], sizes = [128, 2048], strides = [1, 1]} : vector<2048x2048xf32> to vector<128x2048xf32>
    %slice3A_1490 = vector.extract_strided_slice %convert_element_type3A_1469 {offsets = [4, 0], sizes = [1, 2048], strides = [1, 1]} : vector<16x2048xf32> to vector<1x2048xf32>
    %mul3A_1491 = vector.broadcast %slice3A_1490 : vector<1x2048xf32> to vector<128x2048xf32>
    %mul3A_1492 = arith.mulf %slice3A_1489, %mul3A_1491 : vector<128x2048xf32>
    %add3A_1493 = arith.addf %add3A_1488, %mul3A_1492 : vector<128x2048xf32>
    %slice3A_1494 = vector.extract_strided_slice %dot_general3A_1463 {offsets = [640, 0], sizes = [128, 2048], strides = [1, 1]} : vector<2048x2048xf32> to vector<128x2048xf32>
    %slice3A_1495 = vector.extract_strided_slice %convert_element_type3A_1469 {offsets = [5, 0], sizes = [1, 2048], strides = [1, 1]} : vector<16x2048xf32> to vector<1x2048xf32>
    %mul3A_1496 = vector.broadcast %slice3A_1495 : vector<1x2048xf32> to vector<128x2048xf32>
    %mul3A_1497 = arith.mulf %slice3A_1494, %mul3A_1496 : vector<128x2048xf32>
    %add3A_1498 = arith.addf %add3A_1493, %mul3A_1497 : vector<128x2048xf32>
    %slice3A_1499 = vector.extract_strided_slice %dot_general3A_1463 {offsets = [768, 0], sizes = [128, 2048], strides = [1, 1]} : vector<2048x2048xf32> to vector<128x2048xf32>
    %slice3A_1500 = vector.extract_strided_slice %convert_element_type3A_1469 {offsets = [6, 0], sizes = [1, 2048], strides = [1, 1]} : vector<16x2048xf32> to vector<1x2048xf32>
    %mul3A_1501 = vector.broadcast %slice3A_1500 : vector<1x2048xf32> to vector<128x2048xf32>
    %mul3A_1502 = arith.mulf %slice3A_1499, %mul3A_1501 : vector<128x2048xf32>
    %add3A_1503 = arith.addf %add3A_1498, %mul3A_1502 : vector<128x2048xf32>
    %slice3A_1504 = vector.extract_strided_slice %dot_general3A_1463 {offsets = [896, 0], sizes = [128, 2048], strides = [1, 1]} : vector<2048x2048xf32> to vector<128x2048xf32>
    %slice3A_1505 = vector.extract_strided_slice %convert_element_type3A_1469 {offsets = [7, 0], sizes = [1, 2048], strides = [1, 1]} : vector<16x2048xf32> to vector<1x2048xf32>
    %mul3A_1506 = vector.broadcast %slice3A_1505 : vector<1x2048xf32> to vector<128x2048xf32>
    %mul3A_1507 = arith.mulf %slice3A_1504, %mul3A_1506 : vector<128x2048xf32>
    %add3A_1508 = arith.addf %add3A_1503, %mul3A_1507 : vector<128x2048xf32>
    %slice3A_1509 = vector.extract_strided_slice %dot_general3A_1463 {offsets = [1024, 0], sizes = [128, 2048], strides = [1, 1]} : vector<2048x2048xf32> to vector<128x2048xf32>
    %slice3A_1510 = vector.extract_strided_slice %convert_element_type3A_1469 {offsets = [8, 0], sizes = [1, 2048], strides = [1, 1]} : vector<16x2048xf32> to vector<1x2048xf32>
    %mul3A_1511 = vector.broadcast %slice3A_1510 : vector<1x2048xf32> to vector<128x2048xf32>
    %mul3A_1512 = arith.mulf %slice3A_1509, %mul3A_1511 : vector<128x2048xf32>
    %add3A_1513 = arith.addf %add3A_1508, %mul3A_1512 : vector<128x2048xf32>
    %slice3A_1514 = vector.extract_strided_slice %dot_general3A_1463 {offsets = [1152, 0], sizes = [128, 2048], strides = [1, 1]} : vector<2048x2048xf32> to vector<128x2048xf32>
    %slice3A_1515 = vector.extract_strided_slice %convert_element_type3A_1469 {offsets = [9, 0], sizes = [1, 2048], strides = [1, 1]} : vector<16x2048xf32> to vector<1x2048xf32>
    %mul3A_1516 = vector.broadcast %slice3A_1515 : vector<1x2048xf32> to vector<128x2048xf32>
    %mul3A_1517 = arith.mulf %slice3A_1514, %mul3A_1516 : vector<128x2048xf32>
    %add3A_1518 = arith.addf %add3A_1513, %mul3A_1517 : vector<128x2048xf32>
    %slice3A_1519 = vector.extract_strided_slice %dot_general3A_1463 {offsets = [1280, 0], sizes = [128, 2048], strides = [1, 1]} : vector<2048x2048xf32> to vector<128x2048xf32>
    %slice3A_1520 = vector.extract_strided_slice %convert_element_type3A_1469 {offsets = [10, 0], sizes = [1, 2048], strides = [1, 1]} : vector<16x2048xf32> to vector<1x2048xf32>
    %mul3A_1521 = vector.broadcast %slice3A_1520 : vector<1x2048xf32> to vector<128x2048xf32>
    %mul3A_1522 = arith.mulf %slice3A_1519, %mul3A_1521 : vector<128x2048xf32>
    %add3A_1523 = arith.addf %add3A_1518, %mul3A_1522 : vector<128x2048xf32>
    %slice3A_1524 = vector.extract_strided_slice %dot_general3A_1463 {offsets = [1408, 0], sizes = [128, 2048], strides = [1, 1]} : vector<2048x2048xf32> to vector<128x2048xf32>
    %slice3A_1525 = vector.extract_strided_slice %convert_element_type3A_1469 {offsets = [11, 0], sizes = [1, 2048], strides = [1, 1]} : vector<16x2048xf32> to vector<1x2048xf32>
    %mul3A_1526 = vector.broadcast %slice3A_1525 : vector<1x2048xf32> to vector<128x2048xf32>
    %mul3A_1527 = arith.mulf %slice3A_1524, %mul3A_1526 : vector<128x2048xf32>
    %add3A_1528 = arith.addf %add3A_1523, %mul3A_1527 : vector<128x2048xf32>
    %slice3A_1529 = vector.extract_strided_slice %dot_general3A_1463 {offsets = [1536, 0], sizes = [128, 2048], strides = [1, 1]} : vector<2048x2048xf32> to vector<128x2048xf32>
    %slice3A_1530 = vector.extract_strided_slice %convert_element_type3A_1469 {offsets = [12, 0], sizes = [1, 2048], strides = [1, 1]} : vector<16x2048xf32> to vector<1x2048xf32>
    %mul3A_1531 = vector.broadcast %slice3A_1530 : vector<1x2048xf32> to vector<128x2048xf32>
    %mul3A_1532 = arith.mulf %slice3A_1529, %mul3A_1531 : vector<128x2048xf32>
    %add3A_1533 = arith.addf %add3A_1528, %mul3A_1532 : vector<128x2048xf32>
    %slice3A_1534 = vector.extract_strided_slice %dot_general3A_1463 {offsets = [1664, 0], sizes = [128, 2048], strides = [1, 1]} : vector<2048x2048xf32> to vector<128x2048xf32>
    %slice3A_1535 = vector.extract_strided_slice %convert_element_type3A_1469 {offsets = [13, 0], sizes = [1, 2048], strides = [1, 1]} : vector<16x2048xf32> to vector<1x2048xf32>
    %mul3A_1536 = vector.broadcast %slice3A_1535 : vector<1x2048xf32> to vector<128x2048xf32>
    %mul3A_1537 = arith.mulf %slice3A_1534, %mul3A_1536 : vector<128x2048xf32>
    %add3A_1538 = arith.addf %add3A_1533, %mul3A_1537 : vector<128x2048xf32>
    %slice3A_1539 = vector.extract_strided_slice %dot_general3A_1463 {offsets = [1792, 0], sizes = [128, 2048], strides = [1, 1]} : vector<2048x2048xf32> to vector<128x2048xf32>
    %slice3A_1540 = vector.extract_strided_slice %convert_element_type3A_1469 {offsets = [14, 0], sizes = [1, 2048], strides = [1, 1]} : vector<16x2048xf32> to vector<1x2048xf32>
    %mul3A_1541 = vector.broadcast %slice3A_1540 : vector<1x2048xf32> to vector<128x2048xf32>
    %mul3A_1542 = arith.mulf %slice3A_1539, %mul3A_1541 : vector<128x2048xf32>
    %add3A_1543 = arith.addf %add3A_1538, %mul3A_1542 : vector<128x2048xf32>
    %slice3A_1544 = vector.extract_strided_slice %dot_general3A_1463 {offsets = [1920, 0], sizes = [128, 2048], strides = [1, 1]} : vector<2048x2048xf32> to vector<128x2048xf32>
    %slice3A_1545 = vector.extract_strided_slice %convert_element_type3A_1469 {offsets = [15, 0], sizes = [1, 2048], strides = [1, 1]} : vector<16x2048xf32> to vector<1x2048xf32>
    %mul3A_1546 = vector.broadcast %slice3A_1545 : vector<1x2048xf32> to vector<128x2048xf32>
    %mul3A_1547 = arith.mulf %slice3A_1544, %mul3A_1546 : vector<128x2048xf32>
    %add3A_1548 = arith.addf %add3A_1543, %mul3A_1547 : vector<128x2048xf32>
    %convert_element_type3A_1549 = arith.truncf %add3A_1548 : vector<128x2048xf32> to vector<128x2048xbf16>
    %convert_element_type3A_1550 = arith.extf %convert_element_type3A_1549 : vector<128x2048xbf16> to vector<128x2048xf32>
    %sub3A_1551 = arith.subf %add3A_1548, %convert_element_type3A_1550 : vector<128x2048xf32>
    %convert_element_type3A_1552 = arith.truncf %sub3A_1551 : vector<128x2048xf32> to vector<128x2048xbf16>
    %convert_element_type3A_1553 = arith.truncf %convert_element_type3A_1469 : vector<16x2048xf32> to vector<16x2048xbf16>
    %dot_general3A_1554 = arith.constant dense<0.000000e+00> : vector<128x16xf32>
    %dot_general3A_1555 = tpu.matmul %convert_element_type3A_1549, %convert_element_type3A_1553, %dot_general3A_1554 {dimension_numbers = #tpu.dot_dimension_numbers<[1], [1], [0], [0], [0, 0, 1, 0], [], []>, transpose_lhs_hint = false} : vector<128x2048xbf16>, vector<16x2048xbf16>, vector<128x16xf32> -> vector<128x16xf32>
    %dot_general3A_1556 = arith.constant dense<0.000000e+00> : vector<128x16xf32>
    %dot_general3A_1557 = tpu.matmul %convert_element_type3A_1552, %convert_element_type3A_1553, %dot_general3A_1556 {dimension_numbers = #tpu.dot_dimension_numbers<[1], [1], [0], [0], [0, 0, 1, 0], [], []>, transpose_lhs_hint = false} : vector<128x2048xbf16>, vector<16x2048xbf16>, vector<128x16xf32> -> vector<128x16xf32>
    %add3A_1558 = arith.addf %dot_general3A_1555, %dot_general3A_1557 : vector<128x16xf32>
    %add3A_1559 = arith.addf %add3A_1239, %add3A_1558 : vector<128x16xf32>
    %mul3A_1560 = arith.mulf %add3A_1548, %add3A_1548 : vector<128x2048xf32>
    %convert_element_type3A_1561 = arith.truncf %mul3A_1560 : vector<128x2048xf32> to vector<128x2048xbf16>
    %convert_element_type3A_1562 = arith.extf %convert_element_type3A_1561 : vector<128x2048xbf16> to vector<128x2048xf32>
    %sub3A_1563 = arith.subf %mul3A_1560, %convert_element_type3A_1562 : vector<128x2048xf32>
    %convert_element_type3A_1564 = arith.truncf %sub3A_1563 : vector<128x2048xf32> to vector<128x2048xbf16>
    %convert_element_type3A_1565 = arith.truncf %convert_element_type3A_1469 : vector<16x2048xf32> to vector<16x2048xbf16>
    %dot_general3A_1566 = arith.constant dense<0.000000e+00> : vector<128x16xf32>
    %dot_general3A_1567 = tpu.matmul %convert_element_type3A_1561, %convert_element_type3A_1565, %dot_general3A_1566 {dimension_numbers = #tpu.dot_dimension_numbers<[1], [1], [0], [0], [0, 0, 1, 0], [], []>, transpose_lhs_hint = false} : vector<128x2048xbf16>, vector<16x2048xbf16>, vector<128x16xf32> -> vector<128x16xf32>
    %dot_general3A_1568 = arith.constant dense<0.000000e+00> : vector<128x16xf32>
    %dot_general3A_1569 = tpu.matmul %convert_element_type3A_1564, %convert_element_type3A_1565, %dot_general3A_1568 {dimension_numbers = #tpu.dot_dimension_numbers<[1], [1], [0], [0], [0, 0, 1, 0], [], []>, transpose_lhs_hint = false} : vector<128x2048xbf16>, vector<16x2048xbf16>, vector<128x16xf32> -> vector<128x16xf32>
    %add3A_1570 = arith.addf %dot_general3A_1567, %dot_general3A_1569 : vector<128x16xf32>
    %add3A_1571 = arith.addf %add3A_1251, %add3A_1570 : vector<128x16xf32>
    %convert_element_type3A_1572 = arith.truncf %broadcast_in_dim3A_175 : vector<1x2048xf32> to vector<1x2048xbf16>
    %convert_element_type3A_1573 = arith.extf %convert_element_type3A_1572 : vector<1x2048xbf16> to vector<1x2048xf32>
    %sub3A_1574 = arith.subf %broadcast_in_dim3A_175, %convert_element_type3A_1573 : vector<1x2048xf32>
    %convert_element_type3A_1575 = arith.truncf %sub3A_1574 : vector<1x2048xf32> to vector<1x2048xbf16>
    %convert_element_type3A_1576 = arith.truncf %convert_element_type3A_1469 : vector<16x2048xf32> to vector<16x2048xbf16>
    %dot_general3A_1577 = arith.constant dense<0.000000e+00> : vector<1x16xf32>
    %dot_general3A_1578 = tpu.matmul %convert_element_type3A_1572, %convert_element_type3A_1576, %dot_general3A_1577 {dimension_numbers = #tpu.dot_dimension_numbers<[1], [1], [0], [0], [0, 0, 1, 0], [], []>, transpose_lhs_hint = false} : vector<1x2048xbf16>, vector<16x2048xbf16>, vector<1x16xf32> -> vector<1x16xf32>
    %dot_general3A_1579 = arith.constant dense<0.000000e+00> : vector<1x16xf32>
    %dot_general3A_1580 = tpu.matmul %convert_element_type3A_1575, %convert_element_type3A_1576, %dot_general3A_1579 {dimension_numbers = #tpu.dot_dimension_numbers<[1], [1], [0], [0], [0, 0, 1, 0], [], []>, transpose_lhs_hint = false} : vector<1x2048xbf16>, vector<16x2048xbf16>, vector<1x16xf32> -> vector<1x16xf32>
    %add3A_1581 = arith.addf %dot_general3A_1578, %dot_general3A_1580 : vector<1x16xf32>
    %add3A_1582 = arith.addf %add3A_1262, %add3A_1581 : vector<1x16xf32>
    %slice3A_1583 = vector.extract_strided_slice %convert_element_type3A_1469 {offsets = [0, 0], sizes = [1, 2048], strides = [1, 1]} : vector<16x2048xf32> to vector<1x2048xf32>
    %gt3A_1584 = arith.constant 5.000000e-01 : f32
    %gt3A_1585 = vector.broadcast %gt3A_1584 : f32 to vector<1x2048xf32>
    %gt3A_1586 = arith.cmpf ogt, %slice3A_1583, %gt3A_1585 : vector<1x2048xf32>
    %jit3A_1587 = arith.constant 0xFF800000 : f32
    %broadcast_in_dim3A_1588 = vector.shape_cast %gt3A_1586 : vector<1x2048xi1> to vector<1x2048xi1>
    %broadcast_in_dim3A_1589 = vector.broadcast %broadcast_in_dim3A_1588 : vector<1x2048xi1> to vector<128x2048xi1>
    %broadcast_in_dim3A_1590 = vector.broadcast %jit3A_1587 : f32 to vector<128x2048xf32>
    %select_n3A_1591 = arith.select %broadcast_in_dim3A_1589, %add3A_1548, %broadcast_in_dim3A_1590 : vector<128x2048xi1>, vector<128x2048xf32>
    %reduce_max3A_1592 = arith.constant dense<0xFF800000> : vector<128xf32>
    %reduce_max3A_1593 = vector.multi_reduction <maximumf>, %select_n3A_1591, %reduce_max3A_1592 [1] : vector<128x2048xf32> to vector<128xf32>
    %broadcast_in_dim3A_1594 = vector.shape_cast %reduce_max3A_1593 : vector<128xf32> to vector<128x1xf32>
    %slice3A_1595 = vector.extract_strided_slice %convert_element_type3A_1469 {offsets = [1, 0], sizes = [1, 2048], strides = [1, 1]} : vector<16x2048xf32> to vector<1x2048xf32>
    %gt3A_1596 = arith.constant 5.000000e-01 : f32
    %gt3A_1597 = vector.broadcast %gt3A_1596 : f32 to vector<1x2048xf32>
    %gt3A_1598 = arith.cmpf ogt, %slice3A_1595, %gt3A_1597 : vector<1x2048xf32>
    %jit3A_1599 = arith.constant 0xFF800000 : f32
    %broadcast_in_dim3A_1600 = vector.shape_cast %gt3A_1598 : vector<1x2048xi1> to vector<1x2048xi1>
    %broadcast_in_dim3A_1601 = vector.broadcast %broadcast_in_dim3A_1600 : vector<1x2048xi1> to vector<128x2048xi1>
    %broadcast_in_dim3A_1602 = vector.broadcast %jit3A_1599 : f32 to vector<128x2048xf32>
    %select_n3A_1603 = arith.select %broadcast_in_dim3A_1601, %add3A_1548, %broadcast_in_dim3A_1602 : vector<128x2048xi1>, vector<128x2048xf32>
    %reduce_max3A_1604 = arith.constant dense<0xFF800000> : vector<128xf32>
    %reduce_max3A_1605 = vector.multi_reduction <maximumf>, %select_n3A_1603, %reduce_max3A_1604 [1] : vector<128x2048xf32> to vector<128xf32>
    %broadcast_in_dim3A_1606 = vector.shape_cast %reduce_max3A_1605 : vector<128xf32> to vector<128x1xf32>
    %slice3A_1607 = vector.extract_strided_slice %convert_element_type3A_1469 {offsets = [2, 0], sizes = [1, 2048], strides = [1, 1]} : vector<16x2048xf32> to vector<1x2048xf32>
    %gt3A_1608 = arith.constant 5.000000e-01 : f32
    %gt3A_1609 = vector.broadcast %gt3A_1608 : f32 to vector<1x2048xf32>
    %gt3A_1610 = arith.cmpf ogt, %slice3A_1607, %gt3A_1609 : vector<1x2048xf32>
    %jit3A_1611 = arith.constant 0xFF800000 : f32
    %broadcast_in_dim3A_1612 = vector.shape_cast %gt3A_1610 : vector<1x2048xi1> to vector<1x2048xi1>
    %broadcast_in_dim3A_1613 = vector.broadcast %broadcast_in_dim3A_1612 : vector<1x2048xi1> to vector<128x2048xi1>
    %broadcast_in_dim3A_1614 = vector.broadcast %jit3A_1611 : f32 to vector<128x2048xf32>
    %select_n3A_1615 = arith.select %broadcast_in_dim3A_1613, %add3A_1548, %broadcast_in_dim3A_1614 : vector<128x2048xi1>, vector<128x2048xf32>
    %reduce_max3A_1616 = arith.constant dense<0xFF800000> : vector<128xf32>
    %reduce_max3A_1617 = vector.multi_reduction <maximumf>, %select_n3A_1615, %reduce_max3A_1616 [1] : vector<128x2048xf32> to vector<128xf32>
    %broadcast_in_dim3A_1618 = vector.shape_cast %reduce_max3A_1617 : vector<128xf32> to vector<128x1xf32>
    %slice3A_1619 = vector.extract_strided_slice %convert_element_type3A_1469 {offsets = [3, 0], sizes = [1, 2048], strides = [1, 1]} : vector<16x2048xf32> to vector<1x2048xf32>
    %gt3A_1620 = arith.constant 5.000000e-01 : f32
    %gt3A_1621 = vector.broadcast %gt3A_1620 : f32 to vector<1x2048xf32>
    %gt3A_1622 = arith.cmpf ogt, %slice3A_1619, %gt3A_1621 : vector<1x2048xf32>
    %jit3A_1623 = arith.constant 0xFF800000 : f32
    %broadcast_in_dim3A_1624 = vector.shape_cast %gt3A_1622 : vector<1x2048xi1> to vector<1x2048xi1>
    %broadcast_in_dim3A_1625 = vector.broadcast %broadcast_in_dim3A_1624 : vector<1x2048xi1> to vector<128x2048xi1>
    %broadcast_in_dim3A_1626 = vector.broadcast %jit3A_1623 : f32 to vector<128x2048xf32>
    %select_n3A_1627 = arith.select %broadcast_in_dim3A_1625, %add3A_1548, %broadcast_in_dim3A_1626 : vector<128x2048xi1>, vector<128x2048xf32>
    %reduce_max3A_1628 = arith.constant dense<0xFF800000> : vector<128xf32>
    %reduce_max3A_1629 = vector.multi_reduction <maximumf>, %select_n3A_1627, %reduce_max3A_1628 [1] : vector<128x2048xf32> to vector<128xf32>
    %broadcast_in_dim3A_1630 = vector.shape_cast %reduce_max3A_1629 : vector<128xf32> to vector<128x1xf32>
    %slice3A_1631 = vector.extract_strided_slice %convert_element_type3A_1469 {offsets = [4, 0], sizes = [1, 2048], strides = [1, 1]} : vector<16x2048xf32> to vector<1x2048xf32>
    %gt3A_1632 = arith.constant 5.000000e-01 : f32
    %gt3A_1633 = vector.broadcast %gt3A_1632 : f32 to vector<1x2048xf32>
    %gt3A_1634 = arith.cmpf ogt, %slice3A_1631, %gt3A_1633 : vector<1x2048xf32>
    %jit3A_1635 = arith.constant 0xFF800000 : f32
    %broadcast_in_dim3A_1636 = vector.shape_cast %gt3A_1634 : vector<1x2048xi1> to vector<1x2048xi1>
    %broadcast_in_dim3A_1637 = vector.broadcast %broadcast_in_dim3A_1636 : vector<1x2048xi1> to vector<128x2048xi1>
    %broadcast_in_dim3A_1638 = vector.broadcast %jit3A_1635 : f32 to vector<128x2048xf32>
    %select_n3A_1639 = arith.select %broadcast_in_dim3A_1637, %add3A_1548, %broadcast_in_dim3A_1638 : vector<128x2048xi1>, vector<128x2048xf32>
    %reduce_max3A_1640 = arith.constant dense<0xFF800000> : vector<128xf32>
    %reduce_max3A_1641 = vector.multi_reduction <maximumf>, %select_n3A_1639, %reduce_max3A_1640 [1] : vector<128x2048xf32> to vector<128xf32>
    %broadcast_in_dim3A_1642 = vector.shape_cast %reduce_max3A_1641 : vector<128xf32> to vector<128x1xf32>
    %slice3A_1643 = vector.extract_strided_slice %convert_element_type3A_1469 {offsets = [5, 0], sizes = [1, 2048], strides = [1, 1]} : vector<16x2048xf32> to vector<1x2048xf32>
    %gt3A_1644 = arith.constant 5.000000e-01 : f32
    %gt3A_1645 = vector.broadcast %gt3A_1644 : f32 to vector<1x2048xf32>
    %gt3A_1646 = arith.cmpf ogt, %slice3A_1643, %gt3A_1645 : vector<1x2048xf32>
    %jit3A_1647 = arith.constant 0xFF800000 : f32
    %broadcast_in_dim3A_1648 = vector.shape_cast %gt3A_1646 : vector<1x2048xi1> to vector<1x2048xi1>
    %broadcast_in_dim3A_1649 = vector.broadcast %broadcast_in_dim3A_1648 : vector<1x2048xi1> to vector<128x2048xi1>
    %broadcast_in_dim3A_1650 = vector.broadcast %jit3A_1647 : f32 to vector<128x2048xf32>
    %select_n3A_1651 = arith.select %broadcast_in_dim3A_1649, %add3A_1548, %broadcast_in_dim3A_1650 : vector<128x2048xi1>, vector<128x2048xf32>
    %reduce_max3A_1652 = arith.constant dense<0xFF800000> : vector<128xf32>
    %reduce_max3A_1653 = vector.multi_reduction <maximumf>, %select_n3A_1651, %reduce_max3A_1652 [1] : vector<128x2048xf32> to vector<128xf32>
    %broadcast_in_dim3A_1654 = vector.shape_cast %reduce_max3A_1653 : vector<128xf32> to vector<128x1xf32>
    %slice3A_1655 = vector.extract_strided_slice %convert_element_type3A_1469 {offsets = [6, 0], sizes = [1, 2048], strides = [1, 1]} : vector<16x2048xf32> to vector<1x2048xf32>
    %gt3A_1656 = arith.constant 5.000000e-01 : f32
    %gt3A_1657 = vector.broadcast %gt3A_1656 : f32 to vector<1x2048xf32>
    %gt3A_1658 = arith.cmpf ogt, %slice3A_1655, %gt3A_1657 : vector<1x2048xf32>
    %jit3A_1659 = arith.constant 0xFF800000 : f32
    %broadcast_in_dim3A_1660 = vector.shape_cast %gt3A_1658 : vector<1x2048xi1> to vector<1x2048xi1>
    %broadcast_in_dim3A_1661 = vector.broadcast %broadcast_in_dim3A_1660 : vector<1x2048xi1> to vector<128x2048xi1>
    %broadcast_in_dim3A_1662 = vector.broadcast %jit3A_1659 : f32 to vector<128x2048xf32>
    %select_n3A_1663 = arith.select %broadcast_in_dim3A_1661, %add3A_1548, %broadcast_in_dim3A_1662 : vector<128x2048xi1>, vector<128x2048xf32>
    %reduce_max3A_1664 = arith.constant dense<0xFF800000> : vector<128xf32>
    %reduce_max3A_1665 = vector.multi_reduction <maximumf>, %select_n3A_1663, %reduce_max3A_1664 [1] : vector<128x2048xf32> to vector<128xf32>
    %broadcast_in_dim3A_1666 = vector.shape_cast %reduce_max3A_1665 : vector<128xf32> to vector<128x1xf32>
    %slice3A_1667 = vector.extract_strided_slice %convert_element_type3A_1469 {offsets = [7, 0], sizes = [1, 2048], strides = [1, 1]} : vector<16x2048xf32> to vector<1x2048xf32>
    %gt3A_1668 = arith.constant 5.000000e-01 : f32
    %gt3A_1669 = vector.broadcast %gt3A_1668 : f32 to vector<1x2048xf32>
    %gt3A_1670 = arith.cmpf ogt, %slice3A_1667, %gt3A_1669 : vector<1x2048xf32>
    %jit3A_1671 = arith.constant 0xFF800000 : f32
    %broadcast_in_dim3A_1672 = vector.shape_cast %gt3A_1670 : vector<1x2048xi1> to vector<1x2048xi1>
    %broadcast_in_dim3A_1673 = vector.broadcast %broadcast_in_dim3A_1672 : vector<1x2048xi1> to vector<128x2048xi1>
    %broadcast_in_dim3A_1674 = vector.broadcast %jit3A_1671 : f32 to vector<128x2048xf32>
    %select_n3A_1675 = arith.select %broadcast_in_dim3A_1673, %add3A_1548, %broadcast_in_dim3A_1674 : vector<128x2048xi1>, vector<128x2048xf32>
    %reduce_max3A_1676 = arith.constant dense<0xFF800000> : vector<128xf32>
    %reduce_max3A_1677 = vector.multi_reduction <maximumf>, %select_n3A_1675, %reduce_max3A_1676 [1] : vector<128x2048xf32> to vector<128xf32>
    %broadcast_in_dim3A_1678 = vector.shape_cast %reduce_max3A_1677 : vector<128xf32> to vector<128x1xf32>
    %slice3A_1679 = vector.extract_strided_slice %convert_element_type3A_1469 {offsets = [8, 0], sizes = [1, 2048], strides = [1, 1]} : vector<16x2048xf32> to vector<1x2048xf32>
    %gt3A_1680 = arith.constant 5.000000e-01 : f32
    %gt3A_1681 = vector.broadcast %gt3A_1680 : f32 to vector<1x2048xf32>
    %gt3A_1682 = arith.cmpf ogt, %slice3A_1679, %gt3A_1681 : vector<1x2048xf32>
    %jit3A_1683 = arith.constant 0xFF800000 : f32
    %broadcast_in_dim3A_1684 = vector.shape_cast %gt3A_1682 : vector<1x2048xi1> to vector<1x2048xi1>
    %broadcast_in_dim3A_1685 = vector.broadcast %broadcast_in_dim3A_1684 : vector<1x2048xi1> to vector<128x2048xi1>
    %broadcast_in_dim3A_1686 = vector.broadcast %jit3A_1683 : f32 to vector<128x2048xf32>
    %select_n3A_1687 = arith.select %broadcast_in_dim3A_1685, %add3A_1548, %broadcast_in_dim3A_1686 : vector<128x2048xi1>, vector<128x2048xf32>
    %reduce_max3A_1688 = arith.constant dense<0xFF800000> : vector<128xf32>
    %reduce_max3A_1689 = vector.multi_reduction <maximumf>, %select_n3A_1687, %reduce_max3A_1688 [1] : vector<128x2048xf32> to vector<128xf32>
    %broadcast_in_dim3A_1690 = vector.shape_cast %reduce_max3A_1689 : vector<128xf32> to vector<128x1xf32>
    %slice3A_1691 = vector.extract_strided_slice %convert_element_type3A_1469 {offsets = [9, 0], sizes = [1, 2048], strides = [1, 1]} : vector<16x2048xf32> to vector<1x2048xf32>
    %gt3A_1692 = arith.constant 5.000000e-01 : f32
    %gt3A_1693 = vector.broadcast %gt3A_1692 : f32 to vector<1x2048xf32>
    %gt3A_1694 = arith.cmpf ogt, %slice3A_1691, %gt3A_1693 : vector<1x2048xf32>
    %jit3A_1695 = arith.constant 0xFF800000 : f32
    %broadcast_in_dim3A_1696 = vector.shape_cast %gt3A_1694 : vector<1x2048xi1> to vector<1x2048xi1>
    %broadcast_in_dim3A_1697 = vector.broadcast %broadcast_in_dim3A_1696 : vector<1x2048xi1> to vector<128x2048xi1>
    %broadcast_in_dim3A_1698 = vector.broadcast %jit3A_1695 : f32 to vector<128x2048xf32>
    %select_n3A_1699 = arith.select %broadcast_in_dim3A_1697, %add3A_1548, %broadcast_in_dim3A_1698 : vector<128x2048xi1>, vector<128x2048xf32>
    %reduce_max3A_1700 = arith.constant dense<0xFF800000> : vector<128xf32>
    %reduce_max3A_1701 = vector.multi_reduction <maximumf>, %select_n3A_1699, %reduce_max3A_1700 [1] : vector<128x2048xf32> to vector<128xf32>
    %broadcast_in_dim3A_1702 = vector.shape_cast %reduce_max3A_1701 : vector<128xf32> to vector<128x1xf32>
    %slice3A_1703 = vector.extract_strided_slice %convert_element_type3A_1469 {offsets = [10, 0], sizes = [1, 2048], strides = [1, 1]} : vector<16x2048xf32> to vector<1x2048xf32>
    %gt3A_1704 = arith.constant 5.000000e-01 : f32
    %gt3A_1705 = vector.broadcast %gt3A_1704 : f32 to vector<1x2048xf32>
    %gt3A_1706 = arith.cmpf ogt, %slice3A_1703, %gt3A_1705 : vector<1x2048xf32>
    %jit3A_1707 = arith.constant 0xFF800000 : f32
    %broadcast_in_dim3A_1708 = vector.shape_cast %gt3A_1706 : vector<1x2048xi1> to vector<1x2048xi1>
    %broadcast_in_dim3A_1709 = vector.broadcast %broadcast_in_dim3A_1708 : vector<1x2048xi1> to vector<128x2048xi1>
    %broadcast_in_dim3A_1710 = vector.broadcast %jit3A_1707 : f32 to vector<128x2048xf32>
    %select_n3A_1711 = arith.select %broadcast_in_dim3A_1709, %add3A_1548, %broadcast_in_dim3A_1710 : vector<128x2048xi1>, vector<128x2048xf32>
    %reduce_max3A_1712 = arith.constant dense<0xFF800000> : vector<128xf32>
    %reduce_max3A_1713 = vector.multi_reduction <maximumf>, %select_n3A_1711, %reduce_max3A_1712 [1] : vector<128x2048xf32> to vector<128xf32>
    %broadcast_in_dim3A_1714 = vector.shape_cast %reduce_max3A_1713 : vector<128xf32> to vector<128x1xf32>
    %slice3A_1715 = vector.extract_strided_slice %convert_element_type3A_1469 {offsets = [11, 0], sizes = [1, 2048], strides = [1, 1]} : vector<16x2048xf32> to vector<1x2048xf32>
    %gt3A_1716 = arith.constant 5.000000e-01 : f32
    %gt3A_1717 = vector.broadcast %gt3A_1716 : f32 to vector<1x2048xf32>
    %gt3A_1718 = arith.cmpf ogt, %slice3A_1715, %gt3A_1717 : vector<1x2048xf32>
    %jit3A_1719 = arith.constant 0xFF800000 : f32
    %broadcast_in_dim3A_1720 = vector.shape_cast %gt3A_1718 : vector<1x2048xi1> to vector<1x2048xi1>
    %broadcast_in_dim3A_1721 = vector.broadcast %broadcast_in_dim3A_1720 : vector<1x2048xi1> to vector<128x2048xi1>
    %broadcast_in_dim3A_1722 = vector.broadcast %jit3A_1719 : f32 to vector<128x2048xf32>
    %select_n3A_1723 = arith.select %broadcast_in_dim3A_1721, %add3A_1548, %broadcast_in_dim3A_1722 : vector<128x2048xi1>, vector<128x2048xf32>
    %reduce_max3A_1724 = arith.constant dense<0xFF800000> : vector<128xf32>
    %reduce_max3A_1725 = vector.multi_reduction <maximumf>, %select_n3A_1723, %reduce_max3A_1724 [1] : vector<128x2048xf32> to vector<128xf32>
    %broadcast_in_dim3A_1726 = vector.shape_cast %reduce_max3A_1725 : vector<128xf32> to vector<128x1xf32>
    %slice3A_1727 = vector.extract_strided_slice %convert_element_type3A_1469 {offsets = [12, 0], sizes = [1, 2048], strides = [1, 1]} : vector<16x2048xf32> to vector<1x2048xf32>
    %gt3A_1728 = arith.constant 5.000000e-01 : f32
    %gt3A_1729 = vector.broadcast %gt3A_1728 : f32 to vector<1x2048xf32>
    %gt3A_1730 = arith.cmpf ogt, %slice3A_1727, %gt3A_1729 : vector<1x2048xf32>
    %jit3A_1731 = arith.constant 0xFF800000 : f32
    %broadcast_in_dim3A_1732 = vector.shape_cast %gt3A_1730 : vector<1x2048xi1> to vector<1x2048xi1>
    %broadcast_in_dim3A_1733 = vector.broadcast %broadcast_in_dim3A_1732 : vector<1x2048xi1> to vector<128x2048xi1>
    %broadcast_in_dim3A_1734 = vector.broadcast %jit3A_1731 : f32 to vector<128x2048xf32>
    %select_n3A_1735 = arith.select %broadcast_in_dim3A_1733, %add3A_1548, %broadcast_in_dim3A_1734 : vector<128x2048xi1>, vector<128x2048xf32>
    %reduce_max3A_1736 = arith.constant dense<0xFF800000> : vector<128xf32>
    %reduce_max3A_1737 = vector.multi_reduction <maximumf>, %select_n3A_1735, %reduce_max3A_1736 [1] : vector<128x2048xf32> to vector<128xf32>
    %broadcast_in_dim3A_1738 = vector.shape_cast %reduce_max3A_1737 : vector<128xf32> to vector<128x1xf32>
    %slice3A_1739 = vector.extract_strided_slice %convert_element_type3A_1469 {offsets = [13, 0], sizes = [1, 2048], strides = [1, 1]} : vector<16x2048xf32> to vector<1x2048xf32>
    %gt3A_1740 = arith.constant 5.000000e-01 : f32
    %gt3A_1741 = vector.broadcast %gt3A_1740 : f32 to vector<1x2048xf32>
    %gt3A_1742 = arith.cmpf ogt, %slice3A_1739, %gt3A_1741 : vector<1x2048xf32>
    %jit3A_1743 = arith.constant 0xFF800000 : f32
    %broadcast_in_dim3A_1744 = vector.shape_cast %gt3A_1742 : vector<1x2048xi1> to vector<1x2048xi1>
    %broadcast_in_dim3A_1745 = vector.broadcast %broadcast_in_dim3A_1744 : vector<1x2048xi1> to vector<128x2048xi1>
    %broadcast_in_dim3A_1746 = vector.broadcast %jit3A_1743 : f32 to vector<128x2048xf32>
    %select_n3A_1747 = arith.select %broadcast_in_dim3A_1745, %add3A_1548, %broadcast_in_dim3A_1746 : vector<128x2048xi1>, vector<128x2048xf32>
    %reduce_max3A_1748 = arith.constant dense<0xFF800000> : vector<128xf32>
    %reduce_max3A_1749 = vector.multi_reduction <maximumf>, %select_n3A_1747, %reduce_max3A_1748 [1] : vector<128x2048xf32> to vector<128xf32>
    %broadcast_in_dim3A_1750 = vector.shape_cast %reduce_max3A_1749 : vector<128xf32> to vector<128x1xf32>
    %slice3A_1751 = vector.extract_strided_slice %convert_element_type3A_1469 {offsets = [14, 0], sizes = [1, 2048], strides = [1, 1]} : vector<16x2048xf32> to vector<1x2048xf32>
    %gt3A_1752 = arith.constant 5.000000e-01 : f32
    %gt3A_1753 = vector.broadcast %gt3A_1752 : f32 to vector<1x2048xf32>
    %gt3A_1754 = arith.cmpf ogt, %slice3A_1751, %gt3A_1753 : vector<1x2048xf32>
    %jit3A_1755 = arith.constant 0xFF800000 : f32
    %broadcast_in_dim3A_1756 = vector.shape_cast %gt3A_1754 : vector<1x2048xi1> to vector<1x2048xi1>
    %broadcast_in_dim3A_1757 = vector.broadcast %broadcast_in_dim3A_1756 : vector<1x2048xi1> to vector<128x2048xi1>
    %broadcast_in_dim3A_1758 = vector.broadcast %jit3A_1755 : f32 to vector<128x2048xf32>
    %select_n3A_1759 = arith.select %broadcast_in_dim3A_1757, %add3A_1548, %broadcast_in_dim3A_1758 : vector<128x2048xi1>, vector<128x2048xf32>
    %reduce_max3A_1760 = arith.constant dense<0xFF800000> : vector<128xf32>
    %reduce_max3A_1761 = vector.multi_reduction <maximumf>, %select_n3A_1759, %reduce_max3A_1760 [1] : vector<128x2048xf32> to vector<128xf32>
    %broadcast_in_dim3A_1762 = vector.shape_cast %reduce_max3A_1761 : vector<128xf32> to vector<128x1xf32>
    %slice3A_1763 = vector.extract_strided_slice %convert_element_type3A_1469 {offsets = [15, 0], sizes = [1, 2048], strides = [1, 1]} : vector<16x2048xf32> to vector<1x2048xf32>
    %gt3A_1764 = arith.constant 5.000000e-01 : f32
    %gt3A_1765 = vector.broadcast %gt3A_1764 : f32 to vector<1x2048xf32>
    %gt3A_1766 = arith.cmpf ogt, %slice3A_1763, %gt3A_1765 : vector<1x2048xf32>
    %jit3A_1767 = arith.constant 0xFF800000 : f32
    %broadcast_in_dim3A_1768 = vector.shape_cast %gt3A_1766 : vector<1x2048xi1> to vector<1x2048xi1>
    %broadcast_in_dim3A_1769 = vector.broadcast %broadcast_in_dim3A_1768 : vector<1x2048xi1> to vector<128x2048xi1>
    %broadcast_in_dim3A_1770 = vector.broadcast %jit3A_1767 : f32 to vector<128x2048xf32>
    %select_n3A_1771 = arith.select %broadcast_in_dim3A_1769, %add3A_1548, %broadcast_in_dim3A_1770 : vector<128x2048xi1>, vector<128x2048xf32>
    %reduce_max3A_1772 = arith.constant dense<0xFF800000> : vector<128xf32>
    %reduce_max3A_1773 = vector.multi_reduction <maximumf>, %select_n3A_1771, %reduce_max3A_1772 [1] : vector<128x2048xf32> to vector<128xf32>
    %broadcast_in_dim3A_1774 = vector.shape_cast %reduce_max3A_1773 : vector<128xf32> to vector<128x1xf32>
    %concatenate3A_1775 = tpu.concatenate %broadcast_in_dim3A_1594, %broadcast_in_dim3A_1606, %broadcast_in_dim3A_1618, %broadcast_in_dim3A_1630, %broadcast_in_dim3A_1642, %broadcast_in_dim3A_1654, %broadcast_in_dim3A_1666, %broadcast_in_dim3A_1678, %broadcast_in_dim3A_1690, %broadcast_in_dim3A_1702, %broadcast_in_dim3A_1714, %broadcast_in_dim3A_1726, %broadcast_in_dim3A_1738, %broadcast_in_dim3A_1750, %broadcast_in_dim3A_1762, %broadcast_in_dim3A_1774 in 1 : vector<128x1xf32>, vector<128x1xf32>, vector<128x1xf32>, vector<128x1xf32>, vector<128x1xf32>, vector<128x1xf32>, vector<128x1xf32>, vector<128x1xf32>, vector<128x1xf32>, vector<128x1xf32>, vector<128x1xf32>, vector<128x1xf32>, vector<128x1xf32>, vector<128x1xf32>, vector<128x1xf32>, vector<128x1xf32> -> vector<128x16xf32>
    %get3A_1776 = arith.constant 0 : index
    %get3A_1777 = arith.constant 0 : index
    %get3A_1778 = vector.load %arg8[%get3A_1776, %get3A_1777] : memref<2048x64xf32, #tpu.memory_space<vmem>>, vector<2048x64xf32>
    %slice3A_1779 = vector.extract_strided_slice %max3A_117 {offsets = [0, 10240], sizes = [64, 2048], strides = [1, 1]} : vector<64x16384xf32> to vector<64x2048xf32>
    %convert_element_type3A_1780 = arith.truncf %get3A_1778 : vector<2048x64xf32> to vector<2048x64xbf16>
    %convert_element_type3A_1781 = arith.truncf %slice3A_1779 : vector<64x2048xf32> to vector<64x2048xbf16>
    %dot_general3A_1782 = arith.constant dense<0.000000e+00> : vector<2048x2048xf32>
    %dot_general3A_1783 = tpu.matmul %convert_element_type3A_1780, %convert_element_type3A_1781, %dot_general3A_1782 {dimension_numbers = #tpu.dot_dimension_numbers<[1], [0], [0], [1], [0, 0, 1, 1], [], []>, transpose_lhs_hint = false} : vector<2048x64xbf16>, vector<64x2048xbf16>, vector<2048x2048xf32> -> vector<2048x2048xf32>
    %slice3A_1784 = vector.extract_strided_slice %get3A_1 {offsets = [5, 10240], sizes = [1, 2048], strides = [1, 1]} : vector<8x16384xf32> to vector<1x2048xf32>
    %broadcast_in_dim3A_1785 = vector.shape_cast %slice3A_1784 : vector<1x2048xf32> to vector<1x2048xf32>
    %broadcast_in_dim3A_1786 = vector.broadcast %broadcast_in_dim3A_1785 : vector<1x2048xf32> to vector<16x2048xf32>
    %eq3A_1787 = arith.cmpf oeq, %broadcast_in_dim3A_1786, %convert_element_type3A_177 : vector<16x2048xf32>
    %convert_element_type3A_1788 = arith.extui %eq3A_1787 : vector<16x2048xi1> to vector<16x2048xi32>
    %convert_element_type3A_1789 = arith.sitofp %convert_element_type3A_1788 : vector<16x2048xi32> to vector<16x2048xf32>
    %slice3A_1790 = vector.extract_strided_slice %dot_general3A_1783 {offsets = [0, 0], sizes = [128, 2048], strides = [1, 1]} : vector<2048x2048xf32> to vector<128x2048xf32>
    %slice3A_1791 = vector.extract_strided_slice %convert_element_type3A_1789 {offsets = [0, 0], sizes = [1, 2048], strides = [1, 1]} : vector<16x2048xf32> to vector<1x2048xf32>
    %mul3A_1792 = vector.broadcast %slice3A_1791 : vector<1x2048xf32> to vector<128x2048xf32>
    %mul3A_1793 = arith.mulf %slice3A_1790, %mul3A_1792 : vector<128x2048xf32>
    %slice3A_1794 = vector.extract_strided_slice %dot_general3A_1783 {offsets = [128, 0], sizes = [128, 2048], strides = [1, 1]} : vector<2048x2048xf32> to vector<128x2048xf32>
    %slice3A_1795 = vector.extract_strided_slice %convert_element_type3A_1789 {offsets = [1, 0], sizes = [1, 2048], strides = [1, 1]} : vector<16x2048xf32> to vector<1x2048xf32>
    %mul3A_1796 = vector.broadcast %slice3A_1795 : vector<1x2048xf32> to vector<128x2048xf32>
    %mul3A_1797 = arith.mulf %slice3A_1794, %mul3A_1796 : vector<128x2048xf32>
    %add3A_1798 = arith.addf %mul3A_1793, %mul3A_1797 : vector<128x2048xf32>
    %slice3A_1799 = vector.extract_strided_slice %dot_general3A_1783 {offsets = [256, 0], sizes = [128, 2048], strides = [1, 1]} : vector<2048x2048xf32> to vector<128x2048xf32>
    %slice3A_1800 = vector.extract_strided_slice %convert_element_type3A_1789 {offsets = [2, 0], sizes = [1, 2048], strides = [1, 1]} : vector<16x2048xf32> to vector<1x2048xf32>
    %mul3A_1801 = vector.broadcast %slice3A_1800 : vector<1x2048xf32> to vector<128x2048xf32>
    %mul3A_1802 = arith.mulf %slice3A_1799, %mul3A_1801 : vector<128x2048xf32>
    %add3A_1803 = arith.addf %add3A_1798, %mul3A_1802 : vector<128x2048xf32>
    %slice3A_1804 = vector.extract_strided_slice %dot_general3A_1783 {offsets = [384, 0], sizes = [128, 2048], strides = [1, 1]} : vector<2048x2048xf32> to vector<128x2048xf32>
    %slice3A_1805 = vector.extract_strided_slice %convert_element_type3A_1789 {offsets = [3, 0], sizes = [1, 2048], strides = [1, 1]} : vector<16x2048xf32> to vector<1x2048xf32>
    %mul3A_1806 = vector.broadcast %slice3A_1805 : vector<1x2048xf32> to vector<128x2048xf32>
    %mul3A_1807 = arith.mulf %slice3A_1804, %mul3A_1806 : vector<128x2048xf32>
    %add3A_1808 = arith.addf %add3A_1803, %mul3A_1807 : vector<128x2048xf32>
    %slice3A_1809 = vector.extract_strided_slice %dot_general3A_1783 {offsets = [512, 0], sizes = [128, 2048], strides = [1, 1]} : vector<2048x2048xf32> to vector<128x2048xf32>
    %slice3A_1810 = vector.extract_strided_slice %convert_element_type3A_1789 {offsets = [4, 0], sizes = [1, 2048], strides = [1, 1]} : vector<16x2048xf32> to vector<1x2048xf32>
    %mul3A_1811 = vector.broadcast %slice3A_1810 : vector<1x2048xf32> to vector<128x2048xf32>
    %mul3A_1812 = arith.mulf %slice3A_1809, %mul3A_1811 : vector<128x2048xf32>
    %add3A_1813 = arith.addf %add3A_1808, %mul3A_1812 : vector<128x2048xf32>
    %slice3A_1814 = vector.extract_strided_slice %dot_general3A_1783 {offsets = [640, 0], sizes = [128, 2048], strides = [1, 1]} : vector<2048x2048xf32> to vector<128x2048xf32>
    %slice3A_1815 = vector.extract_strided_slice %convert_element_type3A_1789 {offsets = [5, 0], sizes = [1, 2048], strides = [1, 1]} : vector<16x2048xf32> to vector<1x2048xf32>
    %mul3A_1816 = vector.broadcast %slice3A_1815 : vector<1x2048xf32> to vector<128x2048xf32>
    %mul3A_1817 = arith.mulf %slice3A_1814, %mul3A_1816 : vector<128x2048xf32>
    %add3A_1818 = arith.addf %add3A_1813, %mul3A_1817 : vector<128x2048xf32>
    %slice3A_1819 = vector.extract_strided_slice %dot_general3A_1783 {offsets = [768, 0], sizes = [128, 2048], strides = [1, 1]} : vector<2048x2048xf32> to vector<128x2048xf32>
    %slice3A_1820 = vector.extract_strided_slice %convert_element_type3A_1789 {offsets = [6, 0], sizes = [1, 2048], strides = [1, 1]} : vector<16x2048xf32> to vector<1x2048xf32>
    %mul3A_1821 = vector.broadcast %slice3A_1820 : vector<1x2048xf32> to vector<128x2048xf32>
    %mul3A_1822 = arith.mulf %slice3A_1819, %mul3A_1821 : vector<128x2048xf32>
    %add3A_1823 = arith.addf %add3A_1818, %mul3A_1822 : vector<128x2048xf32>
    %slice3A_1824 = vector.extract_strided_slice %dot_general3A_1783 {offsets = [896, 0], sizes = [128, 2048], strides = [1, 1]} : vector<2048x2048xf32> to vector<128x2048xf32>
    %slice3A_1825 = vector.extract_strided_slice %convert_element_type3A_1789 {offsets = [7, 0], sizes = [1, 2048], strides = [1, 1]} : vector<16x2048xf32> to vector<1x2048xf32>
    %mul3A_1826 = vector.broadcast %slice3A_1825 : vector<1x2048xf32> to vector<128x2048xf32>
    %mul3A_1827 = arith.mulf %slice3A_1824, %mul3A_1826 : vector<128x2048xf32>
    %add3A_1828 = arith.addf %add3A_1823, %mul3A_1827 : vector<128x2048xf32>
    %slice3A_1829 = vector.extract_strided_slice %dot_general3A_1783 {offsets = [1024, 0], sizes = [128, 2048], strides = [1, 1]} : vector<2048x2048xf32> to vector<128x2048xf32>
    %slice3A_1830 = vector.extract_strided_slice %convert_element_type3A_1789 {offsets = [8, 0], sizes = [1, 2048], strides = [1, 1]} : vector<16x2048xf32> to vector<1x2048xf32>
    %mul3A_1831 = vector.broadcast %slice3A_1830 : vector<1x2048xf32> to vector<128x2048xf32>
    %mul3A_1832 = arith.mulf %slice3A_1829, %mul3A_1831 : vector<128x2048xf32>
    %add3A_1833 = arith.addf %add3A_1828, %mul3A_1832 : vector<128x2048xf32>
    %slice3A_1834 = vector.extract_strided_slice %dot_general3A_1783 {offsets = [1152, 0], sizes = [128, 2048], strides = [1, 1]} : vector<2048x2048xf32> to vector<128x2048xf32>
    %slice3A_1835 = vector.extract_strided_slice %convert_element_type3A_1789 {offsets = [9, 0], sizes = [1, 2048], strides = [1, 1]} : vector<16x2048xf32> to vector<1x2048xf32>
    %mul3A_1836 = vector.broadcast %slice3A_1835 : vector<1x2048xf32> to vector<128x2048xf32>
    %mul3A_1837 = arith.mulf %slice3A_1834, %mul3A_1836 : vector<128x2048xf32>
    %add3A_1838 = arith.addf %add3A_1833, %mul3A_1837 : vector<128x2048xf32>
    %slice3A_1839 = vector.extract_strided_slice %dot_general3A_1783 {offsets = [1280, 0], sizes = [128, 2048], strides = [1, 1]} : vector<2048x2048xf32> to vector<128x2048xf32>
    %slice3A_1840 = vector.extract_strided_slice %convert_element_type3A_1789 {offsets = [10, 0], sizes = [1, 2048], strides = [1, 1]} : vector<16x2048xf32> to vector<1x2048xf32>
    %mul3A_1841 = vector.broadcast %slice3A_1840 : vector<1x2048xf32> to vector<128x2048xf32>
    %mul3A_1842 = arith.mulf %slice3A_1839, %mul3A_1841 : vector<128x2048xf32>
    %add3A_1843 = arith.addf %add3A_1838, %mul3A_1842 : vector<128x2048xf32>
    %slice3A_1844 = vector.extract_strided_slice %dot_general3A_1783 {offsets = [1408, 0], sizes = [128, 2048], strides = [1, 1]} : vector<2048x2048xf32> to vector<128x2048xf32>
    %slice3A_1845 = vector.extract_strided_slice %convert_element_type3A_1789 {offsets = [11, 0], sizes = [1, 2048], strides = [1, 1]} : vector<16x2048xf32> to vector<1x2048xf32>
    %mul3A_1846 = vector.broadcast %slice3A_1845 : vector<1x2048xf32> to vector<128x2048xf32>
    %mul3A_1847 = arith.mulf %slice3A_1844, %mul3A_1846 : vector<128x2048xf32>
    %add3A_1848 = arith.addf %add3A_1843, %mul3A_1847 : vector<128x2048xf32>
    %slice3A_1849 = vector.extract_strided_slice %dot_general3A_1783 {offsets = [1536, 0], sizes = [128, 2048], strides = [1, 1]} : vector<2048x2048xf32> to vector<128x2048xf32>
    %slice3A_1850 = vector.extract_strided_slice %convert_element_type3A_1789 {offsets = [12, 0], sizes = [1, 2048], strides = [1, 1]} : vector<16x2048xf32> to vector<1x2048xf32>
    %mul3A_1851 = vector.broadcast %slice3A_1850 : vector<1x2048xf32> to vector<128x2048xf32>
    %mul3A_1852 = arith.mulf %slice3A_1849, %mul3A_1851 : vector<128x2048xf32>
    %add3A_1853 = arith.addf %add3A_1848, %mul3A_1852 : vector<128x2048xf32>
    %slice3A_1854 = vector.extract_strided_slice %dot_general3A_1783 {offsets = [1664, 0], sizes = [128, 2048], strides = [1, 1]} : vector<2048x2048xf32> to vector<128x2048xf32>
    %slice3A_1855 = vector.extract_strided_slice %convert_element_type3A_1789 {offsets = [13, 0], sizes = [1, 2048], strides = [1, 1]} : vector<16x2048xf32> to vector<1x2048xf32>
    %mul3A_1856 = vector.broadcast %slice3A_1855 : vector<1x2048xf32> to vector<128x2048xf32>
    %mul3A_1857 = arith.mulf %slice3A_1854, %mul3A_1856 : vector<128x2048xf32>
    %add3A_1858 = arith.addf %add3A_1853, %mul3A_1857 : vector<128x2048xf32>
    %slice3A_1859 = vector.extract_strided_slice %dot_general3A_1783 {offsets = [1792, 0], sizes = [128, 2048], strides = [1, 1]} : vector<2048x2048xf32> to vector<128x2048xf32>
    %slice3A_1860 = vector.extract_strided_slice %convert_element_type3A_1789 {offsets = [14, 0], sizes = [1, 2048], strides = [1, 1]} : vector<16x2048xf32> to vector<1x2048xf32>
    %mul3A_1861 = vector.broadcast %slice3A_1860 : vector<1x2048xf32> to vector<128x2048xf32>
    %mul3A_1862 = arith.mulf %slice3A_1859, %mul3A_1861 : vector<128x2048xf32>
    %add3A_1863 = arith.addf %add3A_1858, %mul3A_1862 : vector<128x2048xf32>
    %slice3A_1864 = vector.extract_strided_slice %dot_general3A_1783 {offsets = [1920, 0], sizes = [128, 2048], strides = [1, 1]} : vector<2048x2048xf32> to vector<128x2048xf32>
    %slice3A_1865 = vector.extract_strided_slice %convert_element_type3A_1789 {offsets = [15, 0], sizes = [1, 2048], strides = [1, 1]} : vector<16x2048xf32> to vector<1x2048xf32>
    %mul3A_1866 = vector.broadcast %slice3A_1865 : vector<1x2048xf32> to vector<128x2048xf32>
    %mul3A_1867 = arith.mulf %slice3A_1864, %mul3A_1866 : vector<128x2048xf32>
    %add3A_1868 = arith.addf %add3A_1863, %mul3A_1867 : vector<128x2048xf32>
    %convert_element_type3A_1869 = arith.truncf %add3A_1868 : vector<128x2048xf32> to vector<128x2048xbf16>
    %convert_element_type3A_1870 = arith.extf %convert_element_type3A_1869 : vector<128x2048xbf16> to vector<128x2048xf32>
    %sub3A_1871 = arith.subf %add3A_1868, %convert_element_type3A_1870 : vector<128x2048xf32>
    %convert_element_type3A_1872 = arith.truncf %sub3A_1871 : vector<128x2048xf32> to vector<128x2048xbf16>
    %convert_element_type3A_1873 = arith.truncf %convert_element_type3A_1789 : vector<16x2048xf32> to vector<16x2048xbf16>
    %dot_general3A_1874 = arith.constant dense<0.000000e+00> : vector<128x16xf32>
    %dot_general3A_1875 = tpu.matmul %convert_element_type3A_1869, %convert_element_type3A_1873, %dot_general3A_1874 {dimension_numbers = #tpu.dot_dimension_numbers<[1], [1], [0], [0], [0, 0, 1, 0], [], []>, transpose_lhs_hint = false} : vector<128x2048xbf16>, vector<16x2048xbf16>, vector<128x16xf32> -> vector<128x16xf32>
    %dot_general3A_1876 = arith.constant dense<0.000000e+00> : vector<128x16xf32>
    %dot_general3A_1877 = tpu.matmul %convert_element_type3A_1872, %convert_element_type3A_1873, %dot_general3A_1876 {dimension_numbers = #tpu.dot_dimension_numbers<[1], [1], [0], [0], [0, 0, 1, 0], [], []>, transpose_lhs_hint = false} : vector<128x2048xbf16>, vector<16x2048xbf16>, vector<128x16xf32> -> vector<128x16xf32>
    %add3A_1878 = arith.addf %dot_general3A_1875, %dot_general3A_1877 : vector<128x16xf32>
    %add3A_1879 = arith.addf %add3A_1559, %add3A_1878 : vector<128x16xf32>
    %mul3A_1880 = arith.mulf %add3A_1868, %add3A_1868 : vector<128x2048xf32>
    %convert_element_type3A_1881 = arith.truncf %mul3A_1880 : vector<128x2048xf32> to vector<128x2048xbf16>
    %convert_element_type3A_1882 = arith.extf %convert_element_type3A_1881 : vector<128x2048xbf16> to vector<128x2048xf32>
    %sub3A_1883 = arith.subf %mul3A_1880, %convert_element_type3A_1882 : vector<128x2048xf32>
    %convert_element_type3A_1884 = arith.truncf %sub3A_1883 : vector<128x2048xf32> to vector<128x2048xbf16>
    %convert_element_type3A_1885 = arith.truncf %convert_element_type3A_1789 : vector<16x2048xf32> to vector<16x2048xbf16>
    %dot_general3A_1886 = arith.constant dense<0.000000e+00> : vector<128x16xf32>
    %dot_general3A_1887 = tpu.matmul %convert_element_type3A_1881, %convert_element_type3A_1885, %dot_general3A_1886 {dimension_numbers = #tpu.dot_dimension_numbers<[1], [1], [0], [0], [0, 0, 1, 0], [], []>, transpose_lhs_hint = false} : vector<128x2048xbf16>, vector<16x2048xbf16>, vector<128x16xf32> -> vector<128x16xf32>
    %dot_general3A_1888 = arith.constant dense<0.000000e+00> : vector<128x16xf32>
    %dot_general3A_1889 = tpu.matmul %convert_element_type3A_1884, %convert_element_type3A_1885, %dot_general3A_1888 {dimension_numbers = #tpu.dot_dimension_numbers<[1], [1], [0], [0], [0, 0, 1, 0], [], []>, transpose_lhs_hint = false} : vector<128x2048xbf16>, vector<16x2048xbf16>, vector<128x16xf32> -> vector<128x16xf32>
    %add3A_1890 = arith.addf %dot_general3A_1887, %dot_general3A_1889 : vector<128x16xf32>
    %add3A_1891 = arith.addf %add3A_1571, %add3A_1890 : vector<128x16xf32>
    %convert_element_type3A_1892 = arith.truncf %broadcast_in_dim3A_175 : vector<1x2048xf32> to vector<1x2048xbf16>
    %convert_element_type3A_1893 = arith.extf %convert_element_type3A_1892 : vector<1x2048xbf16> to vector<1x2048xf32>
    %sub3A_1894 = arith.subf %broadcast_in_dim3A_175, %convert_element_type3A_1893 : vector<1x2048xf32>
    %convert_element_type3A_1895 = arith.truncf %sub3A_1894 : vector<1x2048xf32> to vector<1x2048xbf16>
    %convert_element_type3A_1896 = arith.truncf %convert_element_type3A_1789 : vector<16x2048xf32> to vector<16x2048xbf16>
    %dot_general3A_1897 = arith.constant dense<0.000000e+00> : vector<1x16xf32>
    %dot_general3A_1898 = tpu.matmul %convert_element_type3A_1892, %convert_element_type3A_1896, %dot_general3A_1897 {dimension_numbers = #tpu.dot_dimension_numbers<[1], [1], [0], [0], [0, 0, 1, 0], [], []>, transpose_lhs_hint = false} : vector<1x2048xbf16>, vector<16x2048xbf16>, vector<1x16xf32> -> vector<1x16xf32>
    %dot_general3A_1899 = arith.constant dense<0.000000e+00> : vector<1x16xf32>
    %dot_general3A_1900 = tpu.matmul %convert_element_type3A_1895, %convert_element_type3A_1896, %dot_general3A_1899 {dimension_numbers = #tpu.dot_dimension_numbers<[1], [1], [0], [0], [0, 0, 1, 0], [], []>, transpose_lhs_hint = false} : vector<1x2048xbf16>, vector<16x2048xbf16>, vector<1x16xf32> -> vector<1x16xf32>
    %add3A_1901 = arith.addf %dot_general3A_1898, %dot_general3A_1900 : vector<1x16xf32>
    %add3A_1902 = arith.addf %add3A_1582, %add3A_1901 : vector<1x16xf32>
    %slice3A_1903 = vector.extract_strided_slice %convert_element_type3A_1789 {offsets = [0, 0], sizes = [1, 2048], strides = [1, 1]} : vector<16x2048xf32> to vector<1x2048xf32>
    %gt3A_1904 = arith.constant 5.000000e-01 : f32
    %gt3A_1905 = vector.broadcast %gt3A_1904 : f32 to vector<1x2048xf32>
    %gt3A_1906 = arith.cmpf ogt, %slice3A_1903, %gt3A_1905 : vector<1x2048xf32>
    %jit3A_1907 = arith.constant 0xFF800000 : f32
    %broadcast_in_dim3A_1908 = vector.shape_cast %gt3A_1906 : vector<1x2048xi1> to vector<1x2048xi1>
    %broadcast_in_dim3A_1909 = vector.broadcast %broadcast_in_dim3A_1908 : vector<1x2048xi1> to vector<128x2048xi1>
    %broadcast_in_dim3A_1910 = vector.broadcast %jit3A_1907 : f32 to vector<128x2048xf32>
    %select_n3A_1911 = arith.select %broadcast_in_dim3A_1909, %add3A_1868, %broadcast_in_dim3A_1910 : vector<128x2048xi1>, vector<128x2048xf32>
    %reduce_max3A_1912 = arith.constant dense<0xFF800000> : vector<128xf32>
    %reduce_max3A_1913 = vector.multi_reduction <maximumf>, %select_n3A_1911, %reduce_max3A_1912 [1] : vector<128x2048xf32> to vector<128xf32>
    %broadcast_in_dim3A_1914 = vector.shape_cast %reduce_max3A_1913 : vector<128xf32> to vector<128x1xf32>
    %slice3A_1915 = vector.extract_strided_slice %convert_element_type3A_1789 {offsets = [1, 0], sizes = [1, 2048], strides = [1, 1]} : vector<16x2048xf32> to vector<1x2048xf32>
    %gt3A_1916 = arith.constant 5.000000e-01 : f32
    %gt3A_1917 = vector.broadcast %gt3A_1916 : f32 to vector<1x2048xf32>
    %gt3A_1918 = arith.cmpf ogt, %slice3A_1915, %gt3A_1917 : vector<1x2048xf32>
    %jit3A_1919 = arith.constant 0xFF800000 : f32
    %broadcast_in_dim3A_1920 = vector.shape_cast %gt3A_1918 : vector<1x2048xi1> to vector<1x2048xi1>
    %broadcast_in_dim3A_1921 = vector.broadcast %broadcast_in_dim3A_1920 : vector<1x2048xi1> to vector<128x2048xi1>
    %broadcast_in_dim3A_1922 = vector.broadcast %jit3A_1919 : f32 to vector<128x2048xf32>
    %select_n3A_1923 = arith.select %broadcast_in_dim3A_1921, %add3A_1868, %broadcast_in_dim3A_1922 : vector<128x2048xi1>, vector<128x2048xf32>
    %reduce_max3A_1924 = arith.constant dense<0xFF800000> : vector<128xf32>
    %reduce_max3A_1925 = vector.multi_reduction <maximumf>, %select_n3A_1923, %reduce_max3A_1924 [1] : vector<128x2048xf32> to vector<128xf32>
    %broadcast_in_dim3A_1926 = vector.shape_cast %reduce_max3A_1925 : vector<128xf32> to vector<128x1xf32>
    %slice3A_1927 = vector.extract_strided_slice %convert_element_type3A_1789 {offsets = [2, 0], sizes = [1, 2048], strides = [1, 1]} : vector<16x2048xf32> to vector<1x2048xf32>
    %gt3A_1928 = arith.constant 5.000000e-01 : f32
    %gt3A_1929 = vector.broadcast %gt3A_1928 : f32 to vector<1x2048xf32>
    %gt3A_1930 = arith.cmpf ogt, %slice3A_1927, %gt3A_1929 : vector<1x2048xf32>
    %jit3A_1931 = arith.constant 0xFF800000 : f32
    %broadcast_in_dim3A_1932 = vector.shape_cast %gt3A_1930 : vector<1x2048xi1> to vector<1x2048xi1>
    %broadcast_in_dim3A_1933 = vector.broadcast %broadcast_in_dim3A_1932 : vector<1x2048xi1> to vector<128x2048xi1>
    %broadcast_in_dim3A_1934 = vector.broadcast %jit3A_1931 : f32 to vector<128x2048xf32>
    %select_n3A_1935 = arith.select %broadcast_in_dim3A_1933, %add3A_1868, %broadcast_in_dim3A_1934 : vector<128x2048xi1>, vector<128x2048xf32>
    %reduce_max3A_1936 = arith.constant dense<0xFF800000> : vector<128xf32>
    %reduce_max3A_1937 = vector.multi_reduction <maximumf>, %select_n3A_1935, %reduce_max3A_1936 [1] : vector<128x2048xf32> to vector<128xf32>
    %broadcast_in_dim3A_1938 = vector.shape_cast %reduce_max3A_1937 : vector<128xf32> to vector<128x1xf32>
    %slice3A_1939 = vector.extract_strided_slice %convert_element_type3A_1789 {offsets = [3, 0], sizes = [1, 2048], strides = [1, 1]} : vector<16x2048xf32> to vector<1x2048xf32>
    %gt3A_1940 = arith.constant 5.000000e-01 : f32
    %gt3A_1941 = vector.broadcast %gt3A_1940 : f32 to vector<1x2048xf32>
    %gt3A_1942 = arith.cmpf ogt, %slice3A_1939, %gt3A_1941 : vector<1x2048xf32>
    %jit3A_1943 = arith.constant 0xFF800000 : f32
    %broadcast_in_dim3A_1944 = vector.shape_cast %gt3A_1942 : vector<1x2048xi1> to vector<1x2048xi1>
    %broadcast_in_dim3A_1945 = vector.broadcast %broadcast_in_dim3A_1944 : vector<1x2048xi1> to vector<128x2048xi1>
    %broadcast_in_dim3A_1946 = vector.broadcast %jit3A_1943 : f32 to vector<128x2048xf32>
    %select_n3A_1947 = arith.select %broadcast_in_dim3A_1945, %add3A_1868, %broadcast_in_dim3A_1946 : vector<128x2048xi1>, vector<128x2048xf32>
    %reduce_max3A_1948 = arith.constant dense<0xFF800000> : vector<128xf32>
    %reduce_max3A_1949 = vector.multi_reduction <maximumf>, %select_n3A_1947, %reduce_max3A_1948 [1] : vector<128x2048xf32> to vector<128xf32>
    %broadcast_in_dim3A_1950 = vector.shape_cast %reduce_max3A_1949 : vector<128xf32> to vector<128x1xf32>
    %slice3A_1951 = vector.extract_strided_slice %convert_element_type3A_1789 {offsets = [4, 0], sizes = [1, 2048], strides = [1, 1]} : vector<16x2048xf32> to vector<1x2048xf32>
    %gt3A_1952 = arith.constant 5.000000e-01 : f32
    %gt3A_1953 = vector.broadcast %gt3A_1952 : f32 to vector<1x2048xf32>
    %gt3A_1954 = arith.cmpf ogt, %slice3A_1951, %gt3A_1953 : vector<1x2048xf32>
    %jit3A_1955 = arith.constant 0xFF800000 : f32
    %broadcast_in_dim3A_1956 = vector.shape_cast %gt3A_1954 : vector<1x2048xi1> to vector<1x2048xi1>
    %broadcast_in_dim3A_1957 = vector.broadcast %broadcast_in_dim3A_1956 : vector<1x2048xi1> to vector<128x2048xi1>
    %broadcast_in_dim3A_1958 = vector.broadcast %jit3A_1955 : f32 to vector<128x2048xf32>
    %select_n3A_1959 = arith.select %broadcast_in_dim3A_1957, %add3A_1868, %broadcast_in_dim3A_1958 : vector<128x2048xi1>, vector<128x2048xf32>
    %reduce_max3A_1960 = arith.constant dense<0xFF800000> : vector<128xf32>
    %reduce_max3A_1961 = vector.multi_reduction <maximumf>, %select_n3A_1959, %reduce_max3A_1960 [1] : vector<128x2048xf32> to vector<128xf32>
    %broadcast_in_dim3A_1962 = vector.shape_cast %reduce_max3A_1961 : vector<128xf32> to vector<128x1xf32>
    %slice3A_1963 = vector.extract_strided_slice %convert_element_type3A_1789 {offsets = [5, 0], sizes = [1, 2048], strides = [1, 1]} : vector<16x2048xf32> to vector<1x2048xf32>
    %gt3A_1964 = arith.constant 5.000000e-01 : f32
    %gt3A_1965 = vector.broadcast %gt3A_1964 : f32 to vector<1x2048xf32>
    %gt3A_1966 = arith.cmpf ogt, %slice3A_1963, %gt3A_1965 : vector<1x2048xf32>
    %jit3A_1967 = arith.constant 0xFF800000 : f32
    %broadcast_in_dim3A_1968 = vector.shape_cast %gt3A_1966 : vector<1x2048xi1> to vector<1x2048xi1>
    %broadcast_in_dim3A_1969 = vector.broadcast %broadcast_in_dim3A_1968 : vector<1x2048xi1> to vector<128x2048xi1>
    %broadcast_in_dim3A_1970 = vector.broadcast %jit3A_1967 : f32 to vector<128x2048xf32>
    %select_n3A_1971 = arith.select %broadcast_in_dim3A_1969, %add3A_1868, %broadcast_in_dim3A_1970 : vector<128x2048xi1>, vector<128x2048xf32>
    %reduce_max3A_1972 = arith.constant dense<0xFF800000> : vector<128xf32>
    %reduce_max3A_1973 = vector.multi_reduction <maximumf>, %select_n3A_1971, %reduce_max3A_1972 [1] : vector<128x2048xf32> to vector<128xf32>
    %broadcast_in_dim3A_1974 = vector.shape_cast %reduce_max3A_1973 : vector<128xf32> to vector<128x1xf32>
    %slice3A_1975 = vector.extract_strided_slice %convert_element_type3A_1789 {offsets = [6, 0], sizes = [1, 2048], strides = [1, 1]} : vector<16x2048xf32> to vector<1x2048xf32>
    %gt3A_1976 = arith.constant 5.000000e-01 : f32
    %gt3A_1977 = vector.broadcast %gt3A_1976 : f32 to vector<1x2048xf32>
    %gt3A_1978 = arith.cmpf ogt, %slice3A_1975, %gt3A_1977 : vector<1x2048xf32>
    %jit3A_1979 = arith.constant 0xFF800000 : f32
    %broadcast_in_dim3A_1980 = vector.shape_cast %gt3A_1978 : vector<1x2048xi1> to vector<1x2048xi1>
    %broadcast_in_dim3A_1981 = vector.broadcast %broadcast_in_dim3A_1980 : vector<1x2048xi1> to vector<128x2048xi1>
    %broadcast_in_dim3A_1982 = vector.broadcast %jit3A_1979 : f32 to vector<128x2048xf32>
    %select_n3A_1983 = arith.select %broadcast_in_dim3A_1981, %add3A_1868, %broadcast_in_dim3A_1982 : vector<128x2048xi1>, vector<128x2048xf32>
    %reduce_max3A_1984 = arith.constant dense<0xFF800000> : vector<128xf32>
    %reduce_max3A_1985 = vector.multi_reduction <maximumf>, %select_n3A_1983, %reduce_max3A_1984 [1] : vector<128x2048xf32> to vector<128xf32>
    %broadcast_in_dim3A_1986 = vector.shape_cast %reduce_max3A_1985 : vector<128xf32> to vector<128x1xf32>
    %slice3A_1987 = vector.extract_strided_slice %convert_element_type3A_1789 {offsets = [7, 0], sizes = [1, 2048], strides = [1, 1]} : vector<16x2048xf32> to vector<1x2048xf32>
    %gt3A_1988 = arith.constant 5.000000e-01 : f32
    %gt3A_1989 = vector.broadcast %gt3A_1988 : f32 to vector<1x2048xf32>
    %gt3A_1990 = arith.cmpf ogt, %slice3A_1987, %gt3A_1989 : vector<1x2048xf32>
    %jit3A_1991 = arith.constant 0xFF800000 : f32
    %broadcast_in_dim3A_1992 = vector.shape_cast %gt3A_1990 : vector<1x2048xi1> to vector<1x2048xi1>
    %broadcast_in_dim3A_1993 = vector.broadcast %broadcast_in_dim3A_1992 : vector<1x2048xi1> to vector<128x2048xi1>
    %broadcast_in_dim3A_1994 = vector.broadcast %jit3A_1991 : f32 to vector<128x2048xf32>
    %select_n3A_1995 = arith.select %broadcast_in_dim3A_1993, %add3A_1868, %broadcast_in_dim3A_1994 : vector<128x2048xi1>, vector<128x2048xf32>
    %reduce_max3A_1996 = arith.constant dense<0xFF800000> : vector<128xf32>
    %reduce_max3A_1997 = vector.multi_reduction <maximumf>, %select_n3A_1995, %reduce_max3A_1996 [1] : vector<128x2048xf32> to vector<128xf32>
    %broadcast_in_dim3A_1998 = vector.shape_cast %reduce_max3A_1997 : vector<128xf32> to vector<128x1xf32>
    %slice3A_1999 = vector.extract_strided_slice %convert_element_type3A_1789 {offsets = [8, 0], sizes = [1, 2048], strides = [1, 1]} : vector<16x2048xf32> to vector<1x2048xf32>
    %gt3A_2000 = arith.constant 5.000000e-01 : f32
    %gt3A_2001 = vector.broadcast %gt3A_2000 : f32 to vector<1x2048xf32>
    %gt3A_2002 = arith.cmpf ogt, %slice3A_1999, %gt3A_2001 : vector<1x2048xf32>
    %jit3A_2003 = arith.constant 0xFF800000 : f32
    %broadcast_in_dim3A_2004 = vector.shape_cast %gt3A_2002 : vector<1x2048xi1> to vector<1x2048xi1>
    %broadcast_in_dim3A_2005 = vector.broadcast %broadcast_in_dim3A_2004 : vector<1x2048xi1> to vector<128x2048xi1>
    %broadcast_in_dim3A_2006 = vector.broadcast %jit3A_2003 : f32 to vector<128x2048xf32>
    %select_n3A_2007 = arith.select %broadcast_in_dim3A_2005, %add3A_1868, %broadcast_in_dim3A_2006 : vector<128x2048xi1>, vector<128x2048xf32>
    %reduce_max3A_2008 = arith.constant dense<0xFF800000> : vector<128xf32>
    %reduce_max3A_2009 = vector.multi_reduction <maximumf>, %select_n3A_2007, %reduce_max3A_2008 [1] : vector<128x2048xf32> to vector<128xf32>
    %broadcast_in_dim3A_2010 = vector.shape_cast %reduce_max3A_2009 : vector<128xf32> to vector<128x1xf32>
    %slice3A_2011 = vector.extract_strided_slice %convert_element_type3A_1789 {offsets = [9, 0], sizes = [1, 2048], strides = [1, 1]} : vector<16x2048xf32> to vector<1x2048xf32>
    %gt3A_2012 = arith.constant 5.000000e-01 : f32
    %gt3A_2013 = vector.broadcast %gt3A_2012 : f32 to vector<1x2048xf32>
    %gt3A_2014 = arith.cmpf ogt, %slice3A_2011, %gt3A_2013 : vector<1x2048xf32>
    %jit3A_2015 = arith.constant 0xFF800000 : f32
    %broadcast_in_dim3A_2016 = vector.shape_cast %gt3A_2014 : vector<1x2048xi1> to vector<1x2048xi1>
    %broadcast_in_dim3A_2017 = vector.broadcast %broadcast_in_dim3A_2016 : vector<1x2048xi1> to vector<128x2048xi1>
    %broadcast_in_dim3A_2018 = vector.broadcast %jit3A_2015 : f32 to vector<128x2048xf32>
    %select_n3A_2019 = arith.select %broadcast_in_dim3A_2017, %add3A_1868, %broadcast_in_dim3A_2018 : vector<128x2048xi1>, vector<128x2048xf32>
    %reduce_max3A_2020 = arith.constant dense<0xFF800000> : vector<128xf32>
    %reduce_max3A_2021 = vector.multi_reduction <maximumf>, %select_n3A_2019, %reduce_max3A_2020 [1] : vector<128x2048xf32> to vector<128xf32>
    %broadcast_in_dim3A_2022 = vector.shape_cast %reduce_max3A_2021 : vector<128xf32> to vector<128x1xf32>
    %slice3A_2023 = vector.extract_strided_slice %convert_element_type3A_1789 {offsets = [10, 0], sizes = [1, 2048], strides = [1, 1]} : vector<16x2048xf32> to vector<1x2048xf32>
    %gt3A_2024 = arith.constant 5.000000e-01 : f32
    %gt3A_2025 = vector.broadcast %gt3A_2024 : f32 to vector<1x2048xf32>
    %gt3A_2026 = arith.cmpf ogt, %slice3A_2023, %gt3A_2025 : vector<1x2048xf32>
    %jit3A_2027 = arith.constant 0xFF800000 : f32
    %broadcast_in_dim3A_2028 = vector.shape_cast %gt3A_2026 : vector<1x2048xi1> to vector<1x2048xi1>
    %broadcast_in_dim3A_2029 = vector.broadcast %broadcast_in_dim3A_2028 : vector<1x2048xi1> to vector<128x2048xi1>
    %broadcast_in_dim3A_2030 = vector.broadcast %jit3A_2027 : f32 to vector<128x2048xf32>
    %select_n3A_2031 = arith.select %broadcast_in_dim3A_2029, %add3A_1868, %broadcast_in_dim3A_2030 : vector<128x2048xi1>, vector<128x2048xf32>
    %reduce_max3A_2032 = arith.constant dense<0xFF800000> : vector<128xf32>
    %reduce_max3A_2033 = vector.multi_reduction <maximumf>, %select_n3A_2031, %reduce_max3A_2032 [1] : vector<128x2048xf32> to vector<128xf32>
    %broadcast_in_dim3A_2034 = vector.shape_cast %reduce_max3A_2033 : vector<128xf32> to vector<128x1xf32>
    %slice3A_2035 = vector.extract_strided_slice %convert_element_type3A_1789 {offsets = [11, 0], sizes = [1, 2048], strides = [1, 1]} : vector<16x2048xf32> to vector<1x2048xf32>
    %gt3A_2036 = arith.constant 5.000000e-01 : f32
    %gt3A_2037 = vector.broadcast %gt3A_2036 : f32 to vector<1x2048xf32>
    %gt3A_2038 = arith.cmpf ogt, %slice3A_2035, %gt3A_2037 : vector<1x2048xf32>
    %jit3A_2039 = arith.constant 0xFF800000 : f32
    %broadcast_in_dim3A_2040 = vector.shape_cast %gt3A_2038 : vector<1x2048xi1> to vector<1x2048xi1>
    %broadcast_in_dim3A_2041 = vector.broadcast %broadcast_in_dim3A_2040 : vector<1x2048xi1> to vector<128x2048xi1>
    %broadcast_in_dim3A_2042 = vector.broadcast %jit3A_2039 : f32 to vector<128x2048xf32>
    %select_n3A_2043 = arith.select %broadcast_in_dim3A_2041, %add3A_1868, %broadcast_in_dim3A_2042 : vector<128x2048xi1>, vector<128x2048xf32>
    %reduce_max3A_2044 = arith.constant dense<0xFF800000> : vector<128xf32>
    %reduce_max3A_2045 = vector.multi_reduction <maximumf>, %select_n3A_2043, %reduce_max3A_2044 [1] : vector<128x2048xf32> to vector<128xf32>
    %broadcast_in_dim3A_2046 = vector.shape_cast %reduce_max3A_2045 : vector<128xf32> to vector<128x1xf32>
    %slice3A_2047 = vector.extract_strided_slice %convert_element_type3A_1789 {offsets = [12, 0], sizes = [1, 2048], strides = [1, 1]} : vector<16x2048xf32> to vector<1x2048xf32>
    %gt3A_2048 = arith.constant 5.000000e-01 : f32
    %gt3A_2049 = vector.broadcast %gt3A_2048 : f32 to vector<1x2048xf32>
    %gt3A_2050 = arith.cmpf ogt, %slice3A_2047, %gt3A_2049 : vector<1x2048xf32>
    %jit3A_2051 = arith.constant 0xFF800000 : f32
    %broadcast_in_dim3A_2052 = vector.shape_cast %gt3A_2050 : vector<1x2048xi1> to vector<1x2048xi1>
    %broadcast_in_dim3A_2053 = vector.broadcast %broadcast_in_dim3A_2052 : vector<1x2048xi1> to vector<128x2048xi1>
    %broadcast_in_dim3A_2054 = vector.broadcast %jit3A_2051 : f32 to vector<128x2048xf32>
    %select_n3A_2055 = arith.select %broadcast_in_dim3A_2053, %add3A_1868, %broadcast_in_dim3A_2054 : vector<128x2048xi1>, vector<128x2048xf32>
    %reduce_max3A_2056 = arith.constant dense<0xFF800000> : vector<128xf32>
    %reduce_max3A_2057 = vector.multi_reduction <maximumf>, %select_n3A_2055, %reduce_max3A_2056 [1] : vector<128x2048xf32> to vector<128xf32>
    %broadcast_in_dim3A_2058 = vector.shape_cast %reduce_max3A_2057 : vector<128xf32> to vector<128x1xf32>
    %slice3A_2059 = vector.extract_strided_slice %convert_element_type3A_1789 {offsets = [13, 0], sizes = [1, 2048], strides = [1, 1]} : vector<16x2048xf32> to vector<1x2048xf32>
    %gt3A_2060 = arith.constant 5.000000e-01 : f32
    %gt3A_2061 = vector.broadcast %gt3A_2060 : f32 to vector<1x2048xf32>
    %gt3A_2062 = arith.cmpf ogt, %slice3A_2059, %gt3A_2061 : vector<1x2048xf32>
    %jit3A_2063 = arith.constant 0xFF800000 : f32
    %broadcast_in_dim3A_2064 = vector.shape_cast %gt3A_2062 : vector<1x2048xi1> to vector<1x2048xi1>
    %broadcast_in_dim3A_2065 = vector.broadcast %broadcast_in_dim3A_2064 : vector<1x2048xi1> to vector<128x2048xi1>
    %broadcast_in_dim3A_2066 = vector.broadcast %jit3A_2063 : f32 to vector<128x2048xf32>
    %select_n3A_2067 = arith.select %broadcast_in_dim3A_2065, %add3A_1868, %broadcast_in_dim3A_2066 : vector<128x2048xi1>, vector<128x2048xf32>
    %reduce_max3A_2068 = arith.constant dense<0xFF800000> : vector<128xf32>
    %reduce_max3A_2069 = vector.multi_reduction <maximumf>, %select_n3A_2067, %reduce_max3A_2068 [1] : vector<128x2048xf32> to vector<128xf32>
    %broadcast_in_dim3A_2070 = vector.shape_cast %reduce_max3A_2069 : vector<128xf32> to vector<128x1xf32>
    %slice3A_2071 = vector.extract_strided_slice %convert_element_type3A_1789 {offsets = [14, 0], sizes = [1, 2048], strides = [1, 1]} : vector<16x2048xf32> to vector<1x2048xf32>
    %gt3A_2072 = arith.constant 5.000000e-01 : f32
    %gt3A_2073 = vector.broadcast %gt3A_2072 : f32 to vector<1x2048xf32>
    %gt3A_2074 = arith.cmpf ogt, %slice3A_2071, %gt3A_2073 : vector<1x2048xf32>
    %jit3A_2075 = arith.constant 0xFF800000 : f32
    %broadcast_in_dim3A_2076 = vector.shape_cast %gt3A_2074 : vector<1x2048xi1> to vector<1x2048xi1>
    %broadcast_in_dim3A_2077 = vector.broadcast %broadcast_in_dim3A_2076 : vector<1x2048xi1> to vector<128x2048xi1>
    %broadcast_in_dim3A_2078 = vector.broadcast %jit3A_2075 : f32 to vector<128x2048xf32>
    %select_n3A_2079 = arith.select %broadcast_in_dim3A_2077, %add3A_1868, %broadcast_in_dim3A_2078 : vector<128x2048xi1>, vector<128x2048xf32>
    %reduce_max3A_2080 = arith.constant dense<0xFF800000> : vector<128xf32>
    %reduce_max3A_2081 = vector.multi_reduction <maximumf>, %select_n3A_2079, %reduce_max3A_2080 [1] : vector<128x2048xf32> to vector<128xf32>
    %broadcast_in_dim3A_2082 = vector.shape_cast %reduce_max3A_2081 : vector<128xf32> to vector<128x1xf32>
    %slice3A_2083 = vector.extract_strided_slice %convert_element_type3A_1789 {offsets = [15, 0], sizes = [1, 2048], strides = [1, 1]} : vector<16x2048xf32> to vector<1x2048xf32>
    %gt3A_2084 = arith.constant 5.000000e-01 : f32
    %gt3A_2085 = vector.broadcast %gt3A_2084 : f32 to vector<1x2048xf32>
    %gt3A_2086 = arith.cmpf ogt, %slice3A_2083, %gt3A_2085 : vector<1x2048xf32>
    %jit3A_2087 = arith.constant 0xFF800000 : f32
    %broadcast_in_dim3A_2088 = vector.shape_cast %gt3A_2086 : vector<1x2048xi1> to vector<1x2048xi1>
    %broadcast_in_dim3A_2089 = vector.broadcast %broadcast_in_dim3A_2088 : vector<1x2048xi1> to vector<128x2048xi1>
    %broadcast_in_dim3A_2090 = vector.broadcast %jit3A_2087 : f32 to vector<128x2048xf32>
    %select_n3A_2091 = arith.select %broadcast_in_dim3A_2089, %add3A_1868, %broadcast_in_dim3A_2090 : vector<128x2048xi1>, vector<128x2048xf32>
    %reduce_max3A_2092 = arith.constant dense<0xFF800000> : vector<128xf32>
    %reduce_max3A_2093 = vector.multi_reduction <maximumf>, %select_n3A_2091, %reduce_max3A_2092 [1] : vector<128x2048xf32> to vector<128xf32>
    %broadcast_in_dim3A_2094 = vector.shape_cast %reduce_max3A_2093 : vector<128xf32> to vector<128x1xf32>
    %concatenate3A_2095 = tpu.concatenate %broadcast_in_dim3A_1914, %broadcast_in_dim3A_1926, %broadcast_in_dim3A_1938, %broadcast_in_dim3A_1950, %broadcast_in_dim3A_1962, %broadcast_in_dim3A_1974, %broadcast_in_dim3A_1986, %broadcast_in_dim3A_1998, %broadcast_in_dim3A_2010, %broadcast_in_dim3A_2022, %broadcast_in_dim3A_2034, %broadcast_in_dim3A_2046, %broadcast_in_dim3A_2058, %broadcast_in_dim3A_2070, %broadcast_in_dim3A_2082, %broadcast_in_dim3A_2094 in 1 : vector<128x1xf32>, vector<128x1xf32>, vector<128x1xf32>, vector<128x1xf32>, vector<128x1xf32>, vector<128x1xf32>, vector<128x1xf32>, vector<128x1xf32>, vector<128x1xf32>, vector<128x1xf32>, vector<128x1xf32>, vector<128x1xf32>, vector<128x1xf32>, vector<128x1xf32>, vector<128x1xf32>, vector<128x1xf32> -> vector<128x16xf32>
    %get3A_2096 = arith.constant 0 : index
    %get3A_2097 = arith.constant 0 : index
    %get3A_2098 = vector.load %arg8[%get3A_2096, %get3A_2097] : memref<2048x64xf32, #tpu.memory_space<vmem>>, vector<2048x64xf32>
    %slice3A_2099 = vector.extract_strided_slice %max3A_117 {offsets = [0, 12288], sizes = [64, 2048], strides = [1, 1]} : vector<64x16384xf32> to vector<64x2048xf32>
    %convert_element_type3A_2100 = arith.truncf %get3A_2098 : vector<2048x64xf32> to vector<2048x64xbf16>
    %convert_element_type3A_2101 = arith.truncf %slice3A_2099 : vector<64x2048xf32> to vector<64x2048xbf16>
    %dot_general3A_2102 = arith.constant dense<0.000000e+00> : vector<2048x2048xf32>
    %dot_general3A_2103 = tpu.matmul %convert_element_type3A_2100, %convert_element_type3A_2101, %dot_general3A_2102 {dimension_numbers = #tpu.dot_dimension_numbers<[1], [0], [0], [1], [0, 0, 1, 1], [], []>, transpose_lhs_hint = false} : vector<2048x64xbf16>, vector<64x2048xbf16>, vector<2048x2048xf32> -> vector<2048x2048xf32>
    %slice3A_2104 = vector.extract_strided_slice %get3A_1 {offsets = [5, 12288], sizes = [1, 2048], strides = [1, 1]} : vector<8x16384xf32> to vector<1x2048xf32>
    %broadcast_in_dim3A_2105 = vector.shape_cast %slice3A_2104 : vector<1x2048xf32> to vector<1x2048xf32>
    %broadcast_in_dim3A_2106 = vector.broadcast %broadcast_in_dim3A_2105 : vector<1x2048xf32> to vector<16x2048xf32>
    %eq3A_2107 = arith.cmpf oeq, %broadcast_in_dim3A_2106, %convert_element_type3A_177 : vector<16x2048xf32>
    %convert_element_type3A_2108 = arith.extui %eq3A_2107 : vector<16x2048xi1> to vector<16x2048xi32>
    %convert_element_type3A_2109 = arith.sitofp %convert_element_type3A_2108 : vector<16x2048xi32> to vector<16x2048xf32>
    %slice3A_2110 = vector.extract_strided_slice %dot_general3A_2103 {offsets = [0, 0], sizes = [128, 2048], strides = [1, 1]} : vector<2048x2048xf32> to vector<128x2048xf32>
    %slice3A_2111 = vector.extract_strided_slice %convert_element_type3A_2109 {offsets = [0, 0], sizes = [1, 2048], strides = [1, 1]} : vector<16x2048xf32> to vector<1x2048xf32>
    %mul3A_2112 = vector.broadcast %slice3A_2111 : vector<1x2048xf32> to vector<128x2048xf32>
    %mul3A_2113 = arith.mulf %slice3A_2110, %mul3A_2112 : vector<128x2048xf32>
    %slice3A_2114 = vector.extract_strided_slice %dot_general3A_2103 {offsets = [128, 0], sizes = [128, 2048], strides = [1, 1]} : vector<2048x2048xf32> to vector<128x2048xf32>
    %slice3A_2115 = vector.extract_strided_slice %convert_element_type3A_2109 {offsets = [1, 0], sizes = [1, 2048], strides = [1, 1]} : vector<16x2048xf32> to vector<1x2048xf32>
    %mul3A_2116 = vector.broadcast %slice3A_2115 : vector<1x2048xf32> to vector<128x2048xf32>
    %mul3A_2117 = arith.mulf %slice3A_2114, %mul3A_2116 : vector<128x2048xf32>
    %add3A_2118 = arith.addf %mul3A_2113, %mul3A_2117 : vector<128x2048xf32>
    %slice3A_2119 = vector.extract_strided_slice %dot_general3A_2103 {offsets = [256, 0], sizes = [128, 2048], strides = [1, 1]} : vector<2048x2048xf32> to vector<128x2048xf32>
    %slice3A_2120 = vector.extract_strided_slice %convert_element_type3A_2109 {offsets = [2, 0], sizes = [1, 2048], strides = [1, 1]} : vector<16x2048xf32> to vector<1x2048xf32>
    %mul3A_2121 = vector.broadcast %slice3A_2120 : vector<1x2048xf32> to vector<128x2048xf32>
    %mul3A_2122 = arith.mulf %slice3A_2119, %mul3A_2121 : vector<128x2048xf32>
    %add3A_2123 = arith.addf %add3A_2118, %mul3A_2122 : vector<128x2048xf32>
    %slice3A_2124 = vector.extract_strided_slice %dot_general3A_2103 {offsets = [384, 0], sizes = [128, 2048], strides = [1, 1]} : vector<2048x2048xf32> to vector<128x2048xf32>
    %slice3A_2125 = vector.extract_strided_slice %convert_element_type3A_2109 {offsets = [3, 0], sizes = [1, 2048], strides = [1, 1]} : vector<16x2048xf32> to vector<1x2048xf32>
    %mul3A_2126 = vector.broadcast %slice3A_2125 : vector<1x2048xf32> to vector<128x2048xf32>
    %mul3A_2127 = arith.mulf %slice3A_2124, %mul3A_2126 : vector<128x2048xf32>
    %add3A_2128 = arith.addf %add3A_2123, %mul3A_2127 : vector<128x2048xf32>
    %slice3A_2129 = vector.extract_strided_slice %dot_general3A_2103 {offsets = [512, 0], sizes = [128, 2048], strides = [1, 1]} : vector<2048x2048xf32> to vector<128x2048xf32>
    %slice3A_2130 = vector.extract_strided_slice %convert_element_type3A_2109 {offsets = [4, 0], sizes = [1, 2048], strides = [1, 1]} : vector<16x2048xf32> to vector<1x2048xf32>
    %mul3A_2131 = vector.broadcast %slice3A_2130 : vector<1x2048xf32> to vector<128x2048xf32>
    %mul3A_2132 = arith.mulf %slice3A_2129, %mul3A_2131 : vector<128x2048xf32>
    %add3A_2133 = arith.addf %add3A_2128, %mul3A_2132 : vector<128x2048xf32>
    %slice3A_2134 = vector.extract_strided_slice %dot_general3A_2103 {offsets = [640, 0], sizes = [128, 2048], strides = [1, 1]} : vector<2048x2048xf32> to vector<128x2048xf32>
    %slice3A_2135 = vector.extract_strided_slice %convert_element_type3A_2109 {offsets = [5, 0], sizes = [1, 2048], strides = [1, 1]} : vector<16x2048xf32> to vector<1x2048xf32>
    %mul3A_2136 = vector.broadcast %slice3A_2135 : vector<1x2048xf32> to vector<128x2048xf32>
    %mul3A_2137 = arith.mulf %slice3A_2134, %mul3A_2136 : vector<128x2048xf32>
    %add3A_2138 = arith.addf %add3A_2133, %mul3A_2137 : vector<128x2048xf32>
    %slice3A_2139 = vector.extract_strided_slice %dot_general3A_2103 {offsets = [768, 0], sizes = [128, 2048], strides = [1, 1]} : vector<2048x2048xf32> to vector<128x2048xf32>
    %slice3A_2140 = vector.extract_strided_slice %convert_element_type3A_2109 {offsets = [6, 0], sizes = [1, 2048], strides = [1, 1]} : vector<16x2048xf32> to vector<1x2048xf32>
    %mul3A_2141 = vector.broadcast %slice3A_2140 : vector<1x2048xf32> to vector<128x2048xf32>
    %mul3A_2142 = arith.mulf %slice3A_2139, %mul3A_2141 : vector<128x2048xf32>
    %add3A_2143 = arith.addf %add3A_2138, %mul3A_2142 : vector<128x2048xf32>
    %slice3A_2144 = vector.extract_strided_slice %dot_general3A_2103 {offsets = [896, 0], sizes = [128, 2048], strides = [1, 1]} : vector<2048x2048xf32> to vector<128x2048xf32>
    %slice3A_2145 = vector.extract_strided_slice %convert_element_type3A_2109 {offsets = [7, 0], sizes = [1, 2048], strides = [1, 1]} : vector<16x2048xf32> to vector<1x2048xf32>
    %mul3A_2146 = vector.broadcast %slice3A_2145 : vector<1x2048xf32> to vector<128x2048xf32>
    %mul3A_2147 = arith.mulf %slice3A_2144, %mul3A_2146 : vector<128x2048xf32>
    %add3A_2148 = arith.addf %add3A_2143, %mul3A_2147 : vector<128x2048xf32>
    %slice3A_2149 = vector.extract_strided_slice %dot_general3A_2103 {offsets = [1024, 0], sizes = [128, 2048], strides = [1, 1]} : vector<2048x2048xf32> to vector<128x2048xf32>
    %slice3A_2150 = vector.extract_strided_slice %convert_element_type3A_2109 {offsets = [8, 0], sizes = [1, 2048], strides = [1, 1]} : vector<16x2048xf32> to vector<1x2048xf32>
    %mul3A_2151 = vector.broadcast %slice3A_2150 : vector<1x2048xf32> to vector<128x2048xf32>
    %mul3A_2152 = arith.mulf %slice3A_2149, %mul3A_2151 : vector<128x2048xf32>
    %add3A_2153 = arith.addf %add3A_2148, %mul3A_2152 : vector<128x2048xf32>
    %slice3A_2154 = vector.extract_strided_slice %dot_general3A_2103 {offsets = [1152, 0], sizes = [128, 2048], strides = [1, 1]} : vector<2048x2048xf32> to vector<128x2048xf32>
    %slice3A_2155 = vector.extract_strided_slice %convert_element_type3A_2109 {offsets = [9, 0], sizes = [1, 2048], strides = [1, 1]} : vector<16x2048xf32> to vector<1x2048xf32>
    %mul3A_2156 = vector.broadcast %slice3A_2155 : vector<1x2048xf32> to vector<128x2048xf32>
    %mul3A_2157 = arith.mulf %slice3A_2154, %mul3A_2156 : vector<128x2048xf32>
    %add3A_2158 = arith.addf %add3A_2153, %mul3A_2157 : vector<128x2048xf32>
    %slice3A_2159 = vector.extract_strided_slice %dot_general3A_2103 {offsets = [1280, 0], sizes = [128, 2048], strides = [1, 1]} : vector<2048x2048xf32> to vector<128x2048xf32>
    %slice3A_2160 = vector.extract_strided_slice %convert_element_type3A_2109 {offsets = [10, 0], sizes = [1, 2048], strides = [1, 1]} : vector<16x2048xf32> to vector<1x2048xf32>
    %mul3A_2161 = vector.broadcast %slice3A_2160 : vector<1x2048xf32> to vector<128x2048xf32>
    %mul3A_2162 = arith.mulf %slice3A_2159, %mul3A_2161 : vector<128x2048xf32>
    %add3A_2163 = arith.addf %add3A_2158, %mul3A_2162 : vector<128x2048xf32>
    %slice3A_2164 = vector.extract_strided_slice %dot_general3A_2103 {offsets = [1408, 0], sizes = [128, 2048], strides = [1, 1]} : vector<2048x2048xf32> to vector<128x2048xf32>
    %slice3A_2165 = vector.extract_strided_slice %convert_element_type3A_2109 {offsets = [11, 0], sizes = [1, 2048], strides = [1, 1]} : vector<16x2048xf32> to vector<1x2048xf32>
    %mul3A_2166 = vector.broadcast %slice3A_2165 : vector<1x2048xf32> to vector<128x2048xf32>
    %mul3A_2167 = arith.mulf %slice3A_2164, %mul3A_2166 : vector<128x2048xf32>
    %add3A_2168 = arith.addf %add3A_2163, %mul3A_2167 : vector<128x2048xf32>
    %slice3A_2169 = vector.extract_strided_slice %dot_general3A_2103 {offsets = [1536, 0], sizes = [128, 2048], strides = [1, 1]} : vector<2048x2048xf32> to vector<128x2048xf32>
    %slice3A_2170 = vector.extract_strided_slice %convert_element_type3A_2109 {offsets = [12, 0], sizes = [1, 2048], strides = [1, 1]} : vector<16x2048xf32> to vector<1x2048xf32>
    %mul3A_2171 = vector.broadcast %slice3A_2170 : vector<1x2048xf32> to vector<128x2048xf32>
    %mul3A_2172 = arith.mulf %slice3A_2169, %mul3A_2171 : vector<128x2048xf32>
    %add3A_2173 = arith.addf %add3A_2168, %mul3A_2172 : vector<128x2048xf32>
    %slice3A_2174 = vector.extract_strided_slice %dot_general3A_2103 {offsets = [1664, 0], sizes = [128, 2048], strides = [1, 1]} : vector<2048x2048xf32> to vector<128x2048xf32>
    %slice3A_2175 = vector.extract_strided_slice %convert_element_type3A_2109 {offsets = [13, 0], sizes = [1, 2048], strides = [1, 1]} : vector<16x2048xf32> to vector<1x2048xf32>
    %mul3A_2176 = vector.broadcast %slice3A_2175 : vector<1x2048xf32> to vector<128x2048xf32>
    %mul3A_2177 = arith.mulf %slice3A_2174, %mul3A_2176 : vector<128x2048xf32>
    %add3A_2178 = arith.addf %add3A_2173, %mul3A_2177 : vector<128x2048xf32>
    %slice3A_2179 = vector.extract_strided_slice %dot_general3A_2103 {offsets = [1792, 0], sizes = [128, 2048], strides = [1, 1]} : vector<2048x2048xf32> to vector<128x2048xf32>
    %slice3A_2180 = vector.extract_strided_slice %convert_element_type3A_2109 {offsets = [14, 0], sizes = [1, 2048], strides = [1, 1]} : vector<16x2048xf32> to vector<1x2048xf32>
    %mul3A_2181 = vector.broadcast %slice3A_2180 : vector<1x2048xf32> to vector<128x2048xf32>
    %mul3A_2182 = arith.mulf %slice3A_2179, %mul3A_2181 : vector<128x2048xf32>
    %add3A_2183 = arith.addf %add3A_2178, %mul3A_2182 : vector<128x2048xf32>
    %slice3A_2184 = vector.extract_strided_slice %dot_general3A_2103 {offsets = [1920, 0], sizes = [128, 2048], strides = [1, 1]} : vector<2048x2048xf32> to vector<128x2048xf32>
    %slice3A_2185 = vector.extract_strided_slice %convert_element_type3A_2109 {offsets = [15, 0], sizes = [1, 2048], strides = [1, 1]} : vector<16x2048xf32> to vector<1x2048xf32>
    %mul3A_2186 = vector.broadcast %slice3A_2185 : vector<1x2048xf32> to vector<128x2048xf32>
    %mul3A_2187 = arith.mulf %slice3A_2184, %mul3A_2186 : vector<128x2048xf32>
    %add3A_2188 = arith.addf %add3A_2183, %mul3A_2187 : vector<128x2048xf32>
    %convert_element_type3A_2189 = arith.truncf %add3A_2188 : vector<128x2048xf32> to vector<128x2048xbf16>
    %convert_element_type3A_2190 = arith.extf %convert_element_type3A_2189 : vector<128x2048xbf16> to vector<128x2048xf32>
    %sub3A_2191 = arith.subf %add3A_2188, %convert_element_type3A_2190 : vector<128x2048xf32>
    %convert_element_type3A_2192 = arith.truncf %sub3A_2191 : vector<128x2048xf32> to vector<128x2048xbf16>
    %convert_element_type3A_2193 = arith.truncf %convert_element_type3A_2109 : vector<16x2048xf32> to vector<16x2048xbf16>
    %dot_general3A_2194 = arith.constant dense<0.000000e+00> : vector<128x16xf32>
    %dot_general3A_2195 = tpu.matmul %convert_element_type3A_2189, %convert_element_type3A_2193, %dot_general3A_2194 {dimension_numbers = #tpu.dot_dimension_numbers<[1], [1], [0], [0], [0, 0, 1, 0], [], []>, transpose_lhs_hint = false} : vector<128x2048xbf16>, vector<16x2048xbf16>, vector<128x16xf32> -> vector<128x16xf32>
    %dot_general3A_2196 = arith.constant dense<0.000000e+00> : vector<128x16xf32>
    %dot_general3A_2197 = tpu.matmul %convert_element_type3A_2192, %convert_element_type3A_2193, %dot_general3A_2196 {dimension_numbers = #tpu.dot_dimension_numbers<[1], [1], [0], [0], [0, 0, 1, 0], [], []>, transpose_lhs_hint = false} : vector<128x2048xbf16>, vector<16x2048xbf16>, vector<128x16xf32> -> vector<128x16xf32>
    %add3A_2198 = arith.addf %dot_general3A_2195, %dot_general3A_2197 : vector<128x16xf32>
    %add3A_2199 = arith.addf %add3A_1879, %add3A_2198 : vector<128x16xf32>
    %mul3A_2200 = arith.mulf %add3A_2188, %add3A_2188 : vector<128x2048xf32>
    %convert_element_type3A_2201 = arith.truncf %mul3A_2200 : vector<128x2048xf32> to vector<128x2048xbf16>
    %convert_element_type3A_2202 = arith.extf %convert_element_type3A_2201 : vector<128x2048xbf16> to vector<128x2048xf32>
    %sub3A_2203 = arith.subf %mul3A_2200, %convert_element_type3A_2202 : vector<128x2048xf32>
    %convert_element_type3A_2204 = arith.truncf %sub3A_2203 : vector<128x2048xf32> to vector<128x2048xbf16>
    %convert_element_type3A_2205 = arith.truncf %convert_element_type3A_2109 : vector<16x2048xf32> to vector<16x2048xbf16>
    %dot_general3A_2206 = arith.constant dense<0.000000e+00> : vector<128x16xf32>
    %dot_general3A_2207 = tpu.matmul %convert_element_type3A_2201, %convert_element_type3A_2205, %dot_general3A_2206 {dimension_numbers = #tpu.dot_dimension_numbers<[1], [1], [0], [0], [0, 0, 1, 0], [], []>, transpose_lhs_hint = false} : vector<128x2048xbf16>, vector<16x2048xbf16>, vector<128x16xf32> -> vector<128x16xf32>
    %dot_general3A_2208 = arith.constant dense<0.000000e+00> : vector<128x16xf32>
    %dot_general3A_2209 = tpu.matmul %convert_element_type3A_2204, %convert_element_type3A_2205, %dot_general3A_2208 {dimension_numbers = #tpu.dot_dimension_numbers<[1], [1], [0], [0], [0, 0, 1, 0], [], []>, transpose_lhs_hint = false} : vector<128x2048xbf16>, vector<16x2048xbf16>, vector<128x16xf32> -> vector<128x16xf32>
    %add3A_2210 = arith.addf %dot_general3A_2207, %dot_general3A_2209 : vector<128x16xf32>
    %add3A_2211 = arith.addf %add3A_1891, %add3A_2210 : vector<128x16xf32>
    %convert_element_type3A_2212 = arith.truncf %broadcast_in_dim3A_175 : vector<1x2048xf32> to vector<1x2048xbf16>
    %convert_element_type3A_2213 = arith.extf %convert_element_type3A_2212 : vector<1x2048xbf16> to vector<1x2048xf32>
    %sub3A_2214 = arith.subf %broadcast_in_dim3A_175, %convert_element_type3A_2213 : vector<1x2048xf32>
    %convert_element_type3A_2215 = arith.truncf %sub3A_2214 : vector<1x2048xf32> to vector<1x2048xbf16>
    %convert_element_type3A_2216 = arith.truncf %convert_element_type3A_2109 : vector<16x2048xf32> to vector<16x2048xbf16>
    %dot_general3A_2217 = arith.constant dense<0.000000e+00> : vector<1x16xf32>
    %dot_general3A_2218 = tpu.matmul %convert_element_type3A_2212, %convert_element_type3A_2216, %dot_general3A_2217 {dimension_numbers = #tpu.dot_dimension_numbers<[1], [1], [0], [0], [0, 0, 1, 0], [], []>, transpose_lhs_hint = false} : vector<1x2048xbf16>, vector<16x2048xbf16>, vector<1x16xf32> -> vector<1x16xf32>
    %dot_general3A_2219 = arith.constant dense<0.000000e+00> : vector<1x16xf32>
    %dot_general3A_2220 = tpu.matmul %convert_element_type3A_2215, %convert_element_type3A_2216, %dot_general3A_2219 {dimension_numbers = #tpu.dot_dimension_numbers<[1], [1], [0], [0], [0, 0, 1, 0], [], []>, transpose_lhs_hint = false} : vector<1x2048xbf16>, vector<16x2048xbf16>, vector<1x16xf32> -> vector<1x16xf32>
    %add3A_2221 = arith.addf %dot_general3A_2218, %dot_general3A_2220 : vector<1x16xf32>
    %add3A_2222 = arith.addf %add3A_1902, %add3A_2221 : vector<1x16xf32>
    %slice3A_2223 = vector.extract_strided_slice %convert_element_type3A_2109 {offsets = [0, 0], sizes = [1, 2048], strides = [1, 1]} : vector<16x2048xf32> to vector<1x2048xf32>
    %gt3A_2224 = arith.constant 5.000000e-01 : f32
    %gt3A_2225 = vector.broadcast %gt3A_2224 : f32 to vector<1x2048xf32>
    %gt3A_2226 = arith.cmpf ogt, %slice3A_2223, %gt3A_2225 : vector<1x2048xf32>
    %jit3A_2227 = arith.constant 0xFF800000 : f32
    %broadcast_in_dim3A_2228 = vector.shape_cast %gt3A_2226 : vector<1x2048xi1> to vector<1x2048xi1>
    %broadcast_in_dim3A_2229 = vector.broadcast %broadcast_in_dim3A_2228 : vector<1x2048xi1> to vector<128x2048xi1>
    %broadcast_in_dim3A_2230 = vector.broadcast %jit3A_2227 : f32 to vector<128x2048xf32>
    %select_n3A_2231 = arith.select %broadcast_in_dim3A_2229, %add3A_2188, %broadcast_in_dim3A_2230 : vector<128x2048xi1>, vector<128x2048xf32>
    %reduce_max3A_2232 = arith.constant dense<0xFF800000> : vector<128xf32>
    %reduce_max3A_2233 = vector.multi_reduction <maximumf>, %select_n3A_2231, %reduce_max3A_2232 [1] : vector<128x2048xf32> to vector<128xf32>
    %broadcast_in_dim3A_2234 = vector.shape_cast %reduce_max3A_2233 : vector<128xf32> to vector<128x1xf32>
    %slice3A_2235 = vector.extract_strided_slice %convert_element_type3A_2109 {offsets = [1, 0], sizes = [1, 2048], strides = [1, 1]} : vector<16x2048xf32> to vector<1x2048xf32>
    %gt3A_2236 = arith.constant 5.000000e-01 : f32
    %gt3A_2237 = vector.broadcast %gt3A_2236 : f32 to vector<1x2048xf32>
    %gt3A_2238 = arith.cmpf ogt, %slice3A_2235, %gt3A_2237 : vector<1x2048xf32>
    %jit3A_2239 = arith.constant 0xFF800000 : f32
    %broadcast_in_dim3A_2240 = vector.shape_cast %gt3A_2238 : vector<1x2048xi1> to vector<1x2048xi1>
    %broadcast_in_dim3A_2241 = vector.broadcast %broadcast_in_dim3A_2240 : vector<1x2048xi1> to vector<128x2048xi1>
    %broadcast_in_dim3A_2242 = vector.broadcast %jit3A_2239 : f32 to vector<128x2048xf32>
    %select_n3A_2243 = arith.select %broadcast_in_dim3A_2241, %add3A_2188, %broadcast_in_dim3A_2242 : vector<128x2048xi1>, vector<128x2048xf32>
    %reduce_max3A_2244 = arith.constant dense<0xFF800000> : vector<128xf32>
    %reduce_max3A_2245 = vector.multi_reduction <maximumf>, %select_n3A_2243, %reduce_max3A_2244 [1] : vector<128x2048xf32> to vector<128xf32>
    %broadcast_in_dim3A_2246 = vector.shape_cast %reduce_max3A_2245 : vector<128xf32> to vector<128x1xf32>
    %slice3A_2247 = vector.extract_strided_slice %convert_element_type3A_2109 {offsets = [2, 0], sizes = [1, 2048], strides = [1, 1]} : vector<16x2048xf32> to vector<1x2048xf32>
    %gt3A_2248 = arith.constant 5.000000e-01 : f32
    %gt3A_2249 = vector.broadcast %gt3A_2248 : f32 to vector<1x2048xf32>
    %gt3A_2250 = arith.cmpf ogt, %slice3A_2247, %gt3A_2249 : vector<1x2048xf32>
    %jit3A_2251 = arith.constant 0xFF800000 : f32
    %broadcast_in_dim3A_2252 = vector.shape_cast %gt3A_2250 : vector<1x2048xi1> to vector<1x2048xi1>
    %broadcast_in_dim3A_2253 = vector.broadcast %broadcast_in_dim3A_2252 : vector<1x2048xi1> to vector<128x2048xi1>
    %broadcast_in_dim3A_2254 = vector.broadcast %jit3A_2251 : f32 to vector<128x2048xf32>
    %select_n3A_2255 = arith.select %broadcast_in_dim3A_2253, %add3A_2188, %broadcast_in_dim3A_2254 : vector<128x2048xi1>, vector<128x2048xf32>
    %reduce_max3A_2256 = arith.constant dense<0xFF800000> : vector<128xf32>
    %reduce_max3A_2257 = vector.multi_reduction <maximumf>, %select_n3A_2255, %reduce_max3A_2256 [1] : vector<128x2048xf32> to vector<128xf32>
    %broadcast_in_dim3A_2258 = vector.shape_cast %reduce_max3A_2257 : vector<128xf32> to vector<128x1xf32>
    %slice3A_2259 = vector.extract_strided_slice %convert_element_type3A_2109 {offsets = [3, 0], sizes = [1, 2048], strides = [1, 1]} : vector<16x2048xf32> to vector<1x2048xf32>
    %gt3A_2260 = arith.constant 5.000000e-01 : f32
    %gt3A_2261 = vector.broadcast %gt3A_2260 : f32 to vector<1x2048xf32>
    %gt3A_2262 = arith.cmpf ogt, %slice3A_2259, %gt3A_2261 : vector<1x2048xf32>
    %jit3A_2263 = arith.constant 0xFF800000 : f32
    %broadcast_in_dim3A_2264 = vector.shape_cast %gt3A_2262 : vector<1x2048xi1> to vector<1x2048xi1>
    %broadcast_in_dim3A_2265 = vector.broadcast %broadcast_in_dim3A_2264 : vector<1x2048xi1> to vector<128x2048xi1>
    %broadcast_in_dim3A_2266 = vector.broadcast %jit3A_2263 : f32 to vector<128x2048xf32>
    %select_n3A_2267 = arith.select %broadcast_in_dim3A_2265, %add3A_2188, %broadcast_in_dim3A_2266 : vector<128x2048xi1>, vector<128x2048xf32>
    %reduce_max3A_2268 = arith.constant dense<0xFF800000> : vector<128xf32>
    %reduce_max3A_2269 = vector.multi_reduction <maximumf>, %select_n3A_2267, %reduce_max3A_2268 [1] : vector<128x2048xf32> to vector<128xf32>
    %broadcast_in_dim3A_2270 = vector.shape_cast %reduce_max3A_2269 : vector<128xf32> to vector<128x1xf32>
    %slice3A_2271 = vector.extract_strided_slice %convert_element_type3A_2109 {offsets = [4, 0], sizes = [1, 2048], strides = [1, 1]} : vector<16x2048xf32> to vector<1x2048xf32>
    %gt3A_2272 = arith.constant 5.000000e-01 : f32
    %gt3A_2273 = vector.broadcast %gt3A_2272 : f32 to vector<1x2048xf32>
    %gt3A_2274 = arith.cmpf ogt, %slice3A_2271, %gt3A_2273 : vector<1x2048xf32>
    %jit3A_2275 = arith.constant 0xFF800000 : f32
    %broadcast_in_dim3A_2276 = vector.shape_cast %gt3A_2274 : vector<1x2048xi1> to vector<1x2048xi1>
    %broadcast_in_dim3A_2277 = vector.broadcast %broadcast_in_dim3A_2276 : vector<1x2048xi1> to vector<128x2048xi1>
    %broadcast_in_dim3A_2278 = vector.broadcast %jit3A_2275 : f32 to vector<128x2048xf32>
    %select_n3A_2279 = arith.select %broadcast_in_dim3A_2277, %add3A_2188, %broadcast_in_dim3A_2278 : vector<128x2048xi1>, vector<128x2048xf32>
    %reduce_max3A_2280 = arith.constant dense<0xFF800000> : vector<128xf32>
    %reduce_max3A_2281 = vector.multi_reduction <maximumf>, %select_n3A_2279, %reduce_max3A_2280 [1] : vector<128x2048xf32> to vector<128xf32>
    %broadcast_in_dim3A_2282 = vector.shape_cast %reduce_max3A_2281 : vector<128xf32> to vector<128x1xf32>
    %slice3A_2283 = vector.extract_strided_slice %convert_element_type3A_2109 {offsets = [5, 0], sizes = [1, 2048], strides = [1, 1]} : vector<16x2048xf32> to vector<1x2048xf32>
    %gt3A_2284 = arith.constant 5.000000e-01 : f32
    %gt3A_2285 = vector.broadcast %gt3A_2284 : f32 to vector<1x2048xf32>
    %gt3A_2286 = arith.cmpf ogt, %slice3A_2283, %gt3A_2285 : vector<1x2048xf32>
    %jit3A_2287 = arith.constant 0xFF800000 : f32
    %broadcast_in_dim3A_2288 = vector.shape_cast %gt3A_2286 : vector<1x2048xi1> to vector<1x2048xi1>
    %broadcast_in_dim3A_2289 = vector.broadcast %broadcast_in_dim3A_2288 : vector<1x2048xi1> to vector<128x2048xi1>
    %broadcast_in_dim3A_2290 = vector.broadcast %jit3A_2287 : f32 to vector<128x2048xf32>
    %select_n3A_2291 = arith.select %broadcast_in_dim3A_2289, %add3A_2188, %broadcast_in_dim3A_2290 : vector<128x2048xi1>, vector<128x2048xf32>
    %reduce_max3A_2292 = arith.constant dense<0xFF800000> : vector<128xf32>
    %reduce_max3A_2293 = vector.multi_reduction <maximumf>, %select_n3A_2291, %reduce_max3A_2292 [1] : vector<128x2048xf32> to vector<128xf32>
    %broadcast_in_dim3A_2294 = vector.shape_cast %reduce_max3A_2293 : vector<128xf32> to vector<128x1xf32>
    %slice3A_2295 = vector.extract_strided_slice %convert_element_type3A_2109 {offsets = [6, 0], sizes = [1, 2048], strides = [1, 1]} : vector<16x2048xf32> to vector<1x2048xf32>
    %gt3A_2296 = arith.constant 5.000000e-01 : f32
    %gt3A_2297 = vector.broadcast %gt3A_2296 : f32 to vector<1x2048xf32>
    %gt3A_2298 = arith.cmpf ogt, %slice3A_2295, %gt3A_2297 : vector<1x2048xf32>
    %jit3A_2299 = arith.constant 0xFF800000 : f32
    %broadcast_in_dim3A_2300 = vector.shape_cast %gt3A_2298 : vector<1x2048xi1> to vector<1x2048xi1>
    %broadcast_in_dim3A_2301 = vector.broadcast %broadcast_in_dim3A_2300 : vector<1x2048xi1> to vector<128x2048xi1>
    %broadcast_in_dim3A_2302 = vector.broadcast %jit3A_2299 : f32 to vector<128x2048xf32>
    %select_n3A_2303 = arith.select %broadcast_in_dim3A_2301, %add3A_2188, %broadcast_in_dim3A_2302 : vector<128x2048xi1>, vector<128x2048xf32>
    %reduce_max3A_2304 = arith.constant dense<0xFF800000> : vector<128xf32>
    %reduce_max3A_2305 = vector.multi_reduction <maximumf>, %select_n3A_2303, %reduce_max3A_2304 [1] : vector<128x2048xf32> to vector<128xf32>
    %broadcast_in_dim3A_2306 = vector.shape_cast %reduce_max3A_2305 : vector<128xf32> to vector<128x1xf32>
    %slice3A_2307 = vector.extract_strided_slice %convert_element_type3A_2109 {offsets = [7, 0], sizes = [1, 2048], strides = [1, 1]} : vector<16x2048xf32> to vector<1x2048xf32>
    %gt3A_2308 = arith.constant 5.000000e-01 : f32
    %gt3A_2309 = vector.broadcast %gt3A_2308 : f32 to vector<1x2048xf32>
    %gt3A_2310 = arith.cmpf ogt, %slice3A_2307, %gt3A_2309 : vector<1x2048xf32>
    %jit3A_2311 = arith.constant 0xFF800000 : f32
    %broadcast_in_dim3A_2312 = vector.shape_cast %gt3A_2310 : vector<1x2048xi1> to vector<1x2048xi1>
    %broadcast_in_dim3A_2313 = vector.broadcast %broadcast_in_dim3A_2312 : vector<1x2048xi1> to vector<128x2048xi1>
    %broadcast_in_dim3A_2314 = vector.broadcast %jit3A_2311 : f32 to vector<128x2048xf32>
    %select_n3A_2315 = arith.select %broadcast_in_dim3A_2313, %add3A_2188, %broadcast_in_dim3A_2314 : vector<128x2048xi1>, vector<128x2048xf32>
    %reduce_max3A_2316 = arith.constant dense<0xFF800000> : vector<128xf32>
    %reduce_max3A_2317 = vector.multi_reduction <maximumf>, %select_n3A_2315, %reduce_max3A_2316 [1] : vector<128x2048xf32> to vector<128xf32>
    %broadcast_in_dim3A_2318 = vector.shape_cast %reduce_max3A_2317 : vector<128xf32> to vector<128x1xf32>
    %slice3A_2319 = vector.extract_strided_slice %convert_element_type3A_2109 {offsets = [8, 0], sizes = [1, 2048], strides = [1, 1]} : vector<16x2048xf32> to vector<1x2048xf32>
    %gt3A_2320 = arith.constant 5.000000e-01 : f32
    %gt3A_2321 = vector.broadcast %gt3A_2320 : f32 to vector<1x2048xf32>
    %gt3A_2322 = arith.cmpf ogt, %slice3A_2319, %gt3A_2321 : vector<1x2048xf32>
    %jit3A_2323 = arith.constant 0xFF800000 : f32
    %broadcast_in_dim3A_2324 = vector.shape_cast %gt3A_2322 : vector<1x2048xi1> to vector<1x2048xi1>
    %broadcast_in_dim3A_2325 = vector.broadcast %broadcast_in_dim3A_2324 : vector<1x2048xi1> to vector<128x2048xi1>
    %broadcast_in_dim3A_2326 = vector.broadcast %jit3A_2323 : f32 to vector<128x2048xf32>
    %select_n3A_2327 = arith.select %broadcast_in_dim3A_2325, %add3A_2188, %broadcast_in_dim3A_2326 : vector<128x2048xi1>, vector<128x2048xf32>
    %reduce_max3A_2328 = arith.constant dense<0xFF800000> : vector<128xf32>
    %reduce_max3A_2329 = vector.multi_reduction <maximumf>, %select_n3A_2327, %reduce_max3A_2328 [1] : vector<128x2048xf32> to vector<128xf32>
    %broadcast_in_dim3A_2330 = vector.shape_cast %reduce_max3A_2329 : vector<128xf32> to vector<128x1xf32>
    %slice3A_2331 = vector.extract_strided_slice %convert_element_type3A_2109 {offsets = [9, 0], sizes = [1, 2048], strides = [1, 1]} : vector<16x2048xf32> to vector<1x2048xf32>
    %gt3A_2332 = arith.constant 5.000000e-01 : f32
    %gt3A_2333 = vector.broadcast %gt3A_2332 : f32 to vector<1x2048xf32>
    %gt3A_2334 = arith.cmpf ogt, %slice3A_2331, %gt3A_2333 : vector<1x2048xf32>
    %jit3A_2335 = arith.constant 0xFF800000 : f32
    %broadcast_in_dim3A_2336 = vector.shape_cast %gt3A_2334 : vector<1x2048xi1> to vector<1x2048xi1>
    %broadcast_in_dim3A_2337 = vector.broadcast %broadcast_in_dim3A_2336 : vector<1x2048xi1> to vector<128x2048xi1>
    %broadcast_in_dim3A_2338 = vector.broadcast %jit3A_2335 : f32 to vector<128x2048xf32>
    %select_n3A_2339 = arith.select %broadcast_in_dim3A_2337, %add3A_2188, %broadcast_in_dim3A_2338 : vector<128x2048xi1>, vector<128x2048xf32>
    %reduce_max3A_2340 = arith.constant dense<0xFF800000> : vector<128xf32>
    %reduce_max3A_2341 = vector.multi_reduction <maximumf>, %select_n3A_2339, %reduce_max3A_2340 [1] : vector<128x2048xf32> to vector<128xf32>
    %broadcast_in_dim3A_2342 = vector.shape_cast %reduce_max3A_2341 : vector<128xf32> to vector<128x1xf32>
    %slice3A_2343 = vector.extract_strided_slice %convert_element_type3A_2109 {offsets = [10, 0], sizes = [1, 2048], strides = [1, 1]} : vector<16x2048xf32> to vector<1x2048xf32>
    %gt3A_2344 = arith.constant 5.000000e-01 : f32
    %gt3A_2345 = vector.broadcast %gt3A_2344 : f32 to vector<1x2048xf32>
    %gt3A_2346 = arith.cmpf ogt, %slice3A_2343, %gt3A_2345 : vector<1x2048xf32>
    %jit3A_2347 = arith.constant 0xFF800000 : f32
    %broadcast_in_dim3A_2348 = vector.shape_cast %gt3A_2346 : vector<1x2048xi1> to vector<1x2048xi1>
    %broadcast_in_dim3A_2349 = vector.broadcast %broadcast_in_dim3A_2348 : vector<1x2048xi1> to vector<128x2048xi1>
    %broadcast_in_dim3A_2350 = vector.broadcast %jit3A_2347 : f32 to vector<128x2048xf32>
    %select_n3A_2351 = arith.select %broadcast_in_dim3A_2349, %add3A_2188, %broadcast_in_dim3A_2350 : vector<128x2048xi1>, vector<128x2048xf32>
    %reduce_max3A_2352 = arith.constant dense<0xFF800000> : vector<128xf32>
    %reduce_max3A_2353 = vector.multi_reduction <maximumf>, %select_n3A_2351, %reduce_max3A_2352 [1] : vector<128x2048xf32> to vector<128xf32>
    %broadcast_in_dim3A_2354 = vector.shape_cast %reduce_max3A_2353 : vector<128xf32> to vector<128x1xf32>
    %slice3A_2355 = vector.extract_strided_slice %convert_element_type3A_2109 {offsets = [11, 0], sizes = [1, 2048], strides = [1, 1]} : vector<16x2048xf32> to vector<1x2048xf32>
    %gt3A_2356 = arith.constant 5.000000e-01 : f32
    %gt3A_2357 = vector.broadcast %gt3A_2356 : f32 to vector<1x2048xf32>
    %gt3A_2358 = arith.cmpf ogt, %slice3A_2355, %gt3A_2357 : vector<1x2048xf32>
    %jit3A_2359 = arith.constant 0xFF800000 : f32
    %broadcast_in_dim3A_2360 = vector.shape_cast %gt3A_2358 : vector<1x2048xi1> to vector<1x2048xi1>
    %broadcast_in_dim3A_2361 = vector.broadcast %broadcast_in_dim3A_2360 : vector<1x2048xi1> to vector<128x2048xi1>
    %broadcast_in_dim3A_2362 = vector.broadcast %jit3A_2359 : f32 to vector<128x2048xf32>
    %select_n3A_2363 = arith.select %broadcast_in_dim3A_2361, %add3A_2188, %broadcast_in_dim3A_2362 : vector<128x2048xi1>, vector<128x2048xf32>
    %reduce_max3A_2364 = arith.constant dense<0xFF800000> : vector<128xf32>
    %reduce_max3A_2365 = vector.multi_reduction <maximumf>, %select_n3A_2363, %reduce_max3A_2364 [1] : vector<128x2048xf32> to vector<128xf32>
    %broadcast_in_dim3A_2366 = vector.shape_cast %reduce_max3A_2365 : vector<128xf32> to vector<128x1xf32>
    %slice3A_2367 = vector.extract_strided_slice %convert_element_type3A_2109 {offsets = [12, 0], sizes = [1, 2048], strides = [1, 1]} : vector<16x2048xf32> to vector<1x2048xf32>
    %gt3A_2368 = arith.constant 5.000000e-01 : f32
    %gt3A_2369 = vector.broadcast %gt3A_2368 : f32 to vector<1x2048xf32>
    %gt3A_2370 = arith.cmpf ogt, %slice3A_2367, %gt3A_2369 : vector<1x2048xf32>
    %jit3A_2371 = arith.constant 0xFF800000 : f32
    %broadcast_in_dim3A_2372 = vector.shape_cast %gt3A_2370 : vector<1x2048xi1> to vector<1x2048xi1>
    %broadcast_in_dim3A_2373 = vector.broadcast %broadcast_in_dim3A_2372 : vector<1x2048xi1> to vector<128x2048xi1>
    %broadcast_in_dim3A_2374 = vector.broadcast %jit3A_2371 : f32 to vector<128x2048xf32>
    %select_n3A_2375 = arith.select %broadcast_in_dim3A_2373, %add3A_2188, %broadcast_in_dim3A_2374 : vector<128x2048xi1>, vector<128x2048xf32>
    %reduce_max3A_2376 = arith.constant dense<0xFF800000> : vector<128xf32>
    %reduce_max3A_2377 = vector.multi_reduction <maximumf>, %select_n3A_2375, %reduce_max3A_2376 [1] : vector<128x2048xf32> to vector<128xf32>
    %broadcast_in_dim3A_2378 = vector.shape_cast %reduce_max3A_2377 : vector<128xf32> to vector<128x1xf32>
    %slice3A_2379 = vector.extract_strided_slice %convert_element_type3A_2109 {offsets = [13, 0], sizes = [1, 2048], strides = [1, 1]} : vector<16x2048xf32> to vector<1x2048xf32>
    %gt3A_2380 = arith.constant 5.000000e-01 : f32
    %gt3A_2381 = vector.broadcast %gt3A_2380 : f32 to vector<1x2048xf32>
    %gt3A_2382 = arith.cmpf ogt, %slice3A_2379, %gt3A_2381 : vector<1x2048xf32>
    %jit3A_2383 = arith.constant 0xFF800000 : f32
    %broadcast_in_dim3A_2384 = vector.shape_cast %gt3A_2382 : vector<1x2048xi1> to vector<1x2048xi1>
    %broadcast_in_dim3A_2385 = vector.broadcast %broadcast_in_dim3A_2384 : vector<1x2048xi1> to vector<128x2048xi1>
    %broadcast_in_dim3A_2386 = vector.broadcast %jit3A_2383 : f32 to vector<128x2048xf32>
    %select_n3A_2387 = arith.select %broadcast_in_dim3A_2385, %add3A_2188, %broadcast_in_dim3A_2386 : vector<128x2048xi1>, vector<128x2048xf32>
    %reduce_max3A_2388 = arith.constant dense<0xFF800000> : vector<128xf32>
    %reduce_max3A_2389 = vector.multi_reduction <maximumf>, %select_n3A_2387, %reduce_max3A_2388 [1] : vector<128x2048xf32> to vector<128xf32>
    %broadcast_in_dim3A_2390 = vector.shape_cast %reduce_max3A_2389 : vector<128xf32> to vector<128x1xf32>
    %slice3A_2391 = vector.extract_strided_slice %convert_element_type3A_2109 {offsets = [14, 0], sizes = [1, 2048], strides = [1, 1]} : vector<16x2048xf32> to vector<1x2048xf32>
    %gt3A_2392 = arith.constant 5.000000e-01 : f32
    %gt3A_2393 = vector.broadcast %gt3A_2392 : f32 to vector<1x2048xf32>
    %gt3A_2394 = arith.cmpf ogt, %slice3A_2391, %gt3A_2393 : vector<1x2048xf32>
    %jit3A_2395 = arith.constant 0xFF800000 : f32
    %broadcast_in_dim3A_2396 = vector.shape_cast %gt3A_2394 : vector<1x2048xi1> to vector<1x2048xi1>
    %broadcast_in_dim3A_2397 = vector.broadcast %broadcast_in_dim3A_2396 : vector<1x2048xi1> to vector<128x2048xi1>
    %broadcast_in_dim3A_2398 = vector.broadcast %jit3A_2395 : f32 to vector<128x2048xf32>
    %select_n3A_2399 = arith.select %broadcast_in_dim3A_2397, %add3A_2188, %broadcast_in_dim3A_2398 : vector<128x2048xi1>, vector<128x2048xf32>
    %reduce_max3A_2400 = arith.constant dense<0xFF800000> : vector<128xf32>
    %reduce_max3A_2401 = vector.multi_reduction <maximumf>, %select_n3A_2399, %reduce_max3A_2400 [1] : vector<128x2048xf32> to vector<128xf32>
    %broadcast_in_dim3A_2402 = vector.shape_cast %reduce_max3A_2401 : vector<128xf32> to vector<128x1xf32>
    %slice3A_2403 = vector.extract_strided_slice %convert_element_type3A_2109 {offsets = [15, 0], sizes = [1, 2048], strides = [1, 1]} : vector<16x2048xf32> to vector<1x2048xf32>
    %gt3A_2404 = arith.constant 5.000000e-01 : f32
    %gt3A_2405 = vector.broadcast %gt3A_2404 : f32 to vector<1x2048xf32>
    %gt3A_2406 = arith.cmpf ogt, %slice3A_2403, %gt3A_2405 : vector<1x2048xf32>
    %jit3A_2407 = arith.constant 0xFF800000 : f32
    %broadcast_in_dim3A_2408 = vector.shape_cast %gt3A_2406 : vector<1x2048xi1> to vector<1x2048xi1>
    %broadcast_in_dim3A_2409 = vector.broadcast %broadcast_in_dim3A_2408 : vector<1x2048xi1> to vector<128x2048xi1>
    %broadcast_in_dim3A_2410 = vector.broadcast %jit3A_2407 : f32 to vector<128x2048xf32>
    %select_n3A_2411 = arith.select %broadcast_in_dim3A_2409, %add3A_2188, %broadcast_in_dim3A_2410 : vector<128x2048xi1>, vector<128x2048xf32>
    %reduce_max3A_2412 = arith.constant dense<0xFF800000> : vector<128xf32>
    %reduce_max3A_2413 = vector.multi_reduction <maximumf>, %select_n3A_2411, %reduce_max3A_2412 [1] : vector<128x2048xf32> to vector<128xf32>
    %broadcast_in_dim3A_2414 = vector.shape_cast %reduce_max3A_2413 : vector<128xf32> to vector<128x1xf32>
    %concatenate3A_2415 = tpu.concatenate %broadcast_in_dim3A_2234, %broadcast_in_dim3A_2246, %broadcast_in_dim3A_2258, %broadcast_in_dim3A_2270, %broadcast_in_dim3A_2282, %broadcast_in_dim3A_2294, %broadcast_in_dim3A_2306, %broadcast_in_dim3A_2318, %broadcast_in_dim3A_2330, %broadcast_in_dim3A_2342, %broadcast_in_dim3A_2354, %broadcast_in_dim3A_2366, %broadcast_in_dim3A_2378, %broadcast_in_dim3A_2390, %broadcast_in_dim3A_2402, %broadcast_in_dim3A_2414 in 1 : vector<128x1xf32>, vector<128x1xf32>, vector<128x1xf32>, vector<128x1xf32>, vector<128x1xf32>, vector<128x1xf32>, vector<128x1xf32>, vector<128x1xf32>, vector<128x1xf32>, vector<128x1xf32>, vector<128x1xf32>, vector<128x1xf32>, vector<128x1xf32>, vector<128x1xf32>, vector<128x1xf32>, vector<128x1xf32> -> vector<128x16xf32>
    %get3A_2416 = arith.constant 0 : index
    %get3A_2417 = arith.constant 0 : index
    %get3A_2418 = vector.load %arg8[%get3A_2416, %get3A_2417] : memref<2048x64xf32, #tpu.memory_space<vmem>>, vector<2048x64xf32>
    %slice3A_2419 = vector.extract_strided_slice %max3A_117 {offsets = [0, 14336], sizes = [64, 2048], strides = [1, 1]} : vector<64x16384xf32> to vector<64x2048xf32>
    %convert_element_type3A_2420 = arith.truncf %get3A_2418 : vector<2048x64xf32> to vector<2048x64xbf16>
    %convert_element_type3A_2421 = arith.truncf %slice3A_2419 : vector<64x2048xf32> to vector<64x2048xbf16>
    %dot_general3A_2422 = arith.constant dense<0.000000e+00> : vector<2048x2048xf32>
    %dot_general3A_2423 = tpu.matmul %convert_element_type3A_2420, %convert_element_type3A_2421, %dot_general3A_2422 {dimension_numbers = #tpu.dot_dimension_numbers<[1], [0], [0], [1], [0, 0, 1, 1], [], []>, transpose_lhs_hint = false} : vector<2048x64xbf16>, vector<64x2048xbf16>, vector<2048x2048xf32> -> vector<2048x2048xf32>
    %slice3A_2424 = vector.extract_strided_slice %get3A_1 {offsets = [5, 14336], sizes = [1, 2048], strides = [1, 1]} : vector<8x16384xf32> to vector<1x2048xf32>
    %broadcast_in_dim3A_2425 = vector.shape_cast %slice3A_2424 : vector<1x2048xf32> to vector<1x2048xf32>
    %broadcast_in_dim3A_2426 = vector.broadcast %broadcast_in_dim3A_2425 : vector<1x2048xf32> to vector<16x2048xf32>
    %eq3A_2427 = arith.cmpf oeq, %broadcast_in_dim3A_2426, %convert_element_type3A_177 : vector<16x2048xf32>
    %convert_element_type3A_2428 = arith.extui %eq3A_2427 : vector<16x2048xi1> to vector<16x2048xi32>
    %convert_element_type3A_2429 = arith.sitofp %convert_element_type3A_2428 : vector<16x2048xi32> to vector<16x2048xf32>
    %slice3A_2430 = vector.extract_strided_slice %dot_general3A_2423 {offsets = [0, 0], sizes = [128, 2048], strides = [1, 1]} : vector<2048x2048xf32> to vector<128x2048xf32>
    %slice3A_2431 = vector.extract_strided_slice %convert_element_type3A_2429 {offsets = [0, 0], sizes = [1, 2048], strides = [1, 1]} : vector<16x2048xf32> to vector<1x2048xf32>
    %mul3A_2432 = vector.broadcast %slice3A_2431 : vector<1x2048xf32> to vector<128x2048xf32>
    %mul3A_2433 = arith.mulf %slice3A_2430, %mul3A_2432 : vector<128x2048xf32>
    %slice3A_2434 = vector.extract_strided_slice %dot_general3A_2423 {offsets = [128, 0], sizes = [128, 2048], strides = [1, 1]} : vector<2048x2048xf32> to vector<128x2048xf32>
    %slice3A_2435 = vector.extract_strided_slice %convert_element_type3A_2429 {offsets = [1, 0], sizes = [1, 2048], strides = [1, 1]} : vector<16x2048xf32> to vector<1x2048xf32>
    %mul3A_2436 = vector.broadcast %slice3A_2435 : vector<1x2048xf32> to vector<128x2048xf32>
    %mul3A_2437 = arith.mulf %slice3A_2434, %mul3A_2436 : vector<128x2048xf32>
    %add3A_2438 = arith.addf %mul3A_2433, %mul3A_2437 : vector<128x2048xf32>
    %slice3A_2439 = vector.extract_strided_slice %dot_general3A_2423 {offsets = [256, 0], sizes = [128, 2048], strides = [1, 1]} : vector<2048x2048xf32> to vector<128x2048xf32>
    %slice3A_2440 = vector.extract_strided_slice %convert_element_type3A_2429 {offsets = [2, 0], sizes = [1, 2048], strides = [1, 1]} : vector<16x2048xf32> to vector<1x2048xf32>
    %mul3A_2441 = vector.broadcast %slice3A_2440 : vector<1x2048xf32> to vector<128x2048xf32>
    %mul3A_2442 = arith.mulf %slice3A_2439, %mul3A_2441 : vector<128x2048xf32>
    %add3A_2443 = arith.addf %add3A_2438, %mul3A_2442 : vector<128x2048xf32>
    %slice3A_2444 = vector.extract_strided_slice %dot_general3A_2423 {offsets = [384, 0], sizes = [128, 2048], strides = [1, 1]} : vector<2048x2048xf32> to vector<128x2048xf32>
    %slice3A_2445 = vector.extract_strided_slice %convert_element_type3A_2429 {offsets = [3, 0], sizes = [1, 2048], strides = [1, 1]} : vector<16x2048xf32> to vector<1x2048xf32>
    %mul3A_2446 = vector.broadcast %slice3A_2445 : vector<1x2048xf32> to vector<128x2048xf32>
    %mul3A_2447 = arith.mulf %slice3A_2444, %mul3A_2446 : vector<128x2048xf32>
    %add3A_2448 = arith.addf %add3A_2443, %mul3A_2447 : vector<128x2048xf32>
    %slice3A_2449 = vector.extract_strided_slice %dot_general3A_2423 {offsets = [512, 0], sizes = [128, 2048], strides = [1, 1]} : vector<2048x2048xf32> to vector<128x2048xf32>
    %slice3A_2450 = vector.extract_strided_slice %convert_element_type3A_2429 {offsets = [4, 0], sizes = [1, 2048], strides = [1, 1]} : vector<16x2048xf32> to vector<1x2048xf32>
    %mul3A_2451 = vector.broadcast %slice3A_2450 : vector<1x2048xf32> to vector<128x2048xf32>
    %mul3A_2452 = arith.mulf %slice3A_2449, %mul3A_2451 : vector<128x2048xf32>
    %add3A_2453 = arith.addf %add3A_2448, %mul3A_2452 : vector<128x2048xf32>
    %slice3A_2454 = vector.extract_strided_slice %dot_general3A_2423 {offsets = [640, 0], sizes = [128, 2048], strides = [1, 1]} : vector<2048x2048xf32> to vector<128x2048xf32>
    %slice3A_2455 = vector.extract_strided_slice %convert_element_type3A_2429 {offsets = [5, 0], sizes = [1, 2048], strides = [1, 1]} : vector<16x2048xf32> to vector<1x2048xf32>
    %mul3A_2456 = vector.broadcast %slice3A_2455 : vector<1x2048xf32> to vector<128x2048xf32>
    %mul3A_2457 = arith.mulf %slice3A_2454, %mul3A_2456 : vector<128x2048xf32>
    %add3A_2458 = arith.addf %add3A_2453, %mul3A_2457 : vector<128x2048xf32>
    %slice3A_2459 = vector.extract_strided_slice %dot_general3A_2423 {offsets = [768, 0], sizes = [128, 2048], strides = [1, 1]} : vector<2048x2048xf32> to vector<128x2048xf32>
    %slice3A_2460 = vector.extract_strided_slice %convert_element_type3A_2429 {offsets = [6, 0], sizes = [1, 2048], strides = [1, 1]} : vector<16x2048xf32> to vector<1x2048xf32>
    %mul3A_2461 = vector.broadcast %slice3A_2460 : vector<1x2048xf32> to vector<128x2048xf32>
    %mul3A_2462 = arith.mulf %slice3A_2459, %mul3A_2461 : vector<128x2048xf32>
    %add3A_2463 = arith.addf %add3A_2458, %mul3A_2462 : vector<128x2048xf32>
    %slice3A_2464 = vector.extract_strided_slice %dot_general3A_2423 {offsets = [896, 0], sizes = [128, 2048], strides = [1, 1]} : vector<2048x2048xf32> to vector<128x2048xf32>
    %slice3A_2465 = vector.extract_strided_slice %convert_element_type3A_2429 {offsets = [7, 0], sizes = [1, 2048], strides = [1, 1]} : vector<16x2048xf32> to vector<1x2048xf32>
    %mul3A_2466 = vector.broadcast %slice3A_2465 : vector<1x2048xf32> to vector<128x2048xf32>
    %mul3A_2467 = arith.mulf %slice3A_2464, %mul3A_2466 : vector<128x2048xf32>
    %add3A_2468 = arith.addf %add3A_2463, %mul3A_2467 : vector<128x2048xf32>
    %slice3A_2469 = vector.extract_strided_slice %dot_general3A_2423 {offsets = [1024, 0], sizes = [128, 2048], strides = [1, 1]} : vector<2048x2048xf32> to vector<128x2048xf32>
    %slice3A_2470 = vector.extract_strided_slice %convert_element_type3A_2429 {offsets = [8, 0], sizes = [1, 2048], strides = [1, 1]} : vector<16x2048xf32> to vector<1x2048xf32>
    %mul3A_2471 = vector.broadcast %slice3A_2470 : vector<1x2048xf32> to vector<128x2048xf32>
    %mul3A_2472 = arith.mulf %slice3A_2469, %mul3A_2471 : vector<128x2048xf32>
    %add3A_2473 = arith.addf %add3A_2468, %mul3A_2472 : vector<128x2048xf32>
    %slice3A_2474 = vector.extract_strided_slice %dot_general3A_2423 {offsets = [1152, 0], sizes = [128, 2048], strides = [1, 1]} : vector<2048x2048xf32> to vector<128x2048xf32>
    %slice3A_2475 = vector.extract_strided_slice %convert_element_type3A_2429 {offsets = [9, 0], sizes = [1, 2048], strides = [1, 1]} : vector<16x2048xf32> to vector<1x2048xf32>
    %mul3A_2476 = vector.broadcast %slice3A_2475 : vector<1x2048xf32> to vector<128x2048xf32>
    %mul3A_2477 = arith.mulf %slice3A_2474, %mul3A_2476 : vector<128x2048xf32>
    %add3A_2478 = arith.addf %add3A_2473, %mul3A_2477 : vector<128x2048xf32>
    %slice3A_2479 = vector.extract_strided_slice %dot_general3A_2423 {offsets = [1280, 0], sizes = [128, 2048], strides = [1, 1]} : vector<2048x2048xf32> to vector<128x2048xf32>
    %slice3A_2480 = vector.extract_strided_slice %convert_element_type3A_2429 {offsets = [10, 0], sizes = [1, 2048], strides = [1, 1]} : vector<16x2048xf32> to vector<1x2048xf32>
    %mul3A_2481 = vector.broadcast %slice3A_2480 : vector<1x2048xf32> to vector<128x2048xf32>
    %mul3A_2482 = arith.mulf %slice3A_2479, %mul3A_2481 : vector<128x2048xf32>
    %add3A_2483 = arith.addf %add3A_2478, %mul3A_2482 : vector<128x2048xf32>
    %slice3A_2484 = vector.extract_strided_slice %dot_general3A_2423 {offsets = [1408, 0], sizes = [128, 2048], strides = [1, 1]} : vector<2048x2048xf32> to vector<128x2048xf32>
    %slice3A_2485 = vector.extract_strided_slice %convert_element_type3A_2429 {offsets = [11, 0], sizes = [1, 2048], strides = [1, 1]} : vector<16x2048xf32> to vector<1x2048xf32>
    %mul3A_2486 = vector.broadcast %slice3A_2485 : vector<1x2048xf32> to vector<128x2048xf32>
    %mul3A_2487 = arith.mulf %slice3A_2484, %mul3A_2486 : vector<128x2048xf32>
    %add3A_2488 = arith.addf %add3A_2483, %mul3A_2487 : vector<128x2048xf32>
    %slice3A_2489 = vector.extract_strided_slice %dot_general3A_2423 {offsets = [1536, 0], sizes = [128, 2048], strides = [1, 1]} : vector<2048x2048xf32> to vector<128x2048xf32>
    %slice3A_2490 = vector.extract_strided_slice %convert_element_type3A_2429 {offsets = [12, 0], sizes = [1, 2048], strides = [1, 1]} : vector<16x2048xf32> to vector<1x2048xf32>
    %mul3A_2491 = vector.broadcast %slice3A_2490 : vector<1x2048xf32> to vector<128x2048xf32>
    %mul3A_2492 = arith.mulf %slice3A_2489, %mul3A_2491 : vector<128x2048xf32>
    %add3A_2493 = arith.addf %add3A_2488, %mul3A_2492 : vector<128x2048xf32>
    %slice3A_2494 = vector.extract_strided_slice %dot_general3A_2423 {offsets = [1664, 0], sizes = [128, 2048], strides = [1, 1]} : vector<2048x2048xf32> to vector<128x2048xf32>
    %slice3A_2495 = vector.extract_strided_slice %convert_element_type3A_2429 {offsets = [13, 0], sizes = [1, 2048], strides = [1, 1]} : vector<16x2048xf32> to vector<1x2048xf32>
    %mul3A_2496 = vector.broadcast %slice3A_2495 : vector<1x2048xf32> to vector<128x2048xf32>
    %mul3A_2497 = arith.mulf %slice3A_2494, %mul3A_2496 : vector<128x2048xf32>
    %add3A_2498 = arith.addf %add3A_2493, %mul3A_2497 : vector<128x2048xf32>
    %slice3A_2499 = vector.extract_strided_slice %dot_general3A_2423 {offsets = [1792, 0], sizes = [128, 2048], strides = [1, 1]} : vector<2048x2048xf32> to vector<128x2048xf32>
    %slice3A_2500 = vector.extract_strided_slice %convert_element_type3A_2429 {offsets = [14, 0], sizes = [1, 2048], strides = [1, 1]} : vector<16x2048xf32> to vector<1x2048xf32>
    %mul3A_2501 = vector.broadcast %slice3A_2500 : vector<1x2048xf32> to vector<128x2048xf32>
    %mul3A_2502 = arith.mulf %slice3A_2499, %mul3A_2501 : vector<128x2048xf32>
    %add3A_2503 = arith.addf %add3A_2498, %mul3A_2502 : vector<128x2048xf32>
    %slice3A_2504 = vector.extract_strided_slice %dot_general3A_2423 {offsets = [1920, 0], sizes = [128, 2048], strides = [1, 1]} : vector<2048x2048xf32> to vector<128x2048xf32>
    %slice3A_2505 = vector.extract_strided_slice %convert_element_type3A_2429 {offsets = [15, 0], sizes = [1, 2048], strides = [1, 1]} : vector<16x2048xf32> to vector<1x2048xf32>
    %mul3A_2506 = vector.broadcast %slice3A_2505 : vector<1x2048xf32> to vector<128x2048xf32>
    %mul3A_2507 = arith.mulf %slice3A_2504, %mul3A_2506 : vector<128x2048xf32>
    %add3A_2508 = arith.addf %add3A_2503, %mul3A_2507 : vector<128x2048xf32>
    %convert_element_type3A_2509 = arith.truncf %add3A_2508 : vector<128x2048xf32> to vector<128x2048xbf16>
    %convert_element_type3A_2510 = arith.extf %convert_element_type3A_2509 : vector<128x2048xbf16> to vector<128x2048xf32>
    %sub3A_2511 = arith.subf %add3A_2508, %convert_element_type3A_2510 : vector<128x2048xf32>
    %convert_element_type3A_2512 = arith.truncf %sub3A_2511 : vector<128x2048xf32> to vector<128x2048xbf16>
    %convert_element_type3A_2513 = arith.truncf %convert_element_type3A_2429 : vector<16x2048xf32> to vector<16x2048xbf16>
    %dot_general3A_2514 = arith.constant dense<0.000000e+00> : vector<128x16xf32>
    %dot_general3A_2515 = tpu.matmul %convert_element_type3A_2509, %convert_element_type3A_2513, %dot_general3A_2514 {dimension_numbers = #tpu.dot_dimension_numbers<[1], [1], [0], [0], [0, 0, 1, 0], [], []>, transpose_lhs_hint = false} : vector<128x2048xbf16>, vector<16x2048xbf16>, vector<128x16xf32> -> vector<128x16xf32>
    %dot_general3A_2516 = arith.constant dense<0.000000e+00> : vector<128x16xf32>
    %dot_general3A_2517 = tpu.matmul %convert_element_type3A_2512, %convert_element_type3A_2513, %dot_general3A_2516 {dimension_numbers = #tpu.dot_dimension_numbers<[1], [1], [0], [0], [0, 0, 1, 0], [], []>, transpose_lhs_hint = false} : vector<128x2048xbf16>, vector<16x2048xbf16>, vector<128x16xf32> -> vector<128x16xf32>
    %add3A_2518 = arith.addf %dot_general3A_2515, %dot_general3A_2517 : vector<128x16xf32>
    %add3A_2519 = arith.addf %add3A_2199, %add3A_2518 : vector<128x16xf32>
    %mul3A_2520 = arith.mulf %add3A_2508, %add3A_2508 : vector<128x2048xf32>
    %convert_element_type3A_2521 = arith.truncf %mul3A_2520 : vector<128x2048xf32> to vector<128x2048xbf16>
    %convert_element_type3A_2522 = arith.extf %convert_element_type3A_2521 : vector<128x2048xbf16> to vector<128x2048xf32>
    %sub3A_2523 = arith.subf %mul3A_2520, %convert_element_type3A_2522 : vector<128x2048xf32>
    %convert_element_type3A_2524 = arith.truncf %sub3A_2523 : vector<128x2048xf32> to vector<128x2048xbf16>
    %convert_element_type3A_2525 = arith.truncf %convert_element_type3A_2429 : vector<16x2048xf32> to vector<16x2048xbf16>
    %dot_general3A_2526 = arith.constant dense<0.000000e+00> : vector<128x16xf32>
    %dot_general3A_2527 = tpu.matmul %convert_element_type3A_2521, %convert_element_type3A_2525, %dot_general3A_2526 {dimension_numbers = #tpu.dot_dimension_numbers<[1], [1], [0], [0], [0, 0, 1, 0], [], []>, transpose_lhs_hint = false} : vector<128x2048xbf16>, vector<16x2048xbf16>, vector<128x16xf32> -> vector<128x16xf32>
    %dot_general3A_2528 = arith.constant dense<0.000000e+00> : vector<128x16xf32>
    %dot_general3A_2529 = tpu.matmul %convert_element_type3A_2524, %convert_element_type3A_2525, %dot_general3A_2528 {dimension_numbers = #tpu.dot_dimension_numbers<[1], [1], [0], [0], [0, 0, 1, 0], [], []>, transpose_lhs_hint = false} : vector<128x2048xbf16>, vector<16x2048xbf16>, vector<128x16xf32> -> vector<128x16xf32>
    %add3A_2530 = arith.addf %dot_general3A_2527, %dot_general3A_2529 : vector<128x16xf32>
    %add3A_2531 = arith.addf %add3A_2211, %add3A_2530 : vector<128x16xf32>
    %convert_element_type3A_2532 = arith.truncf %broadcast_in_dim3A_175 : vector<1x2048xf32> to vector<1x2048xbf16>
    %convert_element_type3A_2533 = arith.extf %convert_element_type3A_2532 : vector<1x2048xbf16> to vector<1x2048xf32>
    %sub3A_2534 = arith.subf %broadcast_in_dim3A_175, %convert_element_type3A_2533 : vector<1x2048xf32>
    %convert_element_type3A_2535 = arith.truncf %sub3A_2534 : vector<1x2048xf32> to vector<1x2048xbf16>
    %convert_element_type3A_2536 = arith.truncf %convert_element_type3A_2429 : vector<16x2048xf32> to vector<16x2048xbf16>
    %dot_general3A_2537 = arith.constant dense<0.000000e+00> : vector<1x16xf32>
    %dot_general3A_2538 = tpu.matmul %convert_element_type3A_2532, %convert_element_type3A_2536, %dot_general3A_2537 {dimension_numbers = #tpu.dot_dimension_numbers<[1], [1], [0], [0], [0, 0, 1, 0], [], []>, transpose_lhs_hint = false} : vector<1x2048xbf16>, vector<16x2048xbf16>, vector<1x16xf32> -> vector<1x16xf32>
    %dot_general3A_2539 = arith.constant dense<0.000000e+00> : vector<1x16xf32>
    %dot_general3A_2540 = tpu.matmul %convert_element_type3A_2535, %convert_element_type3A_2536, %dot_general3A_2539 {dimension_numbers = #tpu.dot_dimension_numbers<[1], [1], [0], [0], [0, 0, 1, 0], [], []>, transpose_lhs_hint = false} : vector<1x2048xbf16>, vector<16x2048xbf16>, vector<1x16xf32> -> vector<1x16xf32>
    %add3A_2541 = arith.addf %dot_general3A_2538, %dot_general3A_2540 : vector<1x16xf32>
    %add3A_2542 = arith.addf %add3A_2222, %add3A_2541 : vector<1x16xf32>
    %slice3A_2543 = vector.extract_strided_slice %convert_element_type3A_2429 {offsets = [0, 0], sizes = [1, 2048], strides = [1, 1]} : vector<16x2048xf32> to vector<1x2048xf32>
    %gt3A_2544 = arith.constant 5.000000e-01 : f32
    %gt3A_2545 = vector.broadcast %gt3A_2544 : f32 to vector<1x2048xf32>
    %gt3A_2546 = arith.cmpf ogt, %slice3A_2543, %gt3A_2545 : vector<1x2048xf32>
    %jit3A_2547 = arith.constant 0xFF800000 : f32
    %broadcast_in_dim3A_2548 = vector.shape_cast %gt3A_2546 : vector<1x2048xi1> to vector<1x2048xi1>
    %broadcast_in_dim3A_2549 = vector.broadcast %broadcast_in_dim3A_2548 : vector<1x2048xi1> to vector<128x2048xi1>
    %broadcast_in_dim3A_2550 = vector.broadcast %jit3A_2547 : f32 to vector<128x2048xf32>
    %select_n3A_2551 = arith.select %broadcast_in_dim3A_2549, %add3A_2508, %broadcast_in_dim3A_2550 : vector<128x2048xi1>, vector<128x2048xf32>
    %reduce_max3A_2552 = arith.constant dense<0xFF800000> : vector<128xf32>
    %reduce_max3A_2553 = vector.multi_reduction <maximumf>, %select_n3A_2551, %reduce_max3A_2552 [1] : vector<128x2048xf32> to vector<128xf32>
    %broadcast_in_dim3A_2554 = vector.shape_cast %reduce_max3A_2553 : vector<128xf32> to vector<128x1xf32>
    %slice3A_2555 = vector.extract_strided_slice %convert_element_type3A_2429 {offsets = [1, 0], sizes = [1, 2048], strides = [1, 1]} : vector<16x2048xf32> to vector<1x2048xf32>
    %gt3A_2556 = arith.constant 5.000000e-01 : f32
    %gt3A_2557 = vector.broadcast %gt3A_2556 : f32 to vector<1x2048xf32>
    %gt3A_2558 = arith.cmpf ogt, %slice3A_2555, %gt3A_2557 : vector<1x2048xf32>
    %jit3A_2559 = arith.constant 0xFF800000 : f32
    %broadcast_in_dim3A_2560 = vector.shape_cast %gt3A_2558 : vector<1x2048xi1> to vector<1x2048xi1>
    %broadcast_in_dim3A_2561 = vector.broadcast %broadcast_in_dim3A_2560 : vector<1x2048xi1> to vector<128x2048xi1>
    %broadcast_in_dim3A_2562 = vector.broadcast %jit3A_2559 : f32 to vector<128x2048xf32>
    %select_n3A_2563 = arith.select %broadcast_in_dim3A_2561, %add3A_2508, %broadcast_in_dim3A_2562 : vector<128x2048xi1>, vector<128x2048xf32>
    %reduce_max3A_2564 = arith.constant dense<0xFF800000> : vector<128xf32>
    %reduce_max3A_2565 = vector.multi_reduction <maximumf>, %select_n3A_2563, %reduce_max3A_2564 [1] : vector<128x2048xf32> to vector<128xf32>
    %broadcast_in_dim3A_2566 = vector.shape_cast %reduce_max3A_2565 : vector<128xf32> to vector<128x1xf32>
    %slice3A_2567 = vector.extract_strided_slice %convert_element_type3A_2429 {offsets = [2, 0], sizes = [1, 2048], strides = [1, 1]} : vector<16x2048xf32> to vector<1x2048xf32>
    %gt3A_2568 = arith.constant 5.000000e-01 : f32
    %gt3A_2569 = vector.broadcast %gt3A_2568 : f32 to vector<1x2048xf32>
    %gt3A_2570 = arith.cmpf ogt, %slice3A_2567, %gt3A_2569 : vector<1x2048xf32>
    %jit3A_2571 = arith.constant 0xFF800000 : f32
    %broadcast_in_dim3A_2572 = vector.shape_cast %gt3A_2570 : vector<1x2048xi1> to vector<1x2048xi1>
    %broadcast_in_dim3A_2573 = vector.broadcast %broadcast_in_dim3A_2572 : vector<1x2048xi1> to vector<128x2048xi1>
    %broadcast_in_dim3A_2574 = vector.broadcast %jit3A_2571 : f32 to vector<128x2048xf32>
    %select_n3A_2575 = arith.select %broadcast_in_dim3A_2573, %add3A_2508, %broadcast_in_dim3A_2574 : vector<128x2048xi1>, vector<128x2048xf32>
    %reduce_max3A_2576 = arith.constant dense<0xFF800000> : vector<128xf32>
    %reduce_max3A_2577 = vector.multi_reduction <maximumf>, %select_n3A_2575, %reduce_max3A_2576 [1] : vector<128x2048xf32> to vector<128xf32>
    %broadcast_in_dim3A_2578 = vector.shape_cast %reduce_max3A_2577 : vector<128xf32> to vector<128x1xf32>
    %slice3A_2579 = vector.extract_strided_slice %convert_element_type3A_2429 {offsets = [3, 0], sizes = [1, 2048], strides = [1, 1]} : vector<16x2048xf32> to vector<1x2048xf32>
    %gt3A_2580 = arith.constant 5.000000e-01 : f32
    %gt3A_2581 = vector.broadcast %gt3A_2580 : f32 to vector<1x2048xf32>
    %gt3A_2582 = arith.cmpf ogt, %slice3A_2579, %gt3A_2581 : vector<1x2048xf32>
    %jit3A_2583 = arith.constant 0xFF800000 : f32
    %broadcast_in_dim3A_2584 = vector.shape_cast %gt3A_2582 : vector<1x2048xi1> to vector<1x2048xi1>
    %broadcast_in_dim3A_2585 = vector.broadcast %broadcast_in_dim3A_2584 : vector<1x2048xi1> to vector<128x2048xi1>
    %broadcast_in_dim3A_2586 = vector.broadcast %jit3A_2583 : f32 to vector<128x2048xf32>
    %select_n3A_2587 = arith.select %broadcast_in_dim3A_2585, %add3A_2508, %broadcast_in_dim3A_2586 : vector<128x2048xi1>, vector<128x2048xf32>
    %reduce_max3A_2588 = arith.constant dense<0xFF800000> : vector<128xf32>
    %reduce_max3A_2589 = vector.multi_reduction <maximumf>, %select_n3A_2587, %reduce_max3A_2588 [1] : vector<128x2048xf32> to vector<128xf32>
    %broadcast_in_dim3A_2590 = vector.shape_cast %reduce_max3A_2589 : vector<128xf32> to vector<128x1xf32>
    %slice3A_2591 = vector.extract_strided_slice %convert_element_type3A_2429 {offsets = [4, 0], sizes = [1, 2048], strides = [1, 1]} : vector<16x2048xf32> to vector<1x2048xf32>
    %gt3A_2592 = arith.constant 5.000000e-01 : f32
    %gt3A_2593 = vector.broadcast %gt3A_2592 : f32 to vector<1x2048xf32>
    %gt3A_2594 = arith.cmpf ogt, %slice3A_2591, %gt3A_2593 : vector<1x2048xf32>
    %jit3A_2595 = arith.constant 0xFF800000 : f32
    %broadcast_in_dim3A_2596 = vector.shape_cast %gt3A_2594 : vector<1x2048xi1> to vector<1x2048xi1>
    %broadcast_in_dim3A_2597 = vector.broadcast %broadcast_in_dim3A_2596 : vector<1x2048xi1> to vector<128x2048xi1>
    %broadcast_in_dim3A_2598 = vector.broadcast %jit3A_2595 : f32 to vector<128x2048xf32>
    %select_n3A_2599 = arith.select %broadcast_in_dim3A_2597, %add3A_2508, %broadcast_in_dim3A_2598 : vector<128x2048xi1>, vector<128x2048xf32>
    %reduce_max3A_2600 = arith.constant dense<0xFF800000> : vector<128xf32>
    %reduce_max3A_2601 = vector.multi_reduction <maximumf>, %select_n3A_2599, %reduce_max3A_2600 [1] : vector<128x2048xf32> to vector<128xf32>
    %broadcast_in_dim3A_2602 = vector.shape_cast %reduce_max3A_2601 : vector<128xf32> to vector<128x1xf32>
    %slice3A_2603 = vector.extract_strided_slice %convert_element_type3A_2429 {offsets = [5, 0], sizes = [1, 2048], strides = [1, 1]} : vector<16x2048xf32> to vector<1x2048xf32>
    %gt3A_2604 = arith.constant 5.000000e-01 : f32
    %gt3A_2605 = vector.broadcast %gt3A_2604 : f32 to vector<1x2048xf32>
    %gt3A_2606 = arith.cmpf ogt, %slice3A_2603, %gt3A_2605 : vector<1x2048xf32>
    %jit3A_2607 = arith.constant 0xFF800000 : f32
    %broadcast_in_dim3A_2608 = vector.shape_cast %gt3A_2606 : vector<1x2048xi1> to vector<1x2048xi1>
    %broadcast_in_dim3A_2609 = vector.broadcast %broadcast_in_dim3A_2608 : vector<1x2048xi1> to vector<128x2048xi1>
    %broadcast_in_dim3A_2610 = vector.broadcast %jit3A_2607 : f32 to vector<128x2048xf32>
    %select_n3A_2611 = arith.select %broadcast_in_dim3A_2609, %add3A_2508, %broadcast_in_dim3A_2610 : vector<128x2048xi1>, vector<128x2048xf32>
    %reduce_max3A_2612 = arith.constant dense<0xFF800000> : vector<128xf32>
    %reduce_max3A_2613 = vector.multi_reduction <maximumf>, %select_n3A_2611, %reduce_max3A_2612 [1] : vector<128x2048xf32> to vector<128xf32>
    %broadcast_in_dim3A_2614 = vector.shape_cast %reduce_max3A_2613 : vector<128xf32> to vector<128x1xf32>
    %slice3A_2615 = vector.extract_strided_slice %convert_element_type3A_2429 {offsets = [6, 0], sizes = [1, 2048], strides = [1, 1]} : vector<16x2048xf32> to vector<1x2048xf32>
    %gt3A_2616 = arith.constant 5.000000e-01 : f32
    %gt3A_2617 = vector.broadcast %gt3A_2616 : f32 to vector<1x2048xf32>
    %gt3A_2618 = arith.cmpf ogt, %slice3A_2615, %gt3A_2617 : vector<1x2048xf32>
    %jit3A_2619 = arith.constant 0xFF800000 : f32
    %broadcast_in_dim3A_2620 = vector.shape_cast %gt3A_2618 : vector<1x2048xi1> to vector<1x2048xi1>
    %broadcast_in_dim3A_2621 = vector.broadcast %broadcast_in_dim3A_2620 : vector<1x2048xi1> to vector<128x2048xi1>
    %broadcast_in_dim3A_2622 = vector.broadcast %jit3A_2619 : f32 to vector<128x2048xf32>
    %select_n3A_2623 = arith.select %broadcast_in_dim3A_2621, %add3A_2508, %broadcast_in_dim3A_2622 : vector<128x2048xi1>, vector<128x2048xf32>
    %reduce_max3A_2624 = arith.constant dense<0xFF800000> : vector<128xf32>
    %reduce_max3A_2625 = vector.multi_reduction <maximumf>, %select_n3A_2623, %reduce_max3A_2624 [1] : vector<128x2048xf32> to vector<128xf32>
    %broadcast_in_dim3A_2626 = vector.shape_cast %reduce_max3A_2625 : vector<128xf32> to vector<128x1xf32>
    %slice3A_2627 = vector.extract_strided_slice %convert_element_type3A_2429 {offsets = [7, 0], sizes = [1, 2048], strides = [1, 1]} : vector<16x2048xf32> to vector<1x2048xf32>
    %gt3A_2628 = arith.constant 5.000000e-01 : f32
    %gt3A_2629 = vector.broadcast %gt3A_2628 : f32 to vector<1x2048xf32>
    %gt3A_2630 = arith.cmpf ogt, %slice3A_2627, %gt3A_2629 : vector<1x2048xf32>
    %jit3A_2631 = arith.constant 0xFF800000 : f32
    %broadcast_in_dim3A_2632 = vector.shape_cast %gt3A_2630 : vector<1x2048xi1> to vector<1x2048xi1>
    %broadcast_in_dim3A_2633 = vector.broadcast %broadcast_in_dim3A_2632 : vector<1x2048xi1> to vector<128x2048xi1>
    %broadcast_in_dim3A_2634 = vector.broadcast %jit3A_2631 : f32 to vector<128x2048xf32>
    %select_n3A_2635 = arith.select %broadcast_in_dim3A_2633, %add3A_2508, %broadcast_in_dim3A_2634 : vector<128x2048xi1>, vector<128x2048xf32>
    %reduce_max3A_2636 = arith.constant dense<0xFF800000> : vector<128xf32>
    %reduce_max3A_2637 = vector.multi_reduction <maximumf>, %select_n3A_2635, %reduce_max3A_2636 [1] : vector<128x2048xf32> to vector<128xf32>
    %broadcast_in_dim3A_2638 = vector.shape_cast %reduce_max3A_2637 : vector<128xf32> to vector<128x1xf32>
    %slice3A_2639 = vector.extract_strided_slice %convert_element_type3A_2429 {offsets = [8, 0], sizes = [1, 2048], strides = [1, 1]} : vector<16x2048xf32> to vector<1x2048xf32>
    %gt3A_2640 = arith.constant 5.000000e-01 : f32
    %gt3A_2641 = vector.broadcast %gt3A_2640 : f32 to vector<1x2048xf32>
    %gt3A_2642 = arith.cmpf ogt, %slice3A_2639, %gt3A_2641 : vector<1x2048xf32>
    %jit3A_2643 = arith.constant 0xFF800000 : f32
    %broadcast_in_dim3A_2644 = vector.shape_cast %gt3A_2642 : vector<1x2048xi1> to vector<1x2048xi1>
    %broadcast_in_dim3A_2645 = vector.broadcast %broadcast_in_dim3A_2644 : vector<1x2048xi1> to vector<128x2048xi1>
    %broadcast_in_dim3A_2646 = vector.broadcast %jit3A_2643 : f32 to vector<128x2048xf32>
    %select_n3A_2647 = arith.select %broadcast_in_dim3A_2645, %add3A_2508, %broadcast_in_dim3A_2646 : vector<128x2048xi1>, vector<128x2048xf32>
    %reduce_max3A_2648 = arith.constant dense<0xFF800000> : vector<128xf32>
    %reduce_max3A_2649 = vector.multi_reduction <maximumf>, %select_n3A_2647, %reduce_max3A_2648 [1] : vector<128x2048xf32> to vector<128xf32>
    %broadcast_in_dim3A_2650 = vector.shape_cast %reduce_max3A_2649 : vector<128xf32> to vector<128x1xf32>
    %slice3A_2651 = vector.extract_strided_slice %convert_element_type3A_2429 {offsets = [9, 0], sizes = [1, 2048], strides = [1, 1]} : vector<16x2048xf32> to vector<1x2048xf32>
    %gt3A_2652 = arith.constant 5.000000e-01 : f32
    %gt3A_2653 = vector.broadcast %gt3A_2652 : f32 to vector<1x2048xf32>
    %gt3A_2654 = arith.cmpf ogt, %slice3A_2651, %gt3A_2653 : vector<1x2048xf32>
    %jit3A_2655 = arith.constant 0xFF800000 : f32
    %broadcast_in_dim3A_2656 = vector.shape_cast %gt3A_2654 : vector<1x2048xi1> to vector<1x2048xi1>
    %broadcast_in_dim3A_2657 = vector.broadcast %broadcast_in_dim3A_2656 : vector<1x2048xi1> to vector<128x2048xi1>
    %broadcast_in_dim3A_2658 = vector.broadcast %jit3A_2655 : f32 to vector<128x2048xf32>
    %select_n3A_2659 = arith.select %broadcast_in_dim3A_2657, %add3A_2508, %broadcast_in_dim3A_2658 : vector<128x2048xi1>, vector<128x2048xf32>
    %reduce_max3A_2660 = arith.constant dense<0xFF800000> : vector<128xf32>
    %reduce_max3A_2661 = vector.multi_reduction <maximumf>, %select_n3A_2659, %reduce_max3A_2660 [1] : vector<128x2048xf32> to vector<128xf32>
    %broadcast_in_dim3A_2662 = vector.shape_cast %reduce_max3A_2661 : vector<128xf32> to vector<128x1xf32>
    %slice3A_2663 = vector.extract_strided_slice %convert_element_type3A_2429 {offsets = [10, 0], sizes = [1, 2048], strides = [1, 1]} : vector<16x2048xf32> to vector<1x2048xf32>
    %gt3A_2664 = arith.constant 5.000000e-01 : f32
    %gt3A_2665 = vector.broadcast %gt3A_2664 : f32 to vector<1x2048xf32>
    %gt3A_2666 = arith.cmpf ogt, %slice3A_2663, %gt3A_2665 : vector<1x2048xf32>
    %jit3A_2667 = arith.constant 0xFF800000 : f32
    %broadcast_in_dim3A_2668 = vector.shape_cast %gt3A_2666 : vector<1x2048xi1> to vector<1x2048xi1>
    %broadcast_in_dim3A_2669 = vector.broadcast %broadcast_in_dim3A_2668 : vector<1x2048xi1> to vector<128x2048xi1>
    %broadcast_in_dim3A_2670 = vector.broadcast %jit3A_2667 : f32 to vector<128x2048xf32>
    %select_n3A_2671 = arith.select %broadcast_in_dim3A_2669, %add3A_2508, %broadcast_in_dim3A_2670 : vector<128x2048xi1>, vector<128x2048xf32>
    %reduce_max3A_2672 = arith.constant dense<0xFF800000> : vector<128xf32>
    %reduce_max3A_2673 = vector.multi_reduction <maximumf>, %select_n3A_2671, %reduce_max3A_2672 [1] : vector<128x2048xf32> to vector<128xf32>
    %broadcast_in_dim3A_2674 = vector.shape_cast %reduce_max3A_2673 : vector<128xf32> to vector<128x1xf32>
    %slice3A_2675 = vector.extract_strided_slice %convert_element_type3A_2429 {offsets = [11, 0], sizes = [1, 2048], strides = [1, 1]} : vector<16x2048xf32> to vector<1x2048xf32>
    %gt3A_2676 = arith.constant 5.000000e-01 : f32
    %gt3A_2677 = vector.broadcast %gt3A_2676 : f32 to vector<1x2048xf32>
    %gt3A_2678 = arith.cmpf ogt, %slice3A_2675, %gt3A_2677 : vector<1x2048xf32>
    %jit3A_2679 = arith.constant 0xFF800000 : f32
    %broadcast_in_dim3A_2680 = vector.shape_cast %gt3A_2678 : vector<1x2048xi1> to vector<1x2048xi1>
    %broadcast_in_dim3A_2681 = vector.broadcast %broadcast_in_dim3A_2680 : vector<1x2048xi1> to vector<128x2048xi1>
    %broadcast_in_dim3A_2682 = vector.broadcast %jit3A_2679 : f32 to vector<128x2048xf32>
    %select_n3A_2683 = arith.select %broadcast_in_dim3A_2681, %add3A_2508, %broadcast_in_dim3A_2682 : vector<128x2048xi1>, vector<128x2048xf32>
    %reduce_max3A_2684 = arith.constant dense<0xFF800000> : vector<128xf32>
    %reduce_max3A_2685 = vector.multi_reduction <maximumf>, %select_n3A_2683, %reduce_max3A_2684 [1] : vector<128x2048xf32> to vector<128xf32>
    %broadcast_in_dim3A_2686 = vector.shape_cast %reduce_max3A_2685 : vector<128xf32> to vector<128x1xf32>
    %slice3A_2687 = vector.extract_strided_slice %convert_element_type3A_2429 {offsets = [12, 0], sizes = [1, 2048], strides = [1, 1]} : vector<16x2048xf32> to vector<1x2048xf32>
    %gt3A_2688 = arith.constant 5.000000e-01 : f32
    %gt3A_2689 = vector.broadcast %gt3A_2688 : f32 to vector<1x2048xf32>
    %gt3A_2690 = arith.cmpf ogt, %slice3A_2687, %gt3A_2689 : vector<1x2048xf32>
    %jit3A_2691 = arith.constant 0xFF800000 : f32
    %broadcast_in_dim3A_2692 = vector.shape_cast %gt3A_2690 : vector<1x2048xi1> to vector<1x2048xi1>
    %broadcast_in_dim3A_2693 = vector.broadcast %broadcast_in_dim3A_2692 : vector<1x2048xi1> to vector<128x2048xi1>
    %broadcast_in_dim3A_2694 = vector.broadcast %jit3A_2691 : f32 to vector<128x2048xf32>
    %select_n3A_2695 = arith.select %broadcast_in_dim3A_2693, %add3A_2508, %broadcast_in_dim3A_2694 : vector<128x2048xi1>, vector<128x2048xf32>
    %reduce_max3A_2696 = arith.constant dense<0xFF800000> : vector<128xf32>
    %reduce_max3A_2697 = vector.multi_reduction <maximumf>, %select_n3A_2695, %reduce_max3A_2696 [1] : vector<128x2048xf32> to vector<128xf32>
    %broadcast_in_dim3A_2698 = vector.shape_cast %reduce_max3A_2697 : vector<128xf32> to vector<128x1xf32>
    %slice3A_2699 = vector.extract_strided_slice %convert_element_type3A_2429 {offsets = [13, 0], sizes = [1, 2048], strides = [1, 1]} : vector<16x2048xf32> to vector<1x2048xf32>
    %gt3A_2700 = arith.constant 5.000000e-01 : f32
    %gt3A_2701 = vector.broadcast %gt3A_2700 : f32 to vector<1x2048xf32>
    %gt3A_2702 = arith.cmpf ogt, %slice3A_2699, %gt3A_2701 : vector<1x2048xf32>
    %jit3A_2703 = arith.constant 0xFF800000 : f32
    %broadcast_in_dim3A_2704 = vector.shape_cast %gt3A_2702 : vector<1x2048xi1> to vector<1x2048xi1>
    %broadcast_in_dim3A_2705 = vector.broadcast %broadcast_in_dim3A_2704 : vector<1x2048xi1> to vector<128x2048xi1>
    %broadcast_in_dim3A_2706 = vector.broadcast %jit3A_2703 : f32 to vector<128x2048xf32>
    %select_n3A_2707 = arith.select %broadcast_in_dim3A_2705, %add3A_2508, %broadcast_in_dim3A_2706 : vector<128x2048xi1>, vector<128x2048xf32>
    %reduce_max3A_2708 = arith.constant dense<0xFF800000> : vector<128xf32>
    %reduce_max3A_2709 = vector.multi_reduction <maximumf>, %select_n3A_2707, %reduce_max3A_2708 [1] : vector<128x2048xf32> to vector<128xf32>
    %broadcast_in_dim3A_2710 = vector.shape_cast %reduce_max3A_2709 : vector<128xf32> to vector<128x1xf32>
    %slice3A_2711 = vector.extract_strided_slice %convert_element_type3A_2429 {offsets = [14, 0], sizes = [1, 2048], strides = [1, 1]} : vector<16x2048xf32> to vector<1x2048xf32>
    %gt3A_2712 = arith.constant 5.000000e-01 : f32
    %gt3A_2713 = vector.broadcast %gt3A_2712 : f32 to vector<1x2048xf32>
    %gt3A_2714 = arith.cmpf ogt, %slice3A_2711, %gt3A_2713 : vector<1x2048xf32>
    %jit3A_2715 = arith.constant 0xFF800000 : f32
    %broadcast_in_dim3A_2716 = vector.shape_cast %gt3A_2714 : vector<1x2048xi1> to vector<1x2048xi1>
    %broadcast_in_dim3A_2717 = vector.broadcast %broadcast_in_dim3A_2716 : vector<1x2048xi1> to vector<128x2048xi1>
    %broadcast_in_dim3A_2718 = vector.broadcast %jit3A_2715 : f32 to vector<128x2048xf32>
    %select_n3A_2719 = arith.select %broadcast_in_dim3A_2717, %add3A_2508, %broadcast_in_dim3A_2718 : vector<128x2048xi1>, vector<128x2048xf32>
    %reduce_max3A_2720 = arith.constant dense<0xFF800000> : vector<128xf32>
    %reduce_max3A_2721 = vector.multi_reduction <maximumf>, %select_n3A_2719, %reduce_max3A_2720 [1] : vector<128x2048xf32> to vector<128xf32>
    %broadcast_in_dim3A_2722 = vector.shape_cast %reduce_max3A_2721 : vector<128xf32> to vector<128x1xf32>
    %slice3A_2723 = vector.extract_strided_slice %convert_element_type3A_2429 {offsets = [15, 0], sizes = [1, 2048], strides = [1, 1]} : vector<16x2048xf32> to vector<1x2048xf32>
    %gt3A_2724 = arith.constant 5.000000e-01 : f32
    %gt3A_2725 = vector.broadcast %gt3A_2724 : f32 to vector<1x2048xf32>
    %gt3A_2726 = arith.cmpf ogt, %slice3A_2723, %gt3A_2725 : vector<1x2048xf32>
    %jit3A_2727 = arith.constant 0xFF800000 : f32
    %broadcast_in_dim3A_2728 = vector.shape_cast %gt3A_2726 : vector<1x2048xi1> to vector<1x2048xi1>
    %broadcast_in_dim3A_2729 = vector.broadcast %broadcast_in_dim3A_2728 : vector<1x2048xi1> to vector<128x2048xi1>
    %broadcast_in_dim3A_2730 = vector.broadcast %jit3A_2727 : f32 to vector<128x2048xf32>
    %select_n3A_2731 = arith.select %broadcast_in_dim3A_2729, %add3A_2508, %broadcast_in_dim3A_2730 : vector<128x2048xi1>, vector<128x2048xf32>
    %reduce_max3A_2732 = arith.constant dense<0xFF800000> : vector<128xf32>
    %reduce_max3A_2733 = vector.multi_reduction <maximumf>, %select_n3A_2731, %reduce_max3A_2732 [1] : vector<128x2048xf32> to vector<128xf32>
    %broadcast_in_dim3A_2734 = vector.shape_cast %reduce_max3A_2733 : vector<128xf32> to vector<128x1xf32>
    %concatenate3A_2735 = tpu.concatenate %broadcast_in_dim3A_2554, %broadcast_in_dim3A_2566, %broadcast_in_dim3A_2578, %broadcast_in_dim3A_2590, %broadcast_in_dim3A_2602, %broadcast_in_dim3A_2614, %broadcast_in_dim3A_2626, %broadcast_in_dim3A_2638, %broadcast_in_dim3A_2650, %broadcast_in_dim3A_2662, %broadcast_in_dim3A_2674, %broadcast_in_dim3A_2686, %broadcast_in_dim3A_2698, %broadcast_in_dim3A_2710, %broadcast_in_dim3A_2722, %broadcast_in_dim3A_2734 in 1 : vector<128x1xf32>, vector<128x1xf32>, vector<128x1xf32>, vector<128x1xf32>, vector<128x1xf32>, vector<128x1xf32>, vector<128x1xf32>, vector<128x1xf32>, vector<128x1xf32>, vector<128x1xf32>, vector<128x1xf32>, vector<128x1xf32>, vector<128x1xf32>, vector<128x1xf32>, vector<128x1xf32>, vector<128x1xf32> -> vector<128x16xf32>
    %max3A_2736 = arith.constant 1.000000e+00 : f32
    %max3A_2737 = vector.broadcast %max3A_2736 : f32 to vector<1x16xf32>
    %max3A_2738 = arith.maximumf %add3A_2542, %max3A_2737 : vector<1x16xf32>
    %div3A_2739 = vector.broadcast %max3A_2738 : vector<1x16xf32> to vector<128x16xf32>
    %div3A_2740 = arith.divf %add3A_2519, %div3A_2739 : vector<128x16xf32>
    %div3A_2741 = vector.broadcast %max3A_2738 : vector<1x16xf32> to vector<128x16xf32>
    %div3A_2742 = arith.divf %add3A_2531, %div3A_2741 : vector<128x16xf32>
    %mul3A_2743 = arith.mulf %div3A_2740, %div3A_2740 : vector<128x16xf32>
    %sub3A_2744 = arith.subf %div3A_2742, %mul3A_2743 : vector<128x16xf32>
    %max3A_2745 = arith.constant 0.000000e+00 : f32
    %max3A_2746 = vector.broadcast %max3A_2745 : f32 to vector<128x16xf32>
    %max3A_2747 = arith.maximumf %sub3A_2744, %max3A_2746 : vector<128x16xf32>
    %get3A_2748 = arith.constant 0 : index
    %get3A_2749 = arith.constant 0 : index
    %get3A_2750 = vector.load %arg9[%get3A_2748, %get3A_2749] : memref<128x16xf32, #tpu.memory_space<vmem>>, vector<128x16xf32>
    %add3A_2751 = arith.constant 9.99999974E-6 : f32
    %add3A_2752 = vector.broadcast %add3A_2751 : f32 to vector<128x16xf32>
    %add3A_2753 = arith.addf %max3A_2747, %add3A_2752 : vector<128x16xf32>
    %sqrt3A_2754 = math.sqrt %add3A_2753 : vector<128x16xf32>
    %div3A_2755 = arith.divf %get3A_2750, %sqrt3A_2754 : vector<128x16xf32>
    %sub3A_2756 = arith.subf %concatenate3A_495, %div3A_2740 : vector<128x16xf32>
    %mul3A_2757 = arith.mulf %div3A_2755, %sub3A_2756 : vector<128x16xf32>
    %get3A_2758 = arith.constant 0 : index
    %get3A_2759 = arith.constant 0 : index
    %get3A_2760 = vector.load %arg10[%get3A_2758, %get3A_2759] : memref<128x16xf32, #tpu.memory_space<vmem>>, vector<128x16xf32>
    %add3A_2761 = arith.addf %mul3A_2757, %get3A_2760 : vector<128x16xf32>
    %eq3A_2762 = arith.constant 0xFF800000 : f32
    %eq3A_2763 = vector.broadcast %eq3A_2762 : f32 to vector<128x16xf32>
    %eq3A_2764 = arith.cmpf oeq, %concatenate3A_495, %eq3A_2763 : vector<128x16xf32>
    %jit3A_2765 = arith.constant 0.000000e+00 : f32
    %broadcast_in_dim3A_2766 = vector.broadcast %jit3A_2765 : f32 to vector<128x16xf32>
    %select_n3A_2767 = arith.select %eq3A_2764, %broadcast_in_dim3A_2766, %add3A_2761 : vector<128x16xi1>, vector<128x16xf32>
    %sub3A_2768 = arith.subf %concatenate3A_815, %div3A_2740 : vector<128x16xf32>
    %mul3A_2769 = arith.mulf %div3A_2755, %sub3A_2768 : vector<128x16xf32>
    %get3A_2770 = arith.constant 0 : index
    %get3A_2771 = arith.constant 0 : index
    %get3A_2772 = vector.load %arg10[%get3A_2770, %get3A_2771] : memref<128x16xf32, #tpu.memory_space<vmem>>, vector<128x16xf32>
    %add3A_2773 = arith.addf %mul3A_2769, %get3A_2772 : vector<128x16xf32>
    %eq3A_2774 = arith.constant 0xFF800000 : f32
    %eq3A_2775 = vector.broadcast %eq3A_2774 : f32 to vector<128x16xf32>
    %eq3A_2776 = arith.cmpf oeq, %concatenate3A_815, %eq3A_2775 : vector<128x16xf32>
    %jit3A_2777 = arith.constant 0.000000e+00 : f32
    %broadcast_in_dim3A_2778 = vector.broadcast %jit3A_2777 : f32 to vector<128x16xf32>
    %select_n3A_2779 = arith.select %eq3A_2776, %broadcast_in_dim3A_2778, %add3A_2773 : vector<128x16xi1>, vector<128x16xf32>
    %sub3A_2780 = arith.subf %concatenate3A_1135, %div3A_2740 : vector<128x16xf32>
    %mul3A_2781 = arith.mulf %div3A_2755, %sub3A_2780 : vector<128x16xf32>
    %get3A_2782 = arith.constant 0 : index
    %get3A_2783 = arith.constant 0 : index
    %get3A_2784 = vector.load %arg10[%get3A_2782, %get3A_2783] : memref<128x16xf32, #tpu.memory_space<vmem>>, vector<128x16xf32>
    %add3A_2785 = arith.addf %mul3A_2781, %get3A_2784 : vector<128x16xf32>
    %eq3A_2786 = arith.constant 0xFF800000 : f32
    %eq3A_2787 = vector.broadcast %eq3A_2786 : f32 to vector<128x16xf32>
    %eq3A_2788 = arith.cmpf oeq, %concatenate3A_1135, %eq3A_2787 : vector<128x16xf32>
    %jit3A_2789 = arith.constant 0.000000e+00 : f32
    %broadcast_in_dim3A_2790 = vector.broadcast %jit3A_2789 : f32 to vector<128x16xf32>
    %select_n3A_2791 = arith.select %eq3A_2788, %broadcast_in_dim3A_2790, %add3A_2785 : vector<128x16xi1>, vector<128x16xf32>
    %sub3A_2792 = arith.subf %concatenate3A_1455, %div3A_2740 : vector<128x16xf32>
    %mul3A_2793 = arith.mulf %div3A_2755, %sub3A_2792 : vector<128x16xf32>
    %get3A_2794 = arith.constant 0 : index
    %get3A_2795 = arith.constant 0 : index
    %get3A_2796 = vector.load %arg10[%get3A_2794, %get3A_2795] : memref<128x16xf32, #tpu.memory_space<vmem>>, vector<128x16xf32>
    %add3A_2797 = arith.addf %mul3A_2793, %get3A_2796 : vector<128x16xf32>
    %eq3A_2798 = arith.constant 0xFF800000 : f32
    %eq3A_2799 = vector.broadcast %eq3A_2798 : f32 to vector<128x16xf32>
    %eq3A_2800 = arith.cmpf oeq, %concatenate3A_1455, %eq3A_2799 : vector<128x16xf32>
    %jit3A_2801 = arith.constant 0.000000e+00 : f32
    %broadcast_in_dim3A_2802 = vector.broadcast %jit3A_2801 : f32 to vector<128x16xf32>
    %select_n3A_2803 = arith.select %eq3A_2800, %broadcast_in_dim3A_2802, %add3A_2797 : vector<128x16xi1>, vector<128x16xf32>
    %sub3A_2804 = arith.subf %concatenate3A_1775, %div3A_2740 : vector<128x16xf32>
    %mul3A_2805 = arith.mulf %div3A_2755, %sub3A_2804 : vector<128x16xf32>
    %get3A_2806 = arith.constant 0 : index
    %get3A_2807 = arith.constant 0 : index
    %get3A_2808 = vector.load %arg10[%get3A_2806, %get3A_2807] : memref<128x16xf32, #tpu.memory_space<vmem>>, vector<128x16xf32>
    %add3A_2809 = arith.addf %mul3A_2805, %get3A_2808 : vector<128x16xf32>
    %eq3A_2810 = arith.constant 0xFF800000 : f32
    %eq3A_2811 = vector.broadcast %eq3A_2810 : f32 to vector<128x16xf32>
    %eq3A_2812 = arith.cmpf oeq, %concatenate3A_1775, %eq3A_2811 : vector<128x16xf32>
    %jit3A_2813 = arith.constant 0.000000e+00 : f32
    %broadcast_in_dim3A_2814 = vector.broadcast %jit3A_2813 : f32 to vector<128x16xf32>
    %select_n3A_2815 = arith.select %eq3A_2812, %broadcast_in_dim3A_2814, %add3A_2809 : vector<128x16xi1>, vector<128x16xf32>
    %sub3A_2816 = arith.subf %concatenate3A_2095, %div3A_2740 : vector<128x16xf32>
    %mul3A_2817 = arith.mulf %div3A_2755, %sub3A_2816 : vector<128x16xf32>
    %get3A_2818 = arith.constant 0 : index
    %get3A_2819 = arith.constant 0 : index
    %get3A_2820 = vector.load %arg10[%get3A_2818, %get3A_2819] : memref<128x16xf32, #tpu.memory_space<vmem>>, vector<128x16xf32>
    %add3A_2821 = arith.addf %mul3A_2817, %get3A_2820 : vector<128x16xf32>
    %eq3A_2822 = arith.constant 0xFF800000 : f32
    %eq3A_2823 = vector.broadcast %eq3A_2822 : f32 to vector<128x16xf32>
    %eq3A_2824 = arith.cmpf oeq, %concatenate3A_2095, %eq3A_2823 : vector<128x16xf32>
    %jit3A_2825 = arith.constant 0.000000e+00 : f32
    %broadcast_in_dim3A_2826 = vector.broadcast %jit3A_2825 : f32 to vector<128x16xf32>
    %select_n3A_2827 = arith.select %eq3A_2824, %broadcast_in_dim3A_2826, %add3A_2821 : vector<128x16xi1>, vector<128x16xf32>
    %sub3A_2828 = arith.subf %concatenate3A_2415, %div3A_2740 : vector<128x16xf32>
    %mul3A_2829 = arith.mulf %div3A_2755, %sub3A_2828 : vector<128x16xf32>
    %get3A_2830 = arith.constant 0 : index
    %get3A_2831 = arith.constant 0 : index
    %get3A_2832 = vector.load %arg10[%get3A_2830, %get3A_2831] : memref<128x16xf32, #tpu.memory_space<vmem>>, vector<128x16xf32>
    %add3A_2833 = arith.addf %mul3A_2829, %get3A_2832 : vector<128x16xf32>
    %eq3A_2834 = arith.constant 0xFF800000 : f32
    %eq3A_2835 = vector.broadcast %eq3A_2834 : f32 to vector<128x16xf32>
    %eq3A_2836 = arith.cmpf oeq, %concatenate3A_2415, %eq3A_2835 : vector<128x16xf32>
    %jit3A_2837 = arith.constant 0.000000e+00 : f32
    %broadcast_in_dim3A_2838 = vector.broadcast %jit3A_2837 : f32 to vector<128x16xf32>
    %select_n3A_2839 = arith.select %eq3A_2836, %broadcast_in_dim3A_2838, %add3A_2833 : vector<128x16xi1>, vector<128x16xf32>
    %sub3A_2840 = arith.subf %concatenate3A_2735, %div3A_2740 : vector<128x16xf32>
    %mul3A_2841 = arith.mulf %div3A_2755, %sub3A_2840 : vector<128x16xf32>
    %get3A_2842 = arith.constant 0 : index
    %get3A_2843 = arith.constant 0 : index
    %get3A_2844 = vector.load %arg10[%get3A_2842, %get3A_2843] : memref<128x16xf32, #tpu.memory_space<vmem>>, vector<128x16xf32>
    %add3A_2845 = arith.addf %mul3A_2841, %get3A_2844 : vector<128x16xf32>
    %eq3A_2846 = arith.constant 0xFF800000 : f32
    %eq3A_2847 = vector.broadcast %eq3A_2846 : f32 to vector<128x16xf32>
    %eq3A_2848 = arith.cmpf oeq, %concatenate3A_2735, %eq3A_2847 : vector<128x16xf32>
    %jit3A_2849 = arith.constant 0.000000e+00 : f32
    %broadcast_in_dim3A_2850 = vector.broadcast %jit3A_2849 : f32 to vector<128x16xf32>
    %select_n3A_2851 = arith.select %eq3A_2848, %broadcast_in_dim3A_2850, %add3A_2845 : vector<128x16xi1>, vector<128x16xf32>
    %transpose3A = tpu.transpose %select_n3A_2767, [1, 0] : vector<128x16xf32> -> vector<16x128xf32>
    %transpose3A_2852 = tpu.transpose %select_n3A_2779, [1, 0] : vector<128x16xf32> -> vector<16x128xf32>
    %transpose3A_2853 = tpu.transpose %select_n3A_2791, [1, 0] : vector<128x16xf32> -> vector<16x128xf32>
    %transpose3A_2854 = tpu.transpose %select_n3A_2803, [1, 0] : vector<128x16xf32> -> vector<16x128xf32>
    %transpose3A_2855 = tpu.transpose %select_n3A_2815, [1, 0] : vector<128x16xf32> -> vector<16x128xf32>
    %transpose3A_2856 = tpu.transpose %select_n3A_2827, [1, 0] : vector<128x16xf32> -> vector<16x128xf32>
    %transpose3A_2857 = tpu.transpose %select_n3A_2839, [1, 0] : vector<128x16xf32> -> vector<16x128xf32>
    %transpose3A_2858 = tpu.transpose %select_n3A_2851, [1, 0] : vector<128x16xf32> -> vector<16x128xf32>
    %concatenate3A_2859 = tpu.concatenate %transpose3A, %transpose3A_2852, %transpose3A_2853, %transpose3A_2854, %transpose3A_2855, %transpose3A_2856, %transpose3A_2857, %transpose3A_2858 in 0 : vector<16x128xf32>, vector<16x128xf32>, vector<16x128xf32>, vector<16x128xf32>, vector<16x128xf32>, vector<16x128xf32>, vector<16x128xf32>, vector<16x128xf32> -> vector<128x128xf32>
    %swap3A_2860 = arith.constant 0 : index
    %swap3A_2861 = arith.constant 0 : index
    %swap3A_2862 = vector.load %arg13[%swap3A_2860, %swap3A_2861] : memref<128x128xf32, #tpu.memory_space<vmem>>, vector<128x128xf32>
    tpu.vector_store %arg13[%swap3A_2860, %swap3A_2861], %concatenate3A_2859 {strides = array<i32>} : memref<128x128xf32, #tpu.memory_space<vmem>>, vector<128x128xf32>,
    return
  }
}

module attributes {stable_mosaic.version = 14 : i64} {
  func.func @_gpool_body(%arg0: memref<128x16384xf32, #tpu.memory_space<vmem>>, %arg1: memref<1024x1xf32, #tpu.memory_space<vmem>>, %arg2: memref<1024x1xf32, #tpu.memory_space<vmem>>, %arg3: memref<1024x128xf32, #tpu.memory_space<vmem>>, %arg4: memref<1024x8xf32, #tpu.memory_space<vmem>>) attributes {dimension_semantics = [], scalar_prefetch = 0 : i64, scratch_operands = 0 : i64, tpu.core_type = #tpu.core_type<tc>} {
    %get3A = arith.constant 0 : index
    %get3A_0 = arith.constant 0 : index
    %get3A_1 = vector.load %arg0[%get3A, %get3A_0] : memref<128x16384xf32, #tpu.memory_space<vmem>>, vector<128x16384xf32>
    %broadcast_in_dim3A = arith.constant 0.000000e+00 : f32
    %broadcast_in_dim3A_2 = vector.broadcast %broadcast_in_dim3A : f32 to vector<1024x1xf32>
    %broadcast_in_dim3A_3 = arith.constant 0.000000e+00 : f32
    %broadcast_in_dim3A_4 = vector.broadcast %broadcast_in_dim3A_3 : f32 to vector<1024x1xf32>
    %get3A_5 = arith.constant 0 : index
    %get3A_6 = arith.constant 0 : index
    %get3A_7 = vector.load %arg3[%get3A_5, %get3A_6] : memref<1024x128xf32, #tpu.memory_space<vmem>>, vector<1024x128xf32>
    %slice3A = vector.extract_strided_slice %get3A_1 {offsets = [0, 0], sizes = [128, 2048], strides = [1, 1]} : vector<128x16384xf32> to vector<128x2048xf32>
    %convert_element_type3A = arith.truncf %get3A_7 : vector<1024x128xf32> to vector<1024x128xbf16>
    %convert_element_type3A_8 = arith.truncf %slice3A : vector<128x2048xf32> to vector<128x2048xbf16>
    %dot_general3A = arith.constant dense<0.000000e+00> : vector<1024x2048xf32>
    %dot_general3A_9 = tpu.matmul %convert_element_type3A, %convert_element_type3A_8, %dot_general3A {dimension_numbers = #tpu.dot_dimension_numbers<[1], [0], [0], [1], [0, 0, 1, 1], [], []>, transpose_lhs_hint = false} : vector<1024x128xbf16>, vector<128x2048xbf16>, vector<1024x2048xf32> -> vector<1024x2048xf32>
    %reduce_sum3A = arith.constant dense<0.000000e+00> : vector<1024xf32>
    %reduce_sum3A_10 = vector.multi_reduction <add>, %dot_general3A_9, %reduce_sum3A [1] : vector<1024x2048xf32> to vector<1024xf32>
    %broadcast_in_dim3A_11 = vector.shape_cast %reduce_sum3A_10 : vector<1024xf32> to vector<1024x1xf32>
    %add3A = arith.addf %broadcast_in_dim3A_2, %broadcast_in_dim3A_11 : vector<1024x1xf32>
    %mul3A = arith.mulf %dot_general3A_9, %dot_general3A_9 : vector<1024x2048xf32>
    %reduce_sum3A_12 = arith.constant dense<0.000000e+00> : vector<1024xf32>
    %reduce_sum3A_13 = vector.multi_reduction <add>, %mul3A, %reduce_sum3A_12 [1] : vector<1024x2048xf32> to vector<1024xf32>
    %broadcast_in_dim3A_14 = vector.shape_cast %reduce_sum3A_13 : vector<1024xf32> to vector<1024x1xf32>
    %add3A_15 = arith.addf %broadcast_in_dim3A_4, %broadcast_in_dim3A_14 : vector<1024x1xf32>
    %reduce_max3A = arith.constant dense<0xFF800000> : vector<1024xf32>
    %reduce_max3A_16 = vector.multi_reduction <maximumf>, %dot_general3A_9, %reduce_max3A [1] : vector<1024x2048xf32> to vector<1024xf32>
    %broadcast_in_dim3A_17 = vector.shape_cast %reduce_max3A_16 : vector<1024xf32> to vector<1024x1xf32>
    %get3A_18 = arith.constant 0 : index
    %get3A_19 = arith.constant 0 : index
    %get3A_20 = vector.load %arg3[%get3A_18, %get3A_19] : memref<1024x128xf32, #tpu.memory_space<vmem>>, vector<1024x128xf32>
    %slice3A_21 = vector.extract_strided_slice %get3A_1 {offsets = [0, 2048], sizes = [128, 2048], strides = [1, 1]} : vector<128x16384xf32> to vector<128x2048xf32>
    %convert_element_type3A_22 = arith.truncf %get3A_20 : vector<1024x128xf32> to vector<1024x128xbf16>
    %convert_element_type3A_23 = arith.truncf %slice3A_21 : vector<128x2048xf32> to vector<128x2048xbf16>
    %dot_general3A_24 = arith.constant dense<0.000000e+00> : vector<1024x2048xf32>
    %dot_general3A_25 = tpu.matmul %convert_element_type3A_22, %convert_element_type3A_23, %dot_general3A_24 {dimension_numbers = #tpu.dot_dimension_numbers<[1], [0], [0], [1], [0, 0, 1, 1], [], []>, transpose_lhs_hint = false} : vector<1024x128xbf16>, vector<128x2048xbf16>, vector<1024x2048xf32> -> vector<1024x2048xf32>
    %reduce_sum3A_26 = arith.constant dense<0.000000e+00> : vector<1024xf32>
    %reduce_sum3A_27 = vector.multi_reduction <add>, %dot_general3A_25, %reduce_sum3A_26 [1] : vector<1024x2048xf32> to vector<1024xf32>
    %broadcast_in_dim3A_28 = vector.shape_cast %reduce_sum3A_27 : vector<1024xf32> to vector<1024x1xf32>
    %add3A_29 = arith.addf %add3A, %broadcast_in_dim3A_28 : vector<1024x1xf32>
    %mul3A_30 = arith.mulf %dot_general3A_25, %dot_general3A_25 : vector<1024x2048xf32>
    %reduce_sum3A_31 = arith.constant dense<0.000000e+00> : vector<1024xf32>
    %reduce_sum3A_32 = vector.multi_reduction <add>, %mul3A_30, %reduce_sum3A_31 [1] : vector<1024x2048xf32> to vector<1024xf32>
    %broadcast_in_dim3A_33 = vector.shape_cast %reduce_sum3A_32 : vector<1024xf32> to vector<1024x1xf32>
    %add3A_34 = arith.addf %add3A_15, %broadcast_in_dim3A_33 : vector<1024x1xf32>
    %reduce_max3A_35 = arith.constant dense<0xFF800000> : vector<1024xf32>
    %reduce_max3A_36 = vector.multi_reduction <maximumf>, %dot_general3A_25, %reduce_max3A_35 [1] : vector<1024x2048xf32> to vector<1024xf32>
    %broadcast_in_dim3A_37 = vector.shape_cast %reduce_max3A_36 : vector<1024xf32> to vector<1024x1xf32>
    %get3A_38 = arith.constant 0 : index
    %get3A_39 = arith.constant 0 : index
    %get3A_40 = vector.load %arg3[%get3A_38, %get3A_39] : memref<1024x128xf32, #tpu.memory_space<vmem>>, vector<1024x128xf32>
    %slice3A_41 = vector.extract_strided_slice %get3A_1 {offsets = [0, 4096], sizes = [128, 2048], strides = [1, 1]} : vector<128x16384xf32> to vector<128x2048xf32>
    %convert_element_type3A_42 = arith.truncf %get3A_40 : vector<1024x128xf32> to vector<1024x128xbf16>
    %convert_element_type3A_43 = arith.truncf %slice3A_41 : vector<128x2048xf32> to vector<128x2048xbf16>
    %dot_general3A_44 = arith.constant dense<0.000000e+00> : vector<1024x2048xf32>
    %dot_general3A_45 = tpu.matmul %convert_element_type3A_42, %convert_element_type3A_43, %dot_general3A_44 {dimension_numbers = #tpu.dot_dimension_numbers<[1], [0], [0], [1], [0, 0, 1, 1], [], []>, transpose_lhs_hint = false} : vector<1024x128xbf16>, vector<128x2048xbf16>, vector<1024x2048xf32> -> vector<1024x2048xf32>
    %reduce_sum3A_46 = arith.constant dense<0.000000e+00> : vector<1024xf32>
    %reduce_sum3A_47 = vector.multi_reduction <add>, %dot_general3A_45, %reduce_sum3A_46 [1] : vector<1024x2048xf32> to vector<1024xf32>
    %broadcast_in_dim3A_48 = vector.shape_cast %reduce_sum3A_47 : vector<1024xf32> to vector<1024x1xf32>
    %add3A_49 = arith.addf %add3A_29, %broadcast_in_dim3A_48 : vector<1024x1xf32>
    %mul3A_50 = arith.mulf %dot_general3A_45, %dot_general3A_45 : vector<1024x2048xf32>
    %reduce_sum3A_51 = arith.constant dense<0.000000e+00> : vector<1024xf32>
    %reduce_sum3A_52 = vector.multi_reduction <add>, %mul3A_50, %reduce_sum3A_51 [1] : vector<1024x2048xf32> to vector<1024xf32>
    %broadcast_in_dim3A_53 = vector.shape_cast %reduce_sum3A_52 : vector<1024xf32> to vector<1024x1xf32>
    %add3A_54 = arith.addf %add3A_34, %broadcast_in_dim3A_53 : vector<1024x1xf32>
    %reduce_max3A_55 = arith.constant dense<0xFF800000> : vector<1024xf32>
    %reduce_max3A_56 = vector.multi_reduction <maximumf>, %dot_general3A_45, %reduce_max3A_55 [1] : vector<1024x2048xf32> to vector<1024xf32>
    %broadcast_in_dim3A_57 = vector.shape_cast %reduce_max3A_56 : vector<1024xf32> to vector<1024x1xf32>
    %get3A_58 = arith.constant 0 : index
    %get3A_59 = arith.constant 0 : index
    %get3A_60 = vector.load %arg3[%get3A_58, %get3A_59] : memref<1024x128xf32, #tpu.memory_space<vmem>>, vector<1024x128xf32>
    %slice3A_61 = vector.extract_strided_slice %get3A_1 {offsets = [0, 6144], sizes = [128, 2048], strides = [1, 1]} : vector<128x16384xf32> to vector<128x2048xf32>
    %convert_element_type3A_62 = arith.truncf %get3A_60 : vector<1024x128xf32> to vector<1024x128xbf16>
    %convert_element_type3A_63 = arith.truncf %slice3A_61 : vector<128x2048xf32> to vector<128x2048xbf16>
    %dot_general3A_64 = arith.constant dense<0.000000e+00> : vector<1024x2048xf32>
    %dot_general3A_65 = tpu.matmul %convert_element_type3A_62, %convert_element_type3A_63, %dot_general3A_64 {dimension_numbers = #tpu.dot_dimension_numbers<[1], [0], [0], [1], [0, 0, 1, 1], [], []>, transpose_lhs_hint = false} : vector<1024x128xbf16>, vector<128x2048xbf16>, vector<1024x2048xf32> -> vector<1024x2048xf32>
    %reduce_sum3A_66 = arith.constant dense<0.000000e+00> : vector<1024xf32>
    %reduce_sum3A_67 = vector.multi_reduction <add>, %dot_general3A_65, %reduce_sum3A_66 [1] : vector<1024x2048xf32> to vector<1024xf32>
    %broadcast_in_dim3A_68 = vector.shape_cast %reduce_sum3A_67 : vector<1024xf32> to vector<1024x1xf32>
    %add3A_69 = arith.addf %add3A_49, %broadcast_in_dim3A_68 : vector<1024x1xf32>
    %mul3A_70 = arith.mulf %dot_general3A_65, %dot_general3A_65 : vector<1024x2048xf32>
    %reduce_sum3A_71 = arith.constant dense<0.000000e+00> : vector<1024xf32>
    %reduce_sum3A_72 = vector.multi_reduction <add>, %mul3A_70, %reduce_sum3A_71 [1] : vector<1024x2048xf32> to vector<1024xf32>
    %broadcast_in_dim3A_73 = vector.shape_cast %reduce_sum3A_72 : vector<1024xf32> to vector<1024x1xf32>
    %add3A_74 = arith.addf %add3A_54, %broadcast_in_dim3A_73 : vector<1024x1xf32>
    %reduce_max3A_75 = arith.constant dense<0xFF800000> : vector<1024xf32>
    %reduce_max3A_76 = vector.multi_reduction <maximumf>, %dot_general3A_65, %reduce_max3A_75 [1] : vector<1024x2048xf32> to vector<1024xf32>
    %broadcast_in_dim3A_77 = vector.shape_cast %reduce_max3A_76 : vector<1024xf32> to vector<1024x1xf32>
    %get3A_78 = arith.constant 0 : index
    %get3A_79 = arith.constant 0 : index
    %get3A_80 = vector.load %arg3[%get3A_78, %get3A_79] : memref<1024x128xf32, #tpu.memory_space<vmem>>, vector<1024x128xf32>
    %slice3A_81 = vector.extract_strided_slice %get3A_1 {offsets = [0, 8192], sizes = [128, 2048], strides = [1, 1]} : vector<128x16384xf32> to vector<128x2048xf32>
    %convert_element_type3A_82 = arith.truncf %get3A_80 : vector<1024x128xf32> to vector<1024x128xbf16>
    %convert_element_type3A_83 = arith.truncf %slice3A_81 : vector<128x2048xf32> to vector<128x2048xbf16>
    %dot_general3A_84 = arith.constant dense<0.000000e+00> : vector<1024x2048xf32>
    %dot_general3A_85 = tpu.matmul %convert_element_type3A_82, %convert_element_type3A_83, %dot_general3A_84 {dimension_numbers = #tpu.dot_dimension_numbers<[1], [0], [0], [1], [0, 0, 1, 1], [], []>, transpose_lhs_hint = false} : vector<1024x128xbf16>, vector<128x2048xbf16>, vector<1024x2048xf32> -> vector<1024x2048xf32>
    %reduce_sum3A_86 = arith.constant dense<0.000000e+00> : vector<1024xf32>
    %reduce_sum3A_87 = vector.multi_reduction <add>, %dot_general3A_85, %reduce_sum3A_86 [1] : vector<1024x2048xf32> to vector<1024xf32>
    %broadcast_in_dim3A_88 = vector.shape_cast %reduce_sum3A_87 : vector<1024xf32> to vector<1024x1xf32>
    %add3A_89 = arith.addf %add3A_69, %broadcast_in_dim3A_88 : vector<1024x1xf32>
    %mul3A_90 = arith.mulf %dot_general3A_85, %dot_general3A_85 : vector<1024x2048xf32>
    %reduce_sum3A_91 = arith.constant dense<0.000000e+00> : vector<1024xf32>
    %reduce_sum3A_92 = vector.multi_reduction <add>, %mul3A_90, %reduce_sum3A_91 [1] : vector<1024x2048xf32> to vector<1024xf32>
    %broadcast_in_dim3A_93 = vector.shape_cast %reduce_sum3A_92 : vector<1024xf32> to vector<1024x1xf32>
    %add3A_94 = arith.addf %add3A_74, %broadcast_in_dim3A_93 : vector<1024x1xf32>
    %reduce_max3A_95 = arith.constant dense<0xFF800000> : vector<1024xf32>
    %reduce_max3A_96 = vector.multi_reduction <maximumf>, %dot_general3A_85, %reduce_max3A_95 [1] : vector<1024x2048xf32> to vector<1024xf32>
    %broadcast_in_dim3A_97 = vector.shape_cast %reduce_max3A_96 : vector<1024xf32> to vector<1024x1xf32>
    %get3A_98 = arith.constant 0 : index
    %get3A_99 = arith.constant 0 : index
    %get3A_100 = vector.load %arg3[%get3A_98, %get3A_99] : memref<1024x128xf32, #tpu.memory_space<vmem>>, vector<1024x128xf32>
    %slice3A_101 = vector.extract_strided_slice %get3A_1 {offsets = [0, 10240], sizes = [128, 2048], strides = [1, 1]} : vector<128x16384xf32> to vector<128x2048xf32>
    %convert_element_type3A_102 = arith.truncf %get3A_100 : vector<1024x128xf32> to vector<1024x128xbf16>
    %convert_element_type3A_103 = arith.truncf %slice3A_101 : vector<128x2048xf32> to vector<128x2048xbf16>
    %dot_general3A_104 = arith.constant dense<0.000000e+00> : vector<1024x2048xf32>
    %dot_general3A_105 = tpu.matmul %convert_element_type3A_102, %convert_element_type3A_103, %dot_general3A_104 {dimension_numbers = #tpu.dot_dimension_numbers<[1], [0], [0], [1], [0, 0, 1, 1], [], []>, transpose_lhs_hint = false} : vector<1024x128xbf16>, vector<128x2048xbf16>, vector<1024x2048xf32> -> vector<1024x2048xf32>
    %reduce_sum3A_106 = arith.constant dense<0.000000e+00> : vector<1024xf32>
    %reduce_sum3A_107 = vector.multi_reduction <add>, %dot_general3A_105, %reduce_sum3A_106 [1] : vector<1024x2048xf32> to vector<1024xf32>
    %broadcast_in_dim3A_108 = vector.shape_cast %reduce_sum3A_107 : vector<1024xf32> to vector<1024x1xf32>
    %add3A_109 = arith.addf %add3A_89, %broadcast_in_dim3A_108 : vector<1024x1xf32>
    %mul3A_110 = arith.mulf %dot_general3A_105, %dot_general3A_105 : vector<1024x2048xf32>
    %reduce_sum3A_111 = arith.constant dense<0.000000e+00> : vector<1024xf32>
    %reduce_sum3A_112 = vector.multi_reduction <add>, %mul3A_110, %reduce_sum3A_111 [1] : vector<1024x2048xf32> to vector<1024xf32>
    %broadcast_in_dim3A_113 = vector.shape_cast %reduce_sum3A_112 : vector<1024xf32> to vector<1024x1xf32>
    %add3A_114 = arith.addf %add3A_94, %broadcast_in_dim3A_113 : vector<1024x1xf32>
    %reduce_max3A_115 = arith.constant dense<0xFF800000> : vector<1024xf32>
    %reduce_max3A_116 = vector.multi_reduction <maximumf>, %dot_general3A_105, %reduce_max3A_115 [1] : vector<1024x2048xf32> to vector<1024xf32>
    %broadcast_in_dim3A_117 = vector.shape_cast %reduce_max3A_116 : vector<1024xf32> to vector<1024x1xf32>
    %get3A_118 = arith.constant 0 : index
    %get3A_119 = arith.constant 0 : index
    %get3A_120 = vector.load %arg3[%get3A_118, %get3A_119] : memref<1024x128xf32, #tpu.memory_space<vmem>>, vector<1024x128xf32>
    %slice3A_121 = vector.extract_strided_slice %get3A_1 {offsets = [0, 12288], sizes = [128, 2048], strides = [1, 1]} : vector<128x16384xf32> to vector<128x2048xf32>
    %convert_element_type3A_122 = arith.truncf %get3A_120 : vector<1024x128xf32> to vector<1024x128xbf16>
    %convert_element_type3A_123 = arith.truncf %slice3A_121 : vector<128x2048xf32> to vector<128x2048xbf16>
    %dot_general3A_124 = arith.constant dense<0.000000e+00> : vector<1024x2048xf32>
    %dot_general3A_125 = tpu.matmul %convert_element_type3A_122, %convert_element_type3A_123, %dot_general3A_124 {dimension_numbers = #tpu.dot_dimension_numbers<[1], [0], [0], [1], [0, 0, 1, 1], [], []>, transpose_lhs_hint = false} : vector<1024x128xbf16>, vector<128x2048xbf16>, vector<1024x2048xf32> -> vector<1024x2048xf32>
    %reduce_sum3A_126 = arith.constant dense<0.000000e+00> : vector<1024xf32>
    %reduce_sum3A_127 = vector.multi_reduction <add>, %dot_general3A_125, %reduce_sum3A_126 [1] : vector<1024x2048xf32> to vector<1024xf32>
    %broadcast_in_dim3A_128 = vector.shape_cast %reduce_sum3A_127 : vector<1024xf32> to vector<1024x1xf32>
    %add3A_129 = arith.addf %add3A_109, %broadcast_in_dim3A_128 : vector<1024x1xf32>
    %mul3A_130 = arith.mulf %dot_general3A_125, %dot_general3A_125 : vector<1024x2048xf32>
    %reduce_sum3A_131 = arith.constant dense<0.000000e+00> : vector<1024xf32>
    %reduce_sum3A_132 = vector.multi_reduction <add>, %mul3A_130, %reduce_sum3A_131 [1] : vector<1024x2048xf32> to vector<1024xf32>
    %broadcast_in_dim3A_133 = vector.shape_cast %reduce_sum3A_132 : vector<1024xf32> to vector<1024x1xf32>
    %add3A_134 = arith.addf %add3A_114, %broadcast_in_dim3A_133 : vector<1024x1xf32>
    %reduce_max3A_135 = arith.constant dense<0xFF800000> : vector<1024xf32>
    %reduce_max3A_136 = vector.multi_reduction <maximumf>, %dot_general3A_125, %reduce_max3A_135 [1] : vector<1024x2048xf32> to vector<1024xf32>
    %broadcast_in_dim3A_137 = vector.shape_cast %reduce_max3A_136 : vector<1024xf32> to vector<1024x1xf32>
    %get3A_138 = arith.constant 0 : index
    %get3A_139 = arith.constant 0 : index
    %get3A_140 = vector.load %arg3[%get3A_138, %get3A_139] : memref<1024x128xf32, #tpu.memory_space<vmem>>, vector<1024x128xf32>
    %slice3A_141 = vector.extract_strided_slice %get3A_1 {offsets = [0, 14336], sizes = [128, 2048], strides = [1, 1]} : vector<128x16384xf32> to vector<128x2048xf32>
    %convert_element_type3A_142 = arith.truncf %get3A_140 : vector<1024x128xf32> to vector<1024x128xbf16>
    %convert_element_type3A_143 = arith.truncf %slice3A_141 : vector<128x2048xf32> to vector<128x2048xbf16>
    %dot_general3A_144 = arith.constant dense<0.000000e+00> : vector<1024x2048xf32>
    %dot_general3A_145 = tpu.matmul %convert_element_type3A_142, %convert_element_type3A_143, %dot_general3A_144 {dimension_numbers = #tpu.dot_dimension_numbers<[1], [0], [0], [1], [0, 0, 1, 1], [], []>, transpose_lhs_hint = false} : vector<1024x128xbf16>, vector<128x2048xbf16>, vector<1024x2048xf32> -> vector<1024x2048xf32>
    %reduce_sum3A_146 = arith.constant dense<0.000000e+00> : vector<1024xf32>
    %reduce_sum3A_147 = vector.multi_reduction <add>, %dot_general3A_145, %reduce_sum3A_146 [1] : vector<1024x2048xf32> to vector<1024xf32>
    %broadcast_in_dim3A_148 = vector.shape_cast %reduce_sum3A_147 : vector<1024xf32> to vector<1024x1xf32>
    %add3A_149 = arith.addf %add3A_129, %broadcast_in_dim3A_148 : vector<1024x1xf32>
    %mul3A_150 = arith.mulf %dot_general3A_145, %dot_general3A_145 : vector<1024x2048xf32>
    %reduce_sum3A_151 = arith.constant dense<0.000000e+00> : vector<1024xf32>
    %reduce_sum3A_152 = vector.multi_reduction <add>, %mul3A_150, %reduce_sum3A_151 [1] : vector<1024x2048xf32> to vector<1024xf32>
    %broadcast_in_dim3A_153 = vector.shape_cast %reduce_sum3A_152 : vector<1024xf32> to vector<1024x1xf32>
    %add3A_154 = arith.addf %add3A_134, %broadcast_in_dim3A_153 : vector<1024x1xf32>
    %reduce_max3A_155 = arith.constant dense<0xFF800000> : vector<1024xf32>
    %reduce_max3A_156 = vector.multi_reduction <maximumf>, %dot_general3A_145, %reduce_max3A_155 [1] : vector<1024x2048xf32> to vector<1024xf32>
    %broadcast_in_dim3A_157 = vector.shape_cast %reduce_max3A_156 : vector<1024xf32> to vector<1024x1xf32>
    %div3A = arith.constant 1.638400e+04 : f32
    %div3A_158 = vector.broadcast %div3A : f32 to vector<1024x1xf32>
    %div3A_159 = arith.divf %add3A_149, %div3A_158 : vector<1024x1xf32>
    %div3A_160 = arith.constant 1.638400e+04 : f32
    %div3A_161 = vector.broadcast %div3A_160 : f32 to vector<1024x1xf32>
    %div3A_162 = arith.divf %add3A_154, %div3A_161 : vector<1024x1xf32>
    %mul3A_163 = arith.mulf %div3A_159, %div3A_159 : vector<1024x1xf32>
    %sub3A = arith.subf %div3A_162, %mul3A_163 : vector<1024x1xf32>
    %max3A = arith.constant 0.000000e+00 : f32
    %max3A_164 = vector.broadcast %max3A : f32 to vector<1024x1xf32>
    %max3A_165 = arith.maximumf %sub3A, %max3A_164 : vector<1024x1xf32>
    %get3A_166 = arith.constant 0 : index
    %get3A_167 = arith.constant 0 : index
    %get3A_168 = vector.load %arg1[%get3A_166, %get3A_167] : memref<1024x1xf32, #tpu.memory_space<vmem>>, vector<1024x1xf32>
    %add3A_169 = arith.constant 9.99999974E-6 : f32
    %add3A_170 = vector.broadcast %add3A_169 : f32 to vector<1024x1xf32>
    %add3A_171 = arith.addf %max3A_165, %add3A_170 : vector<1024x1xf32>
    %sqrt3A = math.sqrt %add3A_171 : vector<1024x1xf32>
    %div3A_172 = arith.divf %get3A_168, %sqrt3A : vector<1024x1xf32>
    %concatenate3A = tpu.concatenate %broadcast_in_dim3A_17, %broadcast_in_dim3A_37, %broadcast_in_dim3A_57, %broadcast_in_dim3A_77, %broadcast_in_dim3A_97, %broadcast_in_dim3A_117, %broadcast_in_dim3A_137, %broadcast_in_dim3A_157 in 1 : vector<1024x1xf32>, vector<1024x1xf32>, vector<1024x1xf32>, vector<1024x1xf32>, vector<1024x1xf32>, vector<1024x1xf32>, vector<1024x1xf32>, vector<1024x1xf32> -> vector<1024x8xf32>
    %sub3A_173 = vector.broadcast %div3A_159 : vector<1024x1xf32> to vector<1024x8xf32>
    %sub3A_174 = arith.subf %concatenate3A, %sub3A_173 : vector<1024x8xf32>
    %mul3A_175 = vector.broadcast %div3A_172 : vector<1024x1xf32> to vector<1024x8xf32>
    %mul3A_176 = arith.mulf %mul3A_175, %sub3A_174 : vector<1024x8xf32>
    %get3A_177 = arith.constant 0 : index
    %get3A_178 = arith.constant 0 : index
    %get3A_179 = vector.load %arg2[%get3A_177, %get3A_178] : memref<1024x1xf32, #tpu.memory_space<vmem>>, vector<1024x1xf32>
    %add3A_180 = vector.broadcast %get3A_179 : vector<1024x1xf32> to vector<1024x8xf32>
    %add3A_181 = arith.addf %mul3A_176, %add3A_180 : vector<1024x8xf32>
    %swap3A = arith.constant 0 : index
    %swap3A_182 = arith.constant 0 : index
    %swap3A_183 = vector.load %arg4[%swap3A, %swap3A_182] : memref<1024x8xf32, #tpu.memory_space<vmem>>, vector<1024x8xf32>
    tpu.vector_store %arg4[%swap3A, %swap3A_182], %add3A_181 {strides = array<i32>} : memref<1024x8xf32, #tpu.memory_space<vmem>>, vector<1024x8xf32>,
    return
  }
}

module attributes {stable_mosaic.version = 14 : i64} {
  func.func @_stn_body(%arg0: memref<8x16384xf32, #tpu.memory_space<vmem>>, %arg1: memref<64x8xf32, #tpu.memory_space<vmem>>, %arg2: memref<64x1xf32, #tpu.memory_space<vmem>>, %arg3: memref<64x1xf32, #tpu.memory_space<vmem>>, %arg4: memref<128x64xf32, #tpu.memory_space<vmem>>, %arg5: memref<128x1xf32, #tpu.memory_space<vmem>>, %arg6: memref<128x1xf32, #tpu.memory_space<vmem>>, %arg7: memref<1024x128xf32, #tpu.memory_space<vmem>>, %arg8: memref<1024x1xf32, #tpu.memory_space<vmem>>, %arg9: memref<1024x1xf32, #tpu.memory_space<vmem>>, %arg10: memref<512x1024xf32, #tpu.memory_space<vmem>>, %arg11: memref<1x512xf32, #tpu.memory_space<vmem>>, %arg12: memref<1x512xf32, #tpu.memory_space<vmem>>, %arg13: memref<256x512xf32, #tpu.memory_space<vmem>>, %arg14: memref<1x256xf32, #tpu.memory_space<vmem>>, %arg15: memref<1x256xf32, #tpu.memory_space<vmem>>, %arg16: memref<16x256xf32, #tpu.memory_space<vmem>>, %arg17: memref<1x16xf32, #tpu.memory_space<vmem>>, %arg18: memref<8x16xf32, #tpu.memory_space<vmem>>) attributes {dimension_semantics = [], scalar_prefetch = 0 : i64, scratch_operands = 0 : i64, tpu.core_type = #tpu.core_type<tc>} {
    %get3A = arith.constant 0 : index
    %get3A_0 = arith.constant 0 : index
    %get3A_1 = vector.load %arg0[%get3A, %get3A_0] : memref<8x16384xf32, #tpu.memory_space<vmem>>, vector<8x16384xf32>
    %get3A_2 = arith.constant 0 : index
    %get3A_3 = arith.constant 0 : index
    %get3A_4 = vector.load %arg1[%get3A_2, %get3A_3] : memref<64x8xf32, #tpu.memory_space<vmem>>, vector<64x8xf32>
    %convert_element_type3A = arith.truncf %get3A_4 : vector<64x8xf32> to vector<64x8xbf16>
    %convert_element_type3A_5 = arith.truncf %get3A_1 : vector<8x16384xf32> to vector<8x16384xbf16>
    %dot_general3A = arith.constant dense<0.000000e+00> : vector<64x16384xf32>
    %dot_general3A_6 = tpu.matmul %convert_element_type3A, %convert_element_type3A_5, %dot_general3A {dimension_numbers = #tpu.dot_dimension_numbers<[1], [0], [0], [1], [0, 0, 1, 1], [], []>, transpose_lhs_hint = false} : vector<64x8xbf16>, vector<8x16384xbf16>, vector<64x16384xf32> -> vector<64x16384xf32>
    %get3A_7 = arith.constant 0 : index
    %get3A_8 = arith.constant 0 : index
    %get3A_9 = vector.load %arg2[%get3A_7, %get3A_8] : memref<64x1xf32, #tpu.memory_space<vmem>>, vector<64x1xf32>
    %get3A_10 = arith.constant 0 : index
    %get3A_11 = arith.constant 0 : index
    %get3A_12 = vector.load %arg3[%get3A_10, %get3A_11] : memref<64x1xf32, #tpu.memory_space<vmem>>, vector<64x1xf32>
    %reduce_sum3A = arith.constant dense<0.000000e+00> : vector<64xf32>
    %reduce_sum3A_13 = vector.multi_reduction <add>, %dot_general3A_6, %reduce_sum3A [1] : vector<64x16384xf32> to vector<64xf32>
    %broadcast_in_dim3A = vector.shape_cast %reduce_sum3A_13 : vector<64xf32> to vector<64x1xf32>
    %div3A = arith.constant 1.638400e+04 : f32
    %div3A_14 = vector.broadcast %div3A : f32 to vector<64x1xf32>
    %div3A_15 = arith.divf %broadcast_in_dim3A, %div3A_14 : vector<64x1xf32>
    %sub3A = vector.broadcast %div3A_15 : vector<64x1xf32> to vector<64x16384xf32>
    %sub3A_16 = arith.subf %dot_general3A_6, %sub3A : vector<64x16384xf32>
    %sub3A_17 = vector.broadcast %div3A_15 : vector<64x1xf32> to vector<64x16384xf32>
    %sub3A_18 = arith.subf %dot_general3A_6, %sub3A_17 : vector<64x16384xf32>
    %mul3A = arith.mulf %sub3A_16, %sub3A_18 : vector<64x16384xf32>
    %reduce_sum3A_19 = arith.constant dense<0.000000e+00> : vector<64xf32>
    %reduce_sum3A_20 = vector.multi_reduction <add>, %mul3A, %reduce_sum3A_19 [1] : vector<64x16384xf32> to vector<64xf32>
    %broadcast_in_dim3A_21 = vector.shape_cast %reduce_sum3A_20 : vector<64xf32> to vector<64x1xf32>
    %div3A_22 = arith.constant 1.638400e+04 : f32
    %div3A_23 = vector.broadcast %div3A_22 : f32 to vector<64x1xf32>
    %div3A_24 = arith.divf %broadcast_in_dim3A_21, %div3A_23 : vector<64x1xf32>
    %sub3A_25 = vector.broadcast %div3A_15 : vector<64x1xf32> to vector<64x16384xf32>
    %sub3A_26 = arith.subf %dot_general3A_6, %sub3A_25 : vector<64x16384xf32>
    %mul3A_27 = vector.broadcast %get3A_9 : vector<64x1xf32> to vector<64x16384xf32>
    %mul3A_28 = arith.mulf %mul3A_27, %sub3A_26 : vector<64x16384xf32>
    %add3A = arith.constant 9.99999974E-6 : f32
    %add3A_29 = vector.broadcast %add3A : f32 to vector<64x1xf32>
    %add3A_30 = arith.addf %div3A_24, %add3A_29 : vector<64x1xf32>
    %sqrt3A = math.sqrt %add3A_30 : vector<64x1xf32>
    %div3A_31 = vector.broadcast %sqrt3A : vector<64x1xf32> to vector<64x16384xf32>
    %div3A_32 = arith.divf %mul3A_28, %div3A_31 : vector<64x16384xf32>
    %add3A_33 = vector.broadcast %get3A_12 : vector<64x1xf32> to vector<64x16384xf32>
    %add3A_34 = arith.addf %div3A_32, %add3A_33 : vector<64x16384xf32>
    %max3A = arith.constant 0.000000e+00 : f32
    %max3A_35 = vector.broadcast %max3A : f32 to vector<64x16384xf32>
    %max3A_36 = arith.maximumf %add3A_34, %max3A_35 : vector<64x16384xf32>
    %get3A_37 = arith.constant 0 : index
    %get3A_38 = arith.constant 0 : index
    %get3A_39 = vector.load %arg4[%get3A_37, %get3A_38] : memref<128x64xf32, #tpu.memory_space<vmem>>, vector<128x64xf32>
    %convert_element_type3A_40 = arith.truncf %get3A_39 : vector<128x64xf32> to vector<128x64xbf16>
    %convert_element_type3A_41 = arith.truncf %max3A_36 : vector<64x16384xf32> to vector<64x16384xbf16>
    %dot_general3A_42 = arith.constant dense<0.000000e+00> : vector<128x16384xf32>
    %dot_general3A_43 = tpu.matmul %convert_element_type3A_40, %convert_element_type3A_41, %dot_general3A_42 {dimension_numbers = #tpu.dot_dimension_numbers<[1], [0], [0], [1], [0, 0, 1, 1], [], []>, transpose_lhs_hint = false} : vector<128x64xbf16>, vector<64x16384xbf16>, vector<128x16384xf32> -> vector<128x16384xf32>
    %get3A_44 = arith.constant 0 : index
    %get3A_45 = arith.constant 0 : index
    %get3A_46 = vector.load %arg5[%get3A_44, %get3A_45] : memref<128x1xf32, #tpu.memory_space<vmem>>, vector<128x1xf32>
    %get3A_47 = arith.constant 0 : index
    %get3A_48 = arith.constant 0 : index
    %get3A_49 = vector.load %arg6[%get3A_47, %get3A_48] : memref<128x1xf32, #tpu.memory_space<vmem>>, vector<128x1xf32>
    %reduce_sum3A_50 = arith.constant dense<0.000000e+00> : vector<128xf32>
    %reduce_sum3A_51 = vector.multi_reduction <add>, %dot_general3A_43, %reduce_sum3A_50 [1] : vector<128x16384xf32> to vector<128xf32>
    %broadcast_in_dim3A_52 = vector.shape_cast %reduce_sum3A_51 : vector<128xf32> to vector<128x1xf32>
    %div3A_53 = arith.constant 1.638400e+04 : f32
    %div3A_54 = vector.broadcast %div3A_53 : f32 to vector<128x1xf32>
    %div3A_55 = arith.divf %broadcast_in_dim3A_52, %div3A_54 : vector<128x1xf32>
    %sub3A_56 = vector.broadcast %div3A_55 : vector<128x1xf32> to vector<128x16384xf32>
    %sub3A_57 = arith.subf %dot_general3A_43, %sub3A_56 : vector<128x16384xf32>
    %sub3A_58 = vector.broadcast %div3A_55 : vector<128x1xf32> to vector<128x16384xf32>
    %sub3A_59 = arith.subf %dot_general3A_43, %sub3A_58 : vector<128x16384xf32>
    %mul3A_60 = arith.mulf %sub3A_57, %sub3A_59 : vector<128x16384xf32>
    %reduce_sum3A_61 = arith.constant dense<0.000000e+00> : vector<128xf32>
    %reduce_sum3A_62 = vector.multi_reduction <add>, %mul3A_60, %reduce_sum3A_61 [1] : vector<128x16384xf32> to vector<128xf32>
    %broadcast_in_dim3A_63 = vector.shape_cast %reduce_sum3A_62 : vector<128xf32> to vector<128x1xf32>
    %div3A_64 = arith.constant 1.638400e+04 : f32
    %div3A_65 = vector.broadcast %div3A_64 : f32 to vector<128x1xf32>
    %div3A_66 = arith.divf %broadcast_in_dim3A_63, %div3A_65 : vector<128x1xf32>
    %sub3A_67 = vector.broadcast %div3A_55 : vector<128x1xf32> to vector<128x16384xf32>
    %sub3A_68 = arith.subf %dot_general3A_43, %sub3A_67 : vector<128x16384xf32>
    %mul3A_69 = vector.broadcast %get3A_46 : vector<128x1xf32> to vector<128x16384xf32>
    %mul3A_70 = arith.mulf %mul3A_69, %sub3A_68 : vector<128x16384xf32>
    %add3A_71 = arith.constant 9.99999974E-6 : f32
    %add3A_72 = vector.broadcast %add3A_71 : f32 to vector<128x1xf32>
    %add3A_73 = arith.addf %div3A_66, %add3A_72 : vector<128x1xf32>
    %sqrt3A_74 = math.sqrt %add3A_73 : vector<128x1xf32>
    %div3A_75 = vector.broadcast %sqrt3A_74 : vector<128x1xf32> to vector<128x16384xf32>
    %div3A_76 = arith.divf %mul3A_70, %div3A_75 : vector<128x16384xf32>
    %add3A_77 = vector.broadcast %get3A_49 : vector<128x1xf32> to vector<128x16384xf32>
    %add3A_78 = arith.addf %div3A_76, %add3A_77 : vector<128x16384xf32>
    %max3A_79 = arith.constant 0.000000e+00 : f32
    %max3A_80 = vector.broadcast %max3A_79 : f32 to vector<128x16384xf32>
    %max3A_81 = arith.maximumf %add3A_78, %max3A_80 : vector<128x16384xf32>
    %broadcast_in_dim3A_82 = arith.constant 0.000000e+00 : f32
    %broadcast_in_dim3A_83 = vector.broadcast %broadcast_in_dim3A_82 : f32 to vector<1024x1xf32>
    %broadcast_in_dim3A_84 = arith.constant 0.000000e+00 : f32
    %broadcast_in_dim3A_85 = vector.broadcast %broadcast_in_dim3A_84 : f32 to vector<1024x1xf32>
    %get3A_86 = arith.constant 0 : index
    %get3A_87 = arith.constant 0 : index
    %get3A_88 = vector.load %arg7[%get3A_86, %get3A_87] : memref<1024x128xf32, #tpu.memory_space<vmem>>, vector<1024x128xf32>
    %slice3A = vector.extract_strided_slice %max3A_81 {offsets = [0, 0], sizes = [128, 2048], strides = [1, 1]} : vector<128x16384xf32> to vector<128x2048xf32>
    %convert_element_type3A_89 = arith.truncf %get3A_88 : vector<1024x128xf32> to vector<1024x128xbf16>
    %convert_element_type3A_90 = arith.truncf %slice3A : vector<128x2048xf32> to vector<128x2048xbf16>
    %dot_general3A_91 = arith.constant dense<0.000000e+00> : vector<1024x2048xf32>
    %dot_general3A_92 = tpu.matmul %convert_element_type3A_89, %convert_element_type3A_90, %dot_general3A_91 {dimension_numbers = #tpu.dot_dimension_numbers<[1], [0], [0], [1], [0, 0, 1, 1], [], []>, transpose_lhs_hint = false} : vector<1024x128xbf16>, vector<128x2048xbf16>, vector<1024x2048xf32> -> vector<1024x2048xf32>
    %reduce_sum3A_93 = arith.constant dense<0.000000e+00> : vector<1024xf32>
    %reduce_sum3A_94 = vector.multi_reduction <add>, %dot_general3A_92, %reduce_sum3A_93 [1] : vector<1024x2048xf32> to vector<1024xf32>
    %broadcast_in_dim3A_95 = vector.shape_cast %reduce_sum3A_94 : vector<1024xf32> to vector<1024x1xf32>
    %add3A_96 = arith.addf %broadcast_in_dim3A_83, %broadcast_in_dim3A_95 : vector<1024x1xf32>
    %mul3A_97 = arith.mulf %dot_general3A_92, %dot_general3A_92 : vector<1024x2048xf32>
    %reduce_sum3A_98 = arith.constant dense<0.000000e+00> : vector<1024xf32>
    %reduce_sum3A_99 = vector.multi_reduction <add>, %mul3A_97, %reduce_sum3A_98 [1] : vector<1024x2048xf32> to vector<1024xf32>
    %broadcast_in_dim3A_100 = vector.shape_cast %reduce_sum3A_99 : vector<1024xf32> to vector<1024x1xf32>
    %add3A_101 = arith.addf %broadcast_in_dim3A_85, %broadcast_in_dim3A_100 : vector<1024x1xf32>
    %reduce_max3A = arith.constant dense<0xFF800000> : vector<1024xf32>
    %reduce_max3A_102 = vector.multi_reduction <maximumf>, %dot_general3A_92, %reduce_max3A [1] : vector<1024x2048xf32> to vector<1024xf32>
    %broadcast_in_dim3A_103 = vector.shape_cast %reduce_max3A_102 : vector<1024xf32> to vector<1024x1xf32>
    %get3A_104 = arith.constant 0 : index
    %get3A_105 = arith.constant 0 : index
    %get3A_106 = vector.load %arg7[%get3A_104, %get3A_105] : memref<1024x128xf32, #tpu.memory_space<vmem>>, vector<1024x128xf32>
    %slice3A_107 = vector.extract_strided_slice %max3A_81 {offsets = [0, 2048], sizes = [128, 2048], strides = [1, 1]} : vector<128x16384xf32> to vector<128x2048xf32>
    %convert_element_type3A_108 = arith.truncf %get3A_106 : vector<1024x128xf32> to vector<1024x128xbf16>
    %convert_element_type3A_109 = arith.truncf %slice3A_107 : vector<128x2048xf32> to vector<128x2048xbf16>
    %dot_general3A_110 = arith.constant dense<0.000000e+00> : vector<1024x2048xf32>
    %dot_general3A_111 = tpu.matmul %convert_element_type3A_108, %convert_element_type3A_109, %dot_general3A_110 {dimension_numbers = #tpu.dot_dimension_numbers<[1], [0], [0], [1], [0, 0, 1, 1], [], []>, transpose_lhs_hint = false} : vector<1024x128xbf16>, vector<128x2048xbf16>, vector<1024x2048xf32> -> vector<1024x2048xf32>
    %reduce_sum3A_112 = arith.constant dense<0.000000e+00> : vector<1024xf32>
    %reduce_sum3A_113 = vector.multi_reduction <add>, %dot_general3A_111, %reduce_sum3A_112 [1] : vector<1024x2048xf32> to vector<1024xf32>
    %broadcast_in_dim3A_114 = vector.shape_cast %reduce_sum3A_113 : vector<1024xf32> to vector<1024x1xf32>
    %add3A_115 = arith.addf %add3A_96, %broadcast_in_dim3A_114 : vector<1024x1xf32>
    %mul3A_116 = arith.mulf %dot_general3A_111, %dot_general3A_111 : vector<1024x2048xf32>
    %reduce_sum3A_117 = arith.constant dense<0.000000e+00> : vector<1024xf32>
    %reduce_sum3A_118 = vector.multi_reduction <add>, %mul3A_116, %reduce_sum3A_117 [1] : vector<1024x2048xf32> to vector<1024xf32>
    %broadcast_in_dim3A_119 = vector.shape_cast %reduce_sum3A_118 : vector<1024xf32> to vector<1024x1xf32>
    %add3A_120 = arith.addf %add3A_101, %broadcast_in_dim3A_119 : vector<1024x1xf32>
    %reduce_max3A_121 = arith.constant dense<0xFF800000> : vector<1024xf32>
    %reduce_max3A_122 = vector.multi_reduction <maximumf>, %dot_general3A_111, %reduce_max3A_121 [1] : vector<1024x2048xf32> to vector<1024xf32>
    %broadcast_in_dim3A_123 = vector.shape_cast %reduce_max3A_122 : vector<1024xf32> to vector<1024x1xf32>
    %get3A_124 = arith.constant 0 : index
    %get3A_125 = arith.constant 0 : index
    %get3A_126 = vector.load %arg7[%get3A_124, %get3A_125] : memref<1024x128xf32, #tpu.memory_space<vmem>>, vector<1024x128xf32>
    %slice3A_127 = vector.extract_strided_slice %max3A_81 {offsets = [0, 4096], sizes = [128, 2048], strides = [1, 1]} : vector<128x16384xf32> to vector<128x2048xf32>
    %convert_element_type3A_128 = arith.truncf %get3A_126 : vector<1024x128xf32> to vector<1024x128xbf16>
    %convert_element_type3A_129 = arith.truncf %slice3A_127 : vector<128x2048xf32> to vector<128x2048xbf16>
    %dot_general3A_130 = arith.constant dense<0.000000e+00> : vector<1024x2048xf32>
    %dot_general3A_131 = tpu.matmul %convert_element_type3A_128, %convert_element_type3A_129, %dot_general3A_130 {dimension_numbers = #tpu.dot_dimension_numbers<[1], [0], [0], [1], [0, 0, 1, 1], [], []>, transpose_lhs_hint = false} : vector<1024x128xbf16>, vector<128x2048xbf16>, vector<1024x2048xf32> -> vector<1024x2048xf32>
    %reduce_sum3A_132 = arith.constant dense<0.000000e+00> : vector<1024xf32>
    %reduce_sum3A_133 = vector.multi_reduction <add>, %dot_general3A_131, %reduce_sum3A_132 [1] : vector<1024x2048xf32> to vector<1024xf32>
    %broadcast_in_dim3A_134 = vector.shape_cast %reduce_sum3A_133 : vector<1024xf32> to vector<1024x1xf32>
    %add3A_135 = arith.addf %add3A_115, %broadcast_in_dim3A_134 : vector<1024x1xf32>
    %mul3A_136 = arith.mulf %dot_general3A_131, %dot_general3A_131 : vector<1024x2048xf32>
    %reduce_sum3A_137 = arith.constant dense<0.000000e+00> : vector<1024xf32>
    %reduce_sum3A_138 = vector.multi_reduction <add>, %mul3A_136, %reduce_sum3A_137 [1] : vector<1024x2048xf32> to vector<1024xf32>
    %broadcast_in_dim3A_139 = vector.shape_cast %reduce_sum3A_138 : vector<1024xf32> to vector<1024x1xf32>
    %add3A_140 = arith.addf %add3A_120, %broadcast_in_dim3A_139 : vector<1024x1xf32>
    %reduce_max3A_141 = arith.constant dense<0xFF800000> : vector<1024xf32>
    %reduce_max3A_142 = vector.multi_reduction <maximumf>, %dot_general3A_131, %reduce_max3A_141 [1] : vector<1024x2048xf32> to vector<1024xf32>
    %broadcast_in_dim3A_143 = vector.shape_cast %reduce_max3A_142 : vector<1024xf32> to vector<1024x1xf32>
    %get3A_144 = arith.constant 0 : index
    %get3A_145 = arith.constant 0 : index
    %get3A_146 = vector.load %arg7[%get3A_144, %get3A_145] : memref<1024x128xf32, #tpu.memory_space<vmem>>, vector<1024x128xf32>
    %slice3A_147 = vector.extract_strided_slice %max3A_81 {offsets = [0, 6144], sizes = [128, 2048], strides = [1, 1]} : vector<128x16384xf32> to vector<128x2048xf32>
    %convert_element_type3A_148 = arith.truncf %get3A_146 : vector<1024x128xf32> to vector<1024x128xbf16>
    %convert_element_type3A_149 = arith.truncf %slice3A_147 : vector<128x2048xf32> to vector<128x2048xbf16>
    %dot_general3A_150 = arith.constant dense<0.000000e+00> : vector<1024x2048xf32>
    %dot_general3A_151 = tpu.matmul %convert_element_type3A_148, %convert_element_type3A_149, %dot_general3A_150 {dimension_numbers = #tpu.dot_dimension_numbers<[1], [0], [0], [1], [0, 0, 1, 1], [], []>, transpose_lhs_hint = false} : vector<1024x128xbf16>, vector<128x2048xbf16>, vector<1024x2048xf32> -> vector<1024x2048xf32>
    %reduce_sum3A_152 = arith.constant dense<0.000000e+00> : vector<1024xf32>
    %reduce_sum3A_153 = vector.multi_reduction <add>, %dot_general3A_151, %reduce_sum3A_152 [1] : vector<1024x2048xf32> to vector<1024xf32>
    %broadcast_in_dim3A_154 = vector.shape_cast %reduce_sum3A_153 : vector<1024xf32> to vector<1024x1xf32>
    %add3A_155 = arith.addf %add3A_135, %broadcast_in_dim3A_154 : vector<1024x1xf32>
    %mul3A_156 = arith.mulf %dot_general3A_151, %dot_general3A_151 : vector<1024x2048xf32>
    %reduce_sum3A_157 = arith.constant dense<0.000000e+00> : vector<1024xf32>
    %reduce_sum3A_158 = vector.multi_reduction <add>, %mul3A_156, %reduce_sum3A_157 [1] : vector<1024x2048xf32> to vector<1024xf32>
    %broadcast_in_dim3A_159 = vector.shape_cast %reduce_sum3A_158 : vector<1024xf32> to vector<1024x1xf32>
    %add3A_160 = arith.addf %add3A_140, %broadcast_in_dim3A_159 : vector<1024x1xf32>
    %reduce_max3A_161 = arith.constant dense<0xFF800000> : vector<1024xf32>
    %reduce_max3A_162 = vector.multi_reduction <maximumf>, %dot_general3A_151, %reduce_max3A_161 [1] : vector<1024x2048xf32> to vector<1024xf32>
    %broadcast_in_dim3A_163 = vector.shape_cast %reduce_max3A_162 : vector<1024xf32> to vector<1024x1xf32>
    %get3A_164 = arith.constant 0 : index
    %get3A_165 = arith.constant 0 : index
    %get3A_166 = vector.load %arg7[%get3A_164, %get3A_165] : memref<1024x128xf32, #tpu.memory_space<vmem>>, vector<1024x128xf32>
    %slice3A_167 = vector.extract_strided_slice %max3A_81 {offsets = [0, 8192], sizes = [128, 2048], strides = [1, 1]} : vector<128x16384xf32> to vector<128x2048xf32>
    %convert_element_type3A_168 = arith.truncf %get3A_166 : vector<1024x128xf32> to vector<1024x128xbf16>
    %convert_element_type3A_169 = arith.truncf %slice3A_167 : vector<128x2048xf32> to vector<128x2048xbf16>
    %dot_general3A_170 = arith.constant dense<0.000000e+00> : vector<1024x2048xf32>
    %dot_general3A_171 = tpu.matmul %convert_element_type3A_168, %convert_element_type3A_169, %dot_general3A_170 {dimension_numbers = #tpu.dot_dimension_numbers<[1], [0], [0], [1], [0, 0, 1, 1], [], []>, transpose_lhs_hint = false} : vector<1024x128xbf16>, vector<128x2048xbf16>, vector<1024x2048xf32> -> vector<1024x2048xf32>
    %reduce_sum3A_172 = arith.constant dense<0.000000e+00> : vector<1024xf32>
    %reduce_sum3A_173 = vector.multi_reduction <add>, %dot_general3A_171, %reduce_sum3A_172 [1] : vector<1024x2048xf32> to vector<1024xf32>
    %broadcast_in_dim3A_174 = vector.shape_cast %reduce_sum3A_173 : vector<1024xf32> to vector<1024x1xf32>
    %add3A_175 = arith.addf %add3A_155, %broadcast_in_dim3A_174 : vector<1024x1xf32>
    %mul3A_176 = arith.mulf %dot_general3A_171, %dot_general3A_171 : vector<1024x2048xf32>
    %reduce_sum3A_177 = arith.constant dense<0.000000e+00> : vector<1024xf32>
    %reduce_sum3A_178 = vector.multi_reduction <add>, %mul3A_176, %reduce_sum3A_177 [1] : vector<1024x2048xf32> to vector<1024xf32>
    %broadcast_in_dim3A_179 = vector.shape_cast %reduce_sum3A_178 : vector<1024xf32> to vector<1024x1xf32>
    %add3A_180 = arith.addf %add3A_160, %broadcast_in_dim3A_179 : vector<1024x1xf32>
    %reduce_max3A_181 = arith.constant dense<0xFF800000> : vector<1024xf32>
    %reduce_max3A_182 = vector.multi_reduction <maximumf>, %dot_general3A_171, %reduce_max3A_181 [1] : vector<1024x2048xf32> to vector<1024xf32>
    %broadcast_in_dim3A_183 = vector.shape_cast %reduce_max3A_182 : vector<1024xf32> to vector<1024x1xf32>
    %get3A_184 = arith.constant 0 : index
    %get3A_185 = arith.constant 0 : index
    %get3A_186 = vector.load %arg7[%get3A_184, %get3A_185] : memref<1024x128xf32, #tpu.memory_space<vmem>>, vector<1024x128xf32>
    %slice3A_187 = vector.extract_strided_slice %max3A_81 {offsets = [0, 10240], sizes = [128, 2048], strides = [1, 1]} : vector<128x16384xf32> to vector<128x2048xf32>
    %convert_element_type3A_188 = arith.truncf %get3A_186 : vector<1024x128xf32> to vector<1024x128xbf16>
    %convert_element_type3A_189 = arith.truncf %slice3A_187 : vector<128x2048xf32> to vector<128x2048xbf16>
    %dot_general3A_190 = arith.constant dense<0.000000e+00> : vector<1024x2048xf32>
    %dot_general3A_191 = tpu.matmul %convert_element_type3A_188, %convert_element_type3A_189, %dot_general3A_190 {dimension_numbers = #tpu.dot_dimension_numbers<[1], [0], [0], [1], [0, 0, 1, 1], [], []>, transpose_lhs_hint = false} : vector<1024x128xbf16>, vector<128x2048xbf16>, vector<1024x2048xf32> -> vector<1024x2048xf32>
    %reduce_sum3A_192 = arith.constant dense<0.000000e+00> : vector<1024xf32>
    %reduce_sum3A_193 = vector.multi_reduction <add>, %dot_general3A_191, %reduce_sum3A_192 [1] : vector<1024x2048xf32> to vector<1024xf32>
    %broadcast_in_dim3A_194 = vector.shape_cast %reduce_sum3A_193 : vector<1024xf32> to vector<1024x1xf32>
    %add3A_195 = arith.addf %add3A_175, %broadcast_in_dim3A_194 : vector<1024x1xf32>
    %mul3A_196 = arith.mulf %dot_general3A_191, %dot_general3A_191 : vector<1024x2048xf32>
    %reduce_sum3A_197 = arith.constant dense<0.000000e+00> : vector<1024xf32>
    %reduce_sum3A_198 = vector.multi_reduction <add>, %mul3A_196, %reduce_sum3A_197 [1] : vector<1024x2048xf32> to vector<1024xf32>
    %broadcast_in_dim3A_199 = vector.shape_cast %reduce_sum3A_198 : vector<1024xf32> to vector<1024x1xf32>
    %add3A_200 = arith.addf %add3A_180, %broadcast_in_dim3A_199 : vector<1024x1xf32>
    %reduce_max3A_201 = arith.constant dense<0xFF800000> : vector<1024xf32>
    %reduce_max3A_202 = vector.multi_reduction <maximumf>, %dot_general3A_191, %reduce_max3A_201 [1] : vector<1024x2048xf32> to vector<1024xf32>
    %broadcast_in_dim3A_203 = vector.shape_cast %reduce_max3A_202 : vector<1024xf32> to vector<1024x1xf32>
    %get3A_204 = arith.constant 0 : index
    %get3A_205 = arith.constant 0 : index
    %get3A_206 = vector.load %arg7[%get3A_204, %get3A_205] : memref<1024x128xf32, #tpu.memory_space<vmem>>, vector<1024x128xf32>
    %slice3A_207 = vector.extract_strided_slice %max3A_81 {offsets = [0, 12288], sizes = [128, 2048], strides = [1, 1]} : vector<128x16384xf32> to vector<128x2048xf32>
    %convert_element_type3A_208 = arith.truncf %get3A_206 : vector<1024x128xf32> to vector<1024x128xbf16>
    %convert_element_type3A_209 = arith.truncf %slice3A_207 : vector<128x2048xf32> to vector<128x2048xbf16>
    %dot_general3A_210 = arith.constant dense<0.000000e+00> : vector<1024x2048xf32>
    %dot_general3A_211 = tpu.matmul %convert_element_type3A_208, %convert_element_type3A_209, %dot_general3A_210 {dimension_numbers = #tpu.dot_dimension_numbers<[1], [0], [0], [1], [0, 0, 1, 1], [], []>, transpose_lhs_hint = false} : vector<1024x128xbf16>, vector<128x2048xbf16>, vector<1024x2048xf32> -> vector<1024x2048xf32>
    %reduce_sum3A_212 = arith.constant dense<0.000000e+00> : vector<1024xf32>
    %reduce_sum3A_213 = vector.multi_reduction <add>, %dot_general3A_211, %reduce_sum3A_212 [1] : vector<1024x2048xf32> to vector<1024xf32>
    %broadcast_in_dim3A_214 = vector.shape_cast %reduce_sum3A_213 : vector<1024xf32> to vector<1024x1xf32>
    %add3A_215 = arith.addf %add3A_195, %broadcast_in_dim3A_214 : vector<1024x1xf32>
    %mul3A_216 = arith.mulf %dot_general3A_211, %dot_general3A_211 : vector<1024x2048xf32>
    %reduce_sum3A_217 = arith.constant dense<0.000000e+00> : vector<1024xf32>
    %reduce_sum3A_218 = vector.multi_reduction <add>, %mul3A_216, %reduce_sum3A_217 [1] : vector<1024x2048xf32> to vector<1024xf32>
    %broadcast_in_dim3A_219 = vector.shape_cast %reduce_sum3A_218 : vector<1024xf32> to vector<1024x1xf32>
    %add3A_220 = arith.addf %add3A_200, %broadcast_in_dim3A_219 : vector<1024x1xf32>
    %reduce_max3A_221 = arith.constant dense<0xFF800000> : vector<1024xf32>
    %reduce_max3A_222 = vector.multi_reduction <maximumf>, %dot_general3A_211, %reduce_max3A_221 [1] : vector<1024x2048xf32> to vector<1024xf32>
    %broadcast_in_dim3A_223 = vector.shape_cast %reduce_max3A_222 : vector<1024xf32> to vector<1024x1xf32>
    %get3A_224 = arith.constant 0 : index
    %get3A_225 = arith.constant 0 : index
    %get3A_226 = vector.load %arg7[%get3A_224, %get3A_225] : memref<1024x128xf32, #tpu.memory_space<vmem>>, vector<1024x128xf32>
    %slice3A_227 = vector.extract_strided_slice %max3A_81 {offsets = [0, 14336], sizes = [128, 2048], strides = [1, 1]} : vector<128x16384xf32> to vector<128x2048xf32>
    %convert_element_type3A_228 = arith.truncf %get3A_226 : vector<1024x128xf32> to vector<1024x128xbf16>
    %convert_element_type3A_229 = arith.truncf %slice3A_227 : vector<128x2048xf32> to vector<128x2048xbf16>
    %dot_general3A_230 = arith.constant dense<0.000000e+00> : vector<1024x2048xf32>
    %dot_general3A_231 = tpu.matmul %convert_element_type3A_228, %convert_element_type3A_229, %dot_general3A_230 {dimension_numbers = #tpu.dot_dimension_numbers<[1], [0], [0], [1], [0, 0, 1, 1], [], []>, transpose_lhs_hint = false} : vector<1024x128xbf16>, vector<128x2048xbf16>, vector<1024x2048xf32> -> vector<1024x2048xf32>
    %reduce_sum3A_232 = arith.constant dense<0.000000e+00> : vector<1024xf32>
    %reduce_sum3A_233 = vector.multi_reduction <add>, %dot_general3A_231, %reduce_sum3A_232 [1] : vector<1024x2048xf32> to vector<1024xf32>
    %broadcast_in_dim3A_234 = vector.shape_cast %reduce_sum3A_233 : vector<1024xf32> to vector<1024x1xf32>
    %add3A_235 = arith.addf %add3A_215, %broadcast_in_dim3A_234 : vector<1024x1xf32>
    %mul3A_236 = arith.mulf %dot_general3A_231, %dot_general3A_231 : vector<1024x2048xf32>
    %reduce_sum3A_237 = arith.constant dense<0.000000e+00> : vector<1024xf32>
    %reduce_sum3A_238 = vector.multi_reduction <add>, %mul3A_236, %reduce_sum3A_237 [1] : vector<1024x2048xf32> to vector<1024xf32>
    %broadcast_in_dim3A_239 = vector.shape_cast %reduce_sum3A_238 : vector<1024xf32> to vector<1024x1xf32>
    %add3A_240 = arith.addf %add3A_220, %broadcast_in_dim3A_239 : vector<1024x1xf32>
    %reduce_max3A_241 = arith.constant dense<0xFF800000> : vector<1024xf32>
    %reduce_max3A_242 = vector.multi_reduction <maximumf>, %dot_general3A_231, %reduce_max3A_241 [1] : vector<1024x2048xf32> to vector<1024xf32>
    %broadcast_in_dim3A_243 = vector.shape_cast %reduce_max3A_242 : vector<1024xf32> to vector<1024x1xf32>
    %div3A_244 = arith.constant 1.638400e+04 : f32
    %div3A_245 = vector.broadcast %div3A_244 : f32 to vector<1024x1xf32>
    %div3A_246 = arith.divf %add3A_235, %div3A_245 : vector<1024x1xf32>
    %div3A_247 = arith.constant 1.638400e+04 : f32
    %div3A_248 = vector.broadcast %div3A_247 : f32 to vector<1024x1xf32>
    %div3A_249 = arith.divf %add3A_240, %div3A_248 : vector<1024x1xf32>
    %mul3A_250 = arith.mulf %div3A_246, %div3A_246 : vector<1024x1xf32>
    %sub3A_251 = arith.subf %div3A_249, %mul3A_250 : vector<1024x1xf32>
    %max3A_252 = arith.constant 0.000000e+00 : f32
    %max3A_253 = vector.broadcast %max3A_252 : f32 to vector<1024x1xf32>
    %max3A_254 = arith.maximumf %sub3A_251, %max3A_253 : vector<1024x1xf32>
    %get3A_255 = arith.constant 0 : index
    %get3A_256 = arith.constant 0 : index
    %get3A_257 = vector.load %arg8[%get3A_255, %get3A_256] : memref<1024x1xf32, #tpu.memory_space<vmem>>, vector<1024x1xf32>
    %add3A_258 = arith.constant 9.99999974E-6 : f32
    %add3A_259 = vector.broadcast %add3A_258 : f32 to vector<1024x1xf32>
    %add3A_260 = arith.addf %max3A_254, %add3A_259 : vector<1024x1xf32>
    %sqrt3A_261 = math.sqrt %add3A_260 : vector<1024x1xf32>
    %div3A_262 = arith.divf %get3A_257, %sqrt3A_261 : vector<1024x1xf32>
    %concatenate3A = tpu.concatenate %broadcast_in_dim3A_103, %broadcast_in_dim3A_123, %broadcast_in_dim3A_143, %broadcast_in_dim3A_163, %broadcast_in_dim3A_183, %broadcast_in_dim3A_203, %broadcast_in_dim3A_223, %broadcast_in_dim3A_243 in 1 : vector<1024x1xf32>, vector<1024x1xf32>, vector<1024x1xf32>, vector<1024x1xf32>, vector<1024x1xf32>, vector<1024x1xf32>, vector<1024x1xf32>, vector<1024x1xf32> -> vector<1024x8xf32>
    %sub3A_263 = vector.broadcast %div3A_246 : vector<1024x1xf32> to vector<1024x8xf32>
    %sub3A_264 = arith.subf %concatenate3A, %sub3A_263 : vector<1024x8xf32>
    %mul3A_265 = vector.broadcast %div3A_262 : vector<1024x1xf32> to vector<1024x8xf32>
    %mul3A_266 = arith.mulf %mul3A_265, %sub3A_264 : vector<1024x8xf32>
    %get3A_267 = arith.constant 0 : index
    %get3A_268 = arith.constant 0 : index
    %get3A_269 = vector.load %arg9[%get3A_267, %get3A_268] : memref<1024x1xf32, #tpu.memory_space<vmem>>, vector<1024x1xf32>
    %add3A_270 = vector.broadcast %get3A_269 : vector<1024x1xf32> to vector<1024x8xf32>
    %add3A_271 = arith.addf %mul3A_266, %add3A_270 : vector<1024x8xf32>
    %max3A_272 = arith.constant 0.000000e+00 : f32
    %max3A_273 = vector.broadcast %max3A_272 : f32 to vector<1024x8xf32>
    %max3A_274 = arith.maximumf %add3A_271, %max3A_273 : vector<1024x8xf32>
    %get3A_275 = arith.constant 0 : index
    %get3A_276 = arith.constant 0 : index
    %get3A_277 = vector.load %arg10[%get3A_275, %get3A_276] : memref<512x1024xf32, #tpu.memory_space<vmem>>, vector<512x1024xf32>
    %convert_element_type3A_278 = arith.truncf %max3A_274 : vector<1024x8xf32> to vector<1024x8xbf16>
    %convert_element_type3A_279 = arith.truncf %get3A_277 : vector<512x1024xf32> to vector<512x1024xbf16>
    %dot_general3A_280 = arith.constant dense<0.000000e+00> : vector<8x512xf32>
    %dot_general3A_281 = tpu.matmul %convert_element_type3A_278, %convert_element_type3A_279, %dot_general3A_280 {dimension_numbers = #tpu.dot_dimension_numbers<[0], [1], [1], [0], [0, 1, 1, 0], [], []>, transpose_lhs_hint = false} : vector<1024x8xbf16>, vector<512x1024xbf16>, vector<8x512xf32> -> vector<8x512xf32>
    %get3A_282 = arith.constant 0 : index
    %get3A_283 = arith.constant 0 : index
    %get3A_284 = vector.load %arg11[%get3A_282, %get3A_283] : memref<1x512xf32, #tpu.memory_space<vmem>>, vector<1x512xf32>
    %get3A_285 = arith.constant 0 : index
    %get3A_286 = arith.constant 0 : index
    %get3A_287 = vector.load %arg12[%get3A_285, %get3A_286] : memref<1x512xf32, #tpu.memory_space<vmem>>, vector<1x512xf32>
    %reduce_sum3A_288 = arith.constant dense<0.000000e+00> : vector<512xf32>
    %reduce_sum3A_289 = vector.multi_reduction <add>, %dot_general3A_281, %reduce_sum3A_288 [0] : vector<8x512xf32> to vector<512xf32>
    %broadcast_in_dim3A_290 = vector.shape_cast %reduce_sum3A_289 : vector<512xf32> to vector<1x512xf32>
    %div3A_291 = arith.constant 8.000000e+00 : f32
    %div3A_292 = vector.broadcast %div3A_291 : f32 to vector<1x512xf32>
    %div3A_293 = arith.divf %broadcast_in_dim3A_290, %div3A_292 : vector<1x512xf32>
    %sub3A_294 = vector.broadcast %div3A_293 : vector<1x512xf32> to vector<8x512xf32>
    %sub3A_295 = arith.subf %dot_general3A_281, %sub3A_294 : vector<8x512xf32>
    %sub3A_296 = vector.broadcast %div3A_293 : vector<1x512xf32> to vector<8x512xf32>
    %sub3A_297 = arith.subf %dot_general3A_281, %sub3A_296 : vector<8x512xf32>
    %mul3A_298 = arith.mulf %sub3A_295, %sub3A_297 : vector<8x512xf32>
    %reduce_sum3A_299 = arith.constant dense<0.000000e+00> : vector<512xf32>
    %reduce_sum3A_300 = vector.multi_reduction <add>, %mul3A_298, %reduce_sum3A_299 [0] : vector<8x512xf32> to vector<512xf32>
    %broadcast_in_dim3A_301 = vector.shape_cast %reduce_sum3A_300 : vector<512xf32> to vector<1x512xf32>
    %div3A_302 = arith.constant 8.000000e+00 : f32
    %div3A_303 = vector.broadcast %div3A_302 : f32 to vector<1x512xf32>
    %div3A_304 = arith.divf %broadcast_in_dim3A_301, %div3A_303 : vector<1x512xf32>
    %sub3A_305 = vector.broadcast %div3A_293 : vector<1x512xf32> to vector<8x512xf32>
    %sub3A_306 = arith.subf %dot_general3A_281, %sub3A_305 : vector<8x512xf32>
    %mul3A_307 = vector.broadcast %get3A_284 : vector<1x512xf32> to vector<8x512xf32>
    %mul3A_308 = arith.mulf %mul3A_307, %sub3A_306 : vector<8x512xf32>
    %add3A_309 = arith.constant 9.99999974E-6 : f32
    %add3A_310 = vector.broadcast %add3A_309 : f32 to vector<1x512xf32>
    %add3A_311 = arith.addf %div3A_304, %add3A_310 : vector<1x512xf32>
    %sqrt3A_312 = math.sqrt %add3A_311 : vector<1x512xf32>
    %div3A_313 = vector.broadcast %sqrt3A_312 : vector<1x512xf32> to vector<8x512xf32>
    %div3A_314 = arith.divf %mul3A_308, %div3A_313 : vector<8x512xf32>
    %add3A_315 = vector.broadcast %get3A_287 : vector<1x512xf32> to vector<8x512xf32>
    %add3A_316 = arith.addf %div3A_314, %add3A_315 : vector<8x512xf32>
    %max3A_317 = arith.constant 0.000000e+00 : f32
    %max3A_318 = vector.broadcast %max3A_317 : f32 to vector<8x512xf32>
    %max3A_319 = arith.maximumf %add3A_316, %max3A_318 : vector<8x512xf32>
    %get3A_320 = arith.constant 0 : index
    %get3A_321 = arith.constant 0 : index
    %get3A_322 = vector.load %arg13[%get3A_320, %get3A_321] : memref<256x512xf32, #tpu.memory_space<vmem>>, vector<256x512xf32>
    %convert_element_type3A_323 = arith.truncf %max3A_319 : vector<8x512xf32> to vector<8x512xbf16>
    %convert_element_type3A_324 = arith.truncf %get3A_322 : vector<256x512xf32> to vector<256x512xbf16>
    %dot_general3A_325 = arith.constant dense<0.000000e+00> : vector<8x256xf32>
    %dot_general3A_326 = tpu.matmul %convert_element_type3A_323, %convert_element_type3A_324, %dot_general3A_325 {dimension_numbers = #tpu.dot_dimension_numbers<[1], [1], [0], [0], [0, 0, 1, 0], [], []>, transpose_lhs_hint = false} : vector<8x512xbf16>, vector<256x512xbf16>, vector<8x256xf32> -> vector<8x256xf32>
    %get3A_327 = arith.constant 0 : index
    %get3A_328 = arith.constant 0 : index
    %get3A_329 = vector.load %arg14[%get3A_327, %get3A_328] : memref<1x256xf32, #tpu.memory_space<vmem>>, vector<1x256xf32>
    %get3A_330 = arith.constant 0 : index
    %get3A_331 = arith.constant 0 : index
    %get3A_332 = vector.load %arg15[%get3A_330, %get3A_331] : memref<1x256xf32, #tpu.memory_space<vmem>>, vector<1x256xf32>
    %reduce_sum3A_333 = arith.constant dense<0.000000e+00> : vector<256xf32>
    %reduce_sum3A_334 = vector.multi_reduction <add>, %dot_general3A_326, %reduce_sum3A_333 [0] : vector<8x256xf32> to vector<256xf32>
    %broadcast_in_dim3A_335 = vector.shape_cast %reduce_sum3A_334 : vector<256xf32> to vector<1x256xf32>
    %div3A_336 = arith.constant 8.000000e+00 : f32
    %div3A_337 = vector.broadcast %div3A_336 : f32 to vector<1x256xf32>
    %div3A_338 = arith.divf %broadcast_in_dim3A_335, %div3A_337 : vector<1x256xf32>
    %sub3A_339 = vector.broadcast %div3A_338 : vector<1x256xf32> to vector<8x256xf32>
    %sub3A_340 = arith.subf %dot_general3A_326, %sub3A_339 : vector<8x256xf32>
    %sub3A_341 = vector.broadcast %div3A_338 : vector<1x256xf32> to vector<8x256xf32>
    %sub3A_342 = arith.subf %dot_general3A_326, %sub3A_341 : vector<8x256xf32>
    %mul3A_343 = arith.mulf %sub3A_340, %sub3A_342 : vector<8x256xf32>
    %reduce_sum3A_344 = arith.constant dense<0.000000e+00> : vector<256xf32>
    %reduce_sum3A_345 = vector.multi_reduction <add>, %mul3A_343, %reduce_sum3A_344 [0] : vector<8x256xf32> to vector<256xf32>
    %broadcast_in_dim3A_346 = vector.shape_cast %reduce_sum3A_345 : vector<256xf32> to vector<1x256xf32>
    %div3A_347 = arith.constant 8.000000e+00 : f32
    %div3A_348 = vector.broadcast %div3A_347 : f32 to vector<1x256xf32>
    %div3A_349 = arith.divf %broadcast_in_dim3A_346, %div3A_348 : vector<1x256xf32>
    %sub3A_350 = vector.broadcast %div3A_338 : vector<1x256xf32> to vector<8x256xf32>
    %sub3A_351 = arith.subf %dot_general3A_326, %sub3A_350 : vector<8x256xf32>
    %mul3A_352 = vector.broadcast %get3A_329 : vector<1x256xf32> to vector<8x256xf32>
    %mul3A_353 = arith.mulf %mul3A_352, %sub3A_351 : vector<8x256xf32>
    %add3A_354 = arith.constant 9.99999974E-6 : f32
    %add3A_355 = vector.broadcast %add3A_354 : f32 to vector<1x256xf32>
    %add3A_356 = arith.addf %div3A_349, %add3A_355 : vector<1x256xf32>
    %sqrt3A_357 = math.sqrt %add3A_356 : vector<1x256xf32>
    %div3A_358 = vector.broadcast %sqrt3A_357 : vector<1x256xf32> to vector<8x256xf32>
    %div3A_359 = arith.divf %mul3A_353, %div3A_358 : vector<8x256xf32>
    %add3A_360 = vector.broadcast %get3A_332 : vector<1x256xf32> to vector<8x256xf32>
    %add3A_361 = arith.addf %div3A_359, %add3A_360 : vector<8x256xf32>
    %max3A_362 = arith.constant 0.000000e+00 : f32
    %max3A_363 = vector.broadcast %max3A_362 : f32 to vector<8x256xf32>
    %max3A_364 = arith.maximumf %add3A_361, %max3A_363 : vector<8x256xf32>
    %get3A_365 = arith.constant 0 : index
    %get3A_366 = arith.constant 0 : index
    %get3A_367 = vector.load %arg16[%get3A_365, %get3A_366] : memref<16x256xf32, #tpu.memory_space<vmem>>, vector<16x256xf32>
    %convert_element_type3A_368 = arith.truncf %max3A_364 : vector<8x256xf32> to vector<8x256xbf16>
    %convert_element_type3A_369 = arith.truncf %get3A_367 : vector<16x256xf32> to vector<16x256xbf16>
    %dot_general3A_370 = arith.constant dense<0.000000e+00> : vector<8x16xf32>
    %dot_general3A_371 = tpu.matmul %convert_element_type3A_368, %convert_element_type3A_369, %dot_general3A_370 {dimension_numbers = #tpu.dot_dimension_numbers<[1], [1], [0], [0], [0, 0, 1, 0], [], []>, transpose_lhs_hint = false} : vector<8x256xbf16>, vector<16x256xbf16>, vector<8x16xf32> -> vector<8x16xf32>
    %get3A_372 = arith.constant 0 : index
    %get3A_373 = arith.constant 0 : index
    %get3A_374 = vector.load %arg17[%get3A_372, %get3A_373] : memref<1x16xf32, #tpu.memory_space<vmem>>, vector<1x16xf32>
    %add3A_375 = vector.broadcast %get3A_374 : vector<1x16xf32> to vector<8x16xf32>
    %add3A_376 = arith.addf %dot_general3A_371, %add3A_375 : vector<8x16xf32>
    %swap3A = arith.constant 0 : index
    %swap3A_377 = arith.constant 0 : index
    %swap3A_378 = vector.load %arg18[%swap3A, %swap3A_377] : memref<8x16xf32, #tpu.memory_space<vmem>>, vector<8x16xf32>
    tpu.vector_store %arg18[%swap3A, %swap3A_377], %add3A_376 {strides = array<i32>} : memref<8x16xf32, #tpu.memory_space<vmem>>, vector<8x16xf32>,
    return
  }
}

module attributes {stable_mosaic.version = 14 : i64} {
  func.func @_asm_body(%arg0: i32, %arg1: memref<64x2048xf32, #tpu.memory_space<vmem>>, %arg2: memref<2048x128xf32, #tpu.memory_space<vmem>>, %arg3: memref<1024x8xf32, #tpu.memory_space<vmem>>, %arg4: memref<1x1216x2048xf32, #tpu.memory_space<vmem>>) attributes {dimension_semantics = [#tpu.dimension_semantics<arbitrary>], iteration_bounds = array<i64: 8>, scalar_prefetch = 0 : i64, scratch_operands = 0 : i64, tpu.core_type = #tpu.core_type<tc>, window_params = [{transform_indices = @transform_0, window_bounds = array<i64: 64, 2048>}, {transform_indices = @transform_1, window_bounds = array<i64: 2048, 128>}, {pipeline_mode = #tpu.pipeline_mode<synchronous>, transform_indices = @transform_2, window_bounds = array<i64: 1024, 8>}, {transform_indices = @transform_3, window_bounds = array<i64: 1, 1216, 2048>}]} {
    %get3A = arith.constant 0 : index
    %get3A_0 = arith.constant 0 : index
    %get3A_1 = vector.load %arg1[%get3A, %get3A_0] : memref<64x2048xf32, #tpu.memory_space<vmem>>, vector<64x2048xf32>
    %swap3A = arith.constant 0 : index
    %swap3A_2 = arith.constant 0 : index
    %swap3A_3 = arith.constant 0 : index
    %swap3A_4 = vector.load %arg4[%swap3A, %swap3A_2, %swap3A_3] : memref<1x1216x2048xf32, #tpu.memory_space<vmem>>, vector<1x64x2048xf32>
    %swap3A_5 = vector.shape_cast %swap3A_4 : vector<1x64x2048xf32> to vector<64x2048xf32>
    %swap3A_6 = vector.shape_cast %get3A_1 : vector<64x2048xf32> to vector<1x64x2048xf32>
    tpu.vector_store %arg4[%swap3A, %swap3A_2, %swap3A_3], %swap3A_6 {strides = array<i32>} : memref<1x1216x2048xf32, #tpu.memory_space<vmem>>, vector<1x64x2048xf32>,
    %get3A_7 = arith.constant 0 : index
    %get3A_8 = arith.constant 0 : index
    %get3A_9 = vector.load %arg2[%get3A_7, %get3A_8] : memref<2048x128xf32, #tpu.memory_space<vmem>>, vector<2048x128xf32>
    %transpose3A = tpu.transpose %get3A_9, [1, 0] : vector<2048x128xf32> -> vector<128x2048xf32>
    %swap3A_10 = arith.constant 0 : index
    %swap3A_11 = arith.constant 64 : index
    %swap3A_12 = arith.constant 0 : index
    %swap3A_13 = vector.load %arg4[%swap3A_10, %swap3A_11, %swap3A_12] : memref<1x1216x2048xf32, #tpu.memory_space<vmem>>, vector<1x128x2048xf32>
    %swap3A_14 = vector.shape_cast %swap3A_13 : vector<1x128x2048xf32> to vector<128x2048xf32>
    %swap3A_15 = vector.shape_cast %transpose3A : vector<128x2048xf32> to vector<1x128x2048xf32>
    tpu.vector_store %arg4[%swap3A_10, %swap3A_11, %swap3A_12], %swap3A_15 {strides = array<i32>} : memref<1x1216x2048xf32, #tpu.memory_space<vmem>>, vector<1x128x2048xf32>,
    %iota3A = tpu.iota {dimensions = array<i32: 0>} : vector<8x2048xi32>
    %eq3A = vector.broadcast %arg0 : i32 to vector<8x2048xi32>
    %eq3A_16 = arith.cmpi eq, %iota3A, %eq3A : vector<8x2048xi32>
    %convert_element_type3A = arith.extui %eq3A_16 : vector<8x2048xi1> to vector<8x2048xi32>
    %convert_element_type3A_17 = arith.sitofp %convert_element_type3A : vector<8x2048xi32> to vector<8x2048xf32>
    %get3A_18 = arith.constant 0 : index
    %get3A_19 = arith.constant 0 : index
    %get3A_20 = vector.load %arg3[%get3A_18, %get3A_19] : memref<1024x8xf32, #tpu.memory_space<vmem>>, vector<1024x8xf32>
    %convert_element_type3A_21 = arith.truncf %get3A_20 : vector<1024x8xf32> to vector<1024x8xbf16>
    %convert_element_type3A_22 = arith.extf %convert_element_type3A_21 : vector<1024x8xbf16> to vector<1024x8xf32>
    %sub3A = arith.subf %get3A_20, %convert_element_type3A_22 : vector<1024x8xf32>
    %convert_element_type3A_23 = arith.truncf %sub3A : vector<1024x8xf32> to vector<1024x8xbf16>
    %convert_element_type3A_24 = arith.truncf %convert_element_type3A_17 : vector<8x2048xf32> to vector<8x2048xbf16>
    %dot_general3A = arith.constant dense<0.000000e+00> : vector<1024x2048xf32>
    %dot_general3A_25 = tpu.matmul %convert_element_type3A_21, %convert_element_type3A_24, %dot_general3A {dimension_numbers = #tpu.dot_dimension_numbers<[1], [0], [0], [1], [0, 0, 1, 1], [], []>, transpose_lhs_hint = false} : vector<1024x8xbf16>, vector<8x2048xbf16>, vector<1024x2048xf32> -> vector<1024x2048xf32>
    %dot_general3A_26 = arith.constant dense<0.000000e+00> : vector<1024x2048xf32>
    %dot_general3A_27 = tpu.matmul %convert_element_type3A_23, %convert_element_type3A_24, %dot_general3A_26 {dimension_numbers = #tpu.dot_dimension_numbers<[1], [0], [0], [1], [0, 0, 1, 1], [], []>, transpose_lhs_hint = false} : vector<1024x8xbf16>, vector<8x2048xbf16>, vector<1024x2048xf32> -> vector<1024x2048xf32>
    %add3A = arith.addf %dot_general3A_25, %dot_general3A_27 : vector<1024x2048xf32>
    %swap3A_28 = arith.constant 0 : index
    %swap3A_29 = arith.constant 192 : index
    %swap3A_30 = arith.constant 0 : index
    %swap3A_31 = vector.load %arg4[%swap3A_28, %swap3A_29, %swap3A_30] : memref<1x1216x2048xf32, #tpu.memory_space<vmem>>, vector<1x1024x2048xf32>
    %swap3A_32 = vector.shape_cast %swap3A_31 : vector<1x1024x2048xf32> to vector<1024x2048xf32>
    %swap3A_33 = vector.shape_cast %add3A : vector<1024x2048xf32> to vector<1x1024x2048xf32>
    tpu.vector_store %arg4[%swap3A_28, %swap3A_29, %swap3A_30], %swap3A_33 {strides = array<i32>} : memref<1x1216x2048xf32, #tpu.memory_space<vmem>>, vector<1x1024x2048xf32>,
    return
  }
  func.func @transform_0(%arg0: i32) -> (i32, i32) {
    %c0_i32 = arith.constant 0 : i32
    %c0_i32_0 = arith.constant 0 : i32
    return %c0_i32, %arg0 : i32, i32
  }
  func.func @transform_1(%arg0: i32) -> (i32, i32) {
    %c0_i32 = arith.constant 0 : i32
    %c0_i32_0 = arith.constant 0 : i32
    return %arg0, %c0_i32 : i32, i32
  }
  func.func @transform_2(%arg0: i32) -> (i32, i32) {
    %c0_i32 = arith.constant 0 : i32
    %c0_i32_0 = arith.constant 0 : i32
    %c0_i32_1 = arith.constant 0 : i32
    return %c0_i32, %c0_i32_0 : i32, i32
  }
  func.func @transform_3(%arg0: i32) -> (i32, i32, i32) {
    %c0_i32 = arith.constant 0 : i32
    %c0_i32_0 = arith.constant 0 : i32
    %c0_i32_1 = arith.constant 0 : i32
    return %arg0, %c0_i32, %c0_i32_0 : i32, i32, i32
  }
}

</mosaic_0001>

<sc_bundles>
// kernel: kernel.7.cloned.1.call-start
scs
__scs_entry_jumppad:
0x0: {  	(pc) =	sbr.rel $0x88, $3  }
0x1: {  	(tag) =	ssettag $0x0;
	lr =	simm.s32 $0x1  }
0x2: {  	[smem:$0x3F82] =	sst lr;
	_ =	strace $0xD0000000  }
0x3: {  	_ = 	snop  }
0x4: {  	_ = 	snop  }
0x5: {  	_ = 	snop  }
0x6: {  	_ = 	snop  }
0x7: {  	_ = 	snop  }
__scs_overlays_trampoline_lowered:
0x8: {  	[smem:$0x3F91] =	sst s0  }
0x9: {  	[smem:$0x3F92] =	sst s1  }
0xa: {  	[smem:$0x3F93] =	sst s2  }
0xb: {  	[smem:$0x3F94] =	sst s3  }
0xc: {  	[smem:$0x3F95] =	sst s4  }
0xd: {  	[smem:$0x3F96] =	sst s5  }
0xe: {  	[smem:$0x3F97] =	sst s6  }
0xf: {  	[smem:$0x3F98] =	sst s7  }
0x10: {  	[smem:$0x3F99] =	sst s8  }
0x11: {  	[smem:$0x3F9A] =	sst s9;
	s0 =	simm.s32 @!p0 $0x0  }
0x12: {  	s1 =	sld [smem:$0x3F80];
	s0 =	simm.s32 @p0 $0x1  }
0x13: {  	[smem:$0x3F9B] =	sst s0;
	s0 =	simm.s32 @!p1 $0x0  }
0x14: {  	s2 =	sld [smem:$0x3F7F];
	s0 =	simm.s32 @p1 $0x1  }
0x15: {  	[smem:$0x3F9C] =	sst s0;
	s0 =	simm.s32 @!p2 $0x0  }
0x16: {  	s3 =	sld [smem:$0x3FDB];
	s0 =	simm.s32 @p2 $0x1  }
0x17: {  	s4 =	simm.s32 $0x1BF5;
	[smem:$0x3F9E] =	sst s0  }
0x18: {  	s0 =	sld [smem:$0x3F81];
	_ =	swait.ge [sflag:s4], $0x0  }
0x19: {  	s7 =	sld [smem:$0x3F82]  }
0x1a: {  	s8 =	sadd.s32 $0xFFFFE003, lr  }
0x1b: {  	s9 =	sadd.s32 $0xFFFFFEF7, lr;
	s5 =	simm.s32 $0xFFFFFFFF;
	p2 =	slt.u32 s8, $0xFFFFF086  }
0x1c: {  	p1 =	slt.u32 s9, $0xF7A;
	s5 =	simm.s32 @!p2 $0x0  }
0x1d: {  	s5 =	simm.s32 @p1 $0x1;
	p0 =	seq.s32 s7, s2  }
0x1e: {  	s7 =	smul.u32 @!p0 $0xF7A, s2;
	p2 =	seq.s32 @!p0 s5, $0x0  }
0x1f: {  	s9 =	smul.u32 $0xF7A, s1;
	s8 =	simm.s32 @!p0 $0x1BF5;
	p2 =	por !p2, p0  }
0x20: {  	[sflag:s8] =	ssyncset.s32 @!p0 $0xFFFFF086;
	s6 =	sadd.s32 @!p0 s3, s7;
	s7 =	simm.s32 @!p0 $0x108  }
0x21: {  	s3 =	sadd.s32 s3, s9;
	s6 =	sadd.s32 @!p0 $0x88, s6;
	s7 =	simm.s32 @p2 $0x1082  }
0x22: {  	[simem:s7], [sflag:s8] =	dma.local @!p0 [hbm:s6], $0xF7A  }
0x23: {  	s9 =	sor.u32 $0xD0000000, s2;
	s6 =	simm.s32 $0x108;
	_ =	swait.ge @!p0 [sflag:s8], $0x0  }
0x24: {  	s3 =	sadd.s32 $0x88, s3;
	s6 =	simm.s32 @!p1 $0x1082;
	[sflag:s4] =	ssyncset.s32 $0xFFFFF086  }
0x25: {  	[simem:s6], [sflag:s4] =	dma.local [hbm:s3], $0xF7A  }
0x26: {  	[smem:$0x3F82] =	sst s1;
	(tag) =	ssettag s2;
	_ =	strace s9  }
0x27: {  	s1 =	sld [smem:$0x3F92]  }
0x28: {  	s2 =	sld [smem:$0x3F93]  }
0x29: {  	s4 =	sld [smem:$0x3F95]  }
0x2a: {  	p0 =	seq.s32 s5, $0x0;
	s5 =	sld [smem:$0x3F96]  }
0x2b: {  	s6 =	sld [smem:$0x3F97]  }
0x2c: {  	s7 =	sld [smem:$0x3F98]  }
0x2d: {  	s3 =	simm.s32 $0x108;
	s8 =	sld [smem:$0x3F99]  }
0x2e: {  	s3 =	simm.s32 @!p0 $0x1082;
	s9 =	sld [smem:$0x3F9A]  }
0x2f: {  	lr =	sadd.s32 s0, s3;
	s0 =	sld [smem:$0x3F91]  }
0x30: {  	s3 =	sld [smem:$0x3F94]  }
0x31: {  	[smem:$0x3F9D] =	sst s10  }
0x32: {  	s10 =	sld [smem:$0x3F9B];
	_ =	sdelay $0x3  }
0x33: {  	p0 =	seq.s32 s10, $0x1;
	s10 =	sld [smem:$0x3F9D];
	_ =	sdelay $0x3  }
0x34: {  	[smem:$0x3F9D] =	sst s10  }
0x35: {  	s10 =	sld [smem:$0x3F9C];
	_ =	sdelay $0x3  }
0x36: {  	p1 =	seq.s32 s10, $0x1;
	s10 =	sld [smem:$0x3F9D];
	_ =	sdelay $0x3  }
0x37: {  	[smem:$0x3F9D] =	sst s10  }
0x38: {  	s10 =	sld [smem:$0x3F9E]  }
0x39: {  	_ = 	snop;
	(pc) =	sbr.ind lr, $3  }
0x3a: {  	_ = 	snop  }
0x3b: {  	_ = 	snop  }
0x3c: {  	p2 =	seq.s32 s10, $0x1;
	s10 =	sld [smem:$0x3F9D]  }
0x3d: {  	_ =	shalt  }
0x3e: {  	_ =	shalt  }
0x3f: {  	_ =	shalt  }
0x40: {  	_ =	shalt  }
0x41: {  	_ =	shalt  }
0x42: {  	_ =	shalt  }
0x43: {  	_ =	shalt  }
0x44: {  	_ =	shalt  }
0x45: {  	_ =	shalt  }
0x46: {  	_ =	shalt  }
0x47: {  	_ =	shalt  }
0x48: {  	_ =	shalt  }
0x49: {  	_ =	shalt  }
0x4a: {  	_ =	shalt  }
0x4b: {  	_ =	shalt  }
0x4c: {  	_ =	shalt  }
0x4d: {  	_ =	shalt  }
0x4e: {  	_ =	shalt  }
0x4f: {  	_ =	shalt  }
0x50: {  	_ =	shalt  }
0x51: {  	_ =	shalt  }
0x52: {  	_ =	shalt  }
0x53: {  	_ =	shalt  }
0x54: {  	_ =	shalt  }
0x55: {  	_ =	shalt  }
0x56: {  	_ =	shalt  }
0x57: {  	_ =	shalt  }
0x58: {  	_ =	shalt  }
0x59: {  	_ =	shalt  }
0x5a: {  	_ =	shalt  }
0x5b: {  	_ =	shalt  }
0x5c: {  	_ =	shalt  }
0x5d: {  	_ =	shalt  }
0x5e: {  	_ =	shalt  }
0x5f: {  	_ =	shalt  }
0x60: {  	_ =	shalt  }
0x61: {  	_ =	shalt  }
0x62: {  	_ =	shalt  }
0x63: {  	_ =	shalt  }
0x64: {  	_ =	shalt  }
0x65: {  	_ =	shalt  }
0x66: {  	_ =	shalt  }
0x67: {  	_ =	shalt  }
0x68: {  	_ =	shalt  }
0x69: {  	_ =	shalt  }
0x6a: {  	_ =	shalt  }
0x6b: {  	_ =	shalt  }
0x6c: {  	_ =	shalt  }
0x6d: {  	_ =	shalt  }
0x6e: {  	_ =	shalt  }
0x6f: {  	_ =	shalt  }
0x70: {  	_ =	shalt  }
0x71: {  	_ =	shalt  }
0x72: {  	_ =	shalt  }
0x73: {  	_ =	shalt  }
0x74: {  	_ =	shalt  }
0x75: {  	_ =	shalt  }
0x76: {  	_ =	shalt  }
0x77: {  	_ =	shalt  }
0x78: {  	_ =	shalt  }
0x79: {  	_ =	shalt  }
0x7a: {  	_ =	shalt  }
0x7b: {  	_ =	shalt  }
0x7c: {  	_ =	shalt  }
0x7d: {  	_ =	shalt  }
0x7e: {  	_ =	shalt  }
0x7f: {  	_ =	shalt  }
0x80: {  	_ =	shalt  }
0x81: {  	_ =	shalt  }
0x82: {  	_ =	shalt  }
0x83: {  	_ =	shalt  }
0x84: {  	_ =	shalt  }
0x85: {  	_ =	shalt  }
0x86: {  	_ =	shalt  }
0x87: {  	_ =	shalt  }
.Lfunc_end0:
.L_simem_size_0:
called_computation_lowered:
.L_overlay_start_0:
0x88: {  	s2 =	sld [smem:$0x3FD9]  }
0x89: {  	s3 =	sld [smem:$0x3FFE];
	_ =	sdelay $0x1  }
0x8a: {  	s1 =	srdreg.scid  }
0x8b: {  	s0 =	sand.u32 $0x1, s1  }
0x8c: {  	s17 =	sshll.u32 s0, $0xA;
	s2 =	sadd.s32 s3, s2  }
0x8d: {  	s2 =	sadd.s32 s2, s17  }
0x8e: {  	[smem:$0x3FA9] =	sst s2  }
0x8f: {  	_ = 	snop  }
0x90: {  	s2 =	sld [smem:$0x3FD0];
	(tm) =	ssettm $0x1  }
0x91: {  	s18 =	sld [smem:$0x3FFB];
	_ =	sdelay $0x3  }
0x92: {  	_ =	strace s18  }
0x93: {  	s3 =	sld [smem:$0x3FFC];
	_ =	sdelay $0x3  }
0x94: {  	_ =	strace s3  }
0x95: {  	s3 =	sld [smem:$0x3FFD];
	_ =	sdelay $0x3  }
0x96: {  	_ =	strace s3  }
0x97: {  	_ =	strace $0x8FFFFFFF  }
0x98: {  	s19 =	sld [smem:$0x3FDB];
	_ =	sdelay $0x1  }
0x99: {  	s4 =	simm.s32 $_scs_section_size  }
0x9a: {  	s5 =	simm.s32 $_size__tile_overlayer_lowered;
	s6 =	simm.s32 $_tile_overlayer_lowered  }
0x9b: {  	s22 =	simm.s32 $0x1BFF;
	s21 =	sshll.u32 s6, $0x1;
	s3 =	sadd.s32 s4, s19  }
0x9c: {  	s7 =	simm.s32 $0x0;
	s20 =	sshll.u32 s5, $0x1;
	s5 =	sadd.s32 s21, s3  }
0x9d: {  	[timem:s7], [sflag:s22] =	dma.local [hbm:s5], s20  }
0x9e: {  	_ =	swait.ge [sflag:s22], s20  }
0x9f: {  	s4 =	ssub.s32 $0x0, s20;
	[sflag:s22] =	ssyncset.done $0x0  }
0xa0: {  	[sflag:s22] =	ssyncadd.s32 s4;
	_ =	sdelay $0x1  }
0xa1: {  	s23 =	simm.s32 $0x1B8B  }
0xa2: {  	_ =	swait.ge [sflag:s23], $0x1  }
0xa3: {  	[sflag:s23] =	ssyncset.done $0x0  }
0xa4: {  	s25 =	simm.s32 $0x1B8E;
	s24 =	sld [smem:$0x3FFE];
	[sflag:s23] =	ssyncadd.s32 $0xFFFFFFFF  }
0xa5: {  	s26 =	simm.s32 $execute0_lowered;
	[smem:$0x3FD2] =	sst s25  }
0xa6: {  	s5 =	sshll.u32 s26, $0x1;
	_ =	strace $0x80000046;
	[dreg:$0x1] =	wrdreg $0xFFFFFFFF  }
0xa7: {  	s28 =	simm.s32 $_size_execute0_lowered;
	s3 =	sadd.s32 s3, s5;
	[dreg:$0x0] =	wrdreg $0x0  }
0xa8: {  	s5 =	sshll.u32 s28, $0x1;
	[dreg:$0x2] =	wrdreg s3  }
0xa9: {  	[dreg:$0x3] =	wrdreg s5  }
0xaa: {  	[dreg:$0x4] =	wrdreg $0xC0  }
0xab: {  	_ =	task [dreg:s7], $0x5FFFF  }
0xac: {  	[dreg:$0x1] =	wrdreg $0xFFFFFFFF  }
0xad: {  	[dreg:$0x0] =	wrdreg $0x60  }
0xae: {  	[dreg:$0x2] =	wrdreg s24  }
0xaf: {  	[dreg:$0x3] =	wrdreg s2  }
0xb0: {  	[dreg:$0x4] =	wrdreg $0x9  }
0xb1: {  	_ =	task.clear_ibuf [dreg:s7], $0x5FFFF;
	_ =	strace $0x90000046  }
0xb2: {  	s29 =	simm.s32 $0x9;
	_ =	strace $0x80000048  }
0xb3: {  	_ =	swait.ge [sflag:s29], $0x1  }
0xb4: {  	[sflag:s29] =	ssyncadd.s32 $0xFFFFFFFF  }
0xb5: {  	_ =	strace $0x90000048  }
0xb6: {  	_ =	sfence  }
0xb7: {  	s30 =	sld [smem:$0x0];
	_ =	sdelay $0x2  }
0xb8: {  	s31 =	sshll.u32 s1, $0xD;
	s1 =	sshrl.u32 s1, $0x2  }
0xb9: {  	s3 =	sand.u32 $0x4000, s31;
	s1 =	sadd.s32 s1, s30  }
0xba: {  	s0 =	sor.u32 s3, s0;
	s1 =	sshll.u32 s1, $0x11  }
0xbb: {  	s0 =	sor.u32 s1, s0  }
0xbc: {  	s0 =	sadd.s32 $0x8F2B, s0  }
0xbd: {  	[sflag:s0] =	ssyncadd.remote.s32 $0x1  }
0xbe: {  	_ =	sfence.sel $0xFFFF  }
0xbf: {  	[dreg:$0x0] =	wrdreg $0xFFFFFFFF;
	(pc) =	sbr.abs _section_cstart, $3  }
0xc0: {  	[dreg:$0x1] =	wrdreg $0xFFFFFFFF  }
0xc1: {  	_ =	task.clear_ibuf [dreg:s7], $0x2FFFF;
	_ =	strace $0x9FFFFFFF  }
0xc2: {  	(tm) =	ssettm $0x7FFFFFFF  }
0xc3: {  	_ =	shalt  }
tec
execute0_lowered:
.L_overlay_start_1:
0x0: {  	(tag) =	ssettag $0x1  }
0x1: {  	s1 =	srdreg.scid  }
0x2: {  	s0 =	stileid.u32;
	s4 =	sand.u32 $0x1, s1  }
0x3: {  	s5 =	rddreg [dreg:$0x0];
	s29 =	sshll.u32 s0, $0xA;
	s2 =	sshll.u32 s4, $0x9  }
0x4: {  	s6 =	rddreg [dreg:$0x1];
	s7 =	sor.u32 s2, s29  }
0x5: {  	s1 =	rddreg [dreg:$0x2];
	s2 =	simm.s32 $0x0;
	s3 =	sshrl.u32 s7, $0x3  }
0x6: {  	s8 =	ssub.s32 $0x2, s4;
	[smem:$0x7FF] =	sst s2;
	s3 =	sadd.s32 s3, s5  }
0x7: {  	_ =	strace $0x80000047;
	s16 =	sadd.s32 $0x1E00, s3;
	s3 =	simm.s32 $0x2  }
0x8: {  	[tilespmem:s2], [sflag:$0x2] =	stream.linear.gather [hbm4b:s16+s2], $0x200, $0x38;
	[tilespmem:$0x10400] =	vst v63  }
0x9: {  	s30 =	sshrl.u32 s8, $0x1;
	_ =	swait.ge [sflag:s3], $0x200  }
0xa: {  	s8 =	ssub.s32 s8, s30;
	[sflag:s3] =	ssyncset.done $0x0  }
0xb: {  	s17 =	smax.u32 s8, $0x1;
	[sflag:s3] =	ssyncadd.s32 $0xFFFFFE00  }
0xc: {  	s10 =	simm.s32 $0x200;
	s11 =	simm.s32 $0x280;
	p0 =	sne.s32 s17, $0x1;
	v1 =	vld [tilespmem:$0x180]  }
.Ltmp0:
0xd: {  	s14 =	simm.s32 $0x4400;
	s9 =	simm.s32 $0x300;
	v3 =	vld [tilespmem:$0x1B0];
	(pc) =	sbr.rel @!p0 .LBB2_2-.Ltmp0, $4  }
0xe: {  	s12 =	simm.s32 $0x8400;
	s15 =	simm.s32 $0xC400;
	s31 =	sshll.u32 s0, $0x3;
	v4 =	vld [tilespmem:$0x1A0]  }
0xf: {  	s4 =	sadd.s32 $0x2600, s5;
	s13 =	sand.u32 $0x70, s31;
	s7 =	sshll.u32 s7, $0x4;
	v5 =	vld [tilespmem:$0x190]  }
0x10: {  	v0 =	vmov s13;
	s13 =	simm.s32 $0x380;
	s5 =	sadd.s32 s6, s7;
	s7 =	simm.s32 $0x80;
	v6 =	vld [tilespmem:$0x160]  }
0x11: {  	s6 =	simm.s32 $0x400;
	s8 =	simm.s32 $0x1;
	s17 =	sadd.s32 $0xFFFFFFFF, s17;
	v2 =	vld [tilespmem:$0x170]  }
.LBB2_1:
0x12: {  	p0 =	sne.s32 s17, $0x1;
	s17 =	sadd.s32 $0xFFFFFFFF, s17;
	v7 =	vld [tilespmem:$0x20]  }
0x13: {  	v8 =	vld [tilespmem:$0xF0]  }
0x14: {  	v9 =	vld [tilespmem:$0x0]  }
0x15: {  	v6 =	vadd.s32 v0, v6;
	v10 =	vld [tilespmem:$0x1D0]  }
0x16: {  	v5 =	vadd.s32 v0, v5;
	[tilespmem:$0x360] =	vst v6;
	v6 =	vld [tilespmem:$0x1E0]  }
0x17: {  	v4 =	vadd.s32 v0, v4;
	v7 =	vadd.s32 v0, v7;
	[tilespmem:$0x390] =	vst v5;
	v5 =	vld [tilespmem:$0x1F0]  }
0x18: {  	v3 =	vadd.s32 v0, v3;
	[tilespmem:$0x220] =	vst v7;
	v7 =	vadd.s32 v0, v8;
	v8 =	vld [tilespmem:$0x130]  }
0x19: {  	v9 =	vadd.s32 v0, v9;
	[tilespmem:$0x2F0] =	vst v7;
	v7 =	vld [tilespmem:$0x1C0]  }
0x1a: {  	v11 =	vld [tilespmem:$0x40];
	[tilespmem:$0x3A0] =	vst v4;
	v4 =	vadd.s32 v0, v10  }
0x1b: {  	v2 =	vadd.s32 v0, v2;
	v10 =	vld [tilespmem:$0x150];
	[tilespmem:$0x3B0] =	vst v3;
	v3 =	vadd.s32 v0, v6  }
0x1c: {  	v1 =	vadd.s32 v0, v1;
	v6 =	vld [tilespmem:$0x140];
	[tilespmem:$0x3D0] =	vst v4;
	v4 =	vadd.s32 v0, v5  }
0x1d: {  	v5 =	vld [tilespmem:$0xB0];
	v8 =	vadd.s32 v0, v8;
	[tilespmem:$0x3F0] =	vst v4  }
0x1e: {  	[tilespmem:$0x200] =	vst v9;
	v4 =	vld [tilespmem:$0x50];
	v7 =	vadd.s32 v0, v7  }
0x1f: {  	v9 =	vadd.s32 v0, v11;
	v11 =	vld [tilespmem:$0x60];
	[tilespmem:$0x3C0] =	vst v7  }
0x20: {  	v7 =	vld [tilespmem:$0x70];
	[tilespmem:$0x330] =	vst v8;
	v8 =	vadd.s32 v0, v10  }
0x21: {  	v10 =	vld [tilespmem:$0x80];
	v6 =	vadd.s32 v0, v6;
	[tilespmem:$0x350] =	vst v8  }
0x22: {  	v5 =	vadd.s32 v0, v5;
	v8 =	vld [tilespmem:$0x120];
	[tilespmem:$0x340] =	vst v6  }
0x23: {  	v4 =	vadd.s32 v0, v4;
	v6 =	vld [tilespmem:$0x90];
	[tilespmem:$0x2B0] =	vst v5  }
0x24: {  	v5 =	vadd.s32 v0, v11;
	v11 =	vld [tilespmem:$0x110];
	[tilespmem:$0x3E0] =	vst v3  }
0x25: {  	v3 =	vadd.s32 v0, v7;
	v7 =	vld [tilespmem:$0xA0];
	[tilespmem:$0x380] =	vst v1  }
0x26: {  	v1 =	vadd.s32 v0, v10;
	v10 =	vld [tilespmem:$0x100];
	[tilespmem:$0x370] =	vst v2  }
0x27: {  	[tilespmem:$0x240] =	vst v9;
	v2 =	vld [tilespmem:$0xE0];
	v8 =	vadd.s32 v0, v8  }
0x28: {  	v9 =	vld [tilespmem:$0x30];
	v6 =	vadd.s32 v0, v6;
	[tilespmem:$0x320] =	vst v8  }
0x29: {  	[tilespmem:$0x250] =	vst v4;
	v4 =	vld [tilespmem:$0xC0];
	v8 =	vadd.s32 v0, v11  }
0x2a: {  	v11 =	vld [tilespmem:$0x10];
	v7 =	vadd.s32 v0, v7;
	[tilespmem:$0x310] =	vst v8  }
0x2b: {  	[tilespmem:$0x260] =	vst v5;
	v5 =	vadd.s32 v0, v10  }
0x2c: {  	v8 =	vld [tilespmem:$0xD0];
	v2 =	vadd.s32 v0, v2;
	[tilespmem:$0x300] =	vst v5  }
0x2d: {  	v5 =	vadd.s32 v0, v9;
	[tilespmem:$0x2E0] =	vst v2  }
0x2e: {  	[tilespmem:$0x280] =	vst v1;
	v1 =	vadd.s32 v0, v4  }
0x2f: {  	v2 =	vadd.s32 v0, v11;
	[tilespmem:$0x290] =	vst v6  }
0x30: {  	[tilespmem:$0x210] =	vst v2  }
0x31: {  	[tilespmem:$0x2A0] =	vst v7;
	v2 =	vadd.s32 v0, v8  }
0x32: {  	[tilespmem:$0x270] =	vst v3  }
0x33: {  	[tilespmem:$0x2C0] =	vst v1  }
0x34: {  	[tilespmem:$0x230] =	vst v5  }
0x35: {  	[tilespmem:$0x2D0] =	vst v2  }
0x36: {  	[tilespmem:s6], [sflag:$0x1] =	stream.indirect.gather [hbm4b:s4+s7], $0x80, s10, s7, $0xb8;
	[tilespmem:$0x10400] =	vst v63  }
0x37: {  	_ =	swait.ge [sflag:s8], $0x4000  }
0x38: {  	[sflag:s8] =	ssyncset.done $0x0  }
0x39: {  	[sflag:s8] =	ssyncadd.s32 $0xFFFFC000  }
0x3a: {  	[tilespmem:s14], [sflag:$0x1] =	stream.indirect.gather [hbm4b:s4+s7], $0x80, s11, s7, $0xb8;
	[tilespmem:$0x10400] =	vst v63  }
0x3b: {  	_ =	swait.ge [sflag:s8], $0x4000  }
0x3c: {  	[sflag:s8] =	ssyncset.done $0x0  }
0x3d: {  	[sflag:s8] =	ssyncadd.s32 $0xFFFFC000  }
0x3e: {  	[tilespmem:s12], [sflag:$0x1] =	stream.indirect.gather [hbm4b:s4+s7], $0x80, s9, s7, $0xb8;
	[tilespmem:$0x10400] =	vst v63  }
0x3f: {  	_ =	swait.ge [sflag:s8], $0x4000  }
0x40: {  	[sflag:s8] =	ssyncset.done $0x0  }
0x41: {  	[sflag:s8] =	ssyncadd.s32 $0xFFFFC000  }
0x42: {  	[tilespmem:s15], [sflag:$0x1] =	stream.indirect.gather [hbm4b:s4+s7], $0x80, s13, s7, $0xb8;
	[tilespmem:$0x10400] =	vst v63  }
0x43: {  	_ =	swait.ge [sflag:s8], $0x4000  }
0x44: {  	[sflag:s8] =	ssyncset.done $0x0  }
0x45: {  	[sflag:s8] =	ssyncadd.s32 $0xFFFFC000  }
0x46: {  	[hbm4b:s5+s2] =	stream.linear.scatter [tilespmem:s6], [sflag:$0x2], $0x10000, $0x38;
	[tilespmem:$0x10400] =	vst v63  }
0x47: {  	_ =	swait.ge [sflag:s3], $0x10000  }
0x48: {  	[sflag:s3] =	ssyncset.done $0x0  }
0x49: {  	[sflag:s3] =	ssyncadd.s32 $0xFFFF0000  }
0x4a: {  	[tilespmem:s2], [sflag:$0x2] =	stream.linear.gather [hbm4b:s16+s2], $0x200, $0x38;
	[tilespmem:$0x10400] =	vst v63  }
0x4b: {  	_ =	swait.ge [sflag:s3], $0x200  }
0x4c: {  	[sflag:s3] =	ssyncset.done $0x0  }
0x4d: {  	[sflag:s3] =	ssyncadd.s32 $0xFFFFFE00  }
0x4e: {  	v1 =	vld [tilespmem:$0x180]  }
.Ltmp1:
0x4f: {  	v3 =	vld [tilespmem:$0x1B0];
	(pc) =	sbr.rel @p0 .LBB2_1-.Ltmp1, $4  }
0x50: {  	v4 =	vld [tilespmem:$0x1A0]  }
0x51: {  	v5 =	vld [tilespmem:$0x190]  }
0x52: {  	v6 =	vld [tilespmem:$0x160]  }
0x53: {  	v2 =	vld [tilespmem:$0x170]  }
.LBB2_2:
0x54: {  	v3 =	vadd.s32 v0, v3  }
0x55: {  	v7 =	vld [tilespmem:$0x20];
	v1 =	vadd.s32 v0, v1;
	[tilespmem:$0x3B0] =	vst v3  }
0x56: {  	v8 =	vld [tilespmem:$0xF0];
	v4 =	vadd.s32 v0, v4;
	[tilespmem:$0x380] =	vst v1  }
0x57: {  	v9 =	vld [tilespmem:$0x1D0];
	v5 =	vadd.s32 v0, v5;
	[tilespmem:$0x3A0] =	vst v4  }
0x58: {  	v23 =	vld [tilespmem:$0x1F0];
	v6 =	vadd.s32 v0, v6;
	[tilespmem:$0x390] =	vst v5  }
0x59: {  	v24 =	vld [tilespmem:$0x0];
	[tilespmem:$0x360] =	vst v6;
	v2 =	vadd.s32 v0, v2  }
0x5a: {  	v26 =	vld [tilespmem:$0x1C0];
	v22 =	vadd.s32 v0, v7;
	[tilespmem:$0x370] =	vst v2  }
0x5b: {  	v27 =	vld [tilespmem:$0x130];
	v25 =	vadd.s32 v0, v8;
	[tilespmem:$0x220] =	vst v22  }
0x5c: {  	v29 =	vld [tilespmem:$0x150];
	v28 =	vadd.s32 v0, v9;
	[tilespmem:$0x2F0] =	vst v25  }
0x5d: {  	v30 =	vld [tilespmem:$0x140];
	v31 =	vadd.s32 v0, v23;
	[tilespmem:$0x3D0] =	vst v28  }
0x5e: {  	v33 =	vld [tilespmem:$0xB0];
	v32 =	vadd.s32 v0, v24;
	[tilespmem:$0x3F0] =	vst v31  }
0x5f: {  	v34 =	vld [tilespmem:$0x1E0];
	v35 =	vadd.s32 v0, v26;
	[tilespmem:$0x200] =	vst v32  }
0x60: {  	v38 =	vld [tilespmem:$0x40];
	v36 =	vadd.s32 v0, v27;
	[tilespmem:$0x3C0] =	vst v35  }
0x61: {  	v40 =	vld [tilespmem:$0x120];
	v37 =	vadd.s32 v0, v29;
	[tilespmem:$0x330] =	vst v36  }
0x62: {  	v42 =	vld [tilespmem:$0x50];
	v3 =	vadd.s32 v0, v30;
	[tilespmem:$0x350] =	vst v37  }
0x63: {  	v43 =	vld [tilespmem:$0x110];
	v39 =	vadd.s32 v0, v33;
	[tilespmem:$0x340] =	vst v3  }
0x64: {  	v46 =	vld [tilespmem:$0x100];
	v41 =	vadd.s32 v0, v34;
	[tilespmem:$0x2B0] =	vst v39  }
0x65: {  	v47 =	vld [tilespmem:$0xE0];
	v45 =	vadd.s32 v0, v38;
	[tilespmem:$0x3E0] =	vst v41  }
0x66: {  	v49 =	vld [tilespmem:$0x80];
	v48 =	vadd.s32 v0, v40;
	[tilespmem:$0x240] =	vst v45  }
0x67: {  	v50 =	vld [tilespmem:$0x90];
	v4 =	vadd.s32 v0, v42;
	[tilespmem:$0x320] =	vst v48  }
0x68: {  	v52 =	vld [tilespmem:$0x10];
	v51 =	vadd.s32 v0, v43;
	[tilespmem:$0x250] =	vst v4  }
0x69: {  	v53 =	vld [tilespmem:$0xA0];
	v54 =	vadd.s32 v0, v46;
	[tilespmem:$0x310] =	vst v51  }
0x6a: {  	v55 =	vld [tilespmem:$0x70];
	v1 =	vadd.s32 v0, v47;
	[tilespmem:$0x300] =	vst v54  }
0x6b: {  	v57 =	vld [tilespmem:$0xC0];
	v56 =	vadd.s32 v0, v49;
	[tilespmem:$0x2E0] =	vst v1  }
0x6c: {  	v59 =	vld [tilespmem:$0xD0];
	v2 =	vadd.s32 v0, v50;
	[tilespmem:$0x280] =	vst v56  }
0x6d: {  	v44 =	vld [tilespmem:$0x60];
	v5 =	vadd.s32 v0, v52;
	[tilespmem:$0x290] =	vst v2  }
0x6e: {  	v58 =	vld [tilespmem:$0x30];
	v60 =	vadd.s32 v0, v53;
	[tilespmem:$0x210] =	vst v5  }
0x6f: {  	v61 =	vadd.s32 v0, v55;
	[tilespmem:$0x2A0] =	vst v60  }
0x70: {  	v62 =	vadd.s32 v0, v57;
	[tilespmem:$0x270] =	vst v61  }
0x71: {  	v63 =	vadd.s32 v0, v59;
	[tilespmem:$0x2C0] =	vst v62  }
0x72: {  	v3 =	vadd.s32 v0, v44;
	[tilespmem:$0x2D0] =	vst v63  }
0x73: {  	v1 =	vadd.s32 v0, v58;
	[tilespmem:$0x260] =	vst v3  }
0x74: {  	[tilespmem:$0x230] =	vst v1  }
0x75: {  	[tilespmem:s6], [sflag:$0x1] =	stream.indirect.gather [hbm4b:s4+s7], $0x80, s10, s7, $0xb8;
	[tilespmem:$0x10400] =	vst v63  }
0x76: {  	_ =	swait.ge [sflag:s8], $0x4000  }
0x77: {  	[sflag:s8] =	ssyncset.done $0x0  }
0x78: {  	[sflag:s8] =	ssyncadd.s32 $0xFFFFC000  }
0x79: {  	[tilespmem:s14], [sflag:$0x1] =	stream.indirect.gather [hbm4b:s4+s7], $0x80, s11, s7, $0xb8;
	[tilespmem:$0x10400] =	vst v63  }
0x7a: {  	_ =	swait.ge [sflag:s8], $0x4000  }
0x7b: {  	[sflag:s8] =	ssyncset.done $0x0  }
0x7c: {  	[sflag:s8] =	ssyncadd.s32 $0xFFFFC000  }
0x7d: {  	[tilespmem:s12], [sflag:$0x1] =	stream.indirect.gather [hbm4b:s4+s7], $0x80, s9, s7, $0xb8;
	[tilespmem:$0x10400] =	vst v63  }
0x7e: {  	_ =	swait.ge [sflag:s8], $0x4000  }
0x7f: {  	[sflag:s8] =	ssyncset.done $0x0  }
0x80: {  	[sflag:s8] =	ssyncadd.s32 $0xFFFFC000  }
0x81: {  	[tilespmem:s15], [sflag:$0x1] =	stream.indirect.gather [hbm4b:s4+s7], $0x80, s13, s7, $0xb8;
	[tilespmem:$0x10400] =	vst v63  }
0x82: {  	_ =	swait.ge [sflag:s8], $0x4000  }
0x83: {  	[sflag:s8] =	ssyncset.done $0x0  }
0x84: {  	[sflag:s8] =	ssyncadd.s32 $0xFFFFC000  }
0x85: {  	[hbm4b:s5+s2] =	stream.linear.scatter [tilespmem:s6], [sflag:$0x2], $0x10000, $0x38;
	[tilespmem:$0x10400] =	vst v63  }
0x86: {  	_ =	swait.ge [sflag:s3], $0x10000  }
0x87: {  	[sflag:s3] =	ssyncset.done $0x0  }
0x88: {  	[sflag:s3] =	ssyncadd.s32 $0xFFFF0000  }
0x89: {  	_ =	sfence.sel $0x180000  }
0x8a: {  	[bflag:$0x0] =	sbarrier.arrive $0xFFFF  }
0x8b: {  	p0 =	sne.s32 s0, $0x0;
	_ =	strace $0x90000047  }
0x8c: {  	s0 =	sadd.s32 @!p0 $0x100000, s1;
	[bflag:$0x2] =	sbarrier.arrive $0xFFFF  }
0x8d: {  	[sflag:s0] =	ssyncadd.tile.s32 @!p0 $0x1;
	_ =	shalt  }
.Lfunc_end2:
_tile_overlayer_lowered:
.L_overlay_start_2:
0x8e: {  	(tag) =	ssettag $0x2  }
0x8f: {  	s0 =	rddreg [dreg:$0x0];
	s2 =	stileid.u32  }
0x90: {  	s1 =	rddreg [dreg:$0x1];
	p0 =	sne.s32 s2, $0x0  }
0x91: {  	s3 =	rddreg [dreg:$0x2];
	[bflag:$0x3] =	sbarrier.arrive $0xFFFF;
	s2 =	simm.s32 @!p0 $0x1C02  }
0x92: {  	[timem:s3], [sflag:s2] =	dma.local @!p0 [hbm:s0], s1  }
0x93: {  	s0 =	simm.s32 @!p0 $0x2  }
0x94: {  	_ =	swait.ge @!p0 [sflag:s0], s1  }
0x95: {  	s1 =	ssub.s32 @!p0 $0x0, s1;
	[sflag:s0] =	ssyncset.done @!p0 $0x0  }
0x96: {  	[sflag:s0] =	ssyncadd.s32 @!p0 s1  }
0x97: {  	[bflag:$0x3] =	sbarrier.arrive $0xFFFF  }
0x98: {  	_ =	shalt  }

</sc_bundles>
